<compile_context>
chip_gen: v7x
topology: tpu7x:2x2x1
jax: 0.10.2.dev20260603
libtpu: 0.0.44.dev20260713+nightly
codegen_flags: <defaults>
</compile_context>

<pallas_src>
import functools

import jax
import jax.numpy as jnp
from jax import lax
from jax.experimental import pallas as pl
from jax.experimental.pallas import tpu as pltpu
from jax.experimental.pallas import tpu_sc as plsc

NE = 8
D_IN = 1024
D_HID = 512
CVLOSS_W = 0.01
SWITCHLOSS_W = 0.1
ZLOSS_W = 0.0001
N_TOK = 2048
N_ASSIGN = 2 * N_TOK
BG = 128
NB = 40
S_PAD = NB * BG

NC = 2
NS = 16
NW = NC * NS
A_PER_W = N_ASSIGN // NW
S_PER_W = S_PAD // NW
S_PER_SUB = S_PAD // NS
T_PER_W = N_TOK // NW



def _router_body(x_ref, wgt_ref, ei_ref, gg_ref, loss_ref,
                 slot_ref, be_ref):
    xb = x_ref[...]
    xbf = xb.astype(jnp.bfloat16)
    logits = jnp.dot(xbf, wgt_ref[...],
                     preferred_element_type=jnp.float32)
    lt = logits.T
    mx = jnp.max(lt, axis=0, keepdims=True)
    ex = jnp.exp(lt - mx)
    se = jnp.sum(ex, axis=0, keepdims=True)
    probs = ex / se
    m1 = jnp.max(probs, axis=0, keepdims=True)
    srow = jax.lax.broadcasted_iota(jnp.int32, probs.shape, 0)
    e1 = jnp.min(jnp.where(probs == m1, srow, NE), axis=0, keepdims=True)
    pwo = jnp.where(srow == e1, -jnp.inf, probs)
    m2 = jnp.max(pwo, axis=0, keepdims=True)
    e2 = jnp.min(jnp.where(pwo == m2, srow, NE), axis=0, keepdims=True)
    ei_ref[0:1, :] = e1
    ei_ref[1:2, :] = e2
    gg_ref[0:1, :] = m1
    gg_ref[1:2, :] = m2

    sel1 = srow == e1
    sel2 = srow == e2
    gsum = jnp.sum(jnp.where(sel1, m1, 0.0) + jnp.where(sel2, m2, 0.0),
                   axis=1, keepdims=True)
    cnt = jnp.sum(jnp.where(jnp.logical_and(sel1, m1 > 0), 1.0, 0.0)
                  + jnp.where(jnp.logical_and(sel2, m2 > 0), 1.0, 0.0),
                  axis=1, keepdims=True)
    psum = jnp.sum(probs, axis=1, keepdims=True)
    lse = mx + jnp.log(se)
    zsum = jnp.sum(lse * lse)

    w = gsum / jnp.maximum(jnp.sum(jnp.abs(gsum)), 1e-12)
    wm = jnp.mean(w)
    var = jnp.sum((w - wm) ** 2) / (NE - 1)
    cvloss = CVLOSS_W * var / (wm * wm + 1e-10)
    pn = psum / jnp.maximum(jnp.sum(jnp.abs(psum)), 1e-12)
    cn = cnt / jnp.maximum(jnp.sum(jnp.abs(cnt)), 1e-12)
    switchloss = SWITCHLOSS_W * (1.0 - jnp.sum(pn * cn)) * NE
    zloss = ZLOSS_W * zsum / N_TOK
    loss_ref[...] = (cvloss + switchloss + zloss).reshape(1, 1)

    oh = jnp.concatenate([jnp.where(sel1, 1.0, 0.0),
                          jnp.where(sel2, 1.0, 0.0)], axis=1)
    counts = jnp.sum(oh, axis=1, keepdims=True)
    padc = jnp.floor((counts + (BG - 1)) / BG) * BG
    ri8 = jax.lax.broadcasted_iota(jnp.int32, (NE, NE), 0)
    ci8 = jax.lax.broadcasted_iota(jnp.int32, (NE, NE), 1)
    sl8 = jnp.where(ci8 < ri8, 1.0, 0.0)
    base = jnp.dot(sl8, padc, preferred_element_type=jnp.float32)
    ri = jax.lax.broadcasted_iota(jnp.int32, (BG, BG), 0)
    ci = jax.lax.broadcasted_iota(jnp.int32, (BG, BG), 1)
    u128 = jnp.where(ri <= ci, 1.0, 0.0)
    carry = jnp.zeros((NE, 1), jnp.float32)
    for blk in range(N_ASSIGN // BG):
        ohb = oh[:, blk * BG:(blk + 1) * BG]
        p = jnp.dot(ohb, u128, preferred_element_type=jnp.float32)
        slot_blk = jnp.sum((p + carry - 1.0 + base) * ohb, axis=0,
                           keepdims=True)
        slot_ref[0:1, blk * BG:(blk + 1) * BG] = slot_blk.astype(jnp.int32)
        carry = carry + jnp.sum(ohb, axis=1, keepdims=True)
    pend = base + padc
    bi = jax.lax.broadcasted_iota(jnp.int32, (NE, 48), 1).astype(jnp.float32)
    ge = jnp.where(bi * BG >= pend, 1.0, 0.0)
    be_ref[...] = jnp.minimum(jnp.sum(ge, axis=0, keepdims=True),
                              NE - 1.0).astype(jnp.int32)


def _router(xf, wgt):
    return pl.pallas_call(
        _router_body,
        grid=(1,),
        in_specs=[
            pl.BlockSpec((N_TOK, D_IN), lambda i: (0, 0)),
            pl.BlockSpec((D_IN, NE), lambda i: (0, 0)),
        ],
        out_specs=[
            pl.BlockSpec((2, N_TOK), lambda i: (0, 0)),
            pl.BlockSpec((2, N_TOK), lambda i: (0, 0)),
            pl.BlockSpec((1, 1), lambda i: (0, 0)),
            pl.BlockSpec((1, N_ASSIGN), lambda i: (0, 0)),
            pl.BlockSpec((1, 48), lambda i: (0, 0)),
        ],
        out_shape=[
            jax.ShapeDtypeStruct((2, N_TOK), jnp.int32),
            jax.ShapeDtypeStruct((2, N_TOK), jnp.float32),
            jax.ShapeDtypeStruct((1, 1), jnp.float32),
            jax.ShapeDtypeStruct((1, N_ASSIGN), jnp.int32),
            jax.ShapeDtypeStruct((1, 48), jnp.int32),
        ],
    )(xf, wgt.astype(jnp.bfloat16))



_SC_MESH = plsc.VectorSubcoreMesh(core_axis_name="c", subcore_axis_name="s")


def _scatter_body(slotf_ref, gflat_ref, tokp1_ref, rowp_ref, gatep_ref,
                  slotv, gv, tokv, zeroi, zerof, row_sh, gate_sh):
    c = lax.axis_index("c")
    s = lax.axis_index("s")
    w_own = c * NS + s

    pltpu.sync_copy(slotf_ref.at[pl.ds(w_own * A_PER_W, A_PER_W)], slotv)
    pltpu.sync_copy(gflat_ref.at[pl.ds(w_own * A_PER_W, A_PER_W)], gv)
    pltpu.sync_copy(tokp1_ref.at[pl.ds(w_own * A_PER_W, A_PER_W)], tokv)

    for i in range(S_PER_SUB // 16):
        zeroi[pl.ds(i * 16, 16)] = jnp.zeros((16,), jnp.int32)
        zerof[pl.ds(i * 16, 16)] = jnp.zeros((16,), jnp.float32)
    pltpu.sync_copy(zeroi, row_sh.at[pl.ds(s * S_PER_SUB, S_PER_SUB)])
    pltpu.sync_copy(zerof, gate_sh.at[pl.ds(s * S_PER_SUB, S_PER_SUB)])

    plsc.subcore_barrier()

    pltpu.sync_copy(tokv, row_sh.at[slotv], add=True)
    pltpu.sync_copy(gv, gate_sh.at[slotv], add=True)

    plsc.subcore_barrier()

    pltpu.sync_copy(row_sh.at[pl.ds(s * S_PER_SUB, S_PER_SUB)], zeroi)
    pltpu.sync_copy(zeroi,
                    rowp_ref.at[pl.ds(c * S_PAD + s * S_PER_SUB, S_PER_SUB)])
    pltpu.sync_copy(gate_sh.at[pl.ds(s * S_PER_SUB, S_PER_SUB)], zerof)
    pltpu.sync_copy(zerof,
                    gatep_ref.at[pl.ds(c * S_PAD + s * S_PER_SUB, S_PER_SUB)])


@functools.partial(
    pl.kernel,
    out_type=[
        jax.ShapeDtypeStruct((NC * S_PAD,), jnp.int32),
        jax.ShapeDtypeStruct((NC * S_PAD,), jnp.float32),
    ],
    mesh=_SC_MESH,
    scratch_types=[
        pltpu.VMEM((A_PER_W,), jnp.int32),
        pltpu.VMEM((A_PER_W,), jnp.float32),
        pltpu.VMEM((A_PER_W,), jnp.int32),
        pltpu.VMEM((S_PER_SUB,), jnp.int32),
        pltpu.VMEM((S_PER_SUB,), jnp.float32),
        pltpu.VMEM_SHARED((S_PAD,), jnp.int32),
        pltpu.VMEM_SHARED((S_PAD,), jnp.float32),
    ],
)
def _sc_scatter(slotf_ref, gflat_ref, tokp1_ref, rowp_ref, gatep_ref, *rest):
    _scatter_body(slotf_ref, gflat_ref, tokp1_ref, rowp_ref, gatep_ref,
                  *rest)



@functools.partial(
    pl.kernel,
    out_type=[
        jax.ShapeDtypeStruct((S_PAD, D_IN), jnp.float32),
        jax.ShapeDtypeStruct((S_PAD,), jnp.float32),
    ],
    mesh=_SC_MESH,
    scratch_types=[
        pltpu.VMEM((S_PER_W,), jnp.int32),
        pltpu.VMEM((S_PER_W,), jnp.int32),
        pltpu.VMEM((S_PER_W,), jnp.float32),
        pltpu.VMEM((S_PER_W,), jnp.float32),
        pltpu.VMEM((S_PER_W,), jnp.int32),
        pltpu.VMEM((S_PER_W // 4, D_IN), jnp.float32),
        pltpu.VMEM((S_PER_W // 4, D_IN), jnp.float32),
        pltpu.SemaphoreType.DMA,
        pltpu.SemaphoreType.DMA,
    ],
)
def _sc_gather(rowp_ref, gatep_ref, x_ref, xs_ref, gate_ref,
               p0, p1, q0, q1, idx, rowsa, rowsb, sema, semb):
    c = lax.axis_index("c")
    s = lax.axis_index("s")
    wid = c * NS + s
    off = wid * S_PER_W
    pltpu.sync_copy(rowp_ref.at[pl.ds(off, S_PER_W)], p0)
    pltpu.sync_copy(rowp_ref.at[pl.ds(S_PAD + off, S_PER_W)], p1)
    pltpu.sync_copy(gatep_ref.at[pl.ds(off, S_PER_W)], q0)
    pltpu.sync_copy(gatep_ref.at[pl.ds(S_PAD + off, S_PER_W)], q1)
    for i in range(S_PER_W // 16):
        v = p0[pl.ds(i * 16, 16)] + p1[pl.ds(i * 16, 16)]
        idx[pl.ds(i * 16, 16)] = jnp.maximum(v, 1) - 1
        q0[pl.ds(i * 16, 16)] = q0[pl.ds(i * 16, 16)] + q1[pl.ds(i * 16, 16)]
    pltpu.sync_copy(q0, gate_ref.at[pl.ds(off, S_PER_W)])
    qn = S_PER_W // 4
    bufs = (rowsa, rowsb)
    sems = (sema, semb)
    cps = [None, None, None, None]
    cps[0] = pltpu.async_copy(x_ref.at[idx.at[pl.ds(0, qn)]], rowsa, sema)
    cps[1] = pltpu.async_copy(x_ref.at[idx.at[pl.ds(qn, qn)]], rowsb, semb)
    for cch in range(4):
        cps[cch].wait()
        pltpu.sync_copy(bufs[cch % 2],
                        xs_ref.at[pl.ds(off + cch * qn, qn)])
        if cch + 2 < 4:
            cps[cch + 2] = pltpu.async_copy(
                x_ref.at[idx.at[pl.ds((cch + 2) * qn, qn)]],
                bufs[cch % 2], sems[cch % 2])



def _gmm_body(be_ref, xs_ref, w1_ref, w2_ref, g_ref, out_ref):
    h = jnp.maximum(jnp.dot(xs_ref[...].astype(jnp.bfloat16), w1_ref[0],
                            preferred_element_type=jnp.float32), 0.0)
    o = jnp.dot(h.astype(jnp.bfloat16), w2_ref[0],
                preferred_element_type=jnp.float32)
    out_ref[...] = o * g_ref[...]


def _gmm(be, xs, w1, w2, gate):
    return pl.pallas_call(
        _gmm_body,
        grid_spec=pltpu.PrefetchScalarGridSpec(
            num_scalar_prefetch=1,
            grid=(NB,),
            in_specs=[
                pl.BlockSpec((BG, D_IN), lambda b, be: (b, 0)),
                pl.BlockSpec((1, D_IN, D_HID), lambda b, be: (be[b], 0, 0)),
                pl.BlockSpec((1, D_HID, D_IN), lambda b, be: (be[b], 0, 0)),
                pl.BlockSpec((BG, 1), lambda b, be: (b, 0)),
            ],
            out_specs=pl.BlockSpec((BG, D_IN), lambda b, be: (b, 0)),
        ),
        out_shape=jax.ShapeDtypeStruct((S_PAD, D_IN), jnp.float32),
        compiler_params=pltpu.CompilerParams(
            dimension_semantics=("arbitrary",),
        ),
    )(be, xs, w1, w2, gate)



@functools.partial(
    pl.kernel,
    out_type=jax.ShapeDtypeStruct((N_TOK, D_IN), jnp.float32),
    mesh=_SC_MESH,
    scratch_types=[
        pltpu.VMEM((2, T_PER_W // 2), jnp.int32),
        pltpu.VMEM((2, T_PER_W // 2), jnp.int32),
        pltpu.VMEM((T_PER_W // 2, D_IN), jnp.float32),
        pltpu.VMEM((T_PER_W // 2, D_IN), jnp.float32),
        pltpu.VMEM((T_PER_W // 2, D_IN), jnp.float32),
        pltpu.SemaphoreType.DMA,
        pltpu.SemaphoreType.DMA,
    ],
)
def _sc_combine(out_ref, slot_ref, y_ref, s1h, s2h, r1, r2, yb, sem, sem2):
    c = lax.axis_index("c")
    s = lax.axis_index("s")
    wid = c * NS + s
    off = wid * T_PER_W
    half = T_PER_W // 2
    for hh in range(2):
        pltpu.sync_copy(slot_ref.at[pl.ds(off + hh * half, half)],
                        s1h.at[hh])
        pltpu.sync_copy(slot_ref.at[pl.ds(N_TOK + off + hh * half, half)],
                        s2h.at[hh])
    for hh in range(2):
        cp1 = pltpu.async_copy(out_ref.at[s1h.at[hh]], r1, sem)
        cp2 = pltpu.async_copy(out_ref.at[s2h.at[hh]], r2, sem2)
        cp1.wait()
        cp2.wait()

        def body(t, carry):
            for cc in range(D_IN // 16):
                yb[t, pl.ds(cc * 16, 16)] = (
                    r1[t, pl.ds(cc * 16, 16)] + r2[t, pl.ds(cc * 16, 16)])
            return carry

        lax.fori_loop(0, half, body, 0)
        pltpu.sync_copy(yb, y_ref.at[pl.ds(off + hh * half, half)])



@jax.jit
def _moe_sparse(xf, wgt, w1, w2):
    ei, gg, loss, slot2d, be2d = _router(xf, wgt)
    slot = slot2d.reshape(N_ASSIGN)
    gflat = gg.reshape(N_ASSIGN)
    tokp1 = jnp.tile(jnp.arange(N_TOK, dtype=jnp.int32) + 1, 2)
    be48 = be2d.reshape(48)
    rowp, gatep = _sc_scatter(slot, gflat, tokp1)
    xs, gate = _sc_gather(rowp, gatep, xf)
    out = _gmm(be48[:NB], xs,
               w1.astype(jnp.bfloat16), w2.astype(jnp.bfloat16),
               gate.reshape(S_PAD, 1))
    y = _sc_combine(out, slot)
    return y, loss


def kernel(x, Wg, W1, W2):
    bsz, length, emb = x.shape
    xf = x.reshape(-1, emb)
    y, loss = _moe_sparse(xf, Wg.T, W1, W2)
    return y.reshape(bsz, length, emb), loss[0, 0]

# --- scband reference (transcript-rebuilt; emitter-appended) ---
"""Pipeline reference for scband-mo-e-21723944583386 (READ-ONLY COPY).

The authoritative reference and input builder live on the scoring server;
editing this copy changes nothing except your own understanding.
"""

import jax, jax.numpy as jnp
import numpy as np

NUM_EXPERTS = 8
K = 2
D = 1024
H = 512
CVLOSS = 0.01
SWITCHLOSS = 0.1
ZLOSS = 0.0001


def _l1_normalize(v):
    # F.normalize(v, p=1, dim=0): v / max(sum(|v|), 1e-12)
    return v / jnp.maximum(jnp.sum(jnp.abs(v)), 1e-12)


def _cv_squared(v):
    # torch .var() is unbiased (ddof=1)
    eps = 1e-10
    return jnp.var(v, ddof=1) / (jnp.mean(v) ** 2 + eps)


def setup_inputs(seed: int = 0) -> dict:
    key = jax.random.key(seed)
    k1, k2, k3, k4 = jax.random.split(key, 4)
    x = jax.random.normal(k1, (1, 2048, D), dtype=jnp.float32)
    # f_gate linear weight [num_experts, input_size] (noisy_gating=False -> single chunk)
    Wg = jax.random.normal(k2, (NUM_EXPERTS, D), dtype=jnp.float32) * 0.02
    # ParallelExperts weights: experts [E, input_size, head_size], output_experts [E, head_size, input_size]
    W1 = jax.random.normal(k3, (NUM_EXPERTS, D, H), dtype=jnp.float32) * (1.0 / np.sqrt(D))
    W2 = jax.random.normal(k4, (NUM_EXPERTS, H, D), dtype=jnp.float32) * (1.0 / np.sqrt(H))
    return {"x": x, "Wg": Wg, "W1": W1, "W2": W2}


def reference(x, Wg, W1, W2):
    bsz, length, emb = x.shape
    xf = x.reshape(-1, emb)
    n = xf.shape[0]

    # top_k_gating (noisy_gating=False, skip_mask=None, sample_topk=0)
    logits = xf @ Wg.T  # [N, E]
    probs = jax.nn.softmax(logits, axis=1)
    top_k_gates, top_k_indices = jax.lax.top_k(probs, K)  # [N, K]

    # compute_gating: scatter gates into dense [N, E] matrix
    gates = jnp.zeros_like(probs).at[jnp.arange(n)[:, None], top_k_indices].set(top_k_gates)
    expert_size = (gates > 0).astype(jnp.int64).sum(axis=0)  # [E]

    # aux losses (acc_aux_loss=False path)
    cvloss = CVLOSS * _cv_squared(_l1_normalize(gates.sum(axis=0)))
    switch = _l1_normalize(probs.sum(axis=0)) * _l1_normalize(expert_size.astype(jnp.float32))
    switchloss = SWITCHLOSS * (1.0 - switch.sum()) * NUM_EXPERTS
    zloss = ZLOSS * jnp.mean(jnp.log(jnp.exp(logits).sum(axis=1)) ** 2)
    loss = cvloss + switchloss + zloss

    # Expert compute: dispatch x[batch_index] -> expert MLP -> combine weighted by batch_gates.
    # Since gates[t, e] == 0 exactly for non-selected experts, the sorted sparse dispatch
    # + index_add combine is mathematically identical to the dense-masked combine below.
    y = jnp.zeros_like(xf)
    for e in range(NUM_EXPERTS):
        h = jax.nn.relu(xf @ W1[e])
        o = h @ W2[e]
        y = y + gates[:, e:e + 1] * o

    y = y.reshape(bsz, length, emb)
    return y, loss

if __name__ == "__main__":
    import jax
    _d = setup_inputs()
    print(jax.jit(kernel)(*tuple(_d.values())))

</pallas_src>

<mosaic_0001>
#map = affine_map<(d0, d1) -> (0)>
module attributes {stable_mosaic.version = 14 : i64} {
  func.func @_sc_scatter(%arg0: i32, %arg1: i32, %arg2: memref<4096xi32, #tpu.memory_space<hbm>>, %arg3: memref<4096xf32, #tpu.memory_space<hbm>>, %arg4: memref<4096xi32, #tpu.memory_space<hbm>>, %arg5: memref<10240xi32, #tpu.memory_space<hbm>>, %arg6: memref<10240xf32, #tpu.memory_space<hbm>>, %arg7: memref<128xi32, #tpu.memory_space<vmem>>, %arg8: memref<128xf32, #tpu.memory_space<vmem>>, %arg9: memref<128xi32, #tpu.memory_space<vmem>>, %arg10: memref<320xi32, #tpu.memory_space<vmem>>, %arg11: memref<320xf32, #tpu.memory_space<vmem>>, %arg12: memref<5120xi32, #tpu.memory_space<vmem_shared>>, %arg13: memref<5120xf32, #tpu.memory_space<vmem_shared>>) attributes {dimension_semantics = [#tpu.dimension_semantics<core_parallel>, #tpu.dimension_semantics<subcore_parallel>], iteration_bounds = array<i64: 2, 16>, scalar_prefetch = 0 : i64, scratch_operands = 7 : i64, tpu.core_type = #tpu.core_type<sc_vector_subcore>, window_params = [{transform_indices = #map}, {transform_indices = #map}, {transform_indices = #map}, {transform_indices = #map}, {transform_indices = #map}]} {
    %mul3A = arith.constant 16 : i32
    %mul3A_0 = arith.muli %arg0, %mul3A : i32
    %add3A = arith.addi %mul3A_0, %arg1 : i32
    %mul3A_1 = arith.constant 128 : i32
    %mul3A_2 = arith.muli %add3A, %mul3A_1 : i32
    "tpu.region"() ({
      %run_scoped3A = tpu.sem_alloc : memref<!tpu.dma_semaphore, #tpu.memory_space<semaphore_mem>>
      %dma_start3A = tpu.memref_slice %arg2[%mul3A_2] : memref<4096xi32, #tpu.memory_space<hbm>> -> memref<128xi32, #tpu.memory_space<hbm>>
      %dma_start3A_264 = tpu.memref_slice %arg2[%mul3A_2] : memref<4096xi32, #tpu.memory_space<hbm>> -> memref<128xi32, #tpu.memory_space<hbm>>
      tpu.enqueue_dma source(%dma_start3A_264 : memref<128xi32, #tpu.memory_space<hbm>>) target(%arg7 : memref<128xi32, #tpu.memory_space<vmem>>) target_semaphore(%run_scoped3A : memref<!tpu.dma_semaphore, #tpu.memory_space<semaphore_mem>>)
      %dma_wait3A = tpu.memref_slice %arg2[%mul3A_2] : memref<4096xi32, #tpu.memory_space<hbm>> -> memref<128xi32, #tpu.memory_space<hbm>>
      %dma_wait3A_265 = tpu.memref_slice %arg2[%mul3A_2] : memref<4096xi32, #tpu.memory_space<hbm>> -> memref<128xi32, #tpu.memory_space<hbm>>
      tpu.wait_dma2 semaphore(%run_scoped3A : memref<!tpu.dma_semaphore, #tpu.memory_space<semaphore_mem>>) src(%dma_wait3A_265 : memref<128xi32, #tpu.memory_space<hbm>>) dst(%arg7 : memref<128xi32, #tpu.memory_space<vmem>>)
      tpu.yield
    }) : () -> ()
    %mul3A_3 = arith.constant 128 : i32
    %mul3A_4 = arith.muli %add3A, %mul3A_3 : i32
    "tpu.region"() ({
      %run_scoped3A = tpu.sem_alloc : memref<!tpu.dma_semaphore, #tpu.memory_space<semaphore_mem>>
      %dma_start3A = tpu.memref_slice %arg3[%mul3A_4] : memref<4096xf32, #tpu.memory_space<hbm>> -> memref<128xf32, #tpu.memory_space<hbm>>
      %dma_start3A_264 = tpu.memref_slice %arg3[%mul3A_4] : memref<4096xf32, #tpu.memory_space<hbm>> -> memref<128xf32, #tpu.memory_space<hbm>>
      tpu.enqueue_dma source(%dma_start3A_264 : memref<128xf32, #tpu.memory_space<hbm>>) target(%arg8 : memref<128xf32, #tpu.memory_space<vmem>>) target_semaphore(%run_scoped3A : memref<!tpu.dma_semaphore, #tpu.memory_space<semaphore_mem>>)
      %dma_wait3A = tpu.memref_slice %arg3[%mul3A_4] : memref<4096xf32, #tpu.memory_space<hbm>> -> memref<128xf32, #tpu.memory_space<hbm>>
      %dma_wait3A_265 = tpu.memref_slice %arg3[%mul3A_4] : memref<4096xf32, #tpu.memory_space<hbm>> -> memref<128xf32, #tpu.memory_space<hbm>>
      tpu.wait_dma2 semaphore(%run_scoped3A : memref<!tpu.dma_semaphore, #tpu.memory_space<semaphore_mem>>) src(%dma_wait3A_265 : memref<128xf32, #tpu.memory_space<hbm>>) dst(%arg8 : memref<128xf32, #tpu.memory_space<vmem>>)
      tpu.yield
    }) : () -> ()
    %mul3A_5 = arith.constant 128 : i32
    %mul3A_6 = arith.muli %add3A, %mul3A_5 : i32
    "tpu.region"() ({
      %run_scoped3A = tpu.sem_alloc : memref<!tpu.dma_semaphore, #tpu.memory_space<semaphore_mem>>
      %dma_start3A = tpu.memref_slice %arg4[%mul3A_6] : memref<4096xi32, #tpu.memory_space<hbm>> -> memref<128xi32, #tpu.memory_space<hbm>>
      %dma_start3A_264 = tpu.memref_slice %arg4[%mul3A_6] : memref<4096xi32, #tpu.memory_space<hbm>> -> memref<128xi32, #tpu.memory_space<hbm>>
      tpu.enqueue_dma source(%dma_start3A_264 : memref<128xi32, #tpu.memory_space<hbm>>) target(%arg9 : memref<128xi32, #tpu.memory_space<vmem>>) target_semaphore(%run_scoped3A : memref<!tpu.dma_semaphore, #tpu.memory_space<semaphore_mem>>)
      %dma_wait3A = tpu.memref_slice %arg4[%mul3A_6] : memref<4096xi32, #tpu.memory_space<hbm>> -> memref<128xi32, #tpu.memory_space<hbm>>
      %dma_wait3A_265 = tpu.memref_slice %arg4[%mul3A_6] : memref<4096xi32, #tpu.memory_space<hbm>> -> memref<128xi32, #tpu.memory_space<hbm>>
      tpu.wait_dma2 semaphore(%run_scoped3A : memref<!tpu.dma_semaphore, #tpu.memory_space<semaphore_mem>>) src(%dma_wait3A_265 : memref<128xi32, #tpu.memory_space<hbm>>) dst(%arg9 : memref<128xi32, #tpu.memory_space<vmem>>)
      tpu.yield
    }) : () -> ()
    %broadcast_in_dim3A = arith.constant 0 : i32
    %broadcast_in_dim3A_7 = vector.broadcast %broadcast_in_dim3A : i32 to vector<16xi32>
    %swap3A = arith.constant 0 : index
    %swap3A_8 = tpu.vector_load %arg10[%swap3A] {strides = array<i32>} : memref<320xi32, #tpu.memory_space<vmem>>, vector<16xi32>,
    %swap3A_9 = vector.shape_cast %swap3A_8 : vector<16xi32> to vector<16xi32>
    %swap3A_10 = vector.shape_cast %broadcast_in_dim3A_7 : vector<16xi32> to vector<16xi32>
    tpu.vector_store %arg10[%swap3A], %swap3A_10 {strides = array<i32>} : memref<320xi32, #tpu.memory_space<vmem>>, vector<16xi32>,
    %broadcast_in_dim3A_11 = arith.constant 0.000000e+00 : f32
    %broadcast_in_dim3A_12 = vector.broadcast %broadcast_in_dim3A_11 : f32 to vector<16xf32>
    %swap3A_13 = arith.constant 0 : index
    %swap3A_14 = tpu.vector_load %arg11[%swap3A_13] {strides = array<i32>} : memref<320xf32, #tpu.memory_space<vmem>>, vector<16xf32>,
    %swap3A_15 = vector.shape_cast %swap3A_14 : vector<16xf32> to vector<16xf32>
    %swap3A_16 = vector.shape_cast %broadcast_in_dim3A_12 : vector<16xf32> to vector<16xf32>
    tpu.vector_store %arg11[%swap3A_13], %swap3A_16 {strides = array<i32>} : memref<320xf32, #tpu.memory_space<vmem>>, vector<16xf32>,
    %broadcast_in_dim3A_17 = arith.constant 0 : i32
    %broadcast_in_dim3A_18 = vector.broadcast %broadcast_in_dim3A_17 : i32 to vector<16xi32>
    %swap3A_19 = arith.constant 16 : index
    %swap3A_20 = tpu.vector_load %arg10[%swap3A_19] {strides = array<i32>} : memref<320xi32, #tpu.memory_space<vmem>>, vector<16xi32>,
    %swap3A_21 = vector.shape_cast %swap3A_20 : vector<16xi32> to vector<16xi32>
    %swap3A_22 = vector.shape_cast %broadcast_in_dim3A_18 : vector<16xi32> to vector<16xi32>
    tpu.vector_store %arg10[%swap3A_19], %swap3A_22 {strides = array<i32>} : memref<320xi32, #tpu.memory_space<vmem>>, vector<16xi32>,
    %broadcast_in_dim3A_23 = arith.constant 0.000000e+00 : f32
    %broadcast_in_dim3A_24 = vector.broadcast %broadcast_in_dim3A_23 : f32 to vector<16xf32>
    %swap3A_25 = arith.constant 16 : index
    %swap3A_26 = tpu.vector_load %arg11[%swap3A_25] {strides = array<i32>} : memref<320xf32, #tpu.memory_space<vmem>>, vector<16xf32>,
    %swap3A_27 = vector.shape_cast %swap3A_26 : vector<16xf32> to vector<16xf32>
    %swap3A_28 = vector.shape_cast %broadcast_in_dim3A_24 : vector<16xf32> to vector<16xf32>
    tpu.vector_store %arg11[%swap3A_25], %swap3A_28 {strides = array<i32>} : memref<320xf32, #tpu.memory_space<vmem>>, vector<16xf32>,
    %broadcast_in_dim3A_29 = arith.constant 0 : i32
    %broadcast_in_dim3A_30 = vector.broadcast %broadcast_in_dim3A_29 : i32 to vector<16xi32>
    %swap3A_31 = arith.constant 32 : index
    %swap3A_32 = tpu.vector_load %arg10[%swap3A_31] {strides = array<i32>} : memref<320xi32, #tpu.memory_space<vmem>>, vector<16xi32>,
    %swap3A_33 = vector.shape_cast %swap3A_32 : vector<16xi32> to vector<16xi32>
    %swap3A_34 = vector.shape_cast %broadcast_in_dim3A_30 : vector<16xi32> to vector<16xi32>
    tpu.vector_store %arg10[%swap3A_31], %swap3A_34 {strides = array<i32>} : memref<320xi32, #tpu.memory_space<vmem>>, vector<16xi32>,
    %broadcast_in_dim3A_35 = arith.constant 0.000000e+00 : f32
    %broadcast_in_dim3A_36 = vector.broadcast %broadcast_in_dim3A_35 : f32 to vector<16xf32>
    %swap3A_37 = arith.constant 32 : index
    %swap3A_38 = tpu.vector_load %arg11[%swap3A_37] {strides = array<i32>} : memref<320xf32, #tpu.memory_space<vmem>>, vector<16xf32>,
    %swap3A_39 = vector.shape_cast %swap3A_38 : vector<16xf32> to vector<16xf32>
    %swap3A_40 = vector.shape_cast %broadcast_in_dim3A_36 : vector<16xf32> to vector<16xf32>
    tpu.vector_store %arg11[%swap3A_37], %swap3A_40 {strides = array<i32>} : memref<320xf32, #tpu.memory_space<vmem>>, vector<16xf32>,
    %broadcast_in_dim3A_41 = arith.constant 0 : i32
    %broadcast_in_dim3A_42 = vector.broadcast %broadcast_in_dim3A_41 : i32 to vector<16xi32>
    %swap3A_43 = arith.constant 48 : index
    %swap3A_44 = tpu.vector_load %arg10[%swap3A_43] {strides = array<i32>} : memref<320xi32, #tpu.memory_space<vmem>>, vector<16xi32>,
    %swap3A_45 = vector.shape_cast %swap3A_44 : vector<16xi32> to vector<16xi32>
    %swap3A_46 = vector.shape_cast %broadcast_in_dim3A_42 : vector<16xi32> to vector<16xi32>
    tpu.vector_store %arg10[%swap3A_43], %swap3A_46 {strides = array<i32>} : memref<320xi32, #tpu.memory_space<vmem>>, vector<16xi32>,
    %broadcast_in_dim3A_47 = arith.constant 0.000000e+00 : f32
    %broadcast_in_dim3A_48 = vector.broadcast %broadcast_in_dim3A_47 : f32 to vector<16xf32>
    %swap3A_49 = arith.constant 48 : index
    %swap3A_50 = tpu.vector_load %arg11[%swap3A_49] {strides = array<i32>} : memref<320xf32, #tpu.memory_space<vmem>>, vector<16xf32>,
    %swap3A_51 = vector.shape_cast %swap3A_50 : vector<16xf32> to vector<16xf32>
    %swap3A_52 = vector.shape_cast %broadcast_in_dim3A_48 : vector<16xf32> to vector<16xf32>
    tpu.vector_store %arg11[%swap3A_49], %swap3A_52 {strides = array<i32>} : memref<320xf32, #tpu.memory_space<vmem>>, vector<16xf32>,
    %broadcast_in_dim3A_53 = arith.constant 0 : i32
    %broadcast_in_dim3A_54 = vector.broadcast %broadcast_in_dim3A_53 : i32 to vector<16xi32>
    %swap3A_55 = arith.constant 64 : index
    %swap3A_56 = tpu.vector_load %arg10[%swap3A_55] {strides = array<i32>} : memref<320xi32, #tpu.memory_space<vmem>>, vector<16xi32>,
    %swap3A_57 = vector.shape_cast %swap3A_56 : vector<16xi32> to vector<16xi32>
    %swap3A_58 = vector.shape_cast %broadcast_in_dim3A_54 : vector<16xi32> to vector<16xi32>
    tpu.vector_store %arg10[%swap3A_55], %swap3A_58 {strides = array<i32>} : memref<320xi32, #tpu.memory_space<vmem>>, vector<16xi32>,
    %broadcast_in_dim3A_59 = arith.constant 0.000000e+00 : f32
    %broadcast_in_dim3A_60 = vector.broadcast %broadcast_in_dim3A_59 : f32 to vector<16xf32>
    %swap3A_61 = arith.constant 64 : index
    %swap3A_62 = tpu.vector_load %arg11[%swap3A_61] {strides = array<i32>} : memref<320xf32, #tpu.memory_space<vmem>>, vector<16xf32>,
    %swap3A_63 = vector.shape_cast %swap3A_62 : vector<16xf32> to vector<16xf32>
    %swap3A_64 = vector.shape_cast %broadcast_in_dim3A_60 : vector<16xf32> to vector<16xf32>
    tpu.vector_store %arg11[%swap3A_61], %swap3A_64 {strides = array<i32>} : memref<320xf32, #tpu.memory_space<vmem>>, vector<16xf32>,
    %broadcast_in_dim3A_65 = arith.constant 0 : i32
    %broadcast_in_dim3A_66 = vector.broadcast %broadcast_in_dim3A_65 : i32 to vector<16xi32>
    %swap3A_67 = arith.constant 80 : index
    %swap3A_68 = tpu.vector_load %arg10[%swap3A_67] {strides = array<i32>} : memref<320xi32, #tpu.memory_space<vmem>>, vector<16xi32>,
    %swap3A_69 = vector.shape_cast %swap3A_68 : vector<16xi32> to vector<16xi32>
    %swap3A_70 = vector.shape_cast %broadcast_in_dim3A_66 : vector<16xi32> to vector<16xi32>
    tpu.vector_store %arg10[%swap3A_67], %swap3A_70 {strides = array<i32>} : memref<320xi32, #tpu.memory_space<vmem>>, vector<16xi32>,
    %broadcast_in_dim3A_71 = arith.constant 0.000000e+00 : f32
    %broadcast_in_dim3A_72 = vector.broadcast %broadcast_in_dim3A_71 : f32 to vector<16xf32>
    %swap3A_73 = arith.constant 80 : index
    %swap3A_74 = tpu.vector_load %arg11[%swap3A_73] {strides = array<i32>} : memref<320xf32, #tpu.memory_space<vmem>>, vector<16xf32>,
    %swap3A_75 = vector.shape_cast %swap3A_74 : vector<16xf32> to vector<16xf32>
    %swap3A_76 = vector.shape_cast %broadcast_in_dim3A_72 : vector<16xf32> to vector<16xf32>
    tpu.vector_store %arg11[%swap3A_73], %swap3A_76 {strides = array<i32>} : memref<320xf32, #tpu.memory_space<vmem>>, vector<16xf32>,
    %broadcast_in_dim3A_77 = arith.constant 0 : i32
    %broadcast_in_dim3A_78 = vector.broadcast %broadcast_in_dim3A_77 : i32 to vector<16xi32>
    %swap3A_79 = arith.constant 96 : index
    %swap3A_80 = tpu.vector_load %arg10[%swap3A_79] {strides = array<i32>} : memref<320xi32, #tpu.memory_space<vmem>>, vector<16xi32>,
    %swap3A_81 = vector.shape_cast %swap3A_80 : vector<16xi32> to vector<16xi32>
    %swap3A_82 = vector.shape_cast %broadcast_in_dim3A_78 : vector<16xi32> to vector<16xi32>
    tpu.vector_store %arg10[%swap3A_79], %swap3A_82 {strides = array<i32>} : memref<320xi32, #tpu.memory_space<vmem>>, vector<16xi32>,
    %broadcast_in_dim3A_83 = arith.constant 0.000000e+00 : f32
    %broadcast_in_dim3A_84 = vector.broadcast %broadcast_in_dim3A_83 : f32 to vector<16xf32>
    %swap3A_85 = arith.constant 96 : index
    %swap3A_86 = tpu.vector_load %arg11[%swap3A_85] {strides = array<i32>} : memref<320xf32, #tpu.memory_space<vmem>>, vector<16xf32>,
    %swap3A_87 = vector.shape_cast %swap3A_86 : vector<16xf32> to vector<16xf32>
    %swap3A_88 = vector.shape_cast %broadcast_in_dim3A_84 : vector<16xf32> to vector<16xf32>
    tpu.vector_store %arg11[%swap3A_85], %swap3A_88 {strides = array<i32>} : memref<320xf32, #tpu.memory_space<vmem>>, vector<16xf32>,
    %broadcast_in_dim3A_89 = arith.constant 0 : i32
    %broadcast_in_dim3A_90 = vector.broadcast %broadcast_in_dim3A_89 : i32 to vector<16xi32>
    %swap3A_91 = arith.constant 112 : index
    %swap3A_92 = tpu.vector_load %arg10[%swap3A_91] {strides = array<i32>} : memref<320xi32, #tpu.memory_space<vmem>>, vector<16xi32>,
    %swap3A_93 = vector.shape_cast %swap3A_92 : vector<16xi32> to vector<16xi32>
    %swap3A_94 = vector.shape_cast %broadcast_in_dim3A_90 : vector<16xi32> to vector<16xi32>
    tpu.vector_store %arg10[%swap3A_91], %swap3A_94 {strides = array<i32>} : memref<320xi32, #tpu.memory_space<vmem>>, vector<16xi32>,
    %broadcast_in_dim3A_95 = arith.constant 0.000000e+00 : f32
    %broadcast_in_dim3A_96 = vector.broadcast %broadcast_in_dim3A_95 : f32 to vector<16xf32>
    %swap3A_97 = arith.constant 112 : index
    %swap3A_98 = tpu.vector_load %arg11[%swap3A_97] {strides = array<i32>} : memref<320xf32, #tpu.memory_space<vmem>>, vector<16xf32>,
    %swap3A_99 = vector.shape_cast %swap3A_98 : vector<16xf32> to vector<16xf32>
    %swap3A_100 = vector.shape_cast %broadcast_in_dim3A_96 : vector<16xf32> to vector<16xf32>
    tpu.vector_store %arg11[%swap3A_97], %swap3A_100 {strides = array<i32>} : memref<320xf32, #tpu.memory_space<vmem>>, vector<16xf32>,
    %broadcast_in_dim3A_101 = arith.constant 0 : i32
    %broadcast_in_dim3A_102 = vector.broadcast %broadcast_in_dim3A_101 : i32 to vector<16xi32>
    %swap3A_103 = arith.constant 128 : index
    %swap3A_104 = tpu.vector_load %arg10[%swap3A_103] {strides = array<i32>} : memref<320xi32, #tpu.memory_space<vmem>>, vector<16xi32>,
    %swap3A_105 = vector.shape_cast %swap3A_104 : vector<16xi32> to vector<16xi32>
    %swap3A_106 = vector.shape_cast %broadcast_in_dim3A_102 : vector<16xi32> to vector<16xi32>
    tpu.vector_store %arg10[%swap3A_103], %swap3A_106 {strides = array<i32>} : memref<320xi32, #tpu.memory_space<vmem>>, vector<16xi32>,
    %broadcast_in_dim3A_107 = arith.constant 0.000000e+00 : f32
    %broadcast_in_dim3A_108 = vector.broadcast %broadcast_in_dim3A_107 : f32 to vector<16xf32>
    %swap3A_109 = arith.constant 128 : index
    %swap3A_110 = tpu.vector_load %arg11[%swap3A_109] {strides = array<i32>} : memref<320xf32, #tpu.memory_space<vmem>>, vector<16xf32>,
    %swap3A_111 = vector.shape_cast %swap3A_110 : vector<16xf32> to vector<16xf32>
    %swap3A_112 = vector.shape_cast %broadcast_in_dim3A_108 : vector<16xf32> to vector<16xf32>
    tpu.vector_store %arg11[%swap3A_109], %swap3A_112 {strides = array<i32>} : memref<320xf32, #tpu.memory_space<vmem>>, vector<16xf32>,
    %broadcast_in_dim3A_113 = arith.constant 0 : i32
    %broadcast_in_dim3A_114 = vector.broadcast %broadcast_in_dim3A_113 : i32 to vector<16xi32>
    %swap3A_115 = arith.constant 144 : index
    %swap3A_116 = tpu.vector_load %arg10[%swap3A_115] {strides = array<i32>} : memref<320xi32, #tpu.memory_space<vmem>>, vector<16xi32>,
    %swap3A_117 = vector.shape_cast %swap3A_116 : vector<16xi32> to vector<16xi32>
    %swap3A_118 = vector.shape_cast %broadcast_in_dim3A_114 : vector<16xi32> to vector<16xi32>
    tpu.vector_store %arg10[%swap3A_115], %swap3A_118 {strides = array<i32>} : memref<320xi32, #tpu.memory_space<vmem>>, vector<16xi32>,
    %broadcast_in_dim3A_119 = arith.constant 0.000000e+00 : f32
    %broadcast_in_dim3A_120 = vector.broadcast %broadcast_in_dim3A_119 : f32 to vector<16xf32>
    %swap3A_121 = arith.constant 144 : index
    %swap3A_122 = tpu.vector_load %arg11[%swap3A_121] {strides = array<i32>} : memref<320xf32, #tpu.memory_space<vmem>>, vector<16xf32>,
    %swap3A_123 = vector.shape_cast %swap3A_122 : vector<16xf32> to vector<16xf32>
    %swap3A_124 = vector.shape_cast %broadcast_in_dim3A_120 : vector<16xf32> to vector<16xf32>
    tpu.vector_store %arg11[%swap3A_121], %swap3A_124 {strides = array<i32>} : memref<320xf32, #tpu.memory_space<vmem>>, vector<16xf32>,
    %broadcast_in_dim3A_125 = arith.constant 0 : i32
    %broadcast_in_dim3A_126 = vector.broadcast %broadcast_in_dim3A_125 : i32 to vector<16xi32>
    %swap3A_127 = arith.constant 160 : index
    %swap3A_128 = tpu.vector_load %arg10[%swap3A_127] {strides = array<i32>} : memref<320xi32, #tpu.memory_space<vmem>>, vector<16xi32>,
    %swap3A_129 = vector.shape_cast %swap3A_128 : vector<16xi32> to vector<16xi32>
    %swap3A_130 = vector.shape_cast %broadcast_in_dim3A_126 : vector<16xi32> to vector<16xi32>
    tpu.vector_store %arg10[%swap3A_127], %swap3A_130 {strides = array<i32>} : memref<320xi32, #tpu.memory_space<vmem>>, vector<16xi32>,
    %broadcast_in_dim3A_131 = arith.constant 0.000000e+00 : f32
    %broadcast_in_dim3A_132 = vector.broadcast %broadcast_in_dim3A_131 : f32 to vector<16xf32>
    %swap3A_133 = arith.constant 160 : index
    %swap3A_134 = tpu.vector_load %arg11[%swap3A_133] {strides = array<i32>} : memref<320xf32, #tpu.memory_space<vmem>>, vector<16xf32>,
    %swap3A_135 = vector.shape_cast %swap3A_134 : vector<16xf32> to vector<16xf32>
    %swap3A_136 = vector.shape_cast %broadcast_in_dim3A_132 : vector<16xf32> to vector<16xf32>
    tpu.vector_store %arg11[%swap3A_133], %swap3A_136 {strides = array<i32>} : memref<320xf32, #tpu.memory_space<vmem>>, vector<16xf32>,
    %broadcast_in_dim3A_137 = arith.constant 0 : i32
    %broadcast_in_dim3A_138 = vector.broadcast %broadcast_in_dim3A_137 : i32 to vector<16xi32>
    %swap3A_139 = arith.constant 176 : index
    %swap3A_140 = tpu.vector_load %arg10[%swap3A_139] {strides = array<i32>} : memref<320xi32, #tpu.memory_space<vmem>>, vector<16xi32>,
    %swap3A_141 = vector.shape_cast %swap3A_140 : vector<16xi32> to vector<16xi32>
    %swap3A_142 = vector.shape_cast %broadcast_in_dim3A_138 : vector<16xi32> to vector<16xi32>
    tpu.vector_store %arg10[%swap3A_139], %swap3A_142 {strides = array<i32>} : memref<320xi32, #tpu.memory_space<vmem>>, vector<16xi32>,
    %broadcast_in_dim3A_143 = arith.constant 0.000000e+00 : f32
    %broadcast_in_dim3A_144 = vector.broadcast %broadcast_in_dim3A_143 : f32 to vector<16xf32>
    %swap3A_145 = arith.constant 176 : index
    %swap3A_146 = tpu.vector_load %arg11[%swap3A_145] {strides = array<i32>} : memref<320xf32, #tpu.memory_space<vmem>>, vector<16xf32>,
    %swap3A_147 = vector.shape_cast %swap3A_146 : vector<16xf32> to vector<16xf32>
    %swap3A_148 = vector.shape_cast %broadcast_in_dim3A_144 : vector<16xf32> to vector<16xf32>
    tpu.vector_store %arg11[%swap3A_145], %swap3A_148 {strides = array<i32>} : memref<320xf32, #tpu.memory_space<vmem>>, vector<16xf32>,
    %broadcast_in_dim3A_149 = arith.constant 0 : i32
    %broadcast_in_dim3A_150 = vector.broadcast %broadcast_in_dim3A_149 : i32 to vector<16xi32>
    %swap3A_151 = arith.constant 192 : index
    %swap3A_152 = tpu.vector_load %arg10[%swap3A_151] {strides = array<i32>} : memref<320xi32, #tpu.memory_space<vmem>>, vector<16xi32>,
    %swap3A_153 = vector.shape_cast %swap3A_152 : vector<16xi32> to vector<16xi32>
    %swap3A_154 = vector.shape_cast %broadcast_in_dim3A_150 : vector<16xi32> to vector<16xi32>
    tpu.vector_store %arg10[%swap3A_151], %swap3A_154 {strides = array<i32>} : memref<320xi32, #tpu.memory_space<vmem>>, vector<16xi32>,
    %broadcast_in_dim3A_155 = arith.constant 0.000000e+00 : f32
    %broadcast_in_dim3A_156 = vector.broadcast %broadcast_in_dim3A_155 : f32 to vector<16xf32>
    %swap3A_157 = arith.constant 192 : index
    %swap3A_158 = tpu.vector_load %arg11[%swap3A_157] {strides = array<i32>} : memref<320xf32, #tpu.memory_space<vmem>>, vector<16xf32>,
    %swap3A_159 = vector.shape_cast %swap3A_158 : vector<16xf32> to vector<16xf32>
    %swap3A_160 = vector.shape_cast %broadcast_in_dim3A_156 : vector<16xf32> to vector<16xf32>
    tpu.vector_store %arg11[%swap3A_157], %swap3A_160 {strides = array<i32>} : memref<320xf32, #tpu.memory_space<vmem>>, vector<16xf32>,
    %broadcast_in_dim3A_161 = arith.constant 0 : i32
    %broadcast_in_dim3A_162 = vector.broadcast %broadcast_in_dim3A_161 : i32 to vector<16xi32>
    %swap3A_163 = arith.constant 208 : index
    %swap3A_164 = tpu.vector_load %arg10[%swap3A_163] {strides = array<i32>} : memref<320xi32, #tpu.memory_space<vmem>>, vector<16xi32>,
    %swap3A_165 = vector.shape_cast %swap3A_164 : vector<16xi32> to vector<16xi32>
    %swap3A_166 = vector.shape_cast %broadcast_in_dim3A_162 : vector<16xi32> to vector<16xi32>
    tpu.vector_store %arg10[%swap3A_163], %swap3A_166 {strides = array<i32>} : memref<320xi32, #tpu.memory_space<vmem>>, vector<16xi32>,
    %broadcast_in_dim3A_167 = arith.constant 0.000000e+00 : f32
    %broadcast_in_dim3A_168 = vector.broadcast %broadcast_in_dim3A_167 : f32 to vector<16xf32>
    %swap3A_169 = arith.constant 208 : index
    %swap3A_170 = tpu.vector_load %arg11[%swap3A_169] {strides = array<i32>} : memref<320xf32, #tpu.memory_space<vmem>>, vector<16xf32>,
    %swap3A_171 = vector.shape_cast %swap3A_170 : vector<16xf32> to vector<16xf32>
    %swap3A_172 = vector.shape_cast %broadcast_in_dim3A_168 : vector<16xf32> to vector<16xf32>
    tpu.vector_store %arg11[%swap3A_169], %swap3A_172 {strides = array<i32>} : memref<320xf32, #tpu.memory_space<vmem>>, vector<16xf32>,
    %broadcast_in_dim3A_173 = arith.constant 0 : i32
    %broadcast_in_dim3A_174 = vector.broadcast %broadcast_in_dim3A_173 : i32 to vector<16xi32>
    %swap3A_175 = arith.constant 224 : index
    %swap3A_176 = tpu.vector_load %arg10[%swap3A_175] {strides = array<i32>} : memref<320xi32, #tpu.memory_space<vmem>>, vector<16xi32>,
    %swap3A_177 = vector.shape_cast %swap3A_176 : vector<16xi32> to vector<16xi32>
    %swap3A_178 = vector.shape_cast %broadcast_in_dim3A_174 : vector<16xi32> to vector<16xi32>
    tpu.vector_store %arg10[%swap3A_175], %swap3A_178 {strides = array<i32>} : memref<320xi32, #tpu.memory_space<vmem>>, vector<16xi32>,
    %broadcast_in_dim3A_179 = arith.constant 0.000000e+00 : f32
    %broadcast_in_dim3A_180 = vector.broadcast %broadcast_in_dim3A_179 : f32 to vector<16xf32>
    %swap3A_181 = arith.constant 224 : index
    %swap3A_182 = tpu.vector_load %arg11[%swap3A_181] {strides = array<i32>} : memref<320xf32, #tpu.memory_space<vmem>>, vector<16xf32>,
    %swap3A_183 = vector.shape_cast %swap3A_182 : vector<16xf32> to vector<16xf32>
    %swap3A_184 = vector.shape_cast %broadcast_in_dim3A_180 : vector<16xf32> to vector<16xf32>
    tpu.vector_store %arg11[%swap3A_181], %swap3A_184 {strides = array<i32>} : memref<320xf32, #tpu.memory_space<vmem>>, vector<16xf32>,
    %broadcast_in_dim3A_185 = arith.constant 0 : i32
    %broadcast_in_dim3A_186 = vector.broadcast %broadcast_in_dim3A_185 : i32 to vector<16xi32>
    %swap3A_187 = arith.constant 240 : index
    %swap3A_188 = tpu.vector_load %arg10[%swap3A_187] {strides = array<i32>} : memref<320xi32, #tpu.memory_space<vmem>>, vector<16xi32>,
    %swap3A_189 = vector.shape_cast %swap3A_188 : vector<16xi32> to vector<16xi32>
    %swap3A_190 = vector.shape_cast %broadcast_in_dim3A_186 : vector<16xi32> to vector<16xi32>
    tpu.vector_store %arg10[%swap3A_187], %swap3A_190 {strides = array<i32>} : memref<320xi32, #tpu.memory_space<vmem>>, vector<16xi32>,
    %broadcast_in_dim3A_191 = arith.constant 0.000000e+00 : f32
    %broadcast_in_dim3A_192 = vector.broadcast %broadcast_in_dim3A_191 : f32 to vector<16xf32>
    %swap3A_193 = arith.constant 240 : index
    %swap3A_194 = tpu.vector_load %arg11[%swap3A_193] {strides = array<i32>} : memref<320xf32, #tpu.memory_space<vmem>>, vector<16xf32>,
    %swap3A_195 = vector.shape_cast %swap3A_194 : vector<16xf32> to vector<16xf32>
    %swap3A_196 = vector.shape_cast %broadcast_in_dim3A_192 : vector<16xf32> to vector<16xf32>
    tpu.vector_store %arg11[%swap3A_193], %swap3A_196 {strides = array<i32>} : memref<320xf32, #tpu.memory_space<vmem>>, vector<16xf32>,
    %broadcast_in_dim3A_197 = arith.constant 0 : i32
    %broadcast_in_dim3A_198 = vector.broadcast %broadcast_in_dim3A_197 : i32 to vector<16xi32>
    %swap3A_199 = arith.constant 256 : index
    %swap3A_200 = tpu.vector_load %arg10[%swap3A_199] {strides = array<i32>} : memref<320xi32, #tpu.memory_space<vmem>>, vector<16xi32>,
    %swap3A_201 = vector.shape_cast %swap3A_200 : vector<16xi32> to vector<16xi32>
    %swap3A_202 = vector.shape_cast %broadcast_in_dim3A_198 : vector<16xi32> to vector<16xi32>
    tpu.vector_store %arg10[%swap3A_199], %swap3A_202 {strides = array<i32>} : memref<320xi32, #tpu.memory_space<vmem>>, vector<16xi32>,
    %broadcast_in_dim3A_203 = arith.constant 0.000000e+00 : f32
    %broadcast_in_dim3A_204 = vector.broadcast %broadcast_in_dim3A_203 : f32 to vector<16xf32>
    %swap3A_205 = arith.constant 256 : index
    %swap3A_206 = tpu.vector_load %arg11[%swap3A_205] {strides = array<i32>} : memref<320xf32, #tpu.memory_space<vmem>>, vector<16xf32>,
    %swap3A_207 = vector.shape_cast %swap3A_206 : vector<16xf32> to vector<16xf32>
    %swap3A_208 = vector.shape_cast %broadcast_in_dim3A_204 : vector<16xf32> to vector<16xf32>
    tpu.vector_store %arg11[%swap3A_205], %swap3A_208 {strides = array<i32>} : memref<320xf32, #tpu.memory_space<vmem>>, vector<16xf32>,
    %broadcast_in_dim3A_209 = arith.constant 0 : i32
    %broadcast_in_dim3A_210 = vector.broadcast %broadcast_in_dim3A_209 : i32 to vector<16xi32>
    %swap3A_211 = arith.constant 272 : index
    %swap3A_212 = tpu.vector_load %arg10[%swap3A_211] {strides = array<i32>} : memref<320xi32, #tpu.memory_space<vmem>>, vector<16xi32>,
    %swap3A_213 = vector.shape_cast %swap3A_212 : vector<16xi32> to vector<16xi32>
    %swap3A_214 = vector.shape_cast %broadcast_in_dim3A_210 : vector<16xi32> to vector<16xi32>
    tpu.vector_store %arg10[%swap3A_211], %swap3A_214 {strides = array<i32>} : memref<320xi32, #tpu.memory_space<vmem>>, vector<16xi32>,
    %broadcast_in_dim3A_215 = arith.constant 0.000000e+00 : f32
    %broadcast_in_dim3A_216 = vector.broadcast %broadcast_in_dim3A_215 : f32 to vector<16xf32>
    %swap3A_217 = arith.constant 272 : index
    %swap3A_218 = tpu.vector_load %arg11[%swap3A_217] {strides = array<i32>} : memref<320xf32, #tpu.memory_space<vmem>>, vector<16xf32>,
    %swap3A_219 = vector.shape_cast %swap3A_218 : vector<16xf32> to vector<16xf32>
    %swap3A_220 = vector.shape_cast %broadcast_in_dim3A_216 : vector<16xf32> to vector<16xf32>
    tpu.vector_store %arg11[%swap3A_217], %swap3A_220 {strides = array<i32>} : memref<320xf32, #tpu.memory_space<vmem>>, vector<16xf32>,
    %broadcast_in_dim3A_221 = arith.constant 0 : i32
    %broadcast_in_dim3A_222 = vector.broadcast %broadcast_in_dim3A_221 : i32 to vector<16xi32>
    %swap3A_223 = arith.constant 288 : index
    %swap3A_224 = tpu.vector_load %arg10[%swap3A_223] {strides = array<i32>} : memref<320xi32, #tpu.memory_space<vmem>>, vector<16xi32>,
    %swap3A_225 = vector.shape_cast %swap3A_224 : vector<16xi32> to vector<16xi32>
    %swap3A_226 = vector.shape_cast %broadcast_in_dim3A_222 : vector<16xi32> to vector<16xi32>
    tpu.vector_store %arg10[%swap3A_223], %swap3A_226 {strides = array<i32>} : memref<320xi32, #tpu.memory_space<vmem>>, vector<16xi32>,
    %broadcast_in_dim3A_227 = arith.constant 0.000000e+00 : f32
    %broadcast_in_dim3A_228 = vector.broadcast %broadcast_in_dim3A_227 : f32 to vector<16xf32>
    %swap3A_229 = arith.constant 288 : index
    %swap3A_230 = tpu.vector_load %arg11[%swap3A_229] {strides = array<i32>} : memref<320xf32, #tpu.memory_space<vmem>>, vector<16xf32>,
    %swap3A_231 = vector.shape_cast %swap3A_230 : vector<16xf32> to vector<16xf32>
    %swap3A_232 = vector.shape_cast %broadcast_in_dim3A_228 : vector<16xf32> to vector<16xf32>
    tpu.vector_store %arg11[%swap3A_229], %swap3A_232 {strides = array<i32>} : memref<320xf32, #tpu.memory_space<vmem>>, vector<16xf32>,
    %broadcast_in_dim3A_233 = arith.constant 0 : i32
    %broadcast_in_dim3A_234 = vector.broadcast %broadcast_in_dim3A_233 : i32 to vector<16xi32>
    %swap3A_235 = arith.constant 304 : index
    %swap3A_236 = tpu.vector_load %arg10[%swap3A_235] {strides = array<i32>} : memref<320xi32, #tpu.memory_space<vmem>>, vector<16xi32>,
    %swap3A_237 = vector.shape_cast %swap3A_236 : vector<16xi32> to vector<16xi32>
    %swap3A_238 = vector.shape_cast %broadcast_in_dim3A_234 : vector<16xi32> to vector<16xi32>
    tpu.vector_store %arg10[%swap3A_235], %swap3A_238 {strides = array<i32>} : memref<320xi32, #tpu.memory_space<vmem>>, vector<16xi32>,
    %broadcast_in_dim3A_239 = arith.constant 0.000000e+00 : f32
    %broadcast_in_dim3A_240 = vector.broadcast %broadcast_in_dim3A_239 : f32 to vector<16xf32>
    %swap3A_241 = arith.constant 304 : index
    %swap3A_242 = tpu.vector_load %arg11[%swap3A_241] {strides = array<i32>} : memref<320xf32, #tpu.memory_space<vmem>>, vector<16xf32>,
    %swap3A_243 = vector.shape_cast %swap3A_242 : vector<16xf32> to vector<16xf32>
    %swap3A_244 = vector.shape_cast %broadcast_in_dim3A_240 : vector<16xf32> to vector<16xf32>
    tpu.vector_store %arg11[%swap3A_241], %swap3A_244 {strides = array<i32>} : memref<320xf32, #tpu.memory_space<vmem>>, vector<16xf32>,
    %mul3A_245 = arith.constant 320 : i32
    %mul3A_246 = arith.muli %arg1, %mul3A_245 : i32
    "tpu.region"() ({
      %run_scoped3A = tpu.sem_alloc : memref<!tpu.dma_semaphore, #tpu.memory_space<semaphore_mem>>
      %dma_start3A = tpu.memref_slice %arg12[%mul3A_246] : memref<5120xi32, #tpu.memory_space<vmem_shared>> -> memref<320xi32, #tpu.memory_space<vmem_shared>>
      %dma_start3A_264 = tpu.memref_slice %arg12[%mul3A_246] : memref<5120xi32, #tpu.memory_space<vmem_shared>> -> memref<320xi32, #tpu.memory_space<vmem_shared>>
      tpu.enqueue_dma source(%arg10 : memref<320xi32, #tpu.memory_space<vmem>>) target(%dma_start3A_264 : memref<320xi32, #tpu.memory_space<vmem_shared>>) target_semaphore(%run_scoped3A : memref<!tpu.dma_semaphore, #tpu.memory_space<semaphore_mem>>)
      %dma_wait3A = tpu.memref_slice %arg12[%mul3A_246] : memref<5120xi32, #tpu.memory_space<vmem_shared>> -> memref<320xi32, #tpu.memory_space<vmem_shared>>
      %dma_wait3A_265 = tpu.memref_slice %arg12[%mul3A_246] : memref<5120xi32, #tpu.memory_space<vmem_shared>> -> memref<320xi32, #tpu.memory_space<vmem_shared>>
      tpu.wait_dma2 semaphore(%run_scoped3A : memref<!tpu.dma_semaphore, #tpu.memory_space<semaphore_mem>>) src(%arg10 : memref<320xi32, #tpu.memory_space<vmem>>) dst(%dma_wait3A_265 : memref<320xi32, #tpu.memory_space<vmem_shared>>)
      tpu.yield
    }) : () -> ()
    %mul3A_247 = arith.constant 320 : i32
    %mul3A_248 = arith.muli %arg1, %mul3A_247 : i32
    "tpu.region"() ({
      %run_scoped3A = tpu.sem_alloc : memref<!tpu.dma_semaphore, #tpu.memory_space<semaphore_mem>>
      %dma_start3A = tpu.memref_slice %arg13[%mul3A_248] : memref<5120xf32, #tpu.memory_space<vmem_shared>> -> memref<320xf32, #tpu.memory_space<vmem_shared>>
      %dma_start3A_264 = tpu.memref_slice %arg13[%mul3A_248] : memref<5120xf32, #tpu.memory_space<vmem_shared>> -> memref<320xf32, #tpu.memory_space<vmem_shared>>
      tpu.enqueue_dma source(%arg11 : memref<320xf32, #tpu.memory_space<vmem>>) target(%dma_start3A_264 : memref<320xf32, #tpu.memory_space<vmem_shared>>) target_semaphore(%run_scoped3A : memref<!tpu.dma_semaphore, #tpu.memory_space<semaphore_mem>>)
      %dma_wait3A = tpu.memref_slice %arg13[%mul3A_248] : memref<5120xf32, #tpu.memory_space<vmem_shared>> -> memref<320xf32, #tpu.memory_space<vmem_shared>>
      %dma_wait3A_265 = tpu.memref_slice %arg13[%mul3A_248] : memref<5120xf32, #tpu.memory_space<vmem_shared>> -> memref<320xf32, #tpu.memory_space<vmem_shared>>
      tpu.wait_dma2 semaphore(%run_scoped3A : memref<!tpu.dma_semaphore, #tpu.memory_space<semaphore_mem>>) src(%arg11 : memref<320xf32, #tpu.memory_space<vmem>>) dst(%dma_wait3A_265 : memref<320xf32, #tpu.memory_space<vmem_shared>>)
      tpu.yield
    }) : () -> ()
    %barrier3A = arith.constant 0 : index
    tpu.barrier barrier_id(%barrier3A)
    "tpu.region"() ({
      %run_scoped3A = tpu.sem_alloc : memref<!tpu.dma_semaphore, #tpu.memory_space<semaphore_mem>>
      %dma_start3A = arith.constant 0 : i32
      %dma_start3A_264 = tpu.memref_slice %arg12[%dma_start3A] : memref<5120xi32, #tpu.memory_space<vmem_shared>> -> memref<5120xi32, #tpu.memory_space<vmem_shared>>
      tpu.enqueue_indirect_dma source(%arg9 : memref<128xi32, #tpu.memory_space<vmem>>) target(%dma_start3A_264 : memref<5120xi32, #tpu.memory_space<vmem_shared>>) offsets(%arg7 : memref<128xi32, #tpu.memory_space<vmem>>) semaphore(%run_scoped3A : memref<!tpu.dma_semaphore, #tpu.memory_space<semaphore_mem>>) {add = true}
      %dma_wait3A = arith.constant 0 : i32
      %dma_wait3A_265 = tpu.memref_slice %arg12[%dma_wait3A] : memref<5120xi32, #tpu.memory_space<vmem_shared>> -> memref<5120xi32, #tpu.memory_space<vmem_shared>>
      tpu.wait_indirect_dma semaphore(%run_scoped3A : memref<!tpu.dma_semaphore, #tpu.memory_space<semaphore_mem>>) src(%arg9 : memref<128xi32, #tpu.memory_space<vmem>>) dst(%dma_wait3A_265 : memref<5120xi32, #tpu.memory_space<vmem_shared>>)
      tpu.yield
    }) : () -> ()
    "tpu.region"() ({
      %run_scoped3A = tpu.sem_alloc : memref<!tpu.dma_semaphore, #tpu.memory_space<semaphore_mem>>
      %dma_start3A = arith.constant 0 : i32
      %dma_start3A_264 = tpu.memref_slice %arg13[%dma_start3A] : memref<5120xf32, #tpu.memory_space<vmem_shared>> -> memref<5120xf32, #tpu.memory_space<vmem_shared>>
      tpu.enqueue_indirect_dma source(%arg8 : memref<128xf32, #tpu.memory_space<vmem>>) target(%dma_start3A_264 : memref<5120xf32, #tpu.memory_space<vmem_shared>>) offsets(%arg7 : memref<128xi32, #tpu.memory_space<vmem>>) semaphore(%run_scoped3A : memref<!tpu.dma_semaphore, #tpu.memory_space<semaphore_mem>>) {add = true}
      %dma_wait3A = arith.constant 0 : i32
      %dma_wait3A_265 = tpu.memref_slice %arg13[%dma_wait3A] : memref<5120xf32, #tpu.memory_space<vmem_shared>> -> memref<5120xf32, #tpu.memory_space<vmem_shared>>
      tpu.wait_indirect_dma semaphore(%run_scoped3A : memref<!tpu.dma_semaphore, #tpu.memory_space<semaphore_mem>>) src(%arg8 : memref<128xf32, #tpu.memory_space<vmem>>) dst(%dma_wait3A_265 : memref<5120xf32, #tpu.memory_space<vmem_shared>>)
      tpu.yield
    }) : () -> ()
    %barrier3A_249 = arith.constant 0 : index
    tpu.barrier barrier_id(%barrier3A_249)
    %mul3A_250 = arith.constant 320 : i32
    %mul3A_251 = arith.muli %arg1, %mul3A_250 : i32
    "tpu.region"() ({
      %run_scoped3A = tpu.sem_alloc : memref<!tpu.dma_semaphore, #tpu.memory_space<semaphore_mem>>
      %dma_start3A = tpu.memref_slice %arg12[%mul3A_251] : memref<5120xi32, #tpu.memory_space<vmem_shared>> -> memref<320xi32, #tpu.memory_space<vmem_shared>>
      %dma_start3A_264 = tpu.memref_slice %arg12[%mul3A_251] : memref<5120xi32, #tpu.memory_space<vmem_shared>> -> memref<320xi32, #tpu.memory_space<vmem_shared>>
      tpu.enqueue_dma source(%dma_start3A_264 : memref<320xi32, #tpu.memory_space<vmem_shared>>) target(%arg10 : memref<320xi32, #tpu.memory_space<vmem>>) target_semaphore(%run_scoped3A : memref<!tpu.dma_semaphore, #tpu.memory_space<semaphore_mem>>)
      %dma_wait3A = tpu.memref_slice %arg12[%mul3A_251] : memref<5120xi32, #tpu.memory_space<vmem_shared>> -> memref<320xi32, #tpu.memory_space<vmem_shared>>
      %dma_wait3A_265 = tpu.memref_slice %arg12[%mul3A_251] : memref<5120xi32, #tpu.memory_space<vmem_shared>> -> memref<320xi32, #tpu.memory_space<vmem_shared>>
      tpu.wait_dma2 semaphore(%run_scoped3A : memref<!tpu.dma_semaphore, #tpu.memory_space<semaphore_mem>>) src(%dma_wait3A_265 : memref<320xi32, #tpu.memory_space<vmem_shared>>) dst(%arg10 : memref<320xi32, #tpu.memory_space<vmem>>)
      tpu.yield
    }) : () -> ()
    %mul3A_252 = arith.constant 5120 : i32
    %mul3A_253 = arith.muli %arg0, %mul3A_252 : i32
    %mul3A_254 = arith.constant 320 : i32
    %mul3A_255 = arith.muli %arg1, %mul3A_254 : i32
    %add3A_256 = arith.addi %mul3A_253, %mul3A_255 : i32
    "tpu.region"() ({
      %run_scoped3A = tpu.sem_alloc : memref<!tpu.dma_semaphore, #tpu.memory_space<semaphore_mem>>
      %dma_start3A = tpu.memref_slice %arg5[%add3A_256] : memref<10240xi32, #tpu.memory_space<hbm>> -> memref<320xi32, #tpu.memory_space<hbm>>
      %dma_start3A_264 = tpu.memref_slice %arg5[%add3A_256] : memref<10240xi32, #tpu.memory_space<hbm>> -> memref<320xi32, #tpu.memory_space<hbm>>
      tpu.enqueue_dma source(%arg10 : memref<320xi32, #tpu.memory_space<vmem>>) target(%dma_start3A_264 : memref<320xi32, #tpu.memory_space<hbm>>) target_semaphore(%run_scoped3A : memref<!tpu.dma_semaphore, #tpu.memory_space<semaphore_mem>>)
      %dma_wait3A = tpu.memref_slice %arg5[%add3A_256] : memref<10240xi32, #tpu.memory_space<hbm>> -> memref<320xi32, #tpu.memory_space<hbm>>
      %dma_wait3A_265 = tpu.memref_slice %arg5[%add3A_256] : memref<10240xi32, #tpu.memory_space<hbm>> -> memref<320xi32, #tpu.memory_space<hbm>>
      tpu.wait_dma2 semaphore(%run_scoped3A : memref<!tpu.dma_semaphore, #tpu.memory_space<semaphore_mem>>) src(%arg10 : memref<320xi32, #tpu.memory_space<vmem>>) dst(%dma_wait3A_265 : memref<320xi32, #tpu.memory_space<hbm>>)
      tpu.yield
    }) : () -> ()
    %mul3A_257 = arith.constant 320 : i32
    %mul3A_258 = arith.muli %arg1, %mul3A_257 : i32
    "tpu.region"() ({
      %run_scoped3A = tpu.sem_alloc : memref<!tpu.dma_semaphore, #tpu.memory_space<semaphore_mem>>
      %dma_start3A = tpu.memref_slice %arg13[%mul3A_258] : memref<5120xf32, #tpu.memory_space<vmem_shared>> -> memref<320xf32, #tpu.memory_space<vmem_shared>>
      %dma_start3A_264 = tpu.memref_slice %arg13[%mul3A_258] : memref<5120xf32, #tpu.memory_space<vmem_shared>> -> memref<320xf32, #tpu.memory_space<vmem_shared>>
      tpu.enqueue_dma source(%dma_start3A_264 : memref<320xf32, #tpu.memory_space<vmem_shared>>) target(%arg11 : memref<320xf32, #tpu.memory_space<vmem>>) target_semaphore(%run_scoped3A : memref<!tpu.dma_semaphore, #tpu.memory_space<semaphore_mem>>)
      %dma_wait3A = tpu.memref_slice %arg13[%mul3A_258] : memref<5120xf32, #tpu.memory_space<vmem_shared>> -> memref<320xf32, #tpu.memory_space<vmem_shared>>
      %dma_wait3A_265 = tpu.memref_slice %arg13[%mul3A_258] : memref<5120xf32, #tpu.memory_space<vmem_shared>> -> memref<320xf32, #tpu.memory_space<vmem_shared>>
      tpu.wait_dma2 semaphore(%run_scoped3A : memref<!tpu.dma_semaphore, #tpu.memory_space<semaphore_mem>>) src(%dma_wait3A_265 : memref<320xf32, #tpu.memory_space<vmem_shared>>) dst(%arg11 : memref<320xf32, #tpu.memory_space<vmem>>)
      tpu.yield
    }) : () -> ()
    %mul3A_259 = arith.constant 5120 : i32
    %mul3A_260 = arith.muli %arg0, %mul3A_259 : i32
    %mul3A_261 = arith.constant 320 : i32
    %mul3A_262 = arith.muli %arg1, %mul3A_261 : i32
    %add3A_263 = arith.addi %mul3A_260, %mul3A_262 : i32
    "tpu.region"() ({
      %run_scoped3A = tpu.sem_alloc : memref<!tpu.dma_semaphore, #tpu.memory_space<semaphore_mem>>
      %dma_start3A = tpu.memref_slice %arg6[%add3A_263] : memref<10240xf32, #tpu.memory_space<hbm>> -> memref<320xf32, #tpu.memory_space<hbm>>
      %dma_start3A_264 = tpu.memref_slice %arg6[%add3A_263] : memref<10240xf32, #tpu.memory_space<hbm>> -> memref<320xf32, #tpu.memory_space<hbm>>
      tpu.enqueue_dma source(%arg11 : memref<320xf32, #tpu.memory_space<vmem>>) target(%dma_start3A_264 : memref<320xf32, #tpu.memory_space<hbm>>) target_semaphore(%run_scoped3A : memref<!tpu.dma_semaphore, #tpu.memory_space<semaphore_mem>>)
      %dma_wait3A = tpu.memref_slice %arg6[%add3A_263] : memref<10240xf32, #tpu.memory_space<hbm>> -> memref<320xf32, #tpu.memory_space<hbm>>
      %dma_wait3A_265 = tpu.memref_slice %arg6[%add3A_263] : memref<10240xf32, #tpu.memory_space<hbm>> -> memref<320xf32, #tpu.memory_space<hbm>>
      tpu.wait_dma2 semaphore(%run_scoped3A : memref<!tpu.dma_semaphore, #tpu.memory_space<semaphore_mem>>) src(%arg11 : memref<320xf32, #tpu.memory_space<vmem>>) dst(%dma_wait3A_265 : memref<320xf32, #tpu.memory_space<hbm>>)
      tpu.yield
    }) : () -> ()
    return
  }
}

#map = affine_map<(d0, d1) -> (0)>
#map1 = affine_map<(d0, d1) -> (0, 0)>
module attributes {stable_mosaic.version = 14 : i64} {
  func.func @_sc_gather(%arg0: i32, %arg1: i32, %arg2: memref<10240xi32, #tpu.memory_space<hbm>>, %arg3: memref<10240xf32, #tpu.memory_space<hbm>>, %arg4: memref<2048x1024xf32, #tpu.memory_space<hbm>>, %arg5: memref<5120x1024xf32, #tpu.memory_space<hbm>>, %arg6: memref<5120xf32, #tpu.memory_space<hbm>>, %arg7: memref<160xi32, #tpu.memory_space<vmem>>, %arg8: memref<160xi32, #tpu.memory_space<vmem>>, %arg9: memref<160xf32, #tpu.memory_space<vmem>>, %arg10: memref<160xf32, #tpu.memory_space<vmem>>, %arg11: memref<160xi32, #tpu.memory_space<vmem>>, %arg12: memref<40x1024xf32, #tpu.memory_space<vmem>>, %arg13: memref<40x1024xf32, #tpu.memory_space<vmem>>, %arg14: memref<!tpu.dma_semaphore, #tpu.memory_space<semaphore_mem>>, %arg15: memref<!tpu.dma_semaphore, #tpu.memory_space<semaphore_mem>>) attributes {dimension_semantics = [#tpu.dimension_semantics<core_parallel>, #tpu.dimension_semantics<subcore_parallel>], iteration_bounds = array<i64: 2, 16>, scalar_prefetch = 0 : i64, scratch_operands = 9 : i64, tpu.core_type = #tpu.core_type<sc_vector_subcore>, window_params = [{transform_indices = #map}, {transform_indices = #map}, {transform_indices = #map1}, {transform_indices = #map1}, {transform_indices = #map}]} {
    %mul3A = arith.constant 16 : i32
    %mul3A_0 = arith.muli %arg0, %mul3A : i32
    %add3A = arith.addi %mul3A_0, %arg1 : i32
    %mul3A_1 = arith.constant 160 : i32
    %mul3A_2 = arith.muli %add3A, %mul3A_1 : i32
    "tpu.region"() ({
      %run_scoped3A = tpu.sem_alloc : memref<!tpu.dma_semaphore, #tpu.memory_space<semaphore_mem>>
      %dma_start3A_329 = tpu.memref_slice %arg2[%mul3A_2] : memref<10240xi32, #tpu.memory_space<hbm>> -> memref<160xi32, #tpu.memory_space<hbm>>
      %dma_start3A_330 = tpu.memref_slice %arg2[%mul3A_2] : memref<10240xi32, #tpu.memory_space<hbm>> -> memref<160xi32, #tpu.memory_space<hbm>>
      tpu.enqueue_dma source(%dma_start3A_330 : memref<160xi32, #tpu.memory_space<hbm>>) target(%arg7 : memref<160xi32, #tpu.memory_space<vmem>>) target_semaphore(%run_scoped3A : memref<!tpu.dma_semaphore, #tpu.memory_space<semaphore_mem>>)
      %dma_wait3A_331 = tpu.memref_slice %arg2[%mul3A_2] : memref<10240xi32, #tpu.memory_space<hbm>> -> memref<160xi32, #tpu.memory_space<hbm>>
      %dma_wait3A_332 = tpu.memref_slice %arg2[%mul3A_2] : memref<10240xi32, #tpu.memory_space<hbm>> -> memref<160xi32, #tpu.memory_space<hbm>>
      tpu.wait_dma2 semaphore(%run_scoped3A : memref<!tpu.dma_semaphore, #tpu.memory_space<semaphore_mem>>) src(%dma_wait3A_332 : memref<160xi32, #tpu.memory_space<hbm>>) dst(%arg7 : memref<160xi32, #tpu.memory_space<vmem>>)
      tpu.yield
    }) : () -> ()
    %add3A_3 = arith.constant 5120 : i32
    %add3A_4 = arith.addi %add3A_3, %mul3A_2 : i32
    "tpu.region"() ({
      %run_scoped3A = tpu.sem_alloc : memref<!tpu.dma_semaphore, #tpu.memory_space<semaphore_mem>>
      %dma_start3A_329 = tpu.memref_slice %arg2[%add3A_4] : memref<10240xi32, #tpu.memory_space<hbm>> -> memref<160xi32, #tpu.memory_space<hbm>>
      %dma_start3A_330 = tpu.memref_slice %arg2[%add3A_4] : memref<10240xi32, #tpu.memory_space<hbm>> -> memref<160xi32, #tpu.memory_space<hbm>>
      tpu.enqueue_dma source(%dma_start3A_330 : memref<160xi32, #tpu.memory_space<hbm>>) target(%arg8 : memref<160xi32, #tpu.memory_space<vmem>>) target_semaphore(%run_scoped3A : memref<!tpu.dma_semaphore, #tpu.memory_space<semaphore_mem>>)
      %dma_wait3A_331 = tpu.memref_slice %arg2[%add3A_4] : memref<10240xi32, #tpu.memory_space<hbm>> -> memref<160xi32, #tpu.memory_space<hbm>>
      %dma_wait3A_332 = tpu.memref_slice %arg2[%add3A_4] : memref<10240xi32, #tpu.memory_space<hbm>> -> memref<160xi32, #tpu.memory_space<hbm>>
      tpu.wait_dma2 semaphore(%run_scoped3A : memref<!tpu.dma_semaphore, #tpu.memory_space<semaphore_mem>>) src(%dma_wait3A_332 : memref<160xi32, #tpu.memory_space<hbm>>) dst(%arg8 : memref<160xi32, #tpu.memory_space<vmem>>)
      tpu.yield
    }) : () -> ()
    "tpu.region"() ({
      %run_scoped3A = tpu.sem_alloc : memref<!tpu.dma_semaphore, #tpu.memory_space<semaphore_mem>>
      %dma_start3A_329 = tpu.memref_slice %arg3[%mul3A_2] : memref<10240xf32, #tpu.memory_space<hbm>> -> memref<160xf32, #tpu.memory_space<hbm>>
      %dma_start3A_330 = tpu.memref_slice %arg3[%mul3A_2] : memref<10240xf32, #tpu.memory_space<hbm>> -> memref<160xf32, #tpu.memory_space<hbm>>
      tpu.enqueue_dma source(%dma_start3A_330 : memref<160xf32, #tpu.memory_space<hbm>>) target(%arg9 : memref<160xf32, #tpu.memory_space<vmem>>) target_semaphore(%run_scoped3A : memref<!tpu.dma_semaphore, #tpu.memory_space<semaphore_mem>>)
      %dma_wait3A_331 = tpu.memref_slice %arg3[%mul3A_2] : memref<10240xf32, #tpu.memory_space<hbm>> -> memref<160xf32, #tpu.memory_space<hbm>>
      %dma_wait3A_332 = tpu.memref_slice %arg3[%mul3A_2] : memref<10240xf32, #tpu.memory_space<hbm>> -> memref<160xf32, #tpu.memory_space<hbm>>
      tpu.wait_dma2 semaphore(%run_scoped3A : memref<!tpu.dma_semaphore, #tpu.memory_space<semaphore_mem>>) src(%dma_wait3A_332 : memref<160xf32, #tpu.memory_space<hbm>>) dst(%arg9 : memref<160xf32, #tpu.memory_space<vmem>>)
      tpu.yield
    }) : () -> ()
    %add3A_5 = arith.constant 5120 : i32
    %add3A_6 = arith.addi %add3A_5, %mul3A_2 : i32
    "tpu.region"() ({
      %run_scoped3A = tpu.sem_alloc : memref<!tpu.dma_semaphore, #tpu.memory_space<semaphore_mem>>
      %dma_start3A_329 = tpu.memref_slice %arg3[%add3A_6] : memref<10240xf32, #tpu.memory_space<hbm>> -> memref<160xf32, #tpu.memory_space<hbm>>
      %dma_start3A_330 = tpu.memref_slice %arg3[%add3A_6] : memref<10240xf32, #tpu.memory_space<hbm>> -> memref<160xf32, #tpu.memory_space<hbm>>
      tpu.enqueue_dma source(%dma_start3A_330 : memref<160xf32, #tpu.memory_space<hbm>>) target(%arg10 : memref<160xf32, #tpu.memory_space<vmem>>) target_semaphore(%run_scoped3A : memref<!tpu.dma_semaphore, #tpu.memory_space<semaphore_mem>>)
      %dma_wait3A_331 = tpu.memref_slice %arg3[%add3A_6] : memref<10240xf32, #tpu.memory_space<hbm>> -> memref<160xf32, #tpu.memory_space<hbm>>
      %dma_wait3A_332 = tpu.memref_slice %arg3[%add3A_6] : memref<10240xf32, #tpu.memory_space<hbm>> -> memref<160xf32, #tpu.memory_space<hbm>>
      tpu.wait_dma2 semaphore(%run_scoped3A : memref<!tpu.dma_semaphore, #tpu.memory_space<semaphore_mem>>) src(%dma_wait3A_332 : memref<160xf32, #tpu.memory_space<hbm>>) dst(%arg10 : memref<160xf32, #tpu.memory_space<vmem>>)
      tpu.yield
    }) : () -> ()
    %get3A = arith.constant 0 : index
    %get3A_7 = tpu.vector_load %arg7[%get3A] {strides = array<i32>} : memref<160xi32, #tpu.memory_space<vmem>>, vector<16xi32>,
    %get3A_8 = vector.shape_cast %get3A_7 : vector<16xi32> to vector<16xi32>
    %get3A_9 = arith.constant 0 : index
    %get3A_10 = tpu.vector_load %arg8[%get3A_9] {strides = array<i32>} : memref<160xi32, #tpu.memory_space<vmem>>, vector<16xi32>,
    %get3A_11 = vector.shape_cast %get3A_10 : vector<16xi32> to vector<16xi32>
    %add3A_12 = arith.addi %get3A_8, %get3A_11 : vector<16xi32>
    %max3A = arith.constant 1 : i32
    %max3A_13 = vector.broadcast %max3A : i32 to vector<16xi32>
    %max3A_14 = arith.maxsi %add3A_12, %max3A_13 : vector<16xi32>
    %sub3A = arith.constant 1 : i32
    %sub3A_15 = vector.broadcast %sub3A : i32 to vector<16xi32>
    %sub3A_16 = arith.subi %max3A_14, %sub3A_15 : vector<16xi32>
    %swap3A = arith.constant 0 : index
    %swap3A_17 = tpu.vector_load %arg11[%swap3A] {strides = array<i32>} : memref<160xi32, #tpu.memory_space<vmem>>, vector<16xi32>,
    %swap3A_18 = vector.shape_cast %swap3A_17 : vector<16xi32> to vector<16xi32>
    %swap3A_19 = vector.shape_cast %sub3A_16 : vector<16xi32> to vector<16xi32>
    tpu.vector_store %arg11[%swap3A], %swap3A_19 {strides = array<i32>} : memref<160xi32, #tpu.memory_space<vmem>>, vector<16xi32>,
    %get3A_20 = arith.constant 0 : index
    %get3A_21 = tpu.vector_load %arg9[%get3A_20] {strides = array<i32>} : memref<160xf32, #tpu.memory_space<vmem>>, vector<16xf32>,
    %get3A_22 = vector.shape_cast %get3A_21 : vector<16xf32> to vector<16xf32>
    %get3A_23 = arith.constant 0 : index
    %get3A_24 = tpu.vector_load %arg10[%get3A_23] {strides = array<i32>} : memref<160xf32, #tpu.memory_space<vmem>>, vector<16xf32>,
    %get3A_25 = vector.shape_cast %get3A_24 : vector<16xf32> to vector<16xf32>
    %add3A_26 = arith.addf %get3A_22, %get3A_25 : vector<16xf32>
    %swap3A_27 = arith.constant 0 : index
    %swap3A_28 = tpu.vector_load %arg9[%swap3A_27] {strides = array<i32>} : memref<160xf32, #tpu.memory_space<vmem>>, vector<16xf32>,
    %swap3A_29 = vector.shape_cast %swap3A_28 : vector<16xf32> to vector<16xf32>
    %swap3A_30 = vector.shape_cast %add3A_26 : vector<16xf32> to vector<16xf32>
    tpu.vector_store %arg9[%swap3A_27], %swap3A_30 {strides = array<i32>} : memref<160xf32, #tpu.memory_space<vmem>>, vector<16xf32>,
    %get3A_31 = arith.constant 16 : index
    %get3A_32 = tpu.vector_load %arg7[%get3A_31] {strides = array<i32>} : memref<160xi32, #tpu.memory_space<vmem>>, vector<16xi32>,
    %get3A_33 = vector.shape_cast %get3A_32 : vector<16xi32> to vector<16xi32>
    %get3A_34 = arith.constant 16 : index
    %get3A_35 = tpu.vector_load %arg8[%get3A_34] {strides = array<i32>} : memref<160xi32, #tpu.memory_space<vmem>>, vector<16xi32>,
    %get3A_36 = vector.shape_cast %get3A_35 : vector<16xi32> to vector<16xi32>
    %add3A_37 = arith.addi %get3A_33, %get3A_36 : vector<16xi32>
    %max3A_38 = arith.constant 1 : i32
    %max3A_39 = vector.broadcast %max3A_38 : i32 to vector<16xi32>
    %max3A_40 = arith.maxsi %add3A_37, %max3A_39 : vector<16xi32>
    %sub3A_41 = arith.constant 1 : i32
    %sub3A_42 = vector.broadcast %sub3A_41 : i32 to vector<16xi32>
    %sub3A_43 = arith.subi %max3A_40, %sub3A_42 : vector<16xi32>
    %swap3A_44 = arith.constant 16 : index
    %swap3A_45 = tpu.vector_load %arg11[%swap3A_44] {strides = array<i32>} : memref<160xi32, #tpu.memory_space<vmem>>, vector<16xi32>,
    %swap3A_46 = vector.shape_cast %swap3A_45 : vector<16xi32> to vector<16xi32>
    %swap3A_47 = vector.shape_cast %sub3A_43 : vector<16xi32> to vector<16xi32>
    tpu.vector_store %arg11[%swap3A_44], %swap3A_47 {strides = array<i32>} : memref<160xi32, #tpu.memory_space<vmem>>, vector<16xi32>,
    %get3A_48 = arith.constant 16 : index
    %get3A_49 = tpu.vector_load %arg9[%get3A_48] {strides = array<i32>} : memref<160xf32, #tpu.memory_space<vmem>>, vector<16xf32>,
    %get3A_50 = vector.shape_cast %get3A_49 : vector<16xf32> to vector<16xf32>
    %get3A_51 = arith.constant 16 : index
    %get3A_52 = tpu.vector_load %arg10[%get3A_51] {strides = array<i32>} : memref<160xf32, #tpu.memory_space<vmem>>, vector<16xf32>,
    %get3A_53 = vector.shape_cast %get3A_52 : vector<16xf32> to vector<16xf32>
    %add3A_54 = arith.addf %get3A_50, %get3A_53 : vector<16xf32>
    %swap3A_55 = arith.constant 16 : index
    %swap3A_56 = tpu.vector_load %arg9[%swap3A_55] {strides = array<i32>} : memref<160xf32, #tpu.memory_space<vmem>>, vector<16xf32>,
    %swap3A_57 = vector.shape_cast %swap3A_56 : vector<16xf32> to vector<16xf32>
    %swap3A_58 = vector.shape_cast %add3A_54 : vector<16xf32> to vector<16xf32>
    tpu.vector_store %arg9[%swap3A_55], %swap3A_58 {strides = array<i32>} : memref<160xf32, #tpu.memory_space<vmem>>, vector<16xf32>,
    %get3A_59 = arith.constant 32 : index
    %get3A_60 = tpu.vector_load %arg7[%get3A_59] {strides = array<i32>} : memref<160xi32, #tpu.memory_space<vmem>>, vector<16xi32>,
    %get3A_61 = vector.shape_cast %get3A_60 : vector<16xi32> to vector<16xi32>
    %get3A_62 = arith.constant 32 : index
    %get3A_63 = tpu.vector_load %arg8[%get3A_62] {strides = array<i32>} : memref<160xi32, #tpu.memory_space<vmem>>, vector<16xi32>,
    %get3A_64 = vector.shape_cast %get3A_63 : vector<16xi32> to vector<16xi32>
    %add3A_65 = arith.addi %get3A_61, %get3A_64 : vector<16xi32>
    %max3A_66 = arith.constant 1 : i32
    %max3A_67 = vector.broadcast %max3A_66 : i32 to vector<16xi32>
    %max3A_68 = arith.maxsi %add3A_65, %max3A_67 : vector<16xi32>
    %sub3A_69 = arith.constant 1 : i32
    %sub3A_70 = vector.broadcast %sub3A_69 : i32 to vector<16xi32>
    %sub3A_71 = arith.subi %max3A_68, %sub3A_70 : vector<16xi32>
    %swap3A_72 = arith.constant 32 : index
    %swap3A_73 = tpu.vector_load %arg11[%swap3A_72] {strides = array<i32>} : memref<160xi32, #tpu.memory_space<vmem>>, vector<16xi32>,
    %swap3A_74 = vector.shape_cast %swap3A_73 : vector<16xi32> to vector<16xi32>
    %swap3A_75 = vector.shape_cast %sub3A_71 : vector<16xi32> to vector<16xi32>
    tpu.vector_store %arg11[%swap3A_72], %swap3A_75 {strides = array<i32>} : memref<160xi32, #tpu.memory_space<vmem>>, vector<16xi32>,
    %get3A_76 = arith.constant 32 : index
    %get3A_77 = tpu.vector_load %arg9[%get3A_76] {strides = array<i32>} : memref<160xf32, #tpu.memory_space<vmem>>, vector<16xf32>,
    %get3A_78 = vector.shape_cast %get3A_77 : vector<16xf32> to vector<16xf32>
    %get3A_79 = arith.constant 32 : index
    %get3A_80 = tpu.vector_load %arg10[%get3A_79] {strides = array<i32>} : memref<160xf32, #tpu.memory_space<vmem>>, vector<16xf32>,
    %get3A_81 = vector.shape_cast %get3A_80 : vector<16xf32> to vector<16xf32>
    %add3A_82 = arith.addf %get3A_78, %get3A_81 : vector<16xf32>
    %swap3A_83 = arith.constant 32 : index
    %swap3A_84 = tpu.vector_load %arg9[%swap3A_83] {strides = array<i32>} : memref<160xf32, #tpu.memory_space<vmem>>, vector<16xf32>,
    %swap3A_85 = vector.shape_cast %swap3A_84 : vector<16xf32> to vector<16xf32>
    %swap3A_86 = vector.shape_cast %add3A_82 : vector<16xf32> to vector<16xf32>
    tpu.vector_store %arg9[%swap3A_83], %swap3A_86 {strides = array<i32>} : memref<160xf32, #tpu.memory_space<vmem>>, vector<16xf32>,
    %get3A_87 = arith.constant 48 : index
    %get3A_88 = tpu.vector_load %arg7[%get3A_87] {strides = array<i32>} : memref<160xi32, #tpu.memory_space<vmem>>, vector<16xi32>,
    %get3A_89 = vector.shape_cast %get3A_88 : vector<16xi32> to vector<16xi32>
    %get3A_90 = arith.constant 48 : index
    %get3A_91 = tpu.vector_load %arg8[%get3A_90] {strides = array<i32>} : memref<160xi32, #tpu.memory_space<vmem>>, vector<16xi32>,
    %get3A_92 = vector.shape_cast %get3A_91 : vector<16xi32> to vector<16xi32>
    %add3A_93 = arith.addi %get3A_89, %get3A_92 : vector<16xi32>
    %max3A_94 = arith.constant 1 : i32
    %max3A_95 = vector.broadcast %max3A_94 : i32 to vector<16xi32>
    %max3A_96 = arith.maxsi %add3A_93, %max3A_95 : vector<16xi32>
    %sub3A_97 = arith.constant 1 : i32
    %sub3A_98 = vector.broadcast %sub3A_97 : i32 to vector<16xi32>
    %sub3A_99 = arith.subi %max3A_96, %sub3A_98 : vector<16xi32>
    %swap3A_100 = arith.constant 48 : index
    %swap3A_101 = tpu.vector_load %arg11[%swap3A_100] {strides = array<i32>} : memref<160xi32, #tpu.memory_space<vmem>>, vector<16xi32>,
    %swap3A_102 = vector.shape_cast %swap3A_101 : vector<16xi32> to vector<16xi32>
    %swap3A_103 = vector.shape_cast %sub3A_99 : vector<16xi32> to vector<16xi32>
    tpu.vector_store %arg11[%swap3A_100], %swap3A_103 {strides = array<i32>} : memref<160xi32, #tpu.memory_space<vmem>>, vector<16xi32>,
    %get3A_104 = arith.constant 48 : index
    %get3A_105 = tpu.vector_load %arg9[%get3A_104] {strides = array<i32>} : memref<160xf32, #tpu.memory_space<vmem>>, vector<16xf32>,
    %get3A_106 = vector.shape_cast %get3A_105 : vector<16xf32> to vector<16xf32>
    %get3A_107 = arith.constant 48 : index
    %get3A_108 = tpu.vector_load %arg10[%get3A_107] {strides = array<i32>} : memref<160xf32, #tpu.memory_space<vmem>>, vector<16xf32>,
    %get3A_109 = vector.shape_cast %get3A_108 : vector<16xf32> to vector<16xf32>
    %add3A_110 = arith.addf %get3A_106, %get3A_109 : vector<16xf32>
    %swap3A_111 = arith.constant 48 : index
    %swap3A_112 = tpu.vector_load %arg9[%swap3A_111] {strides = array<i32>} : memref<160xf32, #tpu.memory_space<vmem>>, vector<16xf32>,
    %swap3A_113 = vector.shape_cast %swap3A_112 : vector<16xf32> to vector<16xf32>
    %swap3A_114 = vector.shape_cast %add3A_110 : vector<16xf32> to vector<16xf32>
    tpu.vector_store %arg9[%swap3A_111], %swap3A_114 {strides = array<i32>} : memref<160xf32, #tpu.memory_space<vmem>>, vector<16xf32>,
    %get3A_115 = arith.constant 64 : index
    %get3A_116 = tpu.vector_load %arg7[%get3A_115] {strides = array<i32>} : memref<160xi32, #tpu.memory_space<vmem>>, vector<16xi32>,
    %get3A_117 = vector.shape_cast %get3A_116 : vector<16xi32> to vector<16xi32>
    %get3A_118 = arith.constant 64 : index
    %get3A_119 = tpu.vector_load %arg8[%get3A_118] {strides = array<i32>} : memref<160xi32, #tpu.memory_space<vmem>>, vector<16xi32>,
    %get3A_120 = vector.shape_cast %get3A_119 : vector<16xi32> to vector<16xi32>
    %add3A_121 = arith.addi %get3A_117, %get3A_120 : vector<16xi32>
    %max3A_122 = arith.constant 1 : i32
    %max3A_123 = vector.broadcast %max3A_122 : i32 to vector<16xi32>
    %max3A_124 = arith.maxsi %add3A_121, %max3A_123 : vector<16xi32>
    %sub3A_125 = arith.constant 1 : i32
    %sub3A_126 = vector.broadcast %sub3A_125 : i32 to vector<16xi32>
    %sub3A_127 = arith.subi %max3A_124, %sub3A_126 : vector<16xi32>
    %swap3A_128 = arith.constant 64 : index
    %swap3A_129 = tpu.vector_load %arg11[%swap3A_128] {strides = array<i32>} : memref<160xi32, #tpu.memory_space<vmem>>, vector<16xi32>,
    %swap3A_130 = vector.shape_cast %swap3A_129 : vector<16xi32> to vector<16xi32>
    %swap3A_131 = vector.shape_cast %sub3A_127 : vector<16xi32> to vector<16xi32>
    tpu.vector_store %arg11[%swap3A_128], %swap3A_131 {strides = array<i32>} : memref<160xi32, #tpu.memory_space<vmem>>, vector<16xi32>,
    %get3A_132 = arith.constant 64 : index
    %get3A_133 = tpu.vector_load %arg9[%get3A_132] {strides = array<i32>} : memref<160xf32, #tpu.memory_space<vmem>>, vector<16xf32>,
    %get3A_134 = vector.shape_cast %get3A_133 : vector<16xf32> to vector<16xf32>
    %get3A_135 = arith.constant 64 : index
    %get3A_136 = tpu.vector_load %arg10[%get3A_135] {strides = array<i32>} : memref<160xf32, #tpu.memory_space<vmem>>, vector<16xf32>,
    %get3A_137 = vector.shape_cast %get3A_136 : vector<16xf32> to vector<16xf32>
    %add3A_138 = arith.addf %get3A_134, %get3A_137 : vector<16xf32>
    %swap3A_139 = arith.constant 64 : index
    %swap3A_140 = tpu.vector_load %arg9[%swap3A_139] {strides = array<i32>} : memref<160xf32, #tpu.memory_space<vmem>>, vector<16xf32>,
    %swap3A_141 = vector.shape_cast %swap3A_140 : vector<16xf32> to vector<16xf32>
    %swap3A_142 = vector.shape_cast %add3A_138 : vector<16xf32> to vector<16xf32>
    tpu.vector_store %arg9[%swap3A_139], %swap3A_142 {strides = array<i32>} : memref<160xf32, #tpu.memory_space<vmem>>, vector<16xf32>,
    %get3A_143 = arith.constant 80 : index
    %get3A_144 = tpu.vector_load %arg7[%get3A_143] {strides = array<i32>} : memref<160xi32, #tpu.memory_space<vmem>>, vector<16xi32>,
    %get3A_145 = vector.shape_cast %get3A_144 : vector<16xi32> to vector<16xi32>
    %get3A_146 = arith.constant 80 : index
    %get3A_147 = tpu.vector_load %arg8[%get3A_146] {strides = array<i32>} : memref<160xi32, #tpu.memory_space<vmem>>, vector<16xi32>,
    %get3A_148 = vector.shape_cast %get3A_147 : vector<16xi32> to vector<16xi32>
    %add3A_149 = arith.addi %get3A_145, %get3A_148 : vector<16xi32>
    %max3A_150 = arith.constant 1 : i32
    %max3A_151 = vector.broadcast %max3A_150 : i32 to vector<16xi32>
    %max3A_152 = arith.maxsi %add3A_149, %max3A_151 : vector<16xi32>
    %sub3A_153 = arith.constant 1 : i32
    %sub3A_154 = vector.broadcast %sub3A_153 : i32 to vector<16xi32>
    %sub3A_155 = arith.subi %max3A_152, %sub3A_154 : vector<16xi32>
    %swap3A_156 = arith.constant 80 : index
    %swap3A_157 = tpu.vector_load %arg11[%swap3A_156] {strides = array<i32>} : memref<160xi32, #tpu.memory_space<vmem>>, vector<16xi32>,
    %swap3A_158 = vector.shape_cast %swap3A_157 : vector<16xi32> to vector<16xi32>
    %swap3A_159 = vector.shape_cast %sub3A_155 : vector<16xi32> to vector<16xi32>
    tpu.vector_store %arg11[%swap3A_156], %swap3A_159 {strides = array<i32>} : memref<160xi32, #tpu.memory_space<vmem>>, vector<16xi32>,
    %get3A_160 = arith.constant 80 : index
    %get3A_161 = tpu.vector_load %arg9[%get3A_160] {strides = array<i32>} : memref<160xf32, #tpu.memory_space<vmem>>, vector<16xf32>,
    %get3A_162 = vector.shape_cast %get3A_161 : vector<16xf32> to vector<16xf32>
    %get3A_163 = arith.constant 80 : index
    %get3A_164 = tpu.vector_load %arg10[%get3A_163] {strides = array<i32>} : memref<160xf32, #tpu.memory_space<vmem>>, vector<16xf32>,
    %get3A_165 = vector.shape_cast %get3A_164 : vector<16xf32> to vector<16xf32>
    %add3A_166 = arith.addf %get3A_162, %get3A_165 : vector<16xf32>
    %swap3A_167 = arith.constant 80 : index
    %swap3A_168 = tpu.vector_load %arg9[%swap3A_167] {strides = array<i32>} : memref<160xf32, #tpu.memory_space<vmem>>, vector<16xf32>,
    %swap3A_169 = vector.shape_cast %swap3A_168 : vector<16xf32> to vector<16xf32>
    %swap3A_170 = vector.shape_cast %add3A_166 : vector<16xf32> to vector<16xf32>
    tpu.vector_store %arg9[%swap3A_167], %swap3A_170 {strides = array<i32>} : memref<160xf32, #tpu.memory_space<vmem>>, vector<16xf32>,
    %get3A_171 = arith.constant 96 : index
    %get3A_172 = tpu.vector_load %arg7[%get3A_171] {strides = array<i32>} : memref<160xi32, #tpu.memory_space<vmem>>, vector<16xi32>,
    %get3A_173 = vector.shape_cast %get3A_172 : vector<16xi32> to vector<16xi32>
    %get3A_174 = arith.constant 96 : index
    %get3A_175 = tpu.vector_load %arg8[%get3A_174] {strides = array<i32>} : memref<160xi32, #tpu.memory_space<vmem>>, vector<16xi32>,
    %get3A_176 = vector.shape_cast %get3A_175 : vector<16xi32> to vector<16xi32>
    %add3A_177 = arith.addi %get3A_173, %get3A_176 : vector<16xi32>
    %max3A_178 = arith.constant 1 : i32
    %max3A_179 = vector.broadcast %max3A_178 : i32 to vector<16xi32>
    %max3A_180 = arith.maxsi %add3A_177, %max3A_179 : vector<16xi32>
    %sub3A_181 = arith.constant 1 : i32
    %sub3A_182 = vector.broadcast %sub3A_181 : i32 to vector<16xi32>
    %sub3A_183 = arith.subi %max3A_180, %sub3A_182 : vector<16xi32>
    %swap3A_184 = arith.constant 96 : index
    %swap3A_185 = tpu.vector_load %arg11[%swap3A_184] {strides = array<i32>} : memref<160xi32, #tpu.memory_space<vmem>>, vector<16xi32>,
    %swap3A_186 = vector.shape_cast %swap3A_185 : vector<16xi32> to vector<16xi32>
    %swap3A_187 = vector.shape_cast %sub3A_183 : vector<16xi32> to vector<16xi32>
    tpu.vector_store %arg11[%swap3A_184], %swap3A_187 {strides = array<i32>} : memref<160xi32, #tpu.memory_space<vmem>>, vector<16xi32>,
    %get3A_188 = arith.constant 96 : index
    %get3A_189 = tpu.vector_load %arg9[%get3A_188] {strides = array<i32>} : memref<160xf32, #tpu.memory_space<vmem>>, vector<16xf32>,
    %get3A_190 = vector.shape_cast %get3A_189 : vector<16xf32> to vector<16xf32>
    %get3A_191 = arith.constant 96 : index
    %get3A_192 = tpu.vector_load %arg10[%get3A_191] {strides = array<i32>} : memref<160xf32, #tpu.memory_space<vmem>>, vector<16xf32>,
    %get3A_193 = vector.shape_cast %get3A_192 : vector<16xf32> to vector<16xf32>
    %add3A_194 = arith.addf %get3A_190, %get3A_193 : vector<16xf32>
    %swap3A_195 = arith.constant 96 : index
    %swap3A_196 = tpu.vector_load %arg9[%swap3A_195] {strides = array<i32>} : memref<160xf32, #tpu.memory_space<vmem>>, vector<16xf32>,
    %swap3A_197 = vector.shape_cast %swap3A_196 : vector<16xf32> to vector<16xf32>
    %swap3A_198 = vector.shape_cast %add3A_194 : vector<16xf32> to vector<16xf32>
    tpu.vector_store %arg9[%swap3A_195], %swap3A_198 {strides = array<i32>} : memref<160xf32, #tpu.memory_space<vmem>>, vector<16xf32>,
    %get3A_199 = arith.constant 112 : index
    %get3A_200 = tpu.vector_load %arg7[%get3A_199] {strides = array<i32>} : memref<160xi32, #tpu.memory_space<vmem>>, vector<16xi32>,
    %get3A_201 = vector.shape_cast %get3A_200 : vector<16xi32> to vector<16xi32>
    %get3A_202 = arith.constant 112 : index
    %get3A_203 = tpu.vector_load %arg8[%get3A_202] {strides = array<i32>} : memref<160xi32, #tpu.memory_space<vmem>>, vector<16xi32>,
    %get3A_204 = vector.shape_cast %get3A_203 : vector<16xi32> to vector<16xi32>
    %add3A_205 = arith.addi %get3A_201, %get3A_204 : vector<16xi32>
    %max3A_206 = arith.constant 1 : i32
    %max3A_207 = vector.broadcast %max3A_206 : i32 to vector<16xi32>
    %max3A_208 = arith.maxsi %add3A_205, %max3A_207 : vector<16xi32>
    %sub3A_209 = arith.constant 1 : i32
    %sub3A_210 = vector.broadcast %sub3A_209 : i32 to vector<16xi32>
    %sub3A_211 = arith.subi %max3A_208, %sub3A_210 : vector<16xi32>
    %swap3A_212 = arith.constant 112 : index
    %swap3A_213 = tpu.vector_load %arg11[%swap3A_212] {strides = array<i32>} : memref<160xi32, #tpu.memory_space<vmem>>, vector<16xi32>,
    %swap3A_214 = vector.shape_cast %swap3A_213 : vector<16xi32> to vector<16xi32>
    %swap3A_215 = vector.shape_cast %sub3A_211 : vector<16xi32> to vector<16xi32>
    tpu.vector_store %arg11[%swap3A_212], %swap3A_215 {strides = array<i32>} : memref<160xi32, #tpu.memory_space<vmem>>, vector<16xi32>,
    %get3A_216 = arith.constant 112 : index
    %get3A_217 = tpu.vector_load %arg9[%get3A_216] {strides = array<i32>} : memref<160xf32, #tpu.memory_space<vmem>>, vector<16xf32>,
    %get3A_218 = vector.shape_cast %get3A_217 : vector<16xf32> to vector<16xf32>
    %get3A_219 = arith.constant 112 : index
    %get3A_220 = tpu.vector_load %arg10[%get3A_219] {strides = array<i32>} : memref<160xf32, #tpu.memory_space<vmem>>, vector<16xf32>,
    %get3A_221 = vector.shape_cast %get3A_220 : vector<16xf32> to vector<16xf32>
    %add3A_222 = arith.addf %get3A_218, %get3A_221 : vector<16xf32>
    %swap3A_223 = arith.constant 112 : index
    %swap3A_224 = tpu.vector_load %arg9[%swap3A_223] {strides = array<i32>} : memref<160xf32, #tpu.memory_space<vmem>>, vector<16xf32>,
    %swap3A_225 = vector.shape_cast %swap3A_224 : vector<16xf32> to vector<16xf32>
    %swap3A_226 = vector.shape_cast %add3A_222 : vector<16xf32> to vector<16xf32>
    tpu.vector_store %arg9[%swap3A_223], %swap3A_226 {strides = array<i32>} : memref<160xf32, #tpu.memory_space<vmem>>, vector<16xf32>,
    %get3A_227 = arith.constant 128 : index
    %get3A_228 = tpu.vector_load %arg7[%get3A_227] {strides = array<i32>} : memref<160xi32, #tpu.memory_space<vmem>>, vector<16xi32>,
    %get3A_229 = vector.shape_cast %get3A_228 : vector<16xi32> to vector<16xi32>
    %get3A_230 = arith.constant 128 : index
    %get3A_231 = tpu.vector_load %arg8[%get3A_230] {strides = array<i32>} : memref<160xi32, #tpu.memory_space<vmem>>, vector<16xi32>,
    %get3A_232 = vector.shape_cast %get3A_231 : vector<16xi32> to vector<16xi32>
    %add3A_233 = arith.addi %get3A_229, %get3A_232 : vector<16xi32>
    %max3A_234 = arith.constant 1 : i32
    %max3A_235 = vector.broadcast %max3A_234 : i32 to vector<16xi32>
    %max3A_236 = arith.maxsi %add3A_233, %max3A_235 : vector<16xi32>
    %sub3A_237 = arith.constant 1 : i32
    %sub3A_238 = vector.broadcast %sub3A_237 : i32 to vector<16xi32>
    %sub3A_239 = arith.subi %max3A_236, %sub3A_238 : vector<16xi32>
    %swap3A_240 = arith.constant 128 : index
    %swap3A_241 = tpu.vector_load %arg11[%swap3A_240] {strides = array<i32>} : memref<160xi32, #tpu.memory_space<vmem>>, vector<16xi32>,
    %swap3A_242 = vector.shape_cast %swap3A_241 : vector<16xi32> to vector<16xi32>
    %swap3A_243 = vector.shape_cast %sub3A_239 : vector<16xi32> to vector<16xi32>
    tpu.vector_store %arg11[%swap3A_240], %swap3A_243 {strides = array<i32>} : memref<160xi32, #tpu.memory_space<vmem>>, vector<16xi32>,
    %get3A_244 = arith.constant 128 : index
    %get3A_245 = tpu.vector_load %arg9[%get3A_244] {strides = array<i32>} : memref<160xf32, #tpu.memory_space<vmem>>, vector<16xf32>,
    %get3A_246 = vector.shape_cast %get3A_245 : vector<16xf32> to vector<16xf32>
    %get3A_247 = arith.constant 128 : index
    %get3A_248 = tpu.vector_load %arg10[%get3A_247] {strides = array<i32>} : memref<160xf32, #tpu.memory_space<vmem>>, vector<16xf32>,
    %get3A_249 = vector.shape_cast %get3A_248 : vector<16xf32> to vector<16xf32>
    %add3A_250 = arith.addf %get3A_246, %get3A_249 : vector<16xf32>
    %swap3A_251 = arith.constant 128 : index
    %swap3A_252 = tpu.vector_load %arg9[%swap3A_251] {strides = array<i32>} : memref<160xf32, #tpu.memory_space<vmem>>, vector<16xf32>,
    %swap3A_253 = vector.shape_cast %swap3A_252 : vector<16xf32> to vector<16xf32>
    %swap3A_254 = vector.shape_cast %add3A_250 : vector<16xf32> to vector<16xf32>
    tpu.vector_store %arg9[%swap3A_251], %swap3A_254 {strides = array<i32>} : memref<160xf32, #tpu.memory_space<vmem>>, vector<16xf32>,
    %get3A_255 = arith.constant 144 : index
    %get3A_256 = tpu.vector_load %arg7[%get3A_255] {strides = array<i32>} : memref<160xi32, #tpu.memory_space<vmem>>, vector<16xi32>,
    %get3A_257 = vector.shape_cast %get3A_256 : vector<16xi32> to vector<16xi32>
    %get3A_258 = arith.constant 144 : index
    %get3A_259 = tpu.vector_load %arg8[%get3A_258] {strides = array<i32>} : memref<160xi32, #tpu.memory_space<vmem>>, vector<16xi32>,
    %get3A_260 = vector.shape_cast %get3A_259 : vector<16xi32> to vector<16xi32>
    %add3A_261 = arith.addi %get3A_257, %get3A_260 : vector<16xi32>
    %max3A_262 = arith.constant 1 : i32
    %max3A_263 = vector.broadcast %max3A_262 : i32 to vector<16xi32>
    %max3A_264 = arith.maxsi %add3A_261, %max3A_263 : vector<16xi32>
    %sub3A_265 = arith.constant 1 : i32
    %sub3A_266 = vector.broadcast %sub3A_265 : i32 to vector<16xi32>
    %sub3A_267 = arith.subi %max3A_264, %sub3A_266 : vector<16xi32>
    %swap3A_268 = arith.constant 144 : index
    %swap3A_269 = tpu.vector_load %arg11[%swap3A_268] {strides = array<i32>} : memref<160xi32, #tpu.memory_space<vmem>>, vector<16xi32>,
    %swap3A_270 = vector.shape_cast %swap3A_269 : vector<16xi32> to vector<16xi32>
    %swap3A_271 = vector.shape_cast %sub3A_267 : vector<16xi32> to vector<16xi32>
    tpu.vector_store %arg11[%swap3A_268], %swap3A_271 {strides = array<i32>} : memref<160xi32, #tpu.memory_space<vmem>>, vector<16xi32>,
    %get3A_272 = arith.constant 144 : index
    %get3A_273 = tpu.vector_load %arg9[%get3A_272] {strides = array<i32>} : memref<160xf32, #tpu.memory_space<vmem>>, vector<16xf32>,
    %get3A_274 = vector.shape_cast %get3A_273 : vector<16xf32> to vector<16xf32>
    %get3A_275 = arith.constant 144 : index
    %get3A_276 = tpu.vector_load %arg10[%get3A_275] {strides = array<i32>} : memref<160xf32, #tpu.memory_space<vmem>>, vector<16xf32>,
    %get3A_277 = vector.shape_cast %get3A_276 : vector<16xf32> to vector<16xf32>
    %add3A_278 = arith.addf %get3A_274, %get3A_277 : vector<16xf32>
    %swap3A_279 = arith.constant 144 : index
    %swap3A_280 = tpu.vector_load %arg9[%swap3A_279] {strides = array<i32>} : memref<160xf32, #tpu.memory_space<vmem>>, vector<16xf32>,
    %swap3A_281 = vector.shape_cast %swap3A_280 : vector<16xf32> to vector<16xf32>
    %swap3A_282 = vector.shape_cast %add3A_278 : vector<16xf32> to vector<16xf32>
    tpu.vector_store %arg9[%swap3A_279], %swap3A_282 {strides = array<i32>} : memref<160xf32, #tpu.memory_space<vmem>>, vector<16xf32>,
    "tpu.region"() ({
      %run_scoped3A = tpu.sem_alloc : memref<!tpu.dma_semaphore, #tpu.memory_space<semaphore_mem>>
      %dma_start3A_329 = tpu.memref_slice %arg6[%mul3A_2] : memref<5120xf32, #tpu.memory_space<hbm>> -> memref<160xf32, #tpu.memory_space<hbm>>
      %dma_start3A_330 = tpu.memref_slice %arg6[%mul3A_2] : memref<5120xf32, #tpu.memory_space<hbm>> -> memref<160xf32, #tpu.memory_space<hbm>>
      tpu.enqueue_dma source(%arg9 : memref<160xf32, #tpu.memory_space<vmem>>) target(%dma_start3A_330 : memref<160xf32, #tpu.memory_space<hbm>>) target_semaphore(%run_scoped3A : memref<!tpu.dma_semaphore, #tpu.memory_space<semaphore_mem>>)
      %dma_wait3A_331 = tpu.memref_slice %arg6[%mul3A_2] : memref<5120xf32, #tpu.memory_space<hbm>> -> memref<160xf32, #tpu.memory_space<hbm>>
      %dma_wait3A_332 = tpu.memref_slice %arg6[%mul3A_2] : memref<5120xf32, #tpu.memory_space<hbm>> -> memref<160xf32, #tpu.memory_space<hbm>>
      tpu.wait_dma2 semaphore(%run_scoped3A : memref<!tpu.dma_semaphore, #tpu.memory_space<semaphore_mem>>) src(%arg9 : memref<160xf32, #tpu.memory_space<vmem>>) dst(%dma_wait3A_332 : memref<160xf32, #tpu.memory_space<hbm>>)
      tpu.yield
    }) : () -> ()
    %dma_start3A = arith.constant 0 : i32
    %dma_start3A_283 = tpu.memref_slice %arg11[%dma_start3A] : memref<160xi32, #tpu.memory_space<vmem>> -> memref<40xi32, #tpu.memory_space<vmem>>
    %dma_start3A_284 = arith.constant 0 : i32
    %dma_start3A_285 = arith.constant 0 : i32
    %dma_start3A_286 = tpu.memref_slice %arg4[%dma_start3A_284, %dma_start3A_285] : memref<2048x1024xf32, #tpu.memory_space<hbm>> -> memref<2048x1024xf32, #tpu.memory_space<hbm>>
    tpu.enqueue_indirect_dma source(%dma_start3A_286 : memref<2048x1024xf32, #tpu.memory_space<hbm>>) target(%arg12 : memref<40x1024xf32, #tpu.memory_space<vmem>>) offsets(%dma_start3A_283 : memref<40xi32, #tpu.memory_space<vmem>>) semaphore(%arg14 : memref<!tpu.dma_semaphore, #tpu.memory_space<semaphore_mem>>)
    %dma_start3A_287 = arith.constant 40 : i32
    %dma_start3A_288 = tpu.memref_slice %arg11[%dma_start3A_287] : memref<160xi32, #tpu.memory_space<vmem>> -> memref<40xi32, #tpu.memory_space<vmem>>
    %dma_start3A_289 = arith.constant 0 : i32
    %dma_start3A_290 = arith.constant 0 : i32
    %dma_start3A_291 = tpu.memref_slice %arg4[%dma_start3A_289, %dma_start3A_290] : memref<2048x1024xf32, #tpu.memory_space<hbm>> -> memref<2048x1024xf32, #tpu.memory_space<hbm>>
    tpu.enqueue_indirect_dma source(%dma_start3A_291 : memref<2048x1024xf32, #tpu.memory_space<hbm>>) target(%arg13 : memref<40x1024xf32, #tpu.memory_space<vmem>>) offsets(%dma_start3A_288 : memref<40xi32, #tpu.memory_space<vmem>>) semaphore(%arg15 : memref<!tpu.dma_semaphore, #tpu.memory_space<semaphore_mem>>)
    %dma_wait3A = arith.constant 0 : i32
    %dma_wait3A_292 = tpu.memref_slice %arg11[%dma_wait3A] : memref<160xi32, #tpu.memory_space<vmem>> -> memref<40xi32, #tpu.memory_space<vmem>>
    %dma_wait3A_293 = arith.constant 0 : i32
    %dma_wait3A_294 = arith.constant 0 : i32
    %dma_wait3A_295 = tpu.memref_slice %arg4[%dma_wait3A_293, %dma_wait3A_294] : memref<2048x1024xf32, #tpu.memory_space<hbm>> -> memref<2048x1024xf32, #tpu.memory_space<hbm>>
    tpu.wait_indirect_dma semaphore(%arg14 : memref<!tpu.dma_semaphore, #tpu.memory_space<semaphore_mem>>) src(%dma_wait3A_295 : memref<2048x1024xf32, #tpu.memory_space<hbm>>) dst(%arg12 : memref<40x1024xf32, #tpu.memory_space<vmem>>)
    %add3A_296 = arith.constant 0 : i32
    %add3A_297 = arith.addi %mul3A_2, %add3A_296 : i32
    "tpu.region"() ({
      %run_scoped3A = tpu.sem_alloc : memref<!tpu.dma_semaphore, #tpu.memory_space<semaphore_mem>>
      %dma_start3A_329 = arith.constant 0 : i32
      %dma_start3A_330 = tpu.memref_slice %arg5[%add3A_297, %dma_start3A_329] : memref<5120x1024xf32, #tpu.memory_space<hbm>> -> memref<40x1024xf32, #tpu.memory_space<hbm>>
      %dma_start3A_331 = arith.constant 0 : i32
      %dma_start3A_332 = tpu.memref_slice %arg5[%add3A_297, %dma_start3A_331] : memref<5120x1024xf32, #tpu.memory_space<hbm>> -> memref<40x1024xf32, #tpu.memory_space<hbm>>
      tpu.enqueue_dma source(%arg12 : memref<40x1024xf32, #tpu.memory_space<vmem>>) target(%dma_start3A_332 : memref<40x1024xf32, #tpu.memory_space<hbm>>) target_semaphore(%run_scoped3A : memref<!tpu.dma_semaphore, #tpu.memory_space<semaphore_mem>>)
      %dma_wait3A_333 = arith.constant 0 : i32
      %dma_wait3A_334 = tpu.memref_slice %arg5[%add3A_297, %dma_wait3A_333] : memref<5120x1024xf32, #tpu.memory_space<hbm>> -> memref<40x1024xf32, #tpu.memory_space<hbm>>
      %dma_wait3A_335 = arith.constant 0 : i32
      %dma_wait3A_336 = tpu.memref_slice %arg5[%add3A_297, %dma_wait3A_335] : memref<5120x1024xf32, #tpu.memory_space<hbm>> -> memref<40x1024xf32, #tpu.memory_space<hbm>>
      tpu.wait_dma2 semaphore(%run_scoped3A : memref<!tpu.dma_semaphore, #tpu.memory_space<semaphore_mem>>) src(%arg12 : memref<40x1024xf32, #tpu.memory_space<vmem>>) dst(%dma_wait3A_336 : memref<40x1024xf32, #tpu.memory_space<hbm>>)
      tpu.yield
    }) : () -> ()
    %dma_start3A_298 = arith.constant 80 : i32
    %dma_start3A_299 = tpu.memref_slice %arg11[%dma_start3A_298] : memref<160xi32, #tpu.memory_space<vmem>> -> memref<40xi32, #tpu.memory_space<vmem>>
    %dma_start3A_300 = arith.constant 0 : i32
    %dma_start3A_301 = arith.constant 0 : i32
    %dma_start3A_302 = tpu.memref_slice %arg4[%dma_start3A_300, %dma_start3A_301] : memref<2048x1024xf32, #tpu.memory_space<hbm>> -> memref<2048x1024xf32, #tpu.memory_space<hbm>>
    tpu.enqueue_indirect_dma source(%dma_start3A_302 : memref<2048x1024xf32, #tpu.memory_space<hbm>>) target(%arg12 : memref<40x1024xf32, #tpu.memory_space<vmem>>) offsets(%dma_start3A_299 : memref<40xi32, #tpu.memory_space<vmem>>) semaphore(%arg14 : memref<!tpu.dma_semaphore, #tpu.memory_space<semaphore_mem>>)
    %dma_wait3A_303 = arith.constant 40 : i32
    %dma_wait3A_304 = tpu.memref_slice %arg11[%dma_wait3A_303] : memref<160xi32, #tpu.memory_space<vmem>> -> memref<40xi32, #tpu.memory_space<vmem>>
    %dma_wait3A_305 = arith.constant 0 : i32
    %dma_wait3A_306 = arith.constant 0 : i32
    %dma_wait3A_307 = tpu.memref_slice %arg4[%dma_wait3A_305, %dma_wait3A_306] : memref<2048x1024xf32, #tpu.memory_space<hbm>> -> memref<2048x1024xf32, #tpu.memory_space<hbm>>
    tpu.wait_indirect_dma semaphore(%arg15 : memref<!tpu.dma_semaphore, #tpu.memory_space<semaphore_mem>>) src(%dma_wait3A_307 : memref<2048x1024xf32, #tpu.memory_space<hbm>>) dst(%arg13 : memref<40x1024xf32, #tpu.memory_space<vmem>>)
    %add3A_308 = arith.constant 40 : i32
    %add3A_309 = arith.addi %mul3A_2, %add3A_308 : i32
    "tpu.region"() ({
      %run_scoped3A = tpu.sem_alloc : memref<!tpu.dma_semaphore, #tpu.memory_space<semaphore_mem>>
      %dma_start3A_329 = arith.constant 0 : i32
      %dma_start3A_330 = tpu.memref_slice %arg5[%add3A_309, %dma_start3A_329] : memref<5120x1024xf32, #tpu.memory_space<hbm>> -> memref<40x1024xf32, #tpu.memory_space<hbm>>
      %dma_start3A_331 = arith.constant 0 : i32
      %dma_start3A_332 = tpu.memref_slice %arg5[%add3A_309, %dma_start3A_331] : memref<5120x1024xf32, #tpu.memory_space<hbm>> -> memref<40x1024xf32, #tpu.memory_space<hbm>>
      tpu.enqueue_dma source(%arg13 : memref<40x1024xf32, #tpu.memory_space<vmem>>) target(%dma_start3A_332 : memref<40x1024xf32, #tpu.memory_space<hbm>>) target_semaphore(%run_scoped3A : memref<!tpu.dma_semaphore, #tpu.memory_space<semaphore_mem>>)
      %dma_wait3A_333 = arith.constant 0 : i32
      %dma_wait3A_334 = tpu.memref_slice %arg5[%add3A_309, %dma_wait3A_333] : memref<5120x1024xf32, #tpu.memory_space<hbm>> -> memref<40x1024xf32, #tpu.memory_space<hbm>>
      %dma_wait3A_335 = arith.constant 0 : i32
      %dma_wait3A_336 = tpu.memref_slice %arg5[%add3A_309, %dma_wait3A_335] : memref<5120x1024xf32, #tpu.memory_space<hbm>> -> memref<40x1024xf32, #tpu.memory_space<hbm>>
      tpu.wait_dma2 semaphore(%run_scoped3A : memref<!tpu.dma_semaphore, #tpu.memory_space<semaphore_mem>>) src(%arg13 : memref<40x1024xf32, #tpu.memory_space<vmem>>) dst(%dma_wait3A_336 : memref<40x1024xf32, #tpu.memory_space<hbm>>)
      tpu.yield
    }) : () -> ()
    %dma_start3A_310 = arith.constant 120 : i32
    %dma_start3A_311 = tpu.memref_slice %arg11[%dma_start3A_310] : memref<160xi32, #tpu.memory_space<vmem>> -> memref<40xi32, #tpu.memory_space<vmem>>
    %dma_start3A_312 = arith.constant 0 : i32
    %dma_start3A_313 = arith.constant 0 : i32
    %dma_start3A_314 = tpu.memref_slice %arg4[%dma_start3A_312, %dma_start3A_313] : memref<2048x1024xf32, #tpu.memory_space<hbm>> -> memref<2048x1024xf32, #tpu.memory_space<hbm>>
    tpu.enqueue_indirect_dma source(%dma_start3A_314 : memref<2048x1024xf32, #tpu.memory_space<hbm>>) target(%arg13 : memref<40x1024xf32, #tpu.memory_space<vmem>>) offsets(%dma_start3A_311 : memref<40xi32, #tpu.memory_space<vmem>>) semaphore(%arg15 : memref<!tpu.dma_semaphore, #tpu.memory_space<semaphore_mem>>)
    %dma_wait3A_315 = arith.constant 80 : i32
    %dma_wait3A_316 = tpu.memref_slice %arg11[%dma_wait3A_315] : memref<160xi32, #tpu.memory_space<vmem>> -> memref<40xi32, #tpu.memory_space<vmem>>
    %dma_wait3A_317 = arith.constant 0 : i32
    %dma_wait3A_318 = arith.constant 0 : i32
    %dma_wait3A_319 = tpu.memref_slice %arg4[%dma_wait3A_317, %dma_wait3A_318] : memref<2048x1024xf32, #tpu.memory_space<hbm>> -> memref<2048x1024xf32, #tpu.memory_space<hbm>>
    tpu.wait_indirect_dma semaphore(%arg14 : memref<!tpu.dma_semaphore, #tpu.memory_space<semaphore_mem>>) src(%dma_wait3A_319 : memref<2048x1024xf32, #tpu.memory_space<hbm>>) dst(%arg12 : memref<40x1024xf32, #tpu.memory_space<vmem>>)
    %add3A_320 = arith.constant 80 : i32
    %add3A_321 = arith.addi %mul3A_2, %add3A_320 : i32
    "tpu.region"() ({
      %run_scoped3A = tpu.sem_alloc : memref<!tpu.dma_semaphore, #tpu.memory_space<semaphore_mem>>
      %dma_start3A_329 = arith.constant 0 : i32
      %dma_start3A_330 = tpu.memref_slice %arg5[%add3A_321, %dma_start3A_329] : memref<5120x1024xf32, #tpu.memory_space<hbm>> -> memref<40x1024xf32, #tpu.memory_space<hbm>>
      %dma_start3A_331 = arith.constant 0 : i32
      %dma_start3A_332 = tpu.memref_slice %arg5[%add3A_321, %dma_start3A_331] : memref<5120x1024xf32, #tpu.memory_space<hbm>> -> memref<40x1024xf32, #tpu.memory_space<hbm>>
      tpu.enqueue_dma source(%arg12 : memref<40x1024xf32, #tpu.memory_space<vmem>>) target(%dma_start3A_332 : memref<40x1024xf32, #tpu.memory_space<hbm>>) target_semaphore(%run_scoped3A : memref<!tpu.dma_semaphore, #tpu.memory_space<semaphore_mem>>)
      %dma_wait3A_333 = arith.constant 0 : i32
      %dma_wait3A_334 = tpu.memref_slice %arg5[%add3A_321, %dma_wait3A_333] : memref<5120x1024xf32, #tpu.memory_space<hbm>> -> memref<40x1024xf32, #tpu.memory_space<hbm>>
      %dma_wait3A_335 = arith.constant 0 : i32
      %dma_wait3A_336 = tpu.memref_slice %arg5[%add3A_321, %dma_wait3A_335] : memref<5120x1024xf32, #tpu.memory_space<hbm>> -> memref<40x1024xf32, #tpu.memory_space<hbm>>
      tpu.wait_dma2 semaphore(%run_scoped3A : memref<!tpu.dma_semaphore, #tpu.memory_space<semaphore_mem>>) src(%arg12 : memref<40x1024xf32, #tpu.memory_space<vmem>>) dst(%dma_wait3A_336 : memref<40x1024xf32, #tpu.memory_space<hbm>>)
      tpu.yield
    }) : () -> ()
    %dma_wait3A_322 = arith.constant 120 : i32
    %dma_wait3A_323 = tpu.memref_slice %arg11[%dma_wait3A_322] : memref<160xi32, #tpu.memory_space<vmem>> -> memref<40xi32, #tpu.memory_space<vmem>>
    %dma_wait3A_324 = arith.constant 0 : i32
    %dma_wait3A_325 = arith.constant 0 : i32
    %dma_wait3A_326 = tpu.memref_slice %arg4[%dma_wait3A_324, %dma_wait3A_325] : memref<2048x1024xf32, #tpu.memory_space<hbm>> -> memref<2048x1024xf32, #tpu.memory_space<hbm>>
    tpu.wait_indirect_dma semaphore(%arg15 : memref<!tpu.dma_semaphore, #tpu.memory_space<semaphore_mem>>) src(%dma_wait3A_326 : memref<2048x1024xf32, #tpu.memory_space<hbm>>) dst(%arg13 : memref<40x1024xf32, #tpu.memory_space<vmem>>)
    %add3A_327 = arith.constant 120 : i32
    %add3A_328 = arith.addi %mul3A_2, %add3A_327 : i32
    "tpu.region"() ({
      %run_scoped3A = tpu.sem_alloc : memref<!tpu.dma_semaphore, #tpu.memory_space<semaphore_mem>>
      %dma_start3A_329 = arith.constant 0 : i32
      %dma_start3A_330 = tpu.memref_slice %arg5[%add3A_328, %dma_start3A_329] : memref<5120x1024xf32, #tpu.memory_space<hbm>> -> memref<40x1024xf32, #tpu.memory_space<hbm>>
      %dma_start3A_331 = arith.constant 0 : i32
      %dma_start3A_332 = tpu.memref_slice %arg5[%add3A_328, %dma_start3A_331] : memref<5120x1024xf32, #tpu.memory_space<hbm>> -> memref<40x1024xf32, #tpu.memory_space<hbm>>
      tpu.enqueue_dma source(%arg13 : memref<40x1024xf32, #tpu.memory_space<vmem>>) target(%dma_start3A_332 : memref<40x1024xf32, #tpu.memory_space<hbm>>) target_semaphore(%run_scoped3A : memref<!tpu.dma_semaphore, #tpu.memory_space<semaphore_mem>>)
      %dma_wait3A_333 = arith.constant 0 : i32
      %dma_wait3A_334 = tpu.memref_slice %arg5[%add3A_328, %dma_wait3A_333] : memref<5120x1024xf32, #tpu.memory_space<hbm>> -> memref<40x1024xf32, #tpu.memory_space<hbm>>
      %dma_wait3A_335 = arith.constant 0 : i32
      %dma_wait3A_336 = tpu.memref_slice %arg5[%add3A_328, %dma_wait3A_335] : memref<5120x1024xf32, #tpu.memory_space<hbm>> -> memref<40x1024xf32, #tpu.memory_space<hbm>>
      tpu.wait_dma2 semaphore(%run_scoped3A : memref<!tpu.dma_semaphore, #tpu.memory_space<semaphore_mem>>) src(%arg13 : memref<40x1024xf32, #tpu.memory_space<vmem>>) dst(%dma_wait3A_336 : memref<40x1024xf32, #tpu.memory_space<hbm>>)
      tpu.yield
    }) : () -> ()
    return
  }
}

#map = affine_map<(d0, d1) -> (0, 0)>
#map1 = affine_map<(d0, d1) -> (0)>
module attributes {stable_mosaic.version = 14 : i64} {
  func.func @_sc_combine(%arg0: i32, %arg1: i32, %arg2: memref<5120x1024xf32, #tpu.memory_space<hbm>>, %arg3: memref<4096xi32, #tpu.memory_space<hbm>>, %arg4: memref<2048x1024xf32, #tpu.memory_space<hbm>>, %arg5: memref<2x32xi32, #tpu.memory_space<vmem>>, %arg6: memref<2x32xi32, #tpu.memory_space<vmem>>, %arg7: memref<32x1024xf32, #tpu.memory_space<vmem>>, %arg8: memref<32x1024xf32, #tpu.memory_space<vmem>>, %arg9: memref<32x1024xf32, #tpu.memory_space<vmem>>, %arg10: memref<!tpu.dma_semaphore, #tpu.memory_space<semaphore_mem>>, %arg11: memref<!tpu.dma_semaphore, #tpu.memory_space<semaphore_mem>>) attributes {dimension_semantics = [#tpu.dimension_semantics<core_parallel>, #tpu.dimension_semantics<subcore_parallel>], iteration_bounds = array<i64: 2, 16>, scalar_prefetch = 0 : i64, scratch_operands = 7 : i64, tpu.core_type = #tpu.core_type<sc_vector_subcore>, window_params = [{transform_indices = #map}, {transform_indices = #map1}, {transform_indices = #map}]} {
    %mul3A = arith.constant 16 : i32
    %mul3A_0 = arith.muli %arg0, %mul3A : i32
    %add3A = arith.addi %mul3A_0, %arg1 : i32
    %mul3A_1 = arith.constant 64 : i32
    %mul3A_2 = arith.muli %add3A, %mul3A_1 : i32
    %add3A_3 = arith.constant 0 : i32
    %add3A_4 = arith.addi %mul3A_2, %add3A_3 : i32
    %run_scoped3A = arith.constant 0 : i32
    "tpu.region"() ({
      %run_scoped3A_87 = tpu.sem_alloc : memref<!tpu.dma_semaphore, #tpu.memory_space<semaphore_mem>>
      %dma_start3A_88 = arith.constant 0 : i32
      %dma_start3A_89 = tpu.memref_slice %arg5[%run_scoped3A, %dma_start3A_88] : memref<2x32xi32, #tpu.memory_space<vmem>> -> memref<1x32xi32, #tpu.memory_space<vmem>>
      %dma_start3A_90 = tpu.memref_squeeze %dma_start3A_89 : memref<1x32xi32, #tpu.memory_space<vmem>> -> memref<32xi32, #tpu.memory_space<vmem>>
      %dma_start3A_91 = tpu.memref_slice %arg3[%add3A_4] : memref<4096xi32, #tpu.memory_space<hbm>> -> memref<32xi32, #tpu.memory_space<hbm>>
      %dma_start3A_92 = arith.constant 0 : i32
      %dma_start3A_93 = tpu.memref_slice %arg5[%run_scoped3A, %dma_start3A_92] : memref<2x32xi32, #tpu.memory_space<vmem>> -> memref<1x32xi32, #tpu.memory_space<vmem>>
      %dma_start3A_94 = tpu.memref_squeeze %dma_start3A_93 : memref<1x32xi32, #tpu.memory_space<vmem>> -> memref<32xi32, #tpu.memory_space<vmem>>
      %dma_start3A_95 = tpu.memref_slice %arg3[%add3A_4] : memref<4096xi32, #tpu.memory_space<hbm>> -> memref<32xi32, #tpu.memory_space<hbm>>
      tpu.enqueue_dma source(%dma_start3A_95 : memref<32xi32, #tpu.memory_space<hbm>>) target(%dma_start3A_94 : memref<32xi32, #tpu.memory_space<vmem>>) target_semaphore(%run_scoped3A_87 : memref<!tpu.dma_semaphore, #tpu.memory_space<semaphore_mem>>)
      %dma_wait3A_96 = arith.constant 0 : i32
      %dma_wait3A_97 = tpu.memref_slice %arg5[%run_scoped3A, %dma_wait3A_96] : memref<2x32xi32, #tpu.memory_space<vmem>> -> memref<1x32xi32, #tpu.memory_space<vmem>>
      %dma_wait3A_98 = tpu.memref_squeeze %dma_wait3A_97 : memref<1x32xi32, #tpu.memory_space<vmem>> -> memref<32xi32, #tpu.memory_space<vmem>>
      %dma_wait3A_99 = tpu.memref_slice %arg3[%add3A_4] : memref<4096xi32, #tpu.memory_space<hbm>> -> memref<32xi32, #tpu.memory_space<hbm>>
      %dma_wait3A_100 = arith.constant 0 : i32
      %dma_wait3A_101 = tpu.memref_slice %arg5[%run_scoped3A, %dma_wait3A_100] : memref<2x32xi32, #tpu.memory_space<vmem>> -> memref<1x32xi32, #tpu.memory_space<vmem>>
      %dma_wait3A_102 = tpu.memref_squeeze %dma_wait3A_101 : memref<1x32xi32, #tpu.memory_space<vmem>> -> memref<32xi32, #tpu.memory_space<vmem>>
      %dma_wait3A_103 = tpu.memref_slice %arg3[%add3A_4] : memref<4096xi32, #tpu.memory_space<hbm>> -> memref<32xi32, #tpu.memory_space<hbm>>
      tpu.wait_dma2 semaphore(%run_scoped3A_87 : memref<!tpu.dma_semaphore, #tpu.memory_space<semaphore_mem>>) src(%dma_wait3A_103 : memref<32xi32, #tpu.memory_space<hbm>>) dst(%dma_wait3A_102 : memref<32xi32, #tpu.memory_space<vmem>>)
      tpu.yield
    }) : () -> ()
    %add3A_5 = arith.constant 2048 : i32
    %add3A_6 = arith.addi %add3A_5, %mul3A_2 : i32
    %add3A_7 = arith.constant 0 : i32
    %add3A_8 = arith.addi %add3A_6, %add3A_7 : i32
    %run_scoped3A_9 = arith.constant 0 : i32
    "tpu.region"() ({
      %run_scoped3A_87 = tpu.sem_alloc : memref<!tpu.dma_semaphore, #tpu.memory_space<semaphore_mem>>
      %dma_start3A_88 = arith.constant 0 : i32
      %dma_start3A_89 = tpu.memref_slice %arg6[%run_scoped3A_9, %dma_start3A_88] : memref<2x32xi32, #tpu.memory_space<vmem>> -> memref<1x32xi32, #tpu.memory_space<vmem>>
      %dma_start3A_90 = tpu.memref_squeeze %dma_start3A_89 : memref<1x32xi32, #tpu.memory_space<vmem>> -> memref<32xi32, #tpu.memory_space<vmem>>
      %dma_start3A_91 = tpu.memref_slice %arg3[%add3A_8] : memref<4096xi32, #tpu.memory_space<hbm>> -> memref<32xi32, #tpu.memory_space<hbm>>
      %dma_start3A_92 = arith.constant 0 : i32
      %dma_start3A_93 = tpu.memref_slice %arg6[%run_scoped3A_9, %dma_start3A_92] : memref<2x32xi32, #tpu.memory_space<vmem>> -> memref<1x32xi32, #tpu.memory_space<vmem>>
      %dma_start3A_94 = tpu.memref_squeeze %dma_start3A_93 : memref<1x32xi32, #tpu.memory_space<vmem>> -> memref<32xi32, #tpu.memory_space<vmem>>
      %dma_start3A_95 = tpu.memref_slice %arg3[%add3A_8] : memref<4096xi32, #tpu.memory_space<hbm>> -> memref<32xi32, #tpu.memory_space<hbm>>
      tpu.enqueue_dma source(%dma_start3A_95 : memref<32xi32, #tpu.memory_space<hbm>>) target(%dma_start3A_94 : memref<32xi32, #tpu.memory_space<vmem>>) target_semaphore(%run_scoped3A_87 : memref<!tpu.dma_semaphore, #tpu.memory_space<semaphore_mem>>)
      %dma_wait3A_96 = arith.constant 0 : i32
      %dma_wait3A_97 = tpu.memref_slice %arg6[%run_scoped3A_9, %dma_wait3A_96] : memref<2x32xi32, #tpu.memory_space<vmem>> -> memref<1x32xi32, #tpu.memory_space<vmem>>
      %dma_wait3A_98 = tpu.memref_squeeze %dma_wait3A_97 : memref<1x32xi32, #tpu.memory_space<vmem>> -> memref<32xi32, #tpu.memory_space<vmem>>
      %dma_wait3A_99 = tpu.memref_slice %arg3[%add3A_8] : memref<4096xi32, #tpu.memory_space<hbm>> -> memref<32xi32, #tpu.memory_space<hbm>>
      %dma_wait3A_100 = arith.constant 0 : i32
      %dma_wait3A_101 = tpu.memref_slice %arg6[%run_scoped3A_9, %dma_wait3A_100] : memref<2x32xi32, #tpu.memory_space<vmem>> -> memref<1x32xi32, #tpu.memory_space<vmem>>
      %dma_wait3A_102 = tpu.memref_squeeze %dma_wait3A_101 : memref<1x32xi32, #tpu.memory_space<vmem>> -> memref<32xi32, #tpu.memory_space<vmem>>
      %dma_wait3A_103 = tpu.memref_slice %arg3[%add3A_8] : memref<4096xi32, #tpu.memory_space<hbm>> -> memref<32xi32, #tpu.memory_space<hbm>>
      tpu.wait_dma2 semaphore(%run_scoped3A_87 : memref<!tpu.dma_semaphore, #tpu.memory_space<semaphore_mem>>) src(%dma_wait3A_103 : memref<32xi32, #tpu.memory_space<hbm>>) dst(%dma_wait3A_102 : memref<32xi32, #tpu.memory_space<vmem>>)
      tpu.yield
    }) : () -> ()
    %add3A_10 = arith.constant 32 : i32
    %add3A_11 = arith.addi %mul3A_2, %add3A_10 : i32
    %run_scoped3A_12 = arith.constant 1 : i32
    "tpu.region"() ({
      %run_scoped3A_87 = tpu.sem_alloc : memref<!tpu.dma_semaphore, #tpu.memory_space<semaphore_mem>>
      %dma_start3A_88 = arith.constant 0 : i32
      %dma_start3A_89 = tpu.memref_slice %arg5[%run_scoped3A_12, %dma_start3A_88] : memref<2x32xi32, #tpu.memory_space<vmem>> -> memref<1x32xi32, #tpu.memory_space<vmem>>
      %dma_start3A_90 = tpu.memref_squeeze %dma_start3A_89 : memref<1x32xi32, #tpu.memory_space<vmem>> -> memref<32xi32, #tpu.memory_space<vmem>>
      %dma_start3A_91 = tpu.memref_slice %arg3[%add3A_11] : memref<4096xi32, #tpu.memory_space<hbm>> -> memref<32xi32, #tpu.memory_space<hbm>>
      %dma_start3A_92 = arith.constant 0 : i32
      %dma_start3A_93 = tpu.memref_slice %arg5[%run_scoped3A_12, %dma_start3A_92] : memref<2x32xi32, #tpu.memory_space<vmem>> -> memref<1x32xi32, #tpu.memory_space<vmem>>
      %dma_start3A_94 = tpu.memref_squeeze %dma_start3A_93 : memref<1x32xi32, #tpu.memory_space<vmem>> -> memref<32xi32, #tpu.memory_space<vmem>>
      %dma_start3A_95 = tpu.memref_slice %arg3[%add3A_11] : memref<4096xi32, #tpu.memory_space<hbm>> -> memref<32xi32, #tpu.memory_space<hbm>>
      tpu.enqueue_dma source(%dma_start3A_95 : memref<32xi32, #tpu.memory_space<hbm>>) target(%dma_start3A_94 : memref<32xi32, #tpu.memory_space<vmem>>) target_semaphore(%run_scoped3A_87 : memref<!tpu.dma_semaphore, #tpu.memory_space<semaphore_mem>>)
      %dma_wait3A_96 = arith.constant 0 : i32
      %dma_wait3A_97 = tpu.memref_slice %arg5[%run_scoped3A_12, %dma_wait3A_96] : memref<2x32xi32, #tpu.memory_space<vmem>> -> memref<1x32xi32, #tpu.memory_space<vmem>>
      %dma_wait3A_98 = tpu.memref_squeeze %dma_wait3A_97 : memref<1x32xi32, #tpu.memory_space<vmem>> -> memref<32xi32, #tpu.memory_space<vmem>>
      %dma_wait3A_99 = tpu.memref_slice %arg3[%add3A_11] : memref<4096xi32, #tpu.memory_space<hbm>> -> memref<32xi32, #tpu.memory_space<hbm>>
      %dma_wait3A_100 = arith.constant 0 : i32
      %dma_wait3A_101 = tpu.memref_slice %arg5[%run_scoped3A_12, %dma_wait3A_100] : memref<2x32xi32, #tpu.memory_space<vmem>> -> memref<1x32xi32, #tpu.memory_space<vmem>>
      %dma_wait3A_102 = tpu.memref_squeeze %dma_wait3A_101 : memref<1x32xi32, #tpu.memory_space<vmem>> -> memref<32xi32, #tpu.memory_space<vmem>>
      %dma_wait3A_103 = tpu.memref_slice %arg3[%add3A_11] : memref<4096xi32, #tpu.memory_space<hbm>> -> memref<32xi32, #tpu.memory_space<hbm>>
      tpu.wait_dma2 semaphore(%run_scoped3A_87 : memref<!tpu.dma_semaphore, #tpu.memory_space<semaphore_mem>>) src(%dma_wait3A_103 : memref<32xi32, #tpu.memory_space<hbm>>) dst(%dma_wait3A_102 : memref<32xi32, #tpu.memory_space<vmem>>)
      tpu.yield
    }) : () -> ()
    %add3A_13 = arith.constant 2048 : i32
    %add3A_14 = arith.addi %add3A_13, %mul3A_2 : i32
    %add3A_15 = arith.constant 32 : i32
    %add3A_16 = arith.addi %add3A_14, %add3A_15 : i32
    %run_scoped3A_17 = arith.constant 1 : i32
    "tpu.region"() ({
      %run_scoped3A_87 = tpu.sem_alloc : memref<!tpu.dma_semaphore, #tpu.memory_space<semaphore_mem>>
      %dma_start3A_88 = arith.constant 0 : i32
      %dma_start3A_89 = tpu.memref_slice %arg6[%run_scoped3A_17, %dma_start3A_88] : memref<2x32xi32, #tpu.memory_space<vmem>> -> memref<1x32xi32, #tpu.memory_space<vmem>>
      %dma_start3A_90 = tpu.memref_squeeze %dma_start3A_89 : memref<1x32xi32, #tpu.memory_space<vmem>> -> memref<32xi32, #tpu.memory_space<vmem>>
      %dma_start3A_91 = tpu.memref_slice %arg3[%add3A_16] : memref<4096xi32, #tpu.memory_space<hbm>> -> memref<32xi32, #tpu.memory_space<hbm>>
      %dma_start3A_92 = arith.constant 0 : i32
      %dma_start3A_93 = tpu.memref_slice %arg6[%run_scoped3A_17, %dma_start3A_92] : memref<2x32xi32, #tpu.memory_space<vmem>> -> memref<1x32xi32, #tpu.memory_space<vmem>>
      %dma_start3A_94 = tpu.memref_squeeze %dma_start3A_93 : memref<1x32xi32, #tpu.memory_space<vmem>> -> memref<32xi32, #tpu.memory_space<vmem>>
      %dma_start3A_95 = tpu.memref_slice %arg3[%add3A_16] : memref<4096xi32, #tpu.memory_space<hbm>> -> memref<32xi32, #tpu.memory_space<hbm>>
      tpu.enqueue_dma source(%dma_start3A_95 : memref<32xi32, #tpu.memory_space<hbm>>) target(%dma_start3A_94 : memref<32xi32, #tpu.memory_space<vmem>>) target_semaphore(%run_scoped3A_87 : memref<!tpu.dma_semaphore, #tpu.memory_space<semaphore_mem>>)
      %dma_wait3A_96 = arith.constant 0 : i32
      %dma_wait3A_97 = tpu.memref_slice %arg6[%run_scoped3A_17, %dma_wait3A_96] : memref<2x32xi32, #tpu.memory_space<vmem>> -> memref<1x32xi32, #tpu.memory_space<vmem>>
      %dma_wait3A_98 = tpu.memref_squeeze %dma_wait3A_97 : memref<1x32xi32, #tpu.memory_space<vmem>> -> memref<32xi32, #tpu.memory_space<vmem>>
      %dma_wait3A_99 = tpu.memref_slice %arg3[%add3A_16] : memref<4096xi32, #tpu.memory_space<hbm>> -> memref<32xi32, #tpu.memory_space<hbm>>
      %dma_wait3A_100 = arith.constant 0 : i32
      %dma_wait3A_101 = tpu.memref_slice %arg6[%run_scoped3A_17, %dma_wait3A_100] : memref<2x32xi32, #tpu.memory_space<vmem>> -> memref<1x32xi32, #tpu.memory_space<vmem>>
      %dma_wait3A_102 = tpu.memref_squeeze %dma_wait3A_101 : memref<1x32xi32, #tpu.memory_space<vmem>> -> memref<32xi32, #tpu.memory_space<vmem>>
      %dma_wait3A_103 = tpu.memref_slice %arg3[%add3A_16] : memref<4096xi32, #tpu.memory_space<hbm>> -> memref<32xi32, #tpu.memory_space<hbm>>
      tpu.wait_dma2 semaphore(%run_scoped3A_87 : memref<!tpu.dma_semaphore, #tpu.memory_space<semaphore_mem>>) src(%dma_wait3A_103 : memref<32xi32, #tpu.memory_space<hbm>>) dst(%dma_wait3A_102 : memref<32xi32, #tpu.memory_space<vmem>>)
      tpu.yield
    }) : () -> ()
    %dma_start3A = arith.constant 0 : i32
    %dma_start3A_18 = arith.constant 0 : i32
    %dma_start3A_19 = tpu.memref_slice %arg5[%dma_start3A, %dma_start3A_18] : memref<2x32xi32, #tpu.memory_space<vmem>> -> memref<1x32xi32, #tpu.memory_space<vmem>>
    %dma_start3A_20 = tpu.memref_squeeze %dma_start3A_19 : memref<1x32xi32, #tpu.memory_space<vmem>> -> memref<32xi32, #tpu.memory_space<vmem>>
    %dma_start3A_21 = arith.constant 0 : i32
    %dma_start3A_22 = arith.constant 0 : i32
    %dma_start3A_23 = tpu.memref_slice %arg2[%dma_start3A_21, %dma_start3A_22] : memref<5120x1024xf32, #tpu.memory_space<hbm>> -> memref<5120x1024xf32, #tpu.memory_space<hbm>>
    tpu.enqueue_indirect_dma source(%dma_start3A_23 : memref<5120x1024xf32, #tpu.memory_space<hbm>>) target(%arg7 : memref<32x1024xf32, #tpu.memory_space<vmem>>) offsets(%dma_start3A_20 : memref<32xi32, #tpu.memory_space<vmem>>) semaphore(%arg10 : memref<!tpu.dma_semaphore, #tpu.memory_space<semaphore_mem>>)
    %dma_start3A_24 = arith.constant 0 : i32
    %dma_start3A_25 = arith.constant 0 : i32
    %dma_start3A_26 = tpu.memref_slice %arg6[%dma_start3A_24, %dma_start3A_25] : memref<2x32xi32, #tpu.memory_space<vmem>> -> memref<1x32xi32, #tpu.memory_space<vmem>>
    %dma_start3A_27 = tpu.memref_squeeze %dma_start3A_26 : memref<1x32xi32, #tpu.memory_space<vmem>> -> memref<32xi32, #tpu.memory_space<vmem>>
    %dma_start3A_28 = arith.constant 0 : i32
    %dma_start3A_29 = arith.constant 0 : i32
    %dma_start3A_30 = tpu.memref_slice %arg2[%dma_start3A_28, %dma_start3A_29] : memref<5120x1024xf32, #tpu.memory_space<hbm>> -> memref<5120x1024xf32, #tpu.memory_space<hbm>>
    tpu.enqueue_indirect_dma source(%dma_start3A_30 : memref<5120x1024xf32, #tpu.memory_space<hbm>>) target(%arg8 : memref<32x1024xf32, #tpu.memory_space<vmem>>) offsets(%dma_start3A_27 : memref<32xi32, #tpu.memory_space<vmem>>) semaphore(%arg11 : memref<!tpu.dma_semaphore, #tpu.memory_space<semaphore_mem>>)
    %dma_wait3A = arith.constant 0 : i32
    %dma_wait3A_31 = arith.constant 0 : i32
    %dma_wait3A_32 = tpu.memref_slice %arg5[%dma_wait3A, %dma_wait3A_31] : memref<2x32xi32, #tpu.memory_space<vmem>> -> memref<1x32xi32, #tpu.memory_space<vmem>>
    %dma_wait3A_33 = tpu.memref_squeeze %dma_wait3A_32 : memref<1x32xi32, #tpu.memory_space<vmem>> -> memref<32xi32, #tpu.memory_space<vmem>>
    %dma_wait3A_34 = arith.constant 0 : i32
    %dma_wait3A_35 = arith.constant 0 : i32
    %dma_wait3A_36 = tpu.memref_slice %arg2[%dma_wait3A_34, %dma_wait3A_35] : memref<5120x1024xf32, #tpu.memory_space<hbm>> -> memref<5120x1024xf32, #tpu.memory_space<hbm>>
    tpu.wait_indirect_dma semaphore(%arg10 : memref<!tpu.dma_semaphore, #tpu.memory_space<semaphore_mem>>) src(%dma_wait3A_36 : memref<5120x1024xf32, #tpu.memory_space<hbm>>) dst(%arg7 : memref<32x1024xf32, #tpu.memory_space<vmem>>)
    %dma_wait3A_37 = arith.constant 0 : i32
    %dma_wait3A_38 = arith.constant 0 : i32
    %dma_wait3A_39 = tpu.memref_slice %arg6[%dma_wait3A_37, %dma_wait3A_38] : memref<2x32xi32, #tpu.memory_space<vmem>> -> memref<1x32xi32, #tpu.memory_space<vmem>>
    %dma_wait3A_40 = tpu.memref_squeeze %dma_wait3A_39 : memref<1x32xi32, #tpu.memory_space<vmem>> -> memref<32xi32, #tpu.memory_space<vmem>>
    %dma_wait3A_41 = arith.constant 0 : i32
    %dma_wait3A_42 = arith.constant 0 : i32
    %dma_wait3A_43 = tpu.memref_slice %arg2[%dma_wait3A_41, %dma_wait3A_42] : memref<5120x1024xf32, #tpu.memory_space<hbm>> -> memref<5120x1024xf32, #tpu.memory_space<hbm>>
    tpu.wait_indirect_dma semaphore(%arg11 : memref<!tpu.dma_semaphore, #tpu.memory_space<semaphore_mem>>) src(%dma_wait3A_43 : memref<5120x1024xf32, #tpu.memory_space<hbm>>) dst(%arg8 : memref<32x1024xf32, #tpu.memory_space<vmem>>)
    %scan3A = arith.constant 0 : i32
    %scan3A_44 = arith.constant 0 : i32
    %scan3A_45 = arith.constant 32 : i32
    %scan3A_46 = arith.addi %scan3A_44, %scan3A_45 : i32
    %scan3A_47 = arith.constant 1 : i32
    scf.for %scan3A_87 = %scan3A_44 to %scan3A_46 step %scan3A_47  : i32 {
      %get3A = arith.index_cast %scan3A_87 : i32 to index
      %get3A_88 = arith.constant 0 : index
      %get3A_89 = tpu.vector_load %arg7[%get3A, %get3A_88] {strides = array<i32>} : memref<32x1024xf32, #tpu.memory_space<vmem>>, vector<1x16xf32>,
      %get3A_90 = vector.shape_cast %get3A_89 : vector<1x16xf32> to vector<16xf32>
      %get3A_91 = arith.index_cast %scan3A_87 : i32 to index
      %get3A_92 = arith.constant 0 : index
      %get3A_93 = tpu.vector_load %arg8[%get3A_91, %get3A_92] {strides = array<i32>} : memref<32x1024xf32, #tpu.memory_space<vmem>>, vector<1x16xf32>,
      %get3A_94 = vector.shape_cast %get3A_93 : vector<1x16xf32> to vector<16xf32>
      %add3A_95 = arith.addf %get3A_90, %get3A_94 : vector<16xf32>
      %swap3A = arith.index_cast %scan3A_87 : i32 to index
      %swap3A_96 = arith.constant 0 : index
      %swap3A_97 = tpu.vector_load %arg9[%swap3A, %swap3A_96] {strides = array<i32>} : memref<32x1024xf32, #tpu.memory_space<vmem>>, vector<1x16xf32>,
      %swap3A_98 = vector.shape_cast %swap3A_97 : vector<1x16xf32> to vector<16xf32>
      %swap3A_99 = vector.shape_cast %add3A_95 : vector<16xf32> to vector<1x16xf32>
      tpu.vector_store %arg9[%swap3A, %swap3A_96], %swap3A_99 {strides = array<i32>} : memref<32x1024xf32, #tpu.memory_space<vmem>>, vector<1x16xf32>,
      %get3A_100 = arith.index_cast %scan3A_87 : i32 to index
      %get3A_101 = arith.constant 16 : index
      %get3A_102 = tpu.vector_load %arg7[%get3A_100, %get3A_101] {strides = array<i32>} : memref<32x1024xf32, #tpu.memory_space<vmem>>, vector<1x16xf32>,
      %get3A_103 = vector.shape_cast %get3A_102 : vector<1x16xf32> to vector<16xf32>
      %get3A_104 = arith.index_cast %scan3A_87 : i32 to index
      %get3A_105 = arith.constant 16 : index
      %get3A_106 = tpu.vector_load %arg8[%get3A_104, %get3A_105] {strides = array<i32>} : memref<32x1024xf32, #tpu.memory_space<vmem>>, vector<1x16xf32>,
      %get3A_107 = vector.shape_cast %get3A_106 : vector<1x16xf32> to vector<16xf32>
      %add3A_108 = arith.addf %get3A_103, %get3A_107 : vector<16xf32>
      %swap3A_109 = arith.index_cast %scan3A_87 : i32 to index
      %swap3A_110 = arith.constant 16 : index
      %swap3A_111 = tpu.vector_load %arg9[%swap3A_109, %swap3A_110] {strides = array<i32>} : memref<32x1024xf32, #tpu.memory_space<vmem>>, vector<1x16xf32>,
      %swap3A_112 = vector.shape_cast %swap3A_111 : vector<1x16xf32> to vector<16xf32>
      %swap3A_113 = vector.shape_cast %add3A_108 : vector<16xf32> to vector<1x16xf32>
      tpu.vector_store %arg9[%swap3A_109, %swap3A_110], %swap3A_113 {strides = array<i32>} : memref<32x1024xf32, #tpu.memory_space<vmem>>, vector<1x16xf32>,
      %get3A_114 = arith.index_cast %scan3A_87 : i32 to index
      %get3A_115 = arith.constant 32 : index
      %get3A_116 = tpu.vector_load %arg7[%get3A_114, %get3A_115] {strides = array<i32>} : memref<32x1024xf32, #tpu.memory_space<vmem>>, vector<1x16xf32>,
      %get3A_117 = vector.shape_cast %get3A_116 : vector<1x16xf32> to vector<16xf32>
      %get3A_118 = arith.index_cast %scan3A_87 : i32 to index
      %get3A_119 = arith.constant 32 : index
      %get3A_120 = tpu.vector_load %arg8[%get3A_118, %get3A_119] {strides = array<i32>} : memref<32x1024xf32, #tpu.memory_space<vmem>>, vector<1x16xf32>,
      %get3A_121 = vector.shape_cast %get3A_120 : vector<1x16xf32> to vector<16xf32>
      %add3A_122 = arith.addf %get3A_117, %get3A_121 : vector<16xf32>
      %swap3A_123 = arith.index_cast %scan3A_87 : i32 to index
      %swap3A_124 = arith.constant 32 : index
      %swap3A_125 = tpu.vector_load %arg9[%swap3A_123, %swap3A_124] {strides = array<i32>} : memref<32x1024xf32, #tpu.memory_space<vmem>>, vector<1x16xf32>,
      %swap3A_126 = vector.shape_cast %swap3A_125 : vector<1x16xf32> to vector<16xf32>
      %swap3A_127 = vector.shape_cast %add3A_122 : vector<16xf32> to vector<1x16xf32>
      tpu.vector_store %arg9[%swap3A_123, %swap3A_124], %swap3A_127 {strides = array<i32>} : memref<32x1024xf32, #tpu.memory_space<vmem>>, vector<1x16xf32>,
      %get3A_128 = arith.index_cast %scan3A_87 : i32 to index
      %get3A_129 = arith.constant 48 : index
      %get3A_130 = tpu.vector_load %arg7[%get3A_128, %get3A_129] {strides = array<i32>} : memref<32x1024xf32, #tpu.memory_space<vmem>>, vector<1x16xf32>,
      %get3A_131 = vector.shape_cast %get3A_130 : vector<1x16xf32> to vector<16xf32>
      %get3A_132 = arith.index_cast %scan3A_87 : i32 to index
      %get3A_133 = arith.constant 48 : index
      %get3A_134 = tpu.vector_load %arg8[%get3A_132, %get3A_133] {strides = array<i32>} : memref<32x1024xf32, #tpu.memory_space<vmem>>, vector<1x16xf32>,
      %get3A_135 = vector.shape_cast %get3A_134 : vector<1x16xf32> to vector<16xf32>
      %add3A_136 = arith.addf %get3A_131, %get3A_135 : vector<16xf32>
      %swap3A_137 = arith.index_cast %scan3A_87 : i32 to index
      %swap3A_138 = arith.constant 48 : index
      %swap3A_139 = tpu.vector_load %arg9[%swap3A_137, %swap3A_138] {strides = array<i32>} : memref<32x1024xf32, #tpu.memory_space<vmem>>, vector<1x16xf32>,
      %swap3A_140 = vector.shape_cast %swap3A_139 : vector<1x16xf32> to vector<16xf32>
      %swap3A_141 = vector.shape_cast %add3A_136 : vector<16xf32> to vector<1x16xf32>
      tpu.vector_store %arg9[%swap3A_137, %swap3A_138], %swap3A_141 {strides = array<i32>} : memref<32x1024xf32, #tpu.memory_space<vmem>>, vector<1x16xf32>,
      %get3A_142 = arith.index_cast %scan3A_87 : i32 to index
      %get3A_143 = arith.constant 64 : index
      %get3A_144 = tpu.vector_load %arg7[%get3A_142, %get3A_143] {strides = array<i32>} : memref<32x1024xf32, #tpu.memory_space<vmem>>, vector<1x16xf32>,
      %get3A_145 = vector.shape_cast %get3A_144 : vector<1x16xf32> to vector<16xf32>
      %get3A_146 = arith.index_cast %scan3A_87 : i32 to index
      %get3A_147 = arith.constant 64 : index
      %get3A_148 = tpu.vector_load %arg8[%get3A_146, %get3A_147] {strides = array<i32>} : memref<32x1024xf32, #tpu.memory_space<vmem>>, vector<1x16xf32>,
      %get3A_149 = vector.shape_cast %get3A_148 : vector<1x16xf32> to vector<16xf32>
      %add3A_150 = arith.addf %get3A_145, %get3A_149 : vector<16xf32>
      %swap3A_151 = arith.index_cast %scan3A_87 : i32 to index
      %swap3A_152 = arith.constant 64 : index
      %swap3A_153 = tpu.vector_load %arg9[%swap3A_151, %swap3A_152] {strides = array<i32>} : memref<32x1024xf32, #tpu.memory_space<vmem>>, vector<1x16xf32>,
      %swap3A_154 = vector.shape_cast %swap3A_153 : vector<1x16xf32> to vector<16xf32>
      %swap3A_155 = vector.shape_cast %add3A_150 : vector<16xf32> to vector<1x16xf32>
      tpu.vector_store %arg9[%swap3A_151, %swap3A_152], %swap3A_155 {strides = array<i32>} : memref<32x1024xf32, #tpu.memory_space<vmem>>, vector<1x16xf32>,
      %get3A_156 = arith.index_cast %scan3A_87 : i32 to index
      %get3A_157 = arith.constant 80 : index
      %get3A_158 = tpu.vector_load %arg7[%get3A_156, %get3A_157] {strides = array<i32>} : memref<32x1024xf32, #tpu.memory_space<vmem>>, vector<1x16xf32>,
      %get3A_159 = vector.shape_cast %get3A_158 : vector<1x16xf32> to vector<16xf32>
      %get3A_160 = arith.index_cast %scan3A_87 : i32 to index
      %get3A_161 = arith.constant 80 : index
      %get3A_162 = tpu.vector_load %arg8[%get3A_160, %get3A_161] {strides = array<i32>} : memref<32x1024xf32, #tpu.memory_space<vmem>>, vector<1x16xf32>,
      %get3A_163 = vector.shape_cast %get3A_162 : vector<1x16xf32> to vector<16xf32>
      %add3A_164 = arith.addf %get3A_159, %get3A_163 : vector<16xf32>
      %swap3A_165 = arith.index_cast %scan3A_87 : i32 to index
      %swap3A_166 = arith.constant 80 : index
      %swap3A_167 = tpu.vector_load %arg9[%swap3A_165, %swap3A_166] {strides = array<i32>} : memref<32x1024xf32, #tpu.memory_space<vmem>>, vector<1x16xf32>,
      %swap3A_168 = vector.shape_cast %swap3A_167 : vector<1x16xf32> to vector<16xf32>
      %swap3A_169 = vector.shape_cast %add3A_164 : vector<16xf32> to vector<1x16xf32>
      tpu.vector_store %arg9[%swap3A_165, %swap3A_166], %swap3A_169 {strides = array<i32>} : memref<32x1024xf32, #tpu.memory_space<vmem>>, vector<1x16xf32>,
      %get3A_170 = arith.index_cast %scan3A_87 : i32 to index
      %get3A_171 = arith.constant 96 : index
      %get3A_172 = tpu.vector_load %arg7[%get3A_170, %get3A_171] {strides = array<i32>} : memref<32x1024xf32, #tpu.memory_space<vmem>>, vector<1x16xf32>,
      %get3A_173 = vector.shape_cast %get3A_172 : vector<1x16xf32> to vector<16xf32>
      %get3A_174 = arith.index_cast %scan3A_87 : i32 to index
      %get3A_175 = arith.constant 96 : index
      %get3A_176 = tpu.vector_load %arg8[%get3A_174, %get3A_175] {strides = array<i32>} : memref<32x1024xf32, #tpu.memory_space<vmem>>, vector<1x16xf32>,
      %get3A_177 = vector.shape_cast %get3A_176 : vector<1x16xf32> to vector<16xf32>
      %add3A_178 = arith.addf %get3A_173, %get3A_177 : vector<16xf32>
      %swap3A_179 = arith.index_cast %scan3A_87 : i32 to index
      %swap3A_180 = arith.constant 96 : index
      %swap3A_181 = tpu.vector_load %arg9[%swap3A_179, %swap3A_180] {strides = array<i32>} : memref<32x1024xf32, #tpu.memory_space<vmem>>, vector<1x16xf32>,
      %swap3A_182 = vector.shape_cast %swap3A_181 : vector<1x16xf32> to vector<16xf32>
      %swap3A_183 = vector.shape_cast %add3A_178 : vector<16xf32> to vector<1x16xf32>
      tpu.vector_store %arg9[%swap3A_179, %swap3A_180], %swap3A_183 {strides = array<i32>} : memref<32x1024xf32, #tpu.memory_space<vmem>>, vector<1x16xf32>,
      %get3A_184 = arith.index_cast %scan3A_87 : i32 to index
      %get3A_185 = arith.constant 112 : index
      %get3A_186 = tpu.vector_load %arg7[%get3A_184, %get3A_185] {strides = array<i32>} : memref<32x1024xf32, #tpu.memory_space<vmem>>, vector<1x16xf32>,
      %get3A_187 = vector.shape_cast %get3A_186 : vector<1x16xf32> to vector<16xf32>
      %get3A_188 = arith.index_cast %scan3A_87 : i32 to index
      %get3A_189 = arith.constant 112 : index
      %get3A_190 = tpu.vector_load %arg8[%get3A_188, %get3A_189] {strides = array<i32>} : memref<32x1024xf32, #tpu.memory_space<vmem>>, vector<1x16xf32>,
      %get3A_191 = vector.shape_cast %get3A_190 : vector<1x16xf32> to vector<16xf32>
      %add3A_192 = arith.addf %get3A_187, %get3A_191 : vector<16xf32>
      %swap3A_193 = arith.index_cast %scan3A_87 : i32 to index
      %swap3A_194 = arith.constant 112 : index
      %swap3A_195 = tpu.vector_load %arg9[%swap3A_193, %swap3A_194] {strides = array<i32>} : memref<32x1024xf32, #tpu.memory_space<vmem>>, vector<1x16xf32>,
      %swap3A_196 = vector.shape_cast %swap3A_195 : vector<1x16xf32> to vector<16xf32>
      %swap3A_197 = vector.shape_cast %add3A_192 : vector<16xf32> to vector<1x16xf32>
      tpu.vector_store %arg9[%swap3A_193, %swap3A_194], %swap3A_197 {strides = array<i32>} : memref<32x1024xf32, #tpu.memory_space<vmem>>, vector<1x16xf32>,
      %get3A_198 = arith.index_cast %scan3A_87 : i32 to index
      %get3A_199 = arith.constant 128 : index
      %get3A_200 = tpu.vector_load %arg7[%get3A_198, %get3A_199] {strides = array<i32>} : memref<32x1024xf32, #tpu.memory_space<vmem>>, vector<1x16xf32>,
      %get3A_201 = vector.shape_cast %get3A_200 : vector<1x16xf32> to vector<16xf32>
      %get3A_202 = arith.index_cast %scan3A_87 : i32 to index
      %get3A_203 = arith.constant 128 : index
      %get3A_204 = tpu.vector_load %arg8[%get3A_202, %get3A_203] {strides = array<i32>} : memref<32x1024xf32, #tpu.memory_space<vmem>>, vector<1x16xf32>,
      %get3A_205 = vector.shape_cast %get3A_204 : vector<1x16xf32> to vector<16xf32>
      %add3A_206 = arith.addf %get3A_201, %get3A_205 : vector<16xf32>
      %swap3A_207 = arith.index_cast %scan3A_87 : i32 to index
      %swap3A_208 = arith.constant 128 : index
      %swap3A_209 = tpu.vector_load %arg9[%swap3A_207, %swap3A_208] {strides = array<i32>} : memref<32x1024xf32, #tpu.memory_space<vmem>>, vector<1x16xf32>,
      %swap3A_210 = vector.shape_cast %swap3A_209 : vector<1x16xf32> to vector<16xf32>
      %swap3A_211 = vector.shape_cast %add3A_206 : vector<16xf32> to vector<1x16xf32>
      tpu.vector_store %arg9[%swap3A_207, %swap3A_208], %swap3A_211 {strides = array<i32>} : memref<32x1024xf32, #tpu.memory_space<vmem>>, vector<1x16xf32>,
      %get3A_212 = arith.index_cast %scan3A_87 : i32 to index
      %get3A_213 = arith.constant 144 : index
      %get3A_214 = tpu.vector_load %arg7[%get3A_212, %get3A_213] {strides = array<i32>} : memref<32x1024xf32, #tpu.memory_space<vmem>>, vector<1x16xf32>,
      %get3A_215 = vector.shape_cast %get3A_214 : vector<1x16xf32> to vector<16xf32>
      %get3A_216 = arith.index_cast %scan3A_87 : i32 to index
      %get3A_217 = arith.constant 144 : index
      %get3A_218 = tpu.vector_load %arg8[%get3A_216, %get3A_217] {strides = array<i32>} : memref<32x1024xf32, #tpu.memory_space<vmem>>, vector<1x16xf32>,
      %get3A_219 = vector.shape_cast %get3A_218 : vector<1x16xf32> to vector<16xf32>
      %add3A_220 = arith.addf %get3A_215, %get3A_219 : vector<16xf32>
      %swap3A_221 = arith.index_cast %scan3A_87 : i32 to index
      %swap3A_222 = arith.constant 144 : index
      %swap3A_223 = tpu.vector_load %arg9[%swap3A_221, %swap3A_222] {strides = array<i32>} : memref<32x1024xf32, #tpu.memory_space<vmem>>, vector<1x16xf32>,
      %swap3A_224 = vector.shape_cast %swap3A_223 : vector<1x16xf32> to vector<16xf32>
      %swap3A_225 = vector.shape_cast %add3A_220 : vector<16xf32> to vector<1x16xf32>
      tpu.vector_store %arg9[%swap3A_221, %swap3A_222], %swap3A_225 {strides = array<i32>} : memref<32x1024xf32, #tpu.memory_space<vmem>>, vector<1x16xf32>,
      %get3A_226 = arith.index_cast %scan3A_87 : i32 to index
      %get3A_227 = arith.constant 160 : index
      %get3A_228 = tpu.vector_load %arg7[%get3A_226, %get3A_227] {strides = array<i32>} : memref<32x1024xf32, #tpu.memory_space<vmem>>, vector<1x16xf32>,
      %get3A_229 = vector.shape_cast %get3A_228 : vector<1x16xf32> to vector<16xf32>
      %get3A_230 = arith.index_cast %scan3A_87 : i32 to index
      %get3A_231 = arith.constant 160 : index
      %get3A_232 = tpu.vector_load %arg8[%get3A_230, %get3A_231] {strides = array<i32>} : memref<32x1024xf32, #tpu.memory_space<vmem>>, vector<1x16xf32>,
      %get3A_233 = vector.shape_cast %get3A_232 : vector<1x16xf32> to vector<16xf32>
      %add3A_234 = arith.addf %get3A_229, %get3A_233 : vector<16xf32>
      %swap3A_235 = arith.index_cast %scan3A_87 : i32 to index
      %swap3A_236 = arith.constant 160 : index
      %swap3A_237 = tpu.vector_load %arg9[%swap3A_235, %swap3A_236] {strides = array<i32>} : memref<32x1024xf32, #tpu.memory_space<vmem>>, vector<1x16xf32>,
      %swap3A_238 = vector.shape_cast %swap3A_237 : vector<1x16xf32> to vector<16xf32>
      %swap3A_239 = vector.shape_cast %add3A_234 : vector<16xf32> to vector<1x16xf32>
      tpu.vector_store %arg9[%swap3A_235, %swap3A_236], %swap3A_239 {strides = array<i32>} : memref<32x1024xf32, #tpu.memory_space<vmem>>, vector<1x16xf32>,
      %get3A_240 = arith.index_cast %scan3A_87 : i32 to index
      %get3A_241 = arith.constant 176 : index
      %get3A_242 = tpu.vector_load %arg7[%get3A_240, %get3A_241] {strides = array<i32>} : memref<32x1024xf32, #tpu.memory_space<vmem>>, vector<1x16xf32>,
      %get3A_243 = vector.shape_cast %get3A_242 : vector<1x16xf32> to vector<16xf32>
      %get3A_244 = arith.index_cast %scan3A_87 : i32 to index
      %get3A_245 = arith.constant 176 : index
      %get3A_246 = tpu.vector_load %arg8[%get3A_244, %get3A_245] {strides = array<i32>} : memref<32x1024xf32, #tpu.memory_space<vmem>>, vector<1x16xf32>,
      %get3A_247 = vector.shape_cast %get3A_246 : vector<1x16xf32> to vector<16xf32>
      %add3A_248 = arith.addf %get3A_243, %get3A_247 : vector<16xf32>
      %swap3A_249 = arith.index_cast %scan3A_87 : i32 to index
      %swap3A_250 = arith.constant 176 : index
      %swap3A_251 = tpu.vector_load %arg9[%swap3A_249, %swap3A_250] {strides = array<i32>} : memref<32x1024xf32, #tpu.memory_space<vmem>>, vector<1x16xf32>,
      %swap3A_252 = vector.shape_cast %swap3A_251 : vector<1x16xf32> to vector<16xf32>
      %swap3A_253 = vector.shape_cast %add3A_248 : vector<16xf32> to vector<1x16xf32>
      tpu.vector_store %arg9[%swap3A_249, %swap3A_250], %swap3A_253 {strides = array<i32>} : memref<32x1024xf32, #tpu.memory_space<vmem>>, vector<1x16xf32>,
      %get3A_254 = arith.index_cast %scan3A_87 : i32 to index
      %get3A_255 = arith.constant 192 : index
      %get3A_256 = tpu.vector_load %arg7[%get3A_254, %get3A_255] {strides = array<i32>} : memref<32x1024xf32, #tpu.memory_space<vmem>>, vector<1x16xf32>,
      %get3A_257 = vector.shape_cast %get3A_256 : vector<1x16xf32> to vector<16xf32>
      %get3A_258 = arith.index_cast %scan3A_87 : i32 to index
      %get3A_259 = arith.constant 192 : index
      %get3A_260 = tpu.vector_load %arg8[%get3A_258, %get3A_259] {strides = array<i32>} : memref<32x1024xf32, #tpu.memory_space<vmem>>, vector<1x16xf32>,
      %get3A_261 = vector.shape_cast %get3A_260 : vector<1x16xf32> to vector<16xf32>
      %add3A_262 = arith.addf %get3A_257, %get3A_261 : vector<16xf32>
      %swap3A_263 = arith.index_cast %scan3A_87 : i32 to index
      %swap3A_264 = arith.constant 192 : index
      %swap3A_265 = tpu.vector_load %arg9[%swap3A_263, %swap3A_264] {strides = array<i32>} : memref<32x1024xf32, #tpu.memory_space<vmem>>, vector<1x16xf32>,
      %swap3A_266 = vector.shape_cast %swap3A_265 : vector<1x16xf32> to vector<16xf32>
      %swap3A_267 = vector.shape_cast %add3A_262 : vector<16xf32> to vector<1x16xf32>
      tpu.vector_store %arg9[%swap3A_263, %swap3A_264], %swap3A_267 {strides = array<i32>} : memref<32x1024xf32, #tpu.memory_space<vmem>>, vector<1x16xf32>,
      %get3A_268 = arith.index_cast %scan3A_87 : i32 to index
      %get3A_269 = arith.constant 208 : index
      %get3A_270 = tpu.vector_load %arg7[%get3A_268, %get3A_269] {strides = array<i32>} : memref<32x1024xf32, #tpu.memory_space<vmem>>, vector<1x16xf32>,
      %get3A_271 = vector.shape_cast %get3A_270 : vector<1x16xf32> to vector<16xf32>
      %get3A_272 = arith.index_cast %scan3A_87 : i32 to index
      %get3A_273 = arith.constant 208 : index
      %get3A_274 = tpu.vector_load %arg8[%get3A_272, %get3A_273] {strides = array<i32>} : memref<32x1024xf32, #tpu.memory_space<vmem>>, vector<1x16xf32>,
      %get3A_275 = vector.shape_cast %get3A_274 : vector<1x16xf32> to vector<16xf32>
      %add3A_276 = arith.addf %get3A_271, %get3A_275 : vector<16xf32>
      %swap3A_277 = arith.index_cast %scan3A_87 : i32 to index
      %swap3A_278 = arith.constant 208 : index
      %swap3A_279 = tpu.vector_load %arg9[%swap3A_277, %swap3A_278] {strides = array<i32>} : memref<32x1024xf32, #tpu.memory_space<vmem>>, vector<1x16xf32>,
      %swap3A_280 = vector.shape_cast %swap3A_279 : vector<1x16xf32> to vector<16xf32>
      %swap3A_281 = vector.shape_cast %add3A_276 : vector<16xf32> to vector<1x16xf32>
      tpu.vector_store %arg9[%swap3A_277, %swap3A_278], %swap3A_281 {strides = array<i32>} : memref<32x1024xf32, #tpu.memory_space<vmem>>, vector<1x16xf32>,
      %get3A_282 = arith.index_cast %scan3A_87 : i32 to index
      %get3A_283 = arith.constant 224 : index
      %get3A_284 = tpu.vector_load %arg7[%get3A_282, %get3A_283] {strides = array<i32>} : memref<32x1024xf32, #tpu.memory_space<vmem>>, vector<1x16xf32>,
      %get3A_285 = vector.shape_cast %get3A_284 : vector<1x16xf32> to vector<16xf32>
      %get3A_286 = arith.index_cast %scan3A_87 : i32 to index
      %get3A_287 = arith.constant 224 : index
      %get3A_288 = tpu.vector_load %arg8[%get3A_286, %get3A_287] {strides = array<i32>} : memref<32x1024xf32, #tpu.memory_space<vmem>>, vector<1x16xf32>,
      %get3A_289 = vector.shape_cast %get3A_288 : vector<1x16xf32> to vector<16xf32>
      %add3A_290 = arith.addf %get3A_285, %get3A_289 : vector<16xf32>
      %swap3A_291 = arith.index_cast %scan3A_87 : i32 to index
      %swap3A_292 = arith.constant 224 : index
      %swap3A_293 = tpu.vector_load %arg9[%swap3A_291, %swap3A_292] {strides = array<i32>} : memref<32x1024xf32, #tpu.memory_space<vmem>>, vector<1x16xf32>,
      %swap3A_294 = vector.shape_cast %swap3A_293 : vector<1x16xf32> to vector<16xf32>
      %swap3A_295 = vector.shape_cast %add3A_290 : vector<16xf32> to vector<1x16xf32>
      tpu.vector_store %arg9[%swap3A_291, %swap3A_292], %swap3A_295 {strides = array<i32>} : memref<32x1024xf32, #tpu.memory_space<vmem>>, vector<1x16xf32>,
      %get3A_296 = arith.index_cast %scan3A_87 : i32 to index
      %get3A_297 = arith.constant 240 : index
      %get3A_298 = tpu.vector_load %arg7[%get3A_296, %get3A_297] {strides = array<i32>} : memref<32x1024xf32, #tpu.memory_space<vmem>>, vector<1x16xf32>,
      %get3A_299 = vector.shape_cast %get3A_298 : vector<1x16xf32> to vector<16xf32>
      %get3A_300 = arith.index_cast %scan3A_87 : i32 to index
      %get3A_301 = arith.constant 240 : index
      %get3A_302 = tpu.vector_load %arg8[%get3A_300, %get3A_301] {strides = array<i32>} : memref<32x1024xf32, #tpu.memory_space<vmem>>, vector<1x16xf32>,
      %get3A_303 = vector.shape_cast %get3A_302 : vector<1x16xf32> to vector<16xf32>
      %add3A_304 = arith.addf %get3A_299, %get3A_303 : vector<16xf32>
      %swap3A_305 = arith.index_cast %scan3A_87 : i32 to index
      %swap3A_306 = arith.constant 240 : index
      %swap3A_307 = tpu.vector_load %arg9[%swap3A_305, %swap3A_306] {strides = array<i32>} : memref<32x1024xf32, #tpu.memory_space<vmem>>, vector<1x16xf32>,
      %swap3A_308 = vector.shape_cast %swap3A_307 : vector<1x16xf32> to vector<16xf32>
      %swap3A_309 = vector.shape_cast %add3A_304 : vector<16xf32> to vector<1x16xf32>
      tpu.vector_store %arg9[%swap3A_305, %swap3A_306], %swap3A_309 {strides = array<i32>} : memref<32x1024xf32, #tpu.memory_space<vmem>>, vector<1x16xf32>,
      %get3A_310 = arith.index_cast %scan3A_87 : i32 to index
      %get3A_311 = arith.constant 256 : index
      %get3A_312 = tpu.vector_load %arg7[%get3A_310, %get3A_311] {strides = array<i32>} : memref<32x1024xf32, #tpu.memory_space<vmem>>, vector<1x16xf32>,
      %get3A_313 = vector.shape_cast %get3A_312 : vector<1x16xf32> to vector<16xf32>
      %get3A_314 = arith.index_cast %scan3A_87 : i32 to index
      %get3A_315 = arith.constant 256 : index
      %get3A_316 = tpu.vector_load %arg8[%get3A_314, %get3A_315] {strides = array<i32>} : memref<32x1024xf32, #tpu.memory_space<vmem>>, vector<1x16xf32>,
      %get3A_317 = vector.shape_cast %get3A_316 : vector<1x16xf32> to vector<16xf32>
      %add3A_318 = arith.addf %get3A_313, %get3A_317 : vector<16xf32>
      %swap3A_319 = arith.index_cast %scan3A_87 : i32 to index
      %swap3A_320 = arith.constant 256 : index
      %swap3A_321 = tpu.vector_load %arg9[%swap3A_319, %swap3A_320] {strides = array<i32>} : memref<32x1024xf32, #tpu.memory_space<vmem>>, vector<1x16xf32>,
      %swap3A_322 = vector.shape_cast %swap3A_321 : vector<1x16xf32> to vector<16xf32>
      %swap3A_323 = vector.shape_cast %add3A_318 : vector<16xf32> to vector<1x16xf32>
      tpu.vector_store %arg9[%swap3A_319, %swap3A_320], %swap3A_323 {strides = array<i32>} : memref<32x1024xf32, #tpu.memory_space<vmem>>, vector<1x16xf32>,
      %get3A_324 = arith.index_cast %scan3A_87 : i32 to index
      %get3A_325 = arith.constant 272 : index
      %get3A_326 = tpu.vector_load %arg7[%get3A_324, %get3A_325] {strides = array<i32>} : memref<32x1024xf32, #tpu.memory_space<vmem>>, vector<1x16xf32>,
      %get3A_327 = vector.shape_cast %get3A_326 : vector<1x16xf32> to vector<16xf32>
      %get3A_328 = arith.index_cast %scan3A_87 : i32 to index
      %get3A_329 = arith.constant 272 : index
      %get3A_330 = tpu.vector_load %arg8[%get3A_328, %get3A_329] {strides = array<i32>} : memref<32x1024xf32, #tpu.memory_space<vmem>>, vector<1x16xf32>,
      %get3A_331 = vector.shape_cast %get3A_330 : vector<1x16xf32> to vector<16xf32>
      %add3A_332 = arith.addf %get3A_327, %get3A_331 : vector<16xf32>
      %swap3A_333 = arith.index_cast %scan3A_87 : i32 to index
      %swap3A_334 = arith.constant 272 : index
      %swap3A_335 = tpu.vector_load %arg9[%swap3A_333, %swap3A_334] {strides = array<i32>} : memref<32x1024xf32, #tpu.memory_space<vmem>>, vector<1x16xf32>,
      %swap3A_336 = vector.shape_cast %swap3A_335 : vector<1x16xf32> to vector<16xf32>
      %swap3A_337 = vector.shape_cast %add3A_332 : vector<16xf32> to vector<1x16xf32>
      tpu.vector_store %arg9[%swap3A_333, %swap3A_334], %swap3A_337 {strides = array<i32>} : memref<32x1024xf32, #tpu.memory_space<vmem>>, vector<1x16xf32>,
      %get3A_338 = arith.index_cast %scan3A_87 : i32 to index
      %get3A_339 = arith.constant 288 : index
      %get3A_340 = tpu.vector_load %arg7[%get3A_338, %get3A_339] {strides = array<i32>} : memref<32x1024xf32, #tpu.memory_space<vmem>>, vector<1x16xf32>,
      %get3A_341 = vector.shape_cast %get3A_340 : vector<1x16xf32> to vector<16xf32>
      %get3A_342 = arith.index_cast %scan3A_87 : i32 to index
      %get3A_343 = arith.constant 288 : index
      %get3A_344 = tpu.vector_load %arg8[%get3A_342, %get3A_343] {strides = array<i32>} : memref<32x1024xf32, #tpu.memory_space<vmem>>, vector<1x16xf32>,
      %get3A_345 = vector.shape_cast %get3A_344 : vector<1x16xf32> to vector<16xf32>
      %add3A_346 = arith.addf %get3A_341, %get3A_345 : vector<16xf32>
      %swap3A_347 = arith.index_cast %scan3A_87 : i32 to index
      %swap3A_348 = arith.constant 288 : index
      %swap3A_349 = tpu.vector_load %arg9[%swap3A_347, %swap3A_348] {strides = array<i32>} : memref<32x1024xf32, #tpu.memory_space<vmem>>, vector<1x16xf32>,
      %swap3A_350 = vector.shape_cast %swap3A_349 : vector<1x16xf32> to vector<16xf32>
      %swap3A_351 = vector.shape_cast %add3A_346 : vector<16xf32> to vector<1x16xf32>
      tpu.vector_store %arg9[%swap3A_347, %swap3A_348], %swap3A_351 {strides = array<i32>} : memref<32x1024xf32, #tpu.memory_space<vmem>>, vector<1x16xf32>,
      %get3A_352 = arith.index_cast %scan3A_87 : i32 to index
      %get3A_353 = arith.constant 304 : index
      %get3A_354 = tpu.vector_load %arg7[%get3A_352, %get3A_353] {strides = array<i32>} : memref<32x1024xf32, #tpu.memory_space<vmem>>, vector<1x16xf32>,
      %get3A_355 = vector.shape_cast %get3A_354 : vector<1x16xf32> to vector<16xf32>
      %get3A_356 = arith.index_cast %scan3A_87 : i32 to index
      %get3A_357 = arith.constant 304 : index
      %get3A_358 = tpu.vector_load %arg8[%get3A_356, %get3A_357] {strides = array<i32>} : memref<32x1024xf32, #tpu.memory_space<vmem>>, vector<1x16xf32>,
      %get3A_359 = vector.shape_cast %get3A_358 : vector<1x16xf32> to vector<16xf32>
      %add3A_360 = arith.addf %get3A_355, %get3A_359 : vector<16xf32>
      %swap3A_361 = arith.index_cast %scan3A_87 : i32 to index
      %swap3A_362 = arith.constant 304 : index
      %swap3A_363 = tpu.vector_load %arg9[%swap3A_361, %swap3A_362] {strides = array<i32>} : memref<32x1024xf32, #tpu.memory_space<vmem>>, vector<1x16xf32>,
      %swap3A_364 = vector.shape_cast %swap3A_363 : vector<1x16xf32> to vector<16xf32>
      %swap3A_365 = vector.shape_cast %add3A_360 : vector<16xf32> to vector<1x16xf32>
      tpu.vector_store %arg9[%swap3A_361, %swap3A_362], %swap3A_365 {strides = array<i32>} : memref<32x1024xf32, #tpu.memory_space<vmem>>, vector<1x16xf32>,
      %get3A_366 = arith.index_cast %scan3A_87 : i32 to index
      %get3A_367 = arith.constant 320 : index
      %get3A_368 = tpu.vector_load %arg7[%get3A_366, %get3A_367] {strides = array<i32>} : memref<32x1024xf32, #tpu.memory_space<vmem>>, vector<1x16xf32>,
      %get3A_369 = vector.shape_cast %get3A_368 : vector<1x16xf32> to vector<16xf32>
      %get3A_370 = arith.index_cast %scan3A_87 : i32 to index
      %get3A_371 = arith.constant 320 : index
      %get3A_372 = tpu.vector_load %arg8[%get3A_370, %get3A_371] {strides = array<i32>} : memref<32x1024xf32, #tpu.memory_space<vmem>>, vector<1x16xf32>,
      %get3A_373 = vector.shape_cast %get3A_372 : vector<1x16xf32> to vector<16xf32>
      %add3A_374 = arith.addf %get3A_369, %get3A_373 : vector<16xf32>
      %swap3A_375 = arith.index_cast %scan3A_87 : i32 to index
      %swap3A_376 = arith.constant 320 : index
      %swap3A_377 = tpu.vector_load %arg9[%swap3A_375, %swap3A_376] {strides = array<i32>} : memref<32x1024xf32, #tpu.memory_space<vmem>>, vector<1x16xf32>,
      %swap3A_378 = vector.shape_cast %swap3A_377 : vector<1x16xf32> to vector<16xf32>
      %swap3A_379 = vector.shape_cast %add3A_374 : vector<16xf32> to vector<1x16xf32>
      tpu.vector_store %arg9[%swap3A_375, %swap3A_376], %swap3A_379 {strides = array<i32>} : memref<32x1024xf32, #tpu.memory_space<vmem>>, vector<1x16xf32>,
      %get3A_380 = arith.index_cast %scan3A_87 : i32 to index
      %get3A_381 = arith.constant 336 : index
      %get3A_382 = tpu.vector_load %arg7[%get3A_380, %get3A_381] {strides = array<i32>} : memref<32x1024xf32, #tpu.memory_space<vmem>>, vector<1x16xf32>,
      %get3A_383 = vector.shape_cast %get3A_382 : vector<1x16xf32> to vector<16xf32>
      %get3A_384 = arith.index_cast %scan3A_87 : i32 to index
      %get3A_385 = arith.constant 336 : index
      %get3A_386 = tpu.vector_load %arg8[%get3A_384, %get3A_385] {strides = array<i32>} : memref<32x1024xf32, #tpu.memory_space<vmem>>, vector<1x16xf32>,
      %get3A_387 = vector.shape_cast %get3A_386 : vector<1x16xf32> to vector<16xf32>
      %add3A_388 = arith.addf %get3A_383, %get3A_387 : vector<16xf32>
      %swap3A_389 = arith.index_cast %scan3A_87 : i32 to index
      %swap3A_390 = arith.constant 336 : index
      %swap3A_391 = tpu.vector_load %arg9[%swap3A_389, %swap3A_390] {strides = array<i32>} : memref<32x1024xf32, #tpu.memory_space<vmem>>, vector<1x16xf32>,
      %swap3A_392 = vector.shape_cast %swap3A_391 : vector<1x16xf32> to vector<16xf32>
      %swap3A_393 = vector.shape_cast %add3A_388 : vector<16xf32> to vector<1x16xf32>
      tpu.vector_store %arg9[%swap3A_389, %swap3A_390], %swap3A_393 {strides = array<i32>} : memref<32x1024xf32, #tpu.memory_space<vmem>>, vector<1x16xf32>,
      %get3A_394 = arith.index_cast %scan3A_87 : i32 to index
      %get3A_395 = arith.constant 352 : index
      %get3A_396 = tpu.vector_load %arg7[%get3A_394, %get3A_395] {strides = array<i32>} : memref<32x1024xf32, #tpu.memory_space<vmem>>, vector<1x16xf32>,
      %get3A_397 = vector.shape_cast %get3A_396 : vector<1x16xf32> to vector<16xf32>
      %get3A_398 = arith.index_cast %scan3A_87 : i32 to index
      %get3A_399 = arith.constant 352 : index
      %get3A_400 = tpu.vector_load %arg8[%get3A_398, %get3A_399] {strides = array<i32>} : memref<32x1024xf32, #tpu.memory_space<vmem>>, vector<1x16xf32>,
      %get3A_401 = vector.shape_cast %get3A_400 : vector<1x16xf32> to vector<16xf32>
      %add3A_402 = arith.addf %get3A_397, %get3A_401 : vector<16xf32>
      %swap3A_403 = arith.index_cast %scan3A_87 : i32 to index
      %swap3A_404 = arith.constant 352 : index
      %swap3A_405 = tpu.vector_load %arg9[%swap3A_403, %swap3A_404] {strides = array<i32>} : memref<32x1024xf32, #tpu.memory_space<vmem>>, vector<1x16xf32>,
      %swap3A_406 = vector.shape_cast %swap3A_405 : vector<1x16xf32> to vector<16xf32>
      %swap3A_407 = vector.shape_cast %add3A_402 : vector<16xf32> to vector<1x16xf32>
      tpu.vector_store %arg9[%swap3A_403, %swap3A_404], %swap3A_407 {strides = array<i32>} : memref<32x1024xf32, #tpu.memory_space<vmem>>, vector<1x16xf32>,
      %get3A_408 = arith.index_cast %scan3A_87 : i32 to index
      %get3A_409 = arith.constant 368 : index
      %get3A_410 = tpu.vector_load %arg7[%get3A_408, %get3A_409] {strides = array<i32>} : memref<32x1024xf32, #tpu.memory_space<vmem>>, vector<1x16xf32>,
      %get3A_411 = vector.shape_cast %get3A_410 : vector<1x16xf32> to vector<16xf32>
      %get3A_412 = arith.index_cast %scan3A_87 : i32 to index
      %get3A_413 = arith.constant 368 : index
      %get3A_414 = tpu.vector_load %arg8[%get3A_412, %get3A_413] {strides = array<i32>} : memref<32x1024xf32, #tpu.memory_space<vmem>>, vector<1x16xf32>,
      %get3A_415 = vector.shape_cast %get3A_414 : vector<1x16xf32> to vector<16xf32>
      %add3A_416 = arith.addf %get3A_411, %get3A_415 : vector<16xf32>
      %swap3A_417 = arith.index_cast %scan3A_87 : i32 to index
      %swap3A_418 = arith.constant 368 : index
      %swap3A_419 = tpu.vector_load %arg9[%swap3A_417, %swap3A_418] {strides = array<i32>} : memref<32x1024xf32, #tpu.memory_space<vmem>>, vector<1x16xf32>,
      %swap3A_420 = vector.shape_cast %swap3A_419 : vector<1x16xf32> to vector<16xf32>
      %swap3A_421 = vector.shape_cast %add3A_416 : vector<16xf32> to vector<1x16xf32>
      tpu.vector_store %arg9[%swap3A_417, %swap3A_418], %swap3A_421 {strides = array<i32>} : memref<32x1024xf32, #tpu.memory_space<vmem>>, vector<1x16xf32>,
      %get3A_422 = arith.index_cast %scan3A_87 : i32 to index
      %get3A_423 = arith.constant 384 : index
      %get3A_424 = tpu.vector_load %arg7[%get3A_422, %get3A_423] {strides = array<i32>} : memref<32x1024xf32, #tpu.memory_space<vmem>>, vector<1x16xf32>,
      %get3A_425 = vector.shape_cast %get3A_424 : vector<1x16xf32> to vector<16xf32>
      %get3A_426 = arith.index_cast %scan3A_87 : i32 to index
      %get3A_427 = arith.constant 384 : index
      %get3A_428 = tpu.vector_load %arg8[%get3A_426, %get3A_427] {strides = array<i32>} : memref<32x1024xf32, #tpu.memory_space<vmem>>, vector<1x16xf32>,
      %get3A_429 = vector.shape_cast %get3A_428 : vector<1x16xf32> to vector<16xf32>
      %add3A_430 = arith.addf %get3A_425, %get3A_429 : vector<16xf32>
      %swap3A_431 = arith.index_cast %scan3A_87 : i32 to index
      %swap3A_432 = arith.constant 384 : index
      %swap3A_433 = tpu.vector_load %arg9[%swap3A_431, %swap3A_432] {strides = array<i32>} : memref<32x1024xf32, #tpu.memory_space<vmem>>, vector<1x16xf32>,
      %swap3A_434 = vector.shape_cast %swap3A_433 : vector<1x16xf32> to vector<16xf32>
      %swap3A_435 = vector.shape_cast %add3A_430 : vector<16xf32> to vector<1x16xf32>
      tpu.vector_store %arg9[%swap3A_431, %swap3A_432], %swap3A_435 {strides = array<i32>} : memref<32x1024xf32, #tpu.memory_space<vmem>>, vector<1x16xf32>,
      %get3A_436 = arith.index_cast %scan3A_87 : i32 to index
      %get3A_437 = arith.constant 400 : index
      %get3A_438 = tpu.vector_load %arg7[%get3A_436, %get3A_437] {strides = array<i32>} : memref<32x1024xf32, #tpu.memory_space<vmem>>, vector<1x16xf32>,
      %get3A_439 = vector.shape_cast %get3A_438 : vector<1x16xf32> to vector<16xf32>
      %get3A_440 = arith.index_cast %scan3A_87 : i32 to index
      %get3A_441 = arith.constant 400 : index
      %get3A_442 = tpu.vector_load %arg8[%get3A_440, %get3A_441] {strides = array<i32>} : memref<32x1024xf32, #tpu.memory_space<vmem>>, vector<1x16xf32>,
      %get3A_443 = vector.shape_cast %get3A_442 : vector<1x16xf32> to vector<16xf32>
      %add3A_444 = arith.addf %get3A_439, %get3A_443 : vector<16xf32>
      %swap3A_445 = arith.index_cast %scan3A_87 : i32 to index
      %swap3A_446 = arith.constant 400 : index
      %swap3A_447 = tpu.vector_load %arg9[%swap3A_445, %swap3A_446] {strides = array<i32>} : memref<32x1024xf32, #tpu.memory_space<vmem>>, vector<1x16xf32>,
      %swap3A_448 = vector.shape_cast %swap3A_447 : vector<1x16xf32> to vector<16xf32>
      %swap3A_449 = vector.shape_cast %add3A_444 : vector<16xf32> to vector<1x16xf32>
      tpu.vector_store %arg9[%swap3A_445, %swap3A_446], %swap3A_449 {strides = array<i32>} : memref<32x1024xf32, #tpu.memory_space<vmem>>, vector<1x16xf32>,
      %get3A_450 = arith.index_cast %scan3A_87 : i32 to index
      %get3A_451 = arith.constant 416 : index
      %get3A_452 = tpu.vector_load %arg7[%get3A_450, %get3A_451] {strides = array<i32>} : memref<32x1024xf32, #tpu.memory_space<vmem>>, vector<1x16xf32>,
      %get3A_453 = vector.shape_cast %get3A_452 : vector<1x16xf32> to vector<16xf32>
      %get3A_454 = arith.index_cast %scan3A_87 : i32 to index
      %get3A_455 = arith.constant 416 : index
      %get3A_456 = tpu.vector_load %arg8[%get3A_454, %get3A_455] {strides = array<i32>} : memref<32x1024xf32, #tpu.memory_space<vmem>>, vector<1x16xf32>,
      %get3A_457 = vector.shape_cast %get3A_456 : vector<1x16xf32> to vector<16xf32>
      %add3A_458 = arith.addf %get3A_453, %get3A_457 : vector<16xf32>
      %swap3A_459 = arith.index_cast %scan3A_87 : i32 to index
      %swap3A_460 = arith.constant 416 : index
      %swap3A_461 = tpu.vector_load %arg9[%swap3A_459, %swap3A_460] {strides = array<i32>} : memref<32x1024xf32, #tpu.memory_space<vmem>>, vector<1x16xf32>,
      %swap3A_462 = vector.shape_cast %swap3A_461 : vector<1x16xf32> to vector<16xf32>
      %swap3A_463 = vector.shape_cast %add3A_458 : vector<16xf32> to vector<1x16xf32>
      tpu.vector_store %arg9[%swap3A_459, %swap3A_460], %swap3A_463 {strides = array<i32>} : memref<32x1024xf32, #tpu.memory_space<vmem>>, vector<1x16xf32>,
      %get3A_464 = arith.index_cast %scan3A_87 : i32 to index
      %get3A_465 = arith.constant 432 : index
      %get3A_466 = tpu.vector_load %arg7[%get3A_464, %get3A_465] {strides = array<i32>} : memref<32x1024xf32, #tpu.memory_space<vmem>>, vector<1x16xf32>,
      %get3A_467 = vector.shape_cast %get3A_466 : vector<1x16xf32> to vector<16xf32>
      %get3A_468 = arith.index_cast %scan3A_87 : i32 to index
      %get3A_469 = arith.constant 432 : index
      %get3A_470 = tpu.vector_load %arg8[%get3A_468, %get3A_469] {strides = array<i32>} : memref<32x1024xf32, #tpu.memory_space<vmem>>, vector<1x16xf32>,
      %get3A_471 = vector.shape_cast %get3A_470 : vector<1x16xf32> to vector<16xf32>
      %add3A_472 = arith.addf %get3A_467, %get3A_471 : vector<16xf32>
      %swap3A_473 = arith.index_cast %scan3A_87 : i32 to index
      %swap3A_474 = arith.constant 432 : index
      %swap3A_475 = tpu.vector_load %arg9[%swap3A_473, %swap3A_474] {strides = array<i32>} : memref<32x1024xf32, #tpu.memory_space<vmem>>, vector<1x16xf32>,
      %swap3A_476 = vector.shape_cast %swap3A_475 : vector<1x16xf32> to vector<16xf32>
      %swap3A_477 = vector.shape_cast %add3A_472 : vector<16xf32> to vector<1x16xf32>
      tpu.vector_store %arg9[%swap3A_473, %swap3A_474], %swap3A_477 {strides = array<i32>} : memref<32x1024xf32, #tpu.memory_space<vmem>>, vector<1x16xf32>,
      %get3A_478 = arith.index_cast %scan3A_87 : i32 to index
      %get3A_479 = arith.constant 448 : index
      %get3A_480 = tpu.vector_load %arg7[%get3A_478, %get3A_479] {strides = array<i32>} : memref<32x1024xf32, #tpu.memory_space<vmem>>, vector<1x16xf32>,
      %get3A_481 = vector.shape_cast %get3A_480 : vector<1x16xf32> to vector<16xf32>
      %get3A_482 = arith.index_cast %scan3A_87 : i32 to index
      %get3A_483 = arith.constant 448 : index
      %get3A_484 = tpu.vector_load %arg8[%get3A_482, %get3A_483] {strides = array<i32>} : memref<32x1024xf32, #tpu.memory_space<vmem>>, vector<1x16xf32>,
      %get3A_485 = vector.shape_cast %get3A_484 : vector<1x16xf32> to vector<16xf32>
      %add3A_486 = arith.addf %get3A_481, %get3A_485 : vector<16xf32>
      %swap3A_487 = arith.index_cast %scan3A_87 : i32 to index
      %swap3A_488 = arith.constant 448 : index
      %swap3A_489 = tpu.vector_load %arg9[%swap3A_487, %swap3A_488] {strides = array<i32>} : memref<32x1024xf32, #tpu.memory_space<vmem>>, vector<1x16xf32>,
      %swap3A_490 = vector.shape_cast %swap3A_489 : vector<1x16xf32> to vector<16xf32>
      %swap3A_491 = vector.shape_cast %add3A_486 : vector<16xf32> to vector<1x16xf32>
      tpu.vector_store %arg9[%swap3A_487, %swap3A_488], %swap3A_491 {strides = array<i32>} : memref<32x1024xf32, #tpu.memory_space<vmem>>, vector<1x16xf32>,
      %get3A_492 = arith.index_cast %scan3A_87 : i32 to index
      %get3A_493 = arith.constant 464 : index
      %get3A_494 = tpu.vector_load %arg7[%get3A_492, %get3A_493] {strides = array<i32>} : memref<32x1024xf32, #tpu.memory_space<vmem>>, vector<1x16xf32>,
      %get3A_495 = vector.shape_cast %get3A_494 : vector<1x16xf32> to vector<16xf32>
      %get3A_496 = arith.index_cast %scan3A_87 : i32 to index
      %get3A_497 = arith.constant 464 : index
      %get3A_498 = tpu.vector_load %arg8[%get3A_496, %get3A_497] {strides = array<i32>} : memref<32x1024xf32, #tpu.memory_space<vmem>>, vector<1x16xf32>,
      %get3A_499 = vector.shape_cast %get3A_498 : vector<1x16xf32> to vector<16xf32>
      %add3A_500 = arith.addf %get3A_495, %get3A_499 : vector<16xf32>
      %swap3A_501 = arith.index_cast %scan3A_87 : i32 to index
      %swap3A_502 = arith.constant 464 : index
      %swap3A_503 = tpu.vector_load %arg9[%swap3A_501, %swap3A_502] {strides = array<i32>} : memref<32x1024xf32, #tpu.memory_space<vmem>>, vector<1x16xf32>,
      %swap3A_504 = vector.shape_cast %swap3A_503 : vector<1x16xf32> to vector<16xf32>
      %swap3A_505 = vector.shape_cast %add3A_500 : vector<16xf32> to vector<1x16xf32>
      tpu.vector_store %arg9[%swap3A_501, %swap3A_502], %swap3A_505 {strides = array<i32>} : memref<32x1024xf32, #tpu.memory_space<vmem>>, vector<1x16xf32>,
      %get3A_506 = arith.index_cast %scan3A_87 : i32 to index
      %get3A_507 = arith.constant 480 : index
      %get3A_508 = tpu.vector_load %arg7[%get3A_506, %get3A_507] {strides = array<i32>} : memref<32x1024xf32, #tpu.memory_space<vmem>>, vector<1x16xf32>,
      %get3A_509 = vector.shape_cast %get3A_508 : vector<1x16xf32> to vector<16xf32>
      %get3A_510 = arith.index_cast %scan3A_87 : i32 to index
      %get3A_511 = arith.constant 480 : index
      %get3A_512 = tpu.vector_load %arg8[%get3A_510, %get3A_511] {strides = array<i32>} : memref<32x1024xf32, #tpu.memory_space<vmem>>, vector<1x16xf32>,
      %get3A_513 = vector.shape_cast %get3A_512 : vector<1x16xf32> to vector<16xf32>
      %add3A_514 = arith.addf %get3A_509, %get3A_513 : vector<16xf32>
      %swap3A_515 = arith.index_cast %scan3A_87 : i32 to index
      %swap3A_516 = arith.constant 480 : index
      %swap3A_517 = tpu.vector_load %arg9[%swap3A_515, %swap3A_516] {strides = array<i32>} : memref<32x1024xf32, #tpu.memory_space<vmem>>, vector<1x16xf32>,
      %swap3A_518 = vector.shape_cast %swap3A_517 : vector<1x16xf32> to vector<16xf32>
      %swap3A_519 = vector.shape_cast %add3A_514 : vector<16xf32> to vector<1x16xf32>
      tpu.vector_store %arg9[%swap3A_515, %swap3A_516], %swap3A_519 {strides = array<i32>} : memref<32x1024xf32, #tpu.memory_space<vmem>>, vector<1x16xf32>,
      %get3A_520 = arith.index_cast %scan3A_87 : i32 to index
      %get3A_521 = arith.constant 496 : index
      %get3A_522 = tpu.vector_load %arg7[%get3A_520, %get3A_521] {strides = array<i32>} : memref<32x1024xf32, #tpu.memory_space<vmem>>, vector<1x16xf32>,
      %get3A_523 = vector.shape_cast %get3A_522 : vector<1x16xf32> to vector<16xf32>
      %get3A_524 = arith.index_cast %scan3A_87 : i32 to index
      %get3A_525 = arith.constant 496 : index
      %get3A_526 = tpu.vector_load %arg8[%get3A_524, %get3A_525] {strides = array<i32>} : memref<32x1024xf32, #tpu.memory_space<vmem>>, vector<1x16xf32>,
      %get3A_527 = vector.shape_cast %get3A_526 : vector<1x16xf32> to vector<16xf32>
      %add3A_528 = arith.addf %get3A_523, %get3A_527 : vector<16xf32>
      %swap3A_529 = arith.index_cast %scan3A_87 : i32 to index
      %swap3A_530 = arith.constant 496 : index
      %swap3A_531 = tpu.vector_load %arg9[%swap3A_529, %swap3A_530] {strides = array<i32>} : memref<32x1024xf32, #tpu.memory_space<vmem>>, vector<1x16xf32>,
      %swap3A_532 = vector.shape_cast %swap3A_531 : vector<1x16xf32> to vector<16xf32>
      %swap3A_533 = vector.shape_cast %add3A_528 : vector<16xf32> to vector<1x16xf32>
      tpu.vector_store %arg9[%swap3A_529, %swap3A_530], %swap3A_533 {strides = array<i32>} : memref<32x1024xf32, #tpu.memory_space<vmem>>, vector<1x16xf32>,
      %get3A_534 = arith.index_cast %scan3A_87 : i32 to index
      %get3A_535 = arith.constant 512 : index
      %get3A_536 = tpu.vector_load %arg7[%get3A_534, %get3A_535] {strides = array<i32>} : memref<32x1024xf32, #tpu.memory_space<vmem>>, vector<1x16xf32>,
      %get3A_537 = vector.shape_cast %get3A_536 : vector<1x16xf32> to vector<16xf32>
      %get3A_538 = arith.index_cast %scan3A_87 : i32 to index
      %get3A_539 = arith.constant 512 : index
      %get3A_540 = tpu.vector_load %arg8[%get3A_538, %get3A_539] {strides = array<i32>} : memref<32x1024xf32, #tpu.memory_space<vmem>>, vector<1x16xf32>,
      %get3A_541 = vector.shape_cast %get3A_540 : vector<1x16xf32> to vector<16xf32>
      %add3A_542 = arith.addf %get3A_537, %get3A_541 : vector<16xf32>
      %swap3A_543 = arith.index_cast %scan3A_87 : i32 to index
      %swap3A_544 = arith.constant 512 : index
      %swap3A_545 = tpu.vector_load %arg9[%swap3A_543, %swap3A_544] {strides = array<i32>} : memref<32x1024xf32, #tpu.memory_space<vmem>>, vector<1x16xf32>,
      %swap3A_546 = vector.shape_cast %swap3A_545 : vector<1x16xf32> to vector<16xf32>
      %swap3A_547 = vector.shape_cast %add3A_542 : vector<16xf32> to vector<1x16xf32>
      tpu.vector_store %arg9[%swap3A_543, %swap3A_544], %swap3A_547 {strides = array<i32>} : memref<32x1024xf32, #tpu.memory_space<vmem>>, vector<1x16xf32>,
      %get3A_548 = arith.index_cast %scan3A_87 : i32 to index
      %get3A_549 = arith.constant 528 : index
      %get3A_550 = tpu.vector_load %arg7[%get3A_548, %get3A_549] {strides = array<i32>} : memref<32x1024xf32, #tpu.memory_space<vmem>>, vector<1x16xf32>,
      %get3A_551 = vector.shape_cast %get3A_550 : vector<1x16xf32> to vector<16xf32>
      %get3A_552 = arith.index_cast %scan3A_87 : i32 to index
      %get3A_553 = arith.constant 528 : index
      %get3A_554 = tpu.vector_load %arg8[%get3A_552, %get3A_553] {strides = array<i32>} : memref<32x1024xf32, #tpu.memory_space<vmem>>, vector<1x16xf32>,
      %get3A_555 = vector.shape_cast %get3A_554 : vector<1x16xf32> to vector<16xf32>
      %add3A_556 = arith.addf %get3A_551, %get3A_555 : vector<16xf32>
      %swap3A_557 = arith.index_cast %scan3A_87 : i32 to index
      %swap3A_558 = arith.constant 528 : index
      %swap3A_559 = tpu.vector_load %arg9[%swap3A_557, %swap3A_558] {strides = array<i32>} : memref<32x1024xf32, #tpu.memory_space<vmem>>, vector<1x16xf32>,
      %swap3A_560 = vector.shape_cast %swap3A_559 : vector<1x16xf32> to vector<16xf32>
      %swap3A_561 = vector.shape_cast %add3A_556 : vector<16xf32> to vector<1x16xf32>
      tpu.vector_store %arg9[%swap3A_557, %swap3A_558], %swap3A_561 {strides = array<i32>} : memref<32x1024xf32, #tpu.memory_space<vmem>>, vector<1x16xf32>,
      %get3A_562 = arith.index_cast %scan3A_87 : i32 to index
      %get3A_563 = arith.constant 544 : index
      %get3A_564 = tpu.vector_load %arg7[%get3A_562, %get3A_563] {strides = array<i32>} : memref<32x1024xf32, #tpu.memory_space<vmem>>, vector<1x16xf32>,
      %get3A_565 = vector.shape_cast %get3A_564 : vector<1x16xf32> to vector<16xf32>
      %get3A_566 = arith.index_cast %scan3A_87 : i32 to index
      %get3A_567 = arith.constant 544 : index
      %get3A_568 = tpu.vector_load %arg8[%get3A_566, %get3A_567] {strides = array<i32>} : memref<32x1024xf32, #tpu.memory_space<vmem>>, vector<1x16xf32>,
      %get3A_569 = vector.shape_cast %get3A_568 : vector<1x16xf32> to vector<16xf32>
      %add3A_570 = arith.addf %get3A_565, %get3A_569 : vector<16xf32>
      %swap3A_571 = arith.index_cast %scan3A_87 : i32 to index
      %swap3A_572 = arith.constant 544 : index
      %swap3A_573 = tpu.vector_load %arg9[%swap3A_571, %swap3A_572] {strides = array<i32>} : memref<32x1024xf32, #tpu.memory_space<vmem>>, vector<1x16xf32>,
      %swap3A_574 = vector.shape_cast %swap3A_573 : vector<1x16xf32> to vector<16xf32>
      %swap3A_575 = vector.shape_cast %add3A_570 : vector<16xf32> to vector<1x16xf32>
      tpu.vector_store %arg9[%swap3A_571, %swap3A_572], %swap3A_575 {strides = array<i32>} : memref<32x1024xf32, #tpu.memory_space<vmem>>, vector<1x16xf32>,
      %get3A_576 = arith.index_cast %scan3A_87 : i32 to index
      %get3A_577 = arith.constant 560 : index
      %get3A_578 = tpu.vector_load %arg7[%get3A_576, %get3A_577] {strides = array<i32>} : memref<32x1024xf32, #tpu.memory_space<vmem>>, vector<1x16xf32>,
      %get3A_579 = vector.shape_cast %get3A_578 : vector<1x16xf32> to vector<16xf32>
      %get3A_580 = arith.index_cast %scan3A_87 : i32 to index
      %get3A_581 = arith.constant 560 : index
      %get3A_582 = tpu.vector_load %arg8[%get3A_580, %get3A_581] {strides = array<i32>} : memref<32x1024xf32, #tpu.memory_space<vmem>>, vector<1x16xf32>,
      %get3A_583 = vector.shape_cast %get3A_582 : vector<1x16xf32> to vector<16xf32>
      %add3A_584 = arith.addf %get3A_579, %get3A_583 : vector<16xf32>
      %swap3A_585 = arith.index_cast %scan3A_87 : i32 to index
      %swap3A_586 = arith.constant 560 : index
      %swap3A_587 = tpu.vector_load %arg9[%swap3A_585, %swap3A_586] {strides = array<i32>} : memref<32x1024xf32, #tpu.memory_space<vmem>>, vector<1x16xf32>,
      %swap3A_588 = vector.shape_cast %swap3A_587 : vector<1x16xf32> to vector<16xf32>
      %swap3A_589 = vector.shape_cast %add3A_584 : vector<16xf32> to vector<1x16xf32>
      tpu.vector_store %arg9[%swap3A_585, %swap3A_586], %swap3A_589 {strides = array<i32>} : memref<32x1024xf32, #tpu.memory_space<vmem>>, vector<1x16xf32>,
      %get3A_590 = arith.index_cast %scan3A_87 : i32 to index
      %get3A_591 = arith.constant 576 : index
      %get3A_592 = tpu.vector_load %arg7[%get3A_590, %get3A_591] {strides = array<i32>} : memref<32x1024xf32, #tpu.memory_space<vmem>>, vector<1x16xf32>,
      %get3A_593 = vector.shape_cast %get3A_592 : vector<1x16xf32> to vector<16xf32>
      %get3A_594 = arith.index_cast %scan3A_87 : i32 to index
      %get3A_595 = arith.constant 576 : index
      %get3A_596 = tpu.vector_load %arg8[%get3A_594, %get3A_595] {strides = array<i32>} : memref<32x1024xf32, #tpu.memory_space<vmem>>, vector<1x16xf32>,
      %get3A_597 = vector.shape_cast %get3A_596 : vector<1x16xf32> to vector<16xf32>
      %add3A_598 = arith.addf %get3A_593, %get3A_597 : vector<16xf32>
      %swap3A_599 = arith.index_cast %scan3A_87 : i32 to index
      %swap3A_600 = arith.constant 576 : index
      %swap3A_601 = tpu.vector_load %arg9[%swap3A_599, %swap3A_600] {strides = array<i32>} : memref<32x1024xf32, #tpu.memory_space<vmem>>, vector<1x16xf32>,
      %swap3A_602 = vector.shape_cast %swap3A_601 : vector<1x16xf32> to vector<16xf32>
      %swap3A_603 = vector.shape_cast %add3A_598 : vector<16xf32> to vector<1x16xf32>
      tpu.vector_store %arg9[%swap3A_599, %swap3A_600], %swap3A_603 {strides = array<i32>} : memref<32x1024xf32, #tpu.memory_space<vmem>>, vector<1x16xf32>,
      %get3A_604 = arith.index_cast %scan3A_87 : i32 to index
      %get3A_605 = arith.constant 592 : index
      %get3A_606 = tpu.vector_load %arg7[%get3A_604, %get3A_605] {strides = array<i32>} : memref<32x1024xf32, #tpu.memory_space<vmem>>, vector<1x16xf32>,
      %get3A_607 = vector.shape_cast %get3A_606 : vector<1x16xf32> to vector<16xf32>
      %get3A_608 = arith.index_cast %scan3A_87 : i32 to index
      %get3A_609 = arith.constant 592 : index
      %get3A_610 = tpu.vector_load %arg8[%get3A_608, %get3A_609] {strides = array<i32>} : memref<32x1024xf32, #tpu.memory_space<vmem>>, vector<1x16xf32>,
      %get3A_611 = vector.shape_cast %get3A_610 : vector<1x16xf32> to vector<16xf32>
      %add3A_612 = arith.addf %get3A_607, %get3A_611 : vector<16xf32>
      %swap3A_613 = arith.index_cast %scan3A_87 : i32 to index
      %swap3A_614 = arith.constant 592 : index
      %swap3A_615 = tpu.vector_load %arg9[%swap3A_613, %swap3A_614] {strides = array<i32>} : memref<32x1024xf32, #tpu.memory_space<vmem>>, vector<1x16xf32>,
      %swap3A_616 = vector.shape_cast %swap3A_615 : vector<1x16xf32> to vector<16xf32>
      %swap3A_617 = vector.shape_cast %add3A_612 : vector<16xf32> to vector<1x16xf32>
      tpu.vector_store %arg9[%swap3A_613, %swap3A_614], %swap3A_617 {strides = array<i32>} : memref<32x1024xf32, #tpu.memory_space<vmem>>, vector<1x16xf32>,
      %get3A_618 = arith.index_cast %scan3A_87 : i32 to index
      %get3A_619 = arith.constant 608 : index
      %get3A_620 = tpu.vector_load %arg7[%get3A_618, %get3A_619] {strides = array<i32>} : memref<32x1024xf32, #tpu.memory_space<vmem>>, vector<1x16xf32>,
      %get3A_621 = vector.shape_cast %get3A_620 : vector<1x16xf32> to vector<16xf32>
      %get3A_622 = arith.index_cast %scan3A_87 : i32 to index
      %get3A_623 = arith.constant 608 : index
      %get3A_624 = tpu.vector_load %arg8[%get3A_622, %get3A_623] {strides = array<i32>} : memref<32x1024xf32, #tpu.memory_space<vmem>>, vector<1x16xf32>,
      %get3A_625 = vector.shape_cast %get3A_624 : vector<1x16xf32> to vector<16xf32>
      %add3A_626 = arith.addf %get3A_621, %get3A_625 : vector<16xf32>
      %swap3A_627 = arith.index_cast %scan3A_87 : i32 to index
      %swap3A_628 = arith.constant 608 : index
      %swap3A_629 = tpu.vector_load %arg9[%swap3A_627, %swap3A_628] {strides = array<i32>} : memref<32x1024xf32, #tpu.memory_space<vmem>>, vector<1x16xf32>,
      %swap3A_630 = vector.shape_cast %swap3A_629 : vector<1x16xf32> to vector<16xf32>
      %swap3A_631 = vector.shape_cast %add3A_626 : vector<16xf32> to vector<1x16xf32>
      tpu.vector_store %arg9[%swap3A_627, %swap3A_628], %swap3A_631 {strides = array<i32>} : memref<32x1024xf32, #tpu.memory_space<vmem>>, vector<1x16xf32>,
      %get3A_632 = arith.index_cast %scan3A_87 : i32 to index
      %get3A_633 = arith.constant 624 : index
      %get3A_634 = tpu.vector_load %arg7[%get3A_632, %get3A_633] {strides = array<i32>} : memref<32x1024xf32, #tpu.memory_space<vmem>>, vector<1x16xf32>,
      %get3A_635 = vector.shape_cast %get3A_634 : vector<1x16xf32> to vector<16xf32>
      %get3A_636 = arith.index_cast %scan3A_87 : i32 to index
      %get3A_637 = arith.constant 624 : index
      %get3A_638 = tpu.vector_load %arg8[%get3A_636, %get3A_637] {strides = array<i32>} : memref<32x1024xf32, #tpu.memory_space<vmem>>, vector<1x16xf32>,
      %get3A_639 = vector.shape_cast %get3A_638 : vector<1x16xf32> to vector<16xf32>
      %add3A_640 = arith.addf %get3A_635, %get3A_639 : vector<16xf32>
      %swap3A_641 = arith.index_cast %scan3A_87 : i32 to index
      %swap3A_642 = arith.constant 624 : index
      %swap3A_643 = tpu.vector_load %arg9[%swap3A_641, %swap3A_642] {strides = array<i32>} : memref<32x1024xf32, #tpu.memory_space<vmem>>, vector<1x16xf32>,
      %swap3A_644 = vector.shape_cast %swap3A_643 : vector<1x16xf32> to vector<16xf32>
      %swap3A_645 = vector.shape_cast %add3A_640 : vector<16xf32> to vector<1x16xf32>
      tpu.vector_store %arg9[%swap3A_641, %swap3A_642], %swap3A_645 {strides = array<i32>} : memref<32x1024xf32, #tpu.memory_space<vmem>>, vector<1x16xf32>,
      %get3A_646 = arith.index_cast %scan3A_87 : i32 to index
      %get3A_647 = arith.constant 640 : index
      %get3A_648 = tpu.vector_load %arg7[%get3A_646, %get3A_647] {strides = array<i32>} : memref<32x1024xf32, #tpu.memory_space<vmem>>, vector<1x16xf32>,
      %get3A_649 = vector.shape_cast %get3A_648 : vector<1x16xf32> to vector<16xf32>
      %get3A_650 = arith.index_cast %scan3A_87 : i32 to index
      %get3A_651 = arith.constant 640 : index
      %get3A_652 = tpu.vector_load %arg8[%get3A_650, %get3A_651] {strides = array<i32>} : memref<32x1024xf32, #tpu.memory_space<vmem>>, vector<1x16xf32>,
      %get3A_653 = vector.shape_cast %get3A_652 : vector<1x16xf32> to vector<16xf32>
      %add3A_654 = arith.addf %get3A_649, %get3A_653 : vector<16xf32>
      %swap3A_655 = arith.index_cast %scan3A_87 : i32 to index
      %swap3A_656 = arith.constant 640 : index
      %swap3A_657 = tpu.vector_load %arg9[%swap3A_655, %swap3A_656] {strides = array<i32>} : memref<32x1024xf32, #tpu.memory_space<vmem>>, vector<1x16xf32>,
      %swap3A_658 = vector.shape_cast %swap3A_657 : vector<1x16xf32> to vector<16xf32>
      %swap3A_659 = vector.shape_cast %add3A_654 : vector<16xf32> to vector<1x16xf32>
      tpu.vector_store %arg9[%swap3A_655, %swap3A_656], %swap3A_659 {strides = array<i32>} : memref<32x1024xf32, #tpu.memory_space<vmem>>, vector<1x16xf32>,
      %get3A_660 = arith.index_cast %scan3A_87 : i32 to index
      %get3A_661 = arith.constant 656 : index
      %get3A_662 = tpu.vector_load %arg7[%get3A_660, %get3A_661] {strides = array<i32>} : memref<32x1024xf32, #tpu.memory_space<vmem>>, vector<1x16xf32>,
      %get3A_663 = vector.shape_cast %get3A_662 : vector<1x16xf32> to vector<16xf32>
      %get3A_664 = arith.index_cast %scan3A_87 : i32 to index
      %get3A_665 = arith.constant 656 : index
      %get3A_666 = tpu.vector_load %arg8[%get3A_664, %get3A_665] {strides = array<i32>} : memref<32x1024xf32, #tpu.memory_space<vmem>>, vector<1x16xf32>,
      %get3A_667 = vector.shape_cast %get3A_666 : vector<1x16xf32> to vector<16xf32>
      %add3A_668 = arith.addf %get3A_663, %get3A_667 : vector<16xf32>
      %swap3A_669 = arith.index_cast %scan3A_87 : i32 to index
      %swap3A_670 = arith.constant 656 : index
      %swap3A_671 = tpu.vector_load %arg9[%swap3A_669, %swap3A_670] {strides = array<i32>} : memref<32x1024xf32, #tpu.memory_space<vmem>>, vector<1x16xf32>,
      %swap3A_672 = vector.shape_cast %swap3A_671 : vector<1x16xf32> to vector<16xf32>
      %swap3A_673 = vector.shape_cast %add3A_668 : vector<16xf32> to vector<1x16xf32>
      tpu.vector_store %arg9[%swap3A_669, %swap3A_670], %swap3A_673 {strides = array<i32>} : memref<32x1024xf32, #tpu.memory_space<vmem>>, vector<1x16xf32>,
      %get3A_674 = arith.index_cast %scan3A_87 : i32 to index
      %get3A_675 = arith.constant 672 : index
      %get3A_676 = tpu.vector_load %arg7[%get3A_674, %get3A_675] {strides = array<i32>} : memref<32x1024xf32, #tpu.memory_space<vmem>>, vector<1x16xf32>,
      %get3A_677 = vector.shape_cast %get3A_676 : vector<1x16xf32> to vector<16xf32>
      %get3A_678 = arith.index_cast %scan3A_87 : i32 to index
      %get3A_679 = arith.constant 672 : index
      %get3A_680 = tpu.vector_load %arg8[%get3A_678, %get3A_679] {strides = array<i32>} : memref<32x1024xf32, #tpu.memory_space<vmem>>, vector<1x16xf32>,
      %get3A_681 = vector.shape_cast %get3A_680 : vector<1x16xf32> to vector<16xf32>
      %add3A_682 = arith.addf %get3A_677, %get3A_681 : vector<16xf32>
      %swap3A_683 = arith.index_cast %scan3A_87 : i32 to index
      %swap3A_684 = arith.constant 672 : index
      %swap3A_685 = tpu.vector_load %arg9[%swap3A_683, %swap3A_684] {strides = array<i32>} : memref<32x1024xf32, #tpu.memory_space<vmem>>, vector<1x16xf32>,
      %swap3A_686 = vector.shape_cast %swap3A_685 : vector<1x16xf32> to vector<16xf32>
      %swap3A_687 = vector.shape_cast %add3A_682 : vector<16xf32> to vector<1x16xf32>
      tpu.vector_store %arg9[%swap3A_683, %swap3A_684], %swap3A_687 {strides = array<i32>} : memref<32x1024xf32, #tpu.memory_space<vmem>>, vector<1x16xf32>,
      %get3A_688 = arith.index_cast %scan3A_87 : i32 to index
      %get3A_689 = arith.constant 688 : index
      %get3A_690 = tpu.vector_load %arg7[%get3A_688, %get3A_689] {strides = array<i32>} : memref<32x1024xf32, #tpu.memory_space<vmem>>, vector<1x16xf32>,
      %get3A_691 = vector.shape_cast %get3A_690 : vector<1x16xf32> to vector<16xf32>
      %get3A_692 = arith.index_cast %scan3A_87 : i32 to index
      %get3A_693 = arith.constant 688 : index
      %get3A_694 = tpu.vector_load %arg8[%get3A_692, %get3A_693] {strides = array<i32>} : memref<32x1024xf32, #tpu.memory_space<vmem>>, vector<1x16xf32>,
      %get3A_695 = vector.shape_cast %get3A_694 : vector<1x16xf32> to vector<16xf32>
      %add3A_696 = arith.addf %get3A_691, %get3A_695 : vector<16xf32>
      %swap3A_697 = arith.index_cast %scan3A_87 : i32 to index
      %swap3A_698 = arith.constant 688 : index
      %swap3A_699 = tpu.vector_load %arg9[%swap3A_697, %swap3A_698] {strides = array<i32>} : memref<32x1024xf32, #tpu.memory_space<vmem>>, vector<1x16xf32>,
      %swap3A_700 = vector.shape_cast %swap3A_699 : vector<1x16xf32> to vector<16xf32>
      %swap3A_701 = vector.shape_cast %add3A_696 : vector<16xf32> to vector<1x16xf32>
      tpu.vector_store %arg9[%swap3A_697, %swap3A_698], %swap3A_701 {strides = array<i32>} : memref<32x1024xf32, #tpu.memory_space<vmem>>, vector<1x16xf32>,
      %get3A_702 = arith.index_cast %scan3A_87 : i32 to index
      %get3A_703 = arith.constant 704 : index
      %get3A_704 = tpu.vector_load %arg7[%get3A_702, %get3A_703] {strides = array<i32>} : memref<32x1024xf32, #tpu.memory_space<vmem>>, vector<1x16xf32>,
      %get3A_705 = vector.shape_cast %get3A_704 : vector<1x16xf32> to vector<16xf32>
      %get3A_706 = arith.index_cast %scan3A_87 : i32 to index
      %get3A_707 = arith.constant 704 : index
      %get3A_708 = tpu.vector_load %arg8[%get3A_706, %get3A_707] {strides = array<i32>} : memref<32x1024xf32, #tpu.memory_space<vmem>>, vector<1x16xf32>,
      %get3A_709 = vector.shape_cast %get3A_708 : vector<1x16xf32> to vector<16xf32>
      %add3A_710 = arith.addf %get3A_705, %get3A_709 : vector<16xf32>
      %swap3A_711 = arith.index_cast %scan3A_87 : i32 to index
      %swap3A_712 = arith.constant 704 : index
      %swap3A_713 = tpu.vector_load %arg9[%swap3A_711, %swap3A_712] {strides = array<i32>} : memref<32x1024xf32, #tpu.memory_space<vmem>>, vector<1x16xf32>,
      %swap3A_714 = vector.shape_cast %swap3A_713 : vector<1x16xf32> to vector<16xf32>
      %swap3A_715 = vector.shape_cast %add3A_710 : vector<16xf32> to vector<1x16xf32>
      tpu.vector_store %arg9[%swap3A_711, %swap3A_712], %swap3A_715 {strides = array<i32>} : memref<32x1024xf32, #tpu.memory_space<vmem>>, vector<1x16xf32>,
      %get3A_716 = arith.index_cast %scan3A_87 : i32 to index
      %get3A_717 = arith.constant 720 : index
      %get3A_718 = tpu.vector_load %arg7[%get3A_716, %get3A_717] {strides = array<i32>} : memref<32x1024xf32, #tpu.memory_space<vmem>>, vector<1x16xf32>,
      %get3A_719 = vector.shape_cast %get3A_718 : vector<1x16xf32> to vector<16xf32>
      %get3A_720 = arith.index_cast %scan3A_87 : i32 to index
      %get3A_721 = arith.constant 720 : index
      %get3A_722 = tpu.vector_load %arg8[%get3A_720, %get3A_721] {strides = array<i32>} : memref<32x1024xf32, #tpu.memory_space<vmem>>, vector<1x16xf32>,
      %get3A_723 = vector.shape_cast %get3A_722 : vector<1x16xf32> to vector<16xf32>
      %add3A_724 = arith.addf %get3A_719, %get3A_723 : vector<16xf32>
      %swap3A_725 = arith.index_cast %scan3A_87 : i32 to index
      %swap3A_726 = arith.constant 720 : index
      %swap3A_727 = tpu.vector_load %arg9[%swap3A_725, %swap3A_726] {strides = array<i32>} : memref<32x1024xf32, #tpu.memory_space<vmem>>, vector<1x16xf32>,
      %swap3A_728 = vector.shape_cast %swap3A_727 : vector<1x16xf32> to vector<16xf32>
      %swap3A_729 = vector.shape_cast %add3A_724 : vector<16xf32> to vector<1x16xf32>
      tpu.vector_store %arg9[%swap3A_725, %swap3A_726], %swap3A_729 {strides = array<i32>} : memref<32x1024xf32, #tpu.memory_space<vmem>>, vector<1x16xf32>,
      %get3A_730 = arith.index_cast %scan3A_87 : i32 to index
      %get3A_731 = arith.constant 736 : index
      %get3A_732 = tpu.vector_load %arg7[%get3A_730, %get3A_731] {strides = array<i32>} : memref<32x1024xf32, #tpu.memory_space<vmem>>, vector<1x16xf32>,
      %get3A_733 = vector.shape_cast %get3A_732 : vector<1x16xf32> to vector<16xf32>
      %get3A_734 = arith.index_cast %scan3A_87 : i32 to index
      %get3A_735 = arith.constant 736 : index
      %get3A_736 = tpu.vector_load %arg8[%get3A_734, %get3A_735] {strides = array<i32>} : memref<32x1024xf32, #tpu.memory_space<vmem>>, vector<1x16xf32>,
      %get3A_737 = vector.shape_cast %get3A_736 : vector<1x16xf32> to vector<16xf32>
      %add3A_738 = arith.addf %get3A_733, %get3A_737 : vector<16xf32>
      %swap3A_739 = arith.index_cast %scan3A_87 : i32 to index
      %swap3A_740 = arith.constant 736 : index
      %swap3A_741 = tpu.vector_load %arg9[%swap3A_739, %swap3A_740] {strides = array<i32>} : memref<32x1024xf32, #tpu.memory_space<vmem>>, vector<1x16xf32>,
      %swap3A_742 = vector.shape_cast %swap3A_741 : vector<1x16xf32> to vector<16xf32>
      %swap3A_743 = vector.shape_cast %add3A_738 : vector<16xf32> to vector<1x16xf32>
      tpu.vector_store %arg9[%swap3A_739, %swap3A_740], %swap3A_743 {strides = array<i32>} : memref<32x1024xf32, #tpu.memory_space<vmem>>, vector<1x16xf32>,
      %get3A_744 = arith.index_cast %scan3A_87 : i32 to index
      %get3A_745 = arith.constant 752 : index
      %get3A_746 = tpu.vector_load %arg7[%get3A_744, %get3A_745] {strides = array<i32>} : memref<32x1024xf32, #tpu.memory_space<vmem>>, vector<1x16xf32>,
      %get3A_747 = vector.shape_cast %get3A_746 : vector<1x16xf32> to vector<16xf32>
      %get3A_748 = arith.index_cast %scan3A_87 : i32 to index
      %get3A_749 = arith.constant 752 : index
      %get3A_750 = tpu.vector_load %arg8[%get3A_748, %get3A_749] {strides = array<i32>} : memref<32x1024xf32, #tpu.memory_space<vmem>>, vector<1x16xf32>,
      %get3A_751 = vector.shape_cast %get3A_750 : vector<1x16xf32> to vector<16xf32>
      %add3A_752 = arith.addf %get3A_747, %get3A_751 : vector<16xf32>
      %swap3A_753 = arith.index_cast %scan3A_87 : i32 to index
      %swap3A_754 = arith.constant 752 : index
      %swap3A_755 = tpu.vector_load %arg9[%swap3A_753, %swap3A_754] {strides = array<i32>} : memref<32x1024xf32, #tpu.memory_space<vmem>>, vector<1x16xf32>,
      %swap3A_756 = vector.shape_cast %swap3A_755 : vector<1x16xf32> to vector<16xf32>
      %swap3A_757 = vector.shape_cast %add3A_752 : vector<16xf32> to vector<1x16xf32>
      tpu.vector_store %arg9[%swap3A_753, %swap3A_754], %swap3A_757 {strides = array<i32>} : memref<32x1024xf32, #tpu.memory_space<vmem>>, vector<1x16xf32>,
      %get3A_758 = arith.index_cast %scan3A_87 : i32 to index
      %get3A_759 = arith.constant 768 : index
      %get3A_760 = tpu.vector_load %arg7[%get3A_758, %get3A_759] {strides = array<i32>} : memref<32x1024xf32, #tpu.memory_space<vmem>>, vector<1x16xf32>,
      %get3A_761 = vector.shape_cast %get3A_760 : vector<1x16xf32> to vector<16xf32>
      %get3A_762 = arith.index_cast %scan3A_87 : i32 to index
      %get3A_763 = arith.constant 768 : index
      %get3A_764 = tpu.vector_load %arg8[%get3A_762, %get3A_763] {strides = array<i32>} : memref<32x1024xf32, #tpu.memory_space<vmem>>, vector<1x16xf32>,
      %get3A_765 = vector.shape_cast %get3A_764 : vector<1x16xf32> to vector<16xf32>
      %add3A_766 = arith.addf %get3A_761, %get3A_765 : vector<16xf32>
      %swap3A_767 = arith.index_cast %scan3A_87 : i32 to index
      %swap3A_768 = arith.constant 768 : index
      %swap3A_769 = tpu.vector_load %arg9[%swap3A_767, %swap3A_768] {strides = array<i32>} : memref<32x1024xf32, #tpu.memory_space<vmem>>, vector<1x16xf32>,
      %swap3A_770 = vector.shape_cast %swap3A_769 : vector<1x16xf32> to vector<16xf32>
      %swap3A_771 = vector.shape_cast %add3A_766 : vector<16xf32> to vector<1x16xf32>
      tpu.vector_store %arg9[%swap3A_767, %swap3A_768], %swap3A_771 {strides = array<i32>} : memref<32x1024xf32, #tpu.memory_space<vmem>>, vector<1x16xf32>,
      %get3A_772 = arith.index_cast %scan3A_87 : i32 to index
      %get3A_773 = arith.constant 784 : index
      %get3A_774 = tpu.vector_load %arg7[%get3A_772, %get3A_773] {strides = array<i32>} : memref<32x1024xf32, #tpu.memory_space<vmem>>, vector<1x16xf32>,
      %get3A_775 = vector.shape_cast %get3A_774 : vector<1x16xf32> to vector<16xf32>
      %get3A_776 = arith.index_cast %scan3A_87 : i32 to index
      %get3A_777 = arith.constant 784 : index
      %get3A_778 = tpu.vector_load %arg8[%get3A_776, %get3A_777] {strides = array<i32>} : memref<32x1024xf32, #tpu.memory_space<vmem>>, vector<1x16xf32>,
      %get3A_779 = vector.shape_cast %get3A_778 : vector<1x16xf32> to vector<16xf32>
      %add3A_780 = arith.addf %get3A_775, %get3A_779 : vector<16xf32>
      %swap3A_781 = arith.index_cast %scan3A_87 : i32 to index
      %swap3A_782 = arith.constant 784 : index
      %swap3A_783 = tpu.vector_load %arg9[%swap3A_781, %swap3A_782] {strides = array<i32>} : memref<32x1024xf32, #tpu.memory_space<vmem>>, vector<1x16xf32>,
      %swap3A_784 = vector.shape_cast %swap3A_783 : vector<1x16xf32> to vector<16xf32>
      %swap3A_785 = vector.shape_cast %add3A_780 : vector<16xf32> to vector<1x16xf32>
      tpu.vector_store %arg9[%swap3A_781, %swap3A_782], %swap3A_785 {strides = array<i32>} : memref<32x1024xf32, #tpu.memory_space<vmem>>, vector<1x16xf32>,
      %get3A_786 = arith.index_cast %scan3A_87 : i32 to index
      %get3A_787 = arith.constant 800 : index
      %get3A_788 = tpu.vector_load %arg7[%get3A_786, %get3A_787] {strides = array<i32>} : memref<32x1024xf32, #tpu.memory_space<vmem>>, vector<1x16xf32>,
      %get3A_789 = vector.shape_cast %get3A_788 : vector<1x16xf32> to vector<16xf32>
      %get3A_790 = arith.index_cast %scan3A_87 : i32 to index
      %get3A_791 = arith.constant 800 : index
      %get3A_792 = tpu.vector_load %arg8[%get3A_790, %get3A_791] {strides = array<i32>} : memref<32x1024xf32, #tpu.memory_space<vmem>>, vector<1x16xf32>,
      %get3A_793 = vector.shape_cast %get3A_792 : vector<1x16xf32> to vector<16xf32>
      %add3A_794 = arith.addf %get3A_789, %get3A_793 : vector<16xf32>
      %swap3A_795 = arith.index_cast %scan3A_87 : i32 to index
      %swap3A_796 = arith.constant 800 : index
      %swap3A_797 = tpu.vector_load %arg9[%swap3A_795, %swap3A_796] {strides = array<i32>} : memref<32x1024xf32, #tpu.memory_space<vmem>>, vector<1x16xf32>,
      %swap3A_798 = vector.shape_cast %swap3A_797 : vector<1x16xf32> to vector<16xf32>
      %swap3A_799 = vector.shape_cast %add3A_794 : vector<16xf32> to vector<1x16xf32>
      tpu.vector_store %arg9[%swap3A_795, %swap3A_796], %swap3A_799 {strides = array<i32>} : memref<32x1024xf32, #tpu.memory_space<vmem>>, vector<1x16xf32>,
      %get3A_800 = arith.index_cast %scan3A_87 : i32 to index
      %get3A_801 = arith.constant 816 : index
      %get3A_802 = tpu.vector_load %arg7[%get3A_800, %get3A_801] {strides = array<i32>} : memref<32x1024xf32, #tpu.memory_space<vmem>>, vector<1x16xf32>,
      %get3A_803 = vector.shape_cast %get3A_802 : vector<1x16xf32> to vector<16xf32>
      %get3A_804 = arith.index_cast %scan3A_87 : i32 to index
      %get3A_805 = arith.constant 816 : index
      %get3A_806 = tpu.vector_load %arg8[%get3A_804, %get3A_805] {strides = array<i32>} : memref<32x1024xf32, #tpu.memory_space<vmem>>, vector<1x16xf32>,
      %get3A_807 = vector.shape_cast %get3A_806 : vector<1x16xf32> to vector<16xf32>
      %add3A_808 = arith.addf %get3A_803, %get3A_807 : vector<16xf32>
      %swap3A_809 = arith.index_cast %scan3A_87 : i32 to index
      %swap3A_810 = arith.constant 816 : index
      %swap3A_811 = tpu.vector_load %arg9[%swap3A_809, %swap3A_810] {strides = array<i32>} : memref<32x1024xf32, #tpu.memory_space<vmem>>, vector<1x16xf32>,
      %swap3A_812 = vector.shape_cast %swap3A_811 : vector<1x16xf32> to vector<16xf32>
      %swap3A_813 = vector.shape_cast %add3A_808 : vector<16xf32> to vector<1x16xf32>
      tpu.vector_store %arg9[%swap3A_809, %swap3A_810], %swap3A_813 {strides = array<i32>} : memref<32x1024xf32, #tpu.memory_space<vmem>>, vector<1x16xf32>,
      %get3A_814 = arith.index_cast %scan3A_87 : i32 to index
      %get3A_815 = arith.constant 832 : index
      %get3A_816 = tpu.vector_load %arg7[%get3A_814, %get3A_815] {strides = array<i32>} : memref<32x1024xf32, #tpu.memory_space<vmem>>, vector<1x16xf32>,
      %get3A_817 = vector.shape_cast %get3A_816 : vector<1x16xf32> to vector<16xf32>
      %get3A_818 = arith.index_cast %scan3A_87 : i32 to index
      %get3A_819 = arith.constant 832 : index
      %get3A_820 = tpu.vector_load %arg8[%get3A_818, %get3A_819] {strides = array<i32>} : memref<32x1024xf32, #tpu.memory_space<vmem>>, vector<1x16xf32>,
      %get3A_821 = vector.shape_cast %get3A_820 : vector<1x16xf32> to vector<16xf32>
      %add3A_822 = arith.addf %get3A_817, %get3A_821 : vector<16xf32>
      %swap3A_823 = arith.index_cast %scan3A_87 : i32 to index
      %swap3A_824 = arith.constant 832 : index
      %swap3A_825 = tpu.vector_load %arg9[%swap3A_823, %swap3A_824] {strides = array<i32>} : memref<32x1024xf32, #tpu.memory_space<vmem>>, vector<1x16xf32>,
      %swap3A_826 = vector.shape_cast %swap3A_825 : vector<1x16xf32> to vector<16xf32>
      %swap3A_827 = vector.shape_cast %add3A_822 : vector<16xf32> to vector<1x16xf32>
      tpu.vector_store %arg9[%swap3A_823, %swap3A_824], %swap3A_827 {strides = array<i32>} : memref<32x1024xf32, #tpu.memory_space<vmem>>, vector<1x16xf32>,
      %get3A_828 = arith.index_cast %scan3A_87 : i32 to index
      %get3A_829 = arith.constant 848 : index
      %get3A_830 = tpu.vector_load %arg7[%get3A_828, %get3A_829] {strides = array<i32>} : memref<32x1024xf32, #tpu.memory_space<vmem>>, vector<1x16xf32>,
      %get3A_831 = vector.shape_cast %get3A_830 : vector<1x16xf32> to vector<16xf32>
      %get3A_832 = arith.index_cast %scan3A_87 : i32 to index
      %get3A_833 = arith.constant 848 : index
      %get3A_834 = tpu.vector_load %arg8[%get3A_832, %get3A_833] {strides = array<i32>} : memref<32x1024xf32, #tpu.memory_space<vmem>>, vector<1x16xf32>,
      %get3A_835 = vector.shape_cast %get3A_834 : vector<1x16xf32> to vector<16xf32>
      %add3A_836 = arith.addf %get3A_831, %get3A_835 : vector<16xf32>
      %swap3A_837 = arith.index_cast %scan3A_87 : i32 to index
      %swap3A_838 = arith.constant 848 : index
      %swap3A_839 = tpu.vector_load %arg9[%swap3A_837, %swap3A_838] {strides = array<i32>} : memref<32x1024xf32, #tpu.memory_space<vmem>>, vector<1x16xf32>,
      %swap3A_840 = vector.shape_cast %swap3A_839 : vector<1x16xf32> to vector<16xf32>
      %swap3A_841 = vector.shape_cast %add3A_836 : vector<16xf32> to vector<1x16xf32>
      tpu.vector_store %arg9[%swap3A_837, %swap3A_838], %swap3A_841 {strides = array<i32>} : memref<32x1024xf32, #tpu.memory_space<vmem>>, vector<1x16xf32>,
      %get3A_842 = arith.index_cast %scan3A_87 : i32 to index
      %get3A_843 = arith.constant 864 : index
      %get3A_844 = tpu.vector_load %arg7[%get3A_842, %get3A_843] {strides = array<i32>} : memref<32x1024xf32, #tpu.memory_space<vmem>>, vector<1x16xf32>,
      %get3A_845 = vector.shape_cast %get3A_844 : vector<1x16xf32> to vector<16xf32>
      %get3A_846 = arith.index_cast %scan3A_87 : i32 to index
      %get3A_847 = arith.constant 864 : index
      %get3A_848 = tpu.vector_load %arg8[%get3A_846, %get3A_847] {strides = array<i32>} : memref<32x1024xf32, #tpu.memory_space<vmem>>, vector<1x16xf32>,
      %get3A_849 = vector.shape_cast %get3A_848 : vector<1x16xf32> to vector<16xf32>
      %add3A_850 = arith.addf %get3A_845, %get3A_849 : vector<16xf32>
      %swap3A_851 = arith.index_cast %scan3A_87 : i32 to index
      %swap3A_852 = arith.constant 864 : index
      %swap3A_853 = tpu.vector_load %arg9[%swap3A_851, %swap3A_852] {strides = array<i32>} : memref<32x1024xf32, #tpu.memory_space<vmem>>, vector<1x16xf32>,
      %swap3A_854 = vector.shape_cast %swap3A_853 : vector<1x16xf32> to vector<16xf32>
      %swap3A_855 = vector.shape_cast %add3A_850 : vector<16xf32> to vector<1x16xf32>
      tpu.vector_store %arg9[%swap3A_851, %swap3A_852], %swap3A_855 {strides = array<i32>} : memref<32x1024xf32, #tpu.memory_space<vmem>>, vector<1x16xf32>,
      %get3A_856 = arith.index_cast %scan3A_87 : i32 to index
      %get3A_857 = arith.constant 880 : index
      %get3A_858 = tpu.vector_load %arg7[%get3A_856, %get3A_857] {strides = array<i32>} : memref<32x1024xf32, #tpu.memory_space<vmem>>, vector<1x16xf32>,
      %get3A_859 = vector.shape_cast %get3A_858 : vector<1x16xf32> to vector<16xf32>
      %get3A_860 = arith.index_cast %scan3A_87 : i32 to index
      %get3A_861 = arith.constant 880 : index
      %get3A_862 = tpu.vector_load %arg8[%get3A_860, %get3A_861] {strides = array<i32>} : memref<32x1024xf32, #tpu.memory_space<vmem>>, vector<1x16xf32>,
      %get3A_863 = vector.shape_cast %get3A_862 : vector<1x16xf32> to vector<16xf32>
      %add3A_864 = arith.addf %get3A_859, %get3A_863 : vector<16xf32>
      %swap3A_865 = arith.index_cast %scan3A_87 : i32 to index
      %swap3A_866 = arith.constant 880 : index
      %swap3A_867 = tpu.vector_load %arg9[%swap3A_865, %swap3A_866] {strides = array<i32>} : memref<32x1024xf32, #tpu.memory_space<vmem>>, vector<1x16xf32>,
      %swap3A_868 = vector.shape_cast %swap3A_867 : vector<1x16xf32> to vector<16xf32>
      %swap3A_869 = vector.shape_cast %add3A_864 : vector<16xf32> to vector<1x16xf32>
      tpu.vector_store %arg9[%swap3A_865, %swap3A_866], %swap3A_869 {strides = array<i32>} : memref<32x1024xf32, #tpu.memory_space<vmem>>, vector<1x16xf32>,
      %get3A_870 = arith.index_cast %scan3A_87 : i32 to index
      %get3A_871 = arith.constant 896 : index
      %get3A_872 = tpu.vector_load %arg7[%get3A_870, %get3A_871] {strides = array<i32>} : memref<32x1024xf32, #tpu.memory_space<vmem>>, vector<1x16xf32>,
      %get3A_873 = vector.shape_cast %get3A_872 : vector<1x16xf32> to vector<16xf32>
      %get3A_874 = arith.index_cast %scan3A_87 : i32 to index
      %get3A_875 = arith.constant 896 : index
      %get3A_876 = tpu.vector_load %arg8[%get3A_874, %get3A_875] {strides = array<i32>} : memref<32x1024xf32, #tpu.memory_space<vmem>>, vector<1x16xf32>,
      %get3A_877 = vector.shape_cast %get3A_876 : vector<1x16xf32> to vector<16xf32>
      %add3A_878 = arith.addf %get3A_873, %get3A_877 : vector<16xf32>
      %swap3A_879 = arith.index_cast %scan3A_87 : i32 to index
      %swap3A_880 = arith.constant 896 : index
      %swap3A_881 = tpu.vector_load %arg9[%swap3A_879, %swap3A_880] {strides = array<i32>} : memref<32x1024xf32, #tpu.memory_space<vmem>>, vector<1x16xf32>,
      %swap3A_882 = vector.shape_cast %swap3A_881 : vector<1x16xf32> to vector<16xf32>
      %swap3A_883 = vector.shape_cast %add3A_878 : vector<16xf32> to vector<1x16xf32>
      tpu.vector_store %arg9[%swap3A_879, %swap3A_880], %swap3A_883 {strides = array<i32>} : memref<32x1024xf32, #tpu.memory_space<vmem>>, vector<1x16xf32>,
      %get3A_884 = arith.index_cast %scan3A_87 : i32 to index
      %get3A_885 = arith.constant 912 : index
      %get3A_886 = tpu.vector_load %arg7[%get3A_884, %get3A_885] {strides = array<i32>} : memref<32x1024xf32, #tpu.memory_space<vmem>>, vector<1x16xf32>,
      %get3A_887 = vector.shape_cast %get3A_886 : vector<1x16xf32> to vector<16xf32>
      %get3A_888 = arith.index_cast %scan3A_87 : i32 to index
      %get3A_889 = arith.constant 912 : index
      %get3A_890 = tpu.vector_load %arg8[%get3A_888, %get3A_889] {strides = array<i32>} : memref<32x1024xf32, #tpu.memory_space<vmem>>, vector<1x16xf32>,
      %get3A_891 = vector.shape_cast %get3A_890 : vector<1x16xf32> to vector<16xf32>
      %add3A_892 = arith.addf %get3A_887, %get3A_891 : vector<16xf32>
      %swap3A_893 = arith.index_cast %scan3A_87 : i32 to index
      %swap3A_894 = arith.constant 912 : index
      %swap3A_895 = tpu.vector_load %arg9[%swap3A_893, %swap3A_894] {strides = array<i32>} : memref<32x1024xf32, #tpu.memory_space<vmem>>, vector<1x16xf32>,
      %swap3A_896 = vector.shape_cast %swap3A_895 : vector<1x16xf32> to vector<16xf32>
      %swap3A_897 = vector.shape_cast %add3A_892 : vector<16xf32> to vector<1x16xf32>
      tpu.vector_store %arg9[%swap3A_893, %swap3A_894], %swap3A_897 {strides = array<i32>} : memref<32x1024xf32, #tpu.memory_space<vmem>>, vector<1x16xf32>,
      %get3A_898 = arith.index_cast %scan3A_87 : i32 to index
      %get3A_899 = arith.constant 928 : index
      %get3A_900 = tpu.vector_load %arg7[%get3A_898, %get3A_899] {strides = array<i32>} : memref<32x1024xf32, #tpu.memory_space<vmem>>, vector<1x16xf32>,
      %get3A_901 = vector.shape_cast %get3A_900 : vector<1x16xf32> to vector<16xf32>
      %get3A_902 = arith.index_cast %scan3A_87 : i32 to index
      %get3A_903 = arith.constant 928 : index
      %get3A_904 = tpu.vector_load %arg8[%get3A_902, %get3A_903] {strides = array<i32>} : memref<32x1024xf32, #tpu.memory_space<vmem>>, vector<1x16xf32>,
      %get3A_905 = vector.shape_cast %get3A_904 : vector<1x16xf32> to vector<16xf32>
      %add3A_906 = arith.addf %get3A_901, %get3A_905 : vector<16xf32>
      %swap3A_907 = arith.index_cast %scan3A_87 : i32 to index
      %swap3A_908 = arith.constant 928 : index
      %swap3A_909 = tpu.vector_load %arg9[%swap3A_907, %swap3A_908] {strides = array<i32>} : memref<32x1024xf32, #tpu.memory_space<vmem>>, vector<1x16xf32>,
      %swap3A_910 = vector.shape_cast %swap3A_909 : vector<1x16xf32> to vector<16xf32>
      %swap3A_911 = vector.shape_cast %add3A_906 : vector<16xf32> to vector<1x16xf32>
      tpu.vector_store %arg9[%swap3A_907, %swap3A_908], %swap3A_911 {strides = array<i32>} : memref<32x1024xf32, #tpu.memory_space<vmem>>, vector<1x16xf32>,
      %get3A_912 = arith.index_cast %scan3A_87 : i32 to index
      %get3A_913 = arith.constant 944 : index
      %get3A_914 = tpu.vector_load %arg7[%get3A_912, %get3A_913] {strides = array<i32>} : memref<32x1024xf32, #tpu.memory_space<vmem>>, vector<1x16xf32>,
      %get3A_915 = vector.shape_cast %get3A_914 : vector<1x16xf32> to vector<16xf32>
      %get3A_916 = arith.index_cast %scan3A_87 : i32 to index
      %get3A_917 = arith.constant 944 : index
      %get3A_918 = tpu.vector_load %arg8[%get3A_916, %get3A_917] {strides = array<i32>} : memref<32x1024xf32, #tpu.memory_space<vmem>>, vector<1x16xf32>,
      %get3A_919 = vector.shape_cast %get3A_918 : vector<1x16xf32> to vector<16xf32>
      %add3A_920 = arith.addf %get3A_915, %get3A_919 : vector<16xf32>
      %swap3A_921 = arith.index_cast %scan3A_87 : i32 to index
      %swap3A_922 = arith.constant 944 : index
      %swap3A_923 = tpu.vector_load %arg9[%swap3A_921, %swap3A_922] {strides = array<i32>} : memref<32x1024xf32, #tpu.memory_space<vmem>>, vector<1x16xf32>,
      %swap3A_924 = vector.shape_cast %swap3A_923 : vector<1x16xf32> to vector<16xf32>
      %swap3A_925 = vector.shape_cast %add3A_920 : vector<16xf32> to vector<1x16xf32>
      tpu.vector_store %arg9[%swap3A_921, %swap3A_922], %swap3A_925 {strides = array<i32>} : memref<32x1024xf32, #tpu.memory_space<vmem>>, vector<1x16xf32>,
      %get3A_926 = arith.index_cast %scan3A_87 : i32 to index
      %get3A_927 = arith.constant 960 : index
      %get3A_928 = tpu.vector_load %arg7[%get3A_926, %get3A_927] {strides = array<i32>} : memref<32x1024xf32, #tpu.memory_space<vmem>>, vector<1x16xf32>,
      %get3A_929 = vector.shape_cast %get3A_928 : vector<1x16xf32> to vector<16xf32>
      %get3A_930 = arith.index_cast %scan3A_87 : i32 to index
      %get3A_931 = arith.constant 960 : index
      %get3A_932 = tpu.vector_load %arg8[%get3A_930, %get3A_931] {strides = array<i32>} : memref<32x1024xf32, #tpu.memory_space<vmem>>, vector<1x16xf32>,
      %get3A_933 = vector.shape_cast %get3A_932 : vector<1x16xf32> to vector<16xf32>
      %add3A_934 = arith.addf %get3A_929, %get3A_933 : vector<16xf32>
      %swap3A_935 = arith.index_cast %scan3A_87 : i32 to index
      %swap3A_936 = arith.constant 960 : index
      %swap3A_937 = tpu.vector_load %arg9[%swap3A_935, %swap3A_936] {strides = array<i32>} : memref<32x1024xf32, #tpu.memory_space<vmem>>, vector<1x16xf32>,
      %swap3A_938 = vector.shape_cast %swap3A_937 : vector<1x16xf32> to vector<16xf32>
      %swap3A_939 = vector.shape_cast %add3A_934 : vector<16xf32> to vector<1x16xf32>
      tpu.vector_store %arg9[%swap3A_935, %swap3A_936], %swap3A_939 {strides = array<i32>} : memref<32x1024xf32, #tpu.memory_space<vmem>>, vector<1x16xf32>,
      %get3A_940 = arith.index_cast %scan3A_87 : i32 to index
      %get3A_941 = arith.constant 976 : index
      %get3A_942 = tpu.vector_load %arg7[%get3A_940, %get3A_941] {strides = array<i32>} : memref<32x1024xf32, #tpu.memory_space<vmem>>, vector<1x16xf32>,
      %get3A_943 = vector.shape_cast %get3A_942 : vector<1x16xf32> to vector<16xf32>
      %get3A_944 = arith.index_cast %scan3A_87 : i32 to index
      %get3A_945 = arith.constant 976 : index
      %get3A_946 = tpu.vector_load %arg8[%get3A_944, %get3A_945] {strides = array<i32>} : memref<32x1024xf32, #tpu.memory_space<vmem>>, vector<1x16xf32>,
      %get3A_947 = vector.shape_cast %get3A_946 : vector<1x16xf32> to vector<16xf32>
      %add3A_948 = arith.addf %get3A_943, %get3A_947 : vector<16xf32>
      %swap3A_949 = arith.index_cast %scan3A_87 : i32 to index
      %swap3A_950 = arith.constant 976 : index
      %swap3A_951 = tpu.vector_load %arg9[%swap3A_949, %swap3A_950] {strides = array<i32>} : memref<32x1024xf32, #tpu.memory_space<vmem>>, vector<1x16xf32>,
      %swap3A_952 = vector.shape_cast %swap3A_951 : vector<1x16xf32> to vector<16xf32>
      %swap3A_953 = vector.shape_cast %add3A_948 : vector<16xf32> to vector<1x16xf32>
      tpu.vector_store %arg9[%swap3A_949, %swap3A_950], %swap3A_953 {strides = array<i32>} : memref<32x1024xf32, #tpu.memory_space<vmem>>, vector<1x16xf32>,
      %get3A_954 = arith.index_cast %scan3A_87 : i32 to index
      %get3A_955 = arith.constant 992 : index
      %get3A_956 = tpu.vector_load %arg7[%get3A_954, %get3A_955] {strides = array<i32>} : memref<32x1024xf32, #tpu.memory_space<vmem>>, vector<1x16xf32>,
      %get3A_957 = vector.shape_cast %get3A_956 : vector<1x16xf32> to vector<16xf32>
      %get3A_958 = arith.index_cast %scan3A_87 : i32 to index
      %get3A_959 = arith.constant 992 : index
      %get3A_960 = tpu.vector_load %arg8[%get3A_958, %get3A_959] {strides = array<i32>} : memref<32x1024xf32, #tpu.memory_space<vmem>>, vector<1x16xf32>,
      %get3A_961 = vector.shape_cast %get3A_960 : vector<1x16xf32> to vector<16xf32>
      %add3A_962 = arith.addf %get3A_957, %get3A_961 : vector<16xf32>
      %swap3A_963 = arith.index_cast %scan3A_87 : i32 to index
      %swap3A_964 = arith.constant 992 : index
      %swap3A_965 = tpu.vector_load %arg9[%swap3A_963, %swap3A_964] {strides = array<i32>} : memref<32x1024xf32, #tpu.memory_space<vmem>>, vector<1x16xf32>,
      %swap3A_966 = vector.shape_cast %swap3A_965 : vector<1x16xf32> to vector<16xf32>
      %swap3A_967 = vector.shape_cast %add3A_962 : vector<16xf32> to vector<1x16xf32>
      tpu.vector_store %arg9[%swap3A_963, %swap3A_964], %swap3A_967 {strides = array<i32>} : memref<32x1024xf32, #tpu.memory_space<vmem>>, vector<1x16xf32>,
      %get3A_968 = arith.index_cast %scan3A_87 : i32 to index
      %get3A_969 = arith.constant 1008 : index
      %get3A_970 = tpu.vector_load %arg7[%get3A_968, %get3A_969] {strides = array<i32>} : memref<32x1024xf32, #tpu.memory_space<vmem>>, vector<1x16xf32>,
      %get3A_971 = vector.shape_cast %get3A_970 : vector<1x16xf32> to vector<16xf32>
      %get3A_972 = arith.index_cast %scan3A_87 : i32 to index
      %get3A_973 = arith.constant 1008 : index
      %get3A_974 = tpu.vector_load %arg8[%get3A_972, %get3A_973] {strides = array<i32>} : memref<32x1024xf32, #tpu.memory_space<vmem>>, vector<1x16xf32>,
      %get3A_975 = vector.shape_cast %get3A_974 : vector<1x16xf32> to vector<16xf32>
      %add3A_976 = arith.addf %get3A_971, %get3A_975 : vector<16xf32>
      %swap3A_977 = arith.index_cast %scan3A_87 : i32 to index
      %swap3A_978 = arith.constant 1008 : index
      %swap3A_979 = tpu.vector_load %arg9[%swap3A_977, %swap3A_978] {strides = array<i32>} : memref<32x1024xf32, #tpu.memory_space<vmem>>, vector<1x16xf32>,
      %swap3A_980 = vector.shape_cast %swap3A_979 : vector<1x16xf32> to vector<16xf32>
      %swap3A_981 = vector.shape_cast %add3A_976 : vector<16xf32> to vector<1x16xf32>
      tpu.vector_store %arg9[%swap3A_977, %swap3A_978], %swap3A_981 {strides = array<i32>} : memref<32x1024xf32, #tpu.memory_space<vmem>>, vector<1x16xf32>,
    }
    %scan3A_48 = arith.constant 32 : i32
    %add3A_49 = arith.constant 0 : i32
    %add3A_50 = arith.addi %mul3A_2, %add3A_49 : i32
    "tpu.region"() ({
      %run_scoped3A_87 = tpu.sem_alloc : memref<!tpu.dma_semaphore, #tpu.memory_space<semaphore_mem>>
      %dma_start3A_88 = arith.constant 0 : i32
      %dma_start3A_89 = tpu.memref_slice %arg4[%add3A_50, %dma_start3A_88] : memref<2048x1024xf32, #tpu.memory_space<hbm>> -> memref<32x1024xf32, #tpu.memory_space<hbm>>
      %dma_start3A_90 = arith.constant 0 : i32
      %dma_start3A_91 = tpu.memref_slice %arg4[%add3A_50, %dma_start3A_90] : memref<2048x1024xf32, #tpu.memory_space<hbm>> -> memref<32x1024xf32, #tpu.memory_space<hbm>>
      tpu.enqueue_dma source(%arg9 : memref<32x1024xf32, #tpu.memory_space<vmem>>) target(%dma_start3A_91 : memref<32x1024xf32, #tpu.memory_space<hbm>>) target_semaphore(%run_scoped3A_87 : memref<!tpu.dma_semaphore, #tpu.memory_space<semaphore_mem>>)
      %dma_wait3A_92 = arith.constant 0 : i32
      %dma_wait3A_93 = tpu.memref_slice %arg4[%add3A_50, %dma_wait3A_92] : memref<2048x1024xf32, #tpu.memory_space<hbm>> -> memref<32x1024xf32, #tpu.memory_space<hbm>>
      %dma_wait3A_94 = arith.constant 0 : i32
      %dma_wait3A_95 = tpu.memref_slice %arg4[%add3A_50, %dma_wait3A_94] : memref<2048x1024xf32, #tpu.memory_space<hbm>> -> memref<32x1024xf32, #tpu.memory_space<hbm>>
      tpu.wait_dma2 semaphore(%run_scoped3A_87 : memref<!tpu.dma_semaphore, #tpu.memory_space<semaphore_mem>>) src(%arg9 : memref<32x1024xf32, #tpu.memory_space<vmem>>) dst(%dma_wait3A_95 : memref<32x1024xf32, #tpu.memory_space<hbm>>)
      tpu.yield
    }) : () -> ()
    %dma_start3A_51 = arith.constant 1 : i32
    %dma_start3A_52 = arith.constant 0 : i32
    %dma_start3A_53 = tpu.memref_slice %arg5[%dma_start3A_51, %dma_start3A_52] : memref<2x32xi32, #tpu.memory_space<vmem>> -> memref<1x32xi32, #tpu.memory_space<vmem>>
    %dma_start3A_54 = tpu.memref_squeeze %dma_start3A_53 : memref<1x32xi32, #tpu.memory_space<vmem>> -> memref<32xi32, #tpu.memory_space<vmem>>
    %dma_start3A_55 = arith.constant 0 : i32
    %dma_start3A_56 = arith.constant 0 : i32
    %dma_start3A_57 = tpu.memref_slice %arg2[%dma_start3A_55, %dma_start3A_56] : memref<5120x1024xf32, #tpu.memory_space<hbm>> -> memref<5120x1024xf32, #tpu.memory_space<hbm>>
    tpu.enqueue_indirect_dma source(%dma_start3A_57 : memref<5120x1024xf32, #tpu.memory_space<hbm>>) target(%arg7 : memref<32x1024xf32, #tpu.memory_space<vmem>>) offsets(%dma_start3A_54 : memref<32xi32, #tpu.memory_space<vmem>>) semaphore(%arg10 : memref<!tpu.dma_semaphore, #tpu.memory_space<semaphore_mem>>)
    %dma_start3A_58 = arith.constant 1 : i32
    %dma_start3A_59 = arith.constant 0 : i32
    %dma_start3A_60 = tpu.memref_slice %arg6[%dma_start3A_58, %dma_start3A_59] : memref<2x32xi32, #tpu.memory_space<vmem>> -> memref<1x32xi32, #tpu.memory_space<vmem>>
    %dma_start3A_61 = tpu.memref_squeeze %dma_start3A_60 : memref<1x32xi32, #tpu.memory_space<vmem>> -> memref<32xi32, #tpu.memory_space<vmem>>
    %dma_start3A_62 = arith.constant 0 : i32
    %dma_start3A_63 = arith.constant 0 : i32
    %dma_start3A_64 = tpu.memref_slice %arg2[%dma_start3A_62, %dma_start3A_63] : memref<5120x1024xf32, #tpu.memory_space<hbm>> -> memref<5120x1024xf32, #tpu.memory_space<hbm>>
    tpu.enqueue_indirect_dma source(%dma_start3A_64 : memref<5120x1024xf32, #tpu.memory_space<hbm>>) target(%arg8 : memref<32x1024xf32, #tpu.memory_space<vmem>>) offsets(%dma_start3A_61 : memref<32xi32, #tpu.memory_space<vmem>>) semaphore(%arg11 : memref<!tpu.dma_semaphore, #tpu.memory_space<semaphore_mem>>)
    %dma_wait3A_65 = arith.constant 1 : i32
    %dma_wait3A_66 = arith.constant 0 : i32
    %dma_wait3A_67 = tpu.memref_slice %arg5[%dma_wait3A_65, %dma_wait3A_66] : memref<2x32xi32, #tpu.memory_space<vmem>> -> memref<1x32xi32, #tpu.memory_space<vmem>>
    %dma_wait3A_68 = tpu.memref_squeeze %dma_wait3A_67 : memref<1x32xi32, #tpu.memory_space<vmem>> -> memref<32xi32, #tpu.memory_space<vmem>>
    %dma_wait3A_69 = arith.constant 0 : i32
    %dma_wait3A_70 = arith.constant 0 : i32
    %dma_wait3A_71 = tpu.memref_slice %arg2[%dma_wait3A_69, %dma_wait3A_70] : memref<5120x1024xf32, #tpu.memory_space<hbm>> -> memref<5120x1024xf32, #tpu.memory_space<hbm>>
    tpu.wait_indirect_dma semaphore(%arg10 : memref<!tpu.dma_semaphore, #tpu.memory_space<semaphore_mem>>) src(%dma_wait3A_71 : memref<5120x1024xf32, #tpu.memory_space<hbm>>) dst(%arg7 : memref<32x1024xf32, #tpu.memory_space<vmem>>)
    %dma_wait3A_72 = arith.constant 1 : i32
    %dma_wait3A_73 = arith.constant 0 : i32
    %dma_wait3A_74 = tpu.memref_slice %arg6[%dma_wait3A_72, %dma_wait3A_73] : memref<2x32xi32, #tpu.memory_space<vmem>> -> memref<1x32xi32, #tpu.memory_space<vmem>>
    %dma_wait3A_75 = tpu.memref_squeeze %dma_wait3A_74 : memref<1x32xi32, #tpu.memory_space<vmem>> -> memref<32xi32, #tpu.memory_space<vmem>>
    %dma_wait3A_76 = arith.constant 0 : i32
    %dma_wait3A_77 = arith.constant 0 : i32
    %dma_wait3A_78 = tpu.memref_slice %arg2[%dma_wait3A_76, %dma_wait3A_77] : memref<5120x1024xf32, #tpu.memory_space<hbm>> -> memref<5120x1024xf32, #tpu.memory_space<hbm>>
    tpu.wait_indirect_dma semaphore(%arg11 : memref<!tpu.dma_semaphore, #tpu.memory_space<semaphore_mem>>) src(%dma_wait3A_78 : memref<5120x1024xf32, #tpu.memory_space<hbm>>) dst(%arg8 : memref<32x1024xf32, #tpu.memory_space<vmem>>)
    %scan3A_79 = arith.constant 0 : i32
    %scan3A_80 = arith.constant 0 : i32
    %scan3A_81 = arith.constant 32 : i32
    %scan3A_82 = arith.addi %scan3A_80, %scan3A_81 : i32
    %scan3A_83 = arith.constant 1 : i32
    scf.for %scan3A_87 = %scan3A_80 to %scan3A_82 step %scan3A_83  : i32 {
      %get3A = arith.index_cast %scan3A_87 : i32 to index
      %get3A_88 = arith.constant 0 : index
      %get3A_89 = tpu.vector_load %arg7[%get3A, %get3A_88] {strides = array<i32>} : memref<32x1024xf32, #tpu.memory_space<vmem>>, vector<1x16xf32>,
      %get3A_90 = vector.shape_cast %get3A_89 : vector<1x16xf32> to vector<16xf32>
      %get3A_91 = arith.index_cast %scan3A_87 : i32 to index
      %get3A_92 = arith.constant 0 : index
      %get3A_93 = tpu.vector_load %arg8[%get3A_91, %get3A_92] {strides = array<i32>} : memref<32x1024xf32, #tpu.memory_space<vmem>>, vector<1x16xf32>,
      %get3A_94 = vector.shape_cast %get3A_93 : vector<1x16xf32> to vector<16xf32>
      %add3A_95 = arith.addf %get3A_90, %get3A_94 : vector<16xf32>
      %swap3A = arith.index_cast %scan3A_87 : i32 to index
      %swap3A_96 = arith.constant 0 : index
      %swap3A_97 = tpu.vector_load %arg9[%swap3A, %swap3A_96] {strides = array<i32>} : memref<32x1024xf32, #tpu.memory_space<vmem>>, vector<1x16xf32>,
      %swap3A_98 = vector.shape_cast %swap3A_97 : vector<1x16xf32> to vector<16xf32>
      %swap3A_99 = vector.shape_cast %add3A_95 : vector<16xf32> to vector<1x16xf32>
      tpu.vector_store %arg9[%swap3A, %swap3A_96], %swap3A_99 {strides = array<i32>} : memref<32x1024xf32, #tpu.memory_space<vmem>>, vector<1x16xf32>,
      %get3A_100 = arith.index_cast %scan3A_87 : i32 to index
      %get3A_101 = arith.constant 16 : index
      %get3A_102 = tpu.vector_load %arg7[%get3A_100, %get3A_101] {strides = array<i32>} : memref<32x1024xf32, #tpu.memory_space<vmem>>, vector<1x16xf32>,
      %get3A_103 = vector.shape_cast %get3A_102 : vector<1x16xf32> to vector<16xf32>
      %get3A_104 = arith.index_cast %scan3A_87 : i32 to index
      %get3A_105 = arith.constant 16 : index
      %get3A_106 = tpu.vector_load %arg8[%get3A_104, %get3A_105] {strides = array<i32>} : memref<32x1024xf32, #tpu.memory_space<vmem>>, vector<1x16xf32>,
      %get3A_107 = vector.shape_cast %get3A_106 : vector<1x16xf32> to vector<16xf32>
      %add3A_108 = arith.addf %get3A_103, %get3A_107 : vector<16xf32>
      %swap3A_109 = arith.index_cast %scan3A_87 : i32 to index
      %swap3A_110 = arith.constant 16 : index
      %swap3A_111 = tpu.vector_load %arg9[%swap3A_109, %swap3A_110] {strides = array<i32>} : memref<32x1024xf32, #tpu.memory_space<vmem>>, vector<1x16xf32>,
      %swap3A_112 = vector.shape_cast %swap3A_111 : vector<1x16xf32> to vector<16xf32>
      %swap3A_113 = vector.shape_cast %add3A_108 : vector<16xf32> to vector<1x16xf32>
      tpu.vector_store %arg9[%swap3A_109, %swap3A_110], %swap3A_113 {strides = array<i32>} : memref<32x1024xf32, #tpu.memory_space<vmem>>, vector<1x16xf32>,
      %get3A_114 = arith.index_cast %scan3A_87 : i32 to index
      %get3A_115 = arith.constant 32 : index
      %get3A_116 = tpu.vector_load %arg7[%get3A_114, %get3A_115] {strides = array<i32>} : memref<32x1024xf32, #tpu.memory_space<vmem>>, vector<1x16xf32>,
      %get3A_117 = vector.shape_cast %get3A_116 : vector<1x16xf32> to vector<16xf32>
      %get3A_118 = arith.index_cast %scan3A_87 : i32 to index
      %get3A_119 = arith.constant 32 : index
      %get3A_120 = tpu.vector_load %arg8[%get3A_118, %get3A_119] {strides = array<i32>} : memref<32x1024xf32, #tpu.memory_space<vmem>>, vector<1x16xf32>,
      %get3A_121 = vector.shape_cast %get3A_120 : vector<1x16xf32> to vector<16xf32>
      %add3A_122 = arith.addf %get3A_117, %get3A_121 : vector<16xf32>
      %swap3A_123 = arith.index_cast %scan3A_87 : i32 to index
      %swap3A_124 = arith.constant 32 : index
      %swap3A_125 = tpu.vector_load %arg9[%swap3A_123, %swap3A_124] {strides = array<i32>} : memref<32x1024xf32, #tpu.memory_space<vmem>>, vector<1x16xf32>,
      %swap3A_126 = vector.shape_cast %swap3A_125 : vector<1x16xf32> to vector<16xf32>
      %swap3A_127 = vector.shape_cast %add3A_122 : vector<16xf32> to vector<1x16xf32>
      tpu.vector_store %arg9[%swap3A_123, %swap3A_124], %swap3A_127 {strides = array<i32>} : memref<32x1024xf32, #tpu.memory_space<vmem>>, vector<1x16xf32>,
      %get3A_128 = arith.index_cast %scan3A_87 : i32 to index
      %get3A_129 = arith.constant 48 : index
      %get3A_130 = tpu.vector_load %arg7[%get3A_128, %get3A_129] {strides = array<i32>} : memref<32x1024xf32, #tpu.memory_space<vmem>>, vector<1x16xf32>,
      %get3A_131 = vector.shape_cast %get3A_130 : vector<1x16xf32> to vector<16xf32>
      %get3A_132 = arith.index_cast %scan3A_87 : i32 to index
      %get3A_133 = arith.constant 48 : index
      %get3A_134 = tpu.vector_load %arg8[%get3A_132, %get3A_133] {strides = array<i32>} : memref<32x1024xf32, #tpu.memory_space<vmem>>, vector<1x16xf32>,
      %get3A_135 = vector.shape_cast %get3A_134 : vector<1x16xf32> to vector<16xf32>
      %add3A_136 = arith.addf %get3A_131, %get3A_135 : vector<16xf32>
      %swap3A_137 = arith.index_cast %scan3A_87 : i32 to index
      %swap3A_138 = arith.constant 48 : index
      %swap3A_139 = tpu.vector_load %arg9[%swap3A_137, %swap3A_138] {strides = array<i32>} : memref<32x1024xf32, #tpu.memory_space<vmem>>, vector<1x16xf32>,
      %swap3A_140 = vector.shape_cast %swap3A_139 : vector<1x16xf32> to vector<16xf32>
      %swap3A_141 = vector.shape_cast %add3A_136 : vector<16xf32> to vector<1x16xf32>
      tpu.vector_store %arg9[%swap3A_137, %swap3A_138], %swap3A_141 {strides = array<i32>} : memref<32x1024xf32, #tpu.memory_space<vmem>>, vector<1x16xf32>,
      %get3A_142 = arith.index_cast %scan3A_87 : i32 to index
      %get3A_143 = arith.constant 64 : index
      %get3A_144 = tpu.vector_load %arg7[%get3A_142, %get3A_143] {strides = array<i32>} : memref<32x1024xf32, #tpu.memory_space<vmem>>, vector<1x16xf32>,
      %get3A_145 = vector.shape_cast %get3A_144 : vector<1x16xf32> to vector<16xf32>
      %get3A_146 = arith.index_cast %scan3A_87 : i32 to index
      %get3A_147 = arith.constant 64 : index
      %get3A_148 = tpu.vector_load %arg8[%get3A_146, %get3A_147] {strides = array<i32>} : memref<32x1024xf32, #tpu.memory_space<vmem>>, vector<1x16xf32>,
      %get3A_149 = vector.shape_cast %get3A_148 : vector<1x16xf32> to vector<16xf32>
      %add3A_150 = arith.addf %get3A_145, %get3A_149 : vector<16xf32>
      %swap3A_151 = arith.index_cast %scan3A_87 : i32 to index
      %swap3A_152 = arith.constant 64 : index
      %swap3A_153 = tpu.vector_load %arg9[%swap3A_151, %swap3A_152] {strides = array<i32>} : memref<32x1024xf32, #tpu.memory_space<vmem>>, vector<1x16xf32>,
      %swap3A_154 = vector.shape_cast %swap3A_153 : vector<1x16xf32> to vector<16xf32>
      %swap3A_155 = vector.shape_cast %add3A_150 : vector<16xf32> to vector<1x16xf32>
      tpu.vector_store %arg9[%swap3A_151, %swap3A_152], %swap3A_155 {strides = array<i32>} : memref<32x1024xf32, #tpu.memory_space<vmem>>, vector<1x16xf32>,
      %get3A_156 = arith.index_cast %scan3A_87 : i32 to index
      %get3A_157 = arith.constant 80 : index
      %get3A_158 = tpu.vector_load %arg7[%get3A_156, %get3A_157] {strides = array<i32>} : memref<32x1024xf32, #tpu.memory_space<vmem>>, vector<1x16xf32>,
      %get3A_159 = vector.shape_cast %get3A_158 : vector<1x16xf32> to vector<16xf32>
      %get3A_160 = arith.index_cast %scan3A_87 : i32 to index
      %get3A_161 = arith.constant 80 : index
      %get3A_162 = tpu.vector_load %arg8[%get3A_160, %get3A_161] {strides = array<i32>} : memref<32x1024xf32, #tpu.memory_space<vmem>>, vector<1x16xf32>,
      %get3A_163 = vector.shape_cast %get3A_162 : vector<1x16xf32> to vector<16xf32>
      %add3A_164 = arith.addf %get3A_159, %get3A_163 : vector<16xf32>
      %swap3A_165 = arith.index_cast %scan3A_87 : i32 to index
      %swap3A_166 = arith.constant 80 : index
      %swap3A_167 = tpu.vector_load %arg9[%swap3A_165, %swap3A_166] {strides = array<i32>} : memref<32x1024xf32, #tpu.memory_space<vmem>>, vector<1x16xf32>,
      %swap3A_168 = vector.shape_cast %swap3A_167 : vector<1x16xf32> to vector<16xf32>
      %swap3A_169 = vector.shape_cast %add3A_164 : vector<16xf32> to vector<1x16xf32>
      tpu.vector_store %arg9[%swap3A_165, %swap3A_166], %swap3A_169 {strides = array<i32>} : memref<32x1024xf32, #tpu.memory_space<vmem>>, vector<1x16xf32>,
      %get3A_170 = arith.index_cast %scan3A_87 : i32 to index
      %get3A_171 = arith.constant 96 : index
      %get3A_172 = tpu.vector_load %arg7[%get3A_170, %get3A_171] {strides = array<i32>} : memref<32x1024xf32, #tpu.memory_space<vmem>>, vector<1x16xf32>,
      %get3A_173 = vector.shape_cast %get3A_172 : vector<1x16xf32> to vector<16xf32>
      %get3A_174 = arith.index_cast %scan3A_87 : i32 to index
      %get3A_175 = arith.constant 96 : index
      %get3A_176 = tpu.vector_load %arg8[%get3A_174, %get3A_175] {strides = array<i32>} : memref<32x1024xf32, #tpu.memory_space<vmem>>, vector<1x16xf32>,
      %get3A_177 = vector.shape_cast %get3A_176 : vector<1x16xf32> to vector<16xf32>
      %add3A_178 = arith.addf %get3A_173, %get3A_177 : vector<16xf32>
      %swap3A_179 = arith.index_cast %scan3A_87 : i32 to index
      %swap3A_180 = arith.constant 96 : index
      %swap3A_181 = tpu.vector_load %arg9[%swap3A_179, %swap3A_180] {strides = array<i32>} : memref<32x1024xf32, #tpu.memory_space<vmem>>, vector<1x16xf32>,
      %swap3A_182 = vector.shape_cast %swap3A_181 : vector<1x16xf32> to vector<16xf32>
      %swap3A_183 = vector.shape_cast %add3A_178 : vector<16xf32> to vector<1x16xf32>
      tpu.vector_store %arg9[%swap3A_179, %swap3A_180], %swap3A_183 {strides = array<i32>} : memref<32x1024xf32, #tpu.memory_space<vmem>>, vector<1x16xf32>,
      %get3A_184 = arith.index_cast %scan3A_87 : i32 to index
      %get3A_185 = arith.constant 112 : index
      %get3A_186 = tpu.vector_load %arg7[%get3A_184, %get3A_185] {strides = array<i32>} : memref<32x1024xf32, #tpu.memory_space<vmem>>, vector<1x16xf32>,
      %get3A_187 = vector.shape_cast %get3A_186 : vector<1x16xf32> to vector<16xf32>
      %get3A_188 = arith.index_cast %scan3A_87 : i32 to index
      %get3A_189 = arith.constant 112 : index
      %get3A_190 = tpu.vector_load %arg8[%get3A_188, %get3A_189] {strides = array<i32>} : memref<32x1024xf32, #tpu.memory_space<vmem>>, vector<1x16xf32>,
      %get3A_191 = vector.shape_cast %get3A_190 : vector<1x16xf32> to vector<16xf32>
      %add3A_192 = arith.addf %get3A_187, %get3A_191 : vector<16xf32>
      %swap3A_193 = arith.index_cast %scan3A_87 : i32 to index
      %swap3A_194 = arith.constant 112 : index
      %swap3A_195 = tpu.vector_load %arg9[%swap3A_193, %swap3A_194] {strides = array<i32>} : memref<32x1024xf32, #tpu.memory_space<vmem>>, vector<1x16xf32>,
      %swap3A_196 = vector.shape_cast %swap3A_195 : vector<1x16xf32> to vector<16xf32>
      %swap3A_197 = vector.shape_cast %add3A_192 : vector<16xf32> to vector<1x16xf32>
      tpu.vector_store %arg9[%swap3A_193, %swap3A_194], %swap3A_197 {strides = array<i32>} : memref<32x1024xf32, #tpu.memory_space<vmem>>, vector<1x16xf32>,
      %get3A_198 = arith.index_cast %scan3A_87 : i32 to index
      %get3A_199 = arith.constant 128 : index
      %get3A_200 = tpu.vector_load %arg7[%get3A_198, %get3A_199] {strides = array<i32>} : memref<32x1024xf32, #tpu.memory_space<vmem>>, vector<1x16xf32>,
      %get3A_201 = vector.shape_cast %get3A_200 : vector<1x16xf32> to vector<16xf32>
      %get3A_202 = arith.index_cast %scan3A_87 : i32 to index
      %get3A_203 = arith.constant 128 : index
      %get3A_204 = tpu.vector_load %arg8[%get3A_202, %get3A_203] {strides = array<i32>} : memref<32x1024xf32, #tpu.memory_space<vmem>>, vector<1x16xf32>,
      %get3A_205 = vector.shape_cast %get3A_204 : vector<1x16xf32> to vector<16xf32>
      %add3A_206 = arith.addf %get3A_201, %get3A_205 : vector<16xf32>
      %swap3A_207 = arith.index_cast %scan3A_87 : i32 to index
      %swap3A_208 = arith.constant 128 : index
      %swap3A_209 = tpu.vector_load %arg9[%swap3A_207, %swap3A_208] {strides = array<i32>} : memref<32x1024xf32, #tpu.memory_space<vmem>>, vector<1x16xf32>,
      %swap3A_210 = vector.shape_cast %swap3A_209 : vector<1x16xf32> to vector<16xf32>
      %swap3A_211 = vector.shape_cast %add3A_206 : vector<16xf32> to vector<1x16xf32>
      tpu.vector_store %arg9[%swap3A_207, %swap3A_208], %swap3A_211 {strides = array<i32>} : memref<32x1024xf32, #tpu.memory_space<vmem>>, vector<1x16xf32>,
      %get3A_212 = arith.index_cast %scan3A_87 : i32 to index
      %get3A_213 = arith.constant 144 : index
      %get3A_214 = tpu.vector_load %arg7[%get3A_212, %get3A_213] {strides = array<i32>} : memref<32x1024xf32, #tpu.memory_space<vmem>>, vector<1x16xf32>,
      %get3A_215 = vector.shape_cast %get3A_214 : vector<1x16xf32> to vector<16xf32>
      %get3A_216 = arith.index_cast %scan3A_87 : i32 to index
      %get3A_217 = arith.constant 144 : index
      %get3A_218 = tpu.vector_load %arg8[%get3A_216, %get3A_217] {strides = array<i32>} : memref<32x1024xf32, #tpu.memory_space<vmem>>, vector<1x16xf32>,
      %get3A_219 = vector.shape_cast %get3A_218 : vector<1x16xf32> to vector<16xf32>
      %add3A_220 = arith.addf %get3A_215, %get3A_219 : vector<16xf32>
      %swap3A_221 = arith.index_cast %scan3A_87 : i32 to index
      %swap3A_222 = arith.constant 144 : index
      %swap3A_223 = tpu.vector_load %arg9[%swap3A_221, %swap3A_222] {strides = array<i32>} : memref<32x1024xf32, #tpu.memory_space<vmem>>, vector<1x16xf32>,
      %swap3A_224 = vector.shape_cast %swap3A_223 : vector<1x16xf32> to vector<16xf32>
      %swap3A_225 = vector.shape_cast %add3A_220 : vector<16xf32> to vector<1x16xf32>
      tpu.vector_store %arg9[%swap3A_221, %swap3A_222], %swap3A_225 {strides = array<i32>} : memref<32x1024xf32, #tpu.memory_space<vmem>>, vector<1x16xf32>,
      %get3A_226 = arith.index_cast %scan3A_87 : i32 to index
      %get3A_227 = arith.constant 160 : index
      %get3A_228 = tpu.vector_load %arg7[%get3A_226, %get3A_227] {strides = array<i32>} : memref<32x1024xf32, #tpu.memory_space<vmem>>, vector<1x16xf32>,
      %get3A_229 = vector.shape_cast %get3A_228 : vector<1x16xf32> to vector<16xf32>
      %get3A_230 = arith.index_cast %scan3A_87 : i32 to index
      %get3A_231 = arith.constant 160 : index
      %get3A_232 = tpu.vector_load %arg8[%get3A_230, %get3A_231] {strides = array<i32>} : memref<32x1024xf32, #tpu.memory_space<vmem>>, vector<1x16xf32>,
      %get3A_233 = vector.shape_cast %get3A_232 : vector<1x16xf32> to vector<16xf32>
      %add3A_234 = arith.addf %get3A_229, %get3A_233 : vector<16xf32>
      %swap3A_235 = arith.index_cast %scan3A_87 : i32 to index
      %swap3A_236 = arith.constant 160 : index
      %swap3A_237 = tpu.vector_load %arg9[%swap3A_235, %swap3A_236] {strides = array<i32>} : memref<32x1024xf32, #tpu.memory_space<vmem>>, vector<1x16xf32>,
      %swap3A_238 = vector.shape_cast %swap3A_237 : vector<1x16xf32> to vector<16xf32>
      %swap3A_239 = vector.shape_cast %add3A_234 : vector<16xf32> to vector<1x16xf32>
      tpu.vector_store %arg9[%swap3A_235, %swap3A_236], %swap3A_239 {strides = array<i32>} : memref<32x1024xf32, #tpu.memory_space<vmem>>, vector<1x16xf32>,
      %get3A_240 = arith.index_cast %scan3A_87 : i32 to index
      %get3A_241 = arith.constant 176 : index
      %get3A_242 = tpu.vector_load %arg7[%get3A_240, %get3A_241] {strides = array<i32>} : memref<32x1024xf32, #tpu.memory_space<vmem>>, vector<1x16xf32>,
      %get3A_243 = vector.shape_cast %get3A_242 : vector<1x16xf32> to vector<16xf32>
      %get3A_244 = arith.index_cast %scan3A_87 : i32 to index
      %get3A_245 = arith.constant 176 : index
      %get3A_246 = tpu.vector_load %arg8[%get3A_244, %get3A_245] {strides = array<i32>} : memref<32x1024xf32, #tpu.memory_space<vmem>>, vector<1x16xf32>,
      %get3A_247 = vector.shape_cast %get3A_246 : vector<1x16xf32> to vector<16xf32>
      %add3A_248 = arith.addf %get3A_243, %get3A_247 : vector<16xf32>
      %swap3A_249 = arith.index_cast %scan3A_87 : i32 to index
      %swap3A_250 = arith.constant 176 : index
      %swap3A_251 = tpu.vector_load %arg9[%swap3A_249, %swap3A_250] {strides = array<i32>} : memref<32x1024xf32, #tpu.memory_space<vmem>>, vector<1x16xf32>,
      %swap3A_252 = vector.shape_cast %swap3A_251 : vector<1x16xf32> to vector<16xf32>
      %swap3A_253 = vector.shape_cast %add3A_248 : vector<16xf32> to vector<1x16xf32>
      tpu.vector_store %arg9[%swap3A_249, %swap3A_250], %swap3A_253 {strides = array<i32>} : memref<32x1024xf32, #tpu.memory_space<vmem>>, vector<1x16xf32>,
      %get3A_254 = arith.index_cast %scan3A_87 : i32 to index
      %get3A_255 = arith.constant 192 : index
      %get3A_256 = tpu.vector_load %arg7[%get3A_254, %get3A_255] {strides = array<i32>} : memref<32x1024xf32, #tpu.memory_space<vmem>>, vector<1x16xf32>,
      %get3A_257 = vector.shape_cast %get3A_256 : vector<1x16xf32> to vector<16xf32>
      %get3A_258 = arith.index_cast %scan3A_87 : i32 to index
      %get3A_259 = arith.constant 192 : index
      %get3A_260 = tpu.vector_load %arg8[%get3A_258, %get3A_259] {strides = array<i32>} : memref<32x1024xf32, #tpu.memory_space<vmem>>, vector<1x16xf32>,
      %get3A_261 = vector.shape_cast %get3A_260 : vector<1x16xf32> to vector<16xf32>
      %add3A_262 = arith.addf %get3A_257, %get3A_261 : vector<16xf32>
      %swap3A_263 = arith.index_cast %scan3A_87 : i32 to index
      %swap3A_264 = arith.constant 192 : index
      %swap3A_265 = tpu.vector_load %arg9[%swap3A_263, %swap3A_264] {strides = array<i32>} : memref<32x1024xf32, #tpu.memory_space<vmem>>, vector<1x16xf32>,
      %swap3A_266 = vector.shape_cast %swap3A_265 : vector<1x16xf32> to vector<16xf32>
      %swap3A_267 = vector.shape_cast %add3A_262 : vector<16xf32> to vector<1x16xf32>
      tpu.vector_store %arg9[%swap3A_263, %swap3A_264], %swap3A_267 {strides = array<i32>} : memref<32x1024xf32, #tpu.memory_space<vmem>>, vector<1x16xf32>,
      %get3A_268 = arith.index_cast %scan3A_87 : i32 to index
      %get3A_269 = arith.constant 208 : index
      %get3A_270 = tpu.vector_load %arg7[%get3A_268, %get3A_269] {strides = array<i32>} : memref<32x1024xf32, #tpu.memory_space<vmem>>, vector<1x16xf32>,
      %get3A_271 = vector.shape_cast %get3A_270 : vector<1x16xf32> to vector<16xf32>
      %get3A_272 = arith.index_cast %scan3A_87 : i32 to index
      %get3A_273 = arith.constant 208 : index
      %get3A_274 = tpu.vector_load %arg8[%get3A_272, %get3A_273] {strides = array<i32>} : memref<32x1024xf32, #tpu.memory_space<vmem>>, vector<1x16xf32>,
      %get3A_275 = vector.shape_cast %get3A_274 : vector<1x16xf32> to vector<16xf32>
      %add3A_276 = arith.addf %get3A_271, %get3A_275 : vector<16xf32>
      %swap3A_277 = arith.index_cast %scan3A_87 : i32 to index
      %swap3A_278 = arith.constant 208 : index
      %swap3A_279 = tpu.vector_load %arg9[%swap3A_277, %swap3A_278] {strides = array<i32>} : memref<32x1024xf32, #tpu.memory_space<vmem>>, vector<1x16xf32>,
      %swap3A_280 = vector.shape_cast %swap3A_279 : vector<1x16xf32> to vector<16xf32>
      %swap3A_281 = vector.shape_cast %add3A_276 : vector<16xf32> to vector<1x16xf32>
      tpu.vector_store %arg9[%swap3A_277, %swap3A_278], %swap3A_281 {strides = array<i32>} : memref<32x1024xf32, #tpu.memory_space<vmem>>, vector<1x16xf32>,
      %get3A_282 = arith.index_cast %scan3A_87 : i32 to index
      %get3A_283 = arith.constant 224 : index
      %get3A_284 = tpu.vector_load %arg7[%get3A_282, %get3A_283] {strides = array<i32>} : memref<32x1024xf32, #tpu.memory_space<vmem>>, vector<1x16xf32>,
      %get3A_285 = vector.shape_cast %get3A_284 : vector<1x16xf32> to vector<16xf32>
      %get3A_286 = arith.index_cast %scan3A_87 : i32 to index
      %get3A_287 = arith.constant 224 : index
      %get3A_288 = tpu.vector_load %arg8[%get3A_286, %get3A_287] {strides = array<i32>} : memref<32x1024xf32, #tpu.memory_space<vmem>>, vector<1x16xf32>,
      %get3A_289 = vector.shape_cast %get3A_288 : vector<1x16xf32> to vector<16xf32>
      %add3A_290 = arith.addf %get3A_285, %get3A_289 : vector<16xf32>
      %swap3A_291 = arith.index_cast %scan3A_87 : i32 to index
      %swap3A_292 = arith.constant 224 : index
      %swap3A_293 = tpu.vector_load %arg9[%swap3A_291, %swap3A_292] {strides = array<i32>} : memref<32x1024xf32, #tpu.memory_space<vmem>>, vector<1x16xf32>,
      %swap3A_294 = vector.shape_cast %swap3A_293 : vector<1x16xf32> to vector<16xf32>
      %swap3A_295 = vector.shape_cast %add3A_290 : vector<16xf32> to vector<1x16xf32>
      tpu.vector_store %arg9[%swap3A_291, %swap3A_292], %swap3A_295 {strides = array<i32>} : memref<32x1024xf32, #tpu.memory_space<vmem>>, vector<1x16xf32>,
      %get3A_296 = arith.index_cast %scan3A_87 : i32 to index
      %get3A_297 = arith.constant 240 : index
      %get3A_298 = tpu.vector_load %arg7[%get3A_296, %get3A_297] {strides = array<i32>} : memref<32x1024xf32, #tpu.memory_space<vmem>>, vector<1x16xf32>,
      %get3A_299 = vector.shape_cast %get3A_298 : vector<1x16xf32> to vector<16xf32>
      %get3A_300 = arith.index_cast %scan3A_87 : i32 to index
      %get3A_301 = arith.constant 240 : index
      %get3A_302 = tpu.vector_load %arg8[%get3A_300, %get3A_301] {strides = array<i32>} : memref<32x1024xf32, #tpu.memory_space<vmem>>, vector<1x16xf32>,
      %get3A_303 = vector.shape_cast %get3A_302 : vector<1x16xf32> to vector<16xf32>
      %add3A_304 = arith.addf %get3A_299, %get3A_303 : vector<16xf32>
      %swap3A_305 = arith.index_cast %scan3A_87 : i32 to index
      %swap3A_306 = arith.constant 240 : index
      %swap3A_307 = tpu.vector_load %arg9[%swap3A_305, %swap3A_306] {strides = array<i32>} : memref<32x1024xf32, #tpu.memory_space<vmem>>, vector<1x16xf32>,
      %swap3A_308 = vector.shape_cast %swap3A_307 : vector<1x16xf32> to vector<16xf32>
      %swap3A_309 = vector.shape_cast %add3A_304 : vector<16xf32> to vector<1x16xf32>
      tpu.vector_store %arg9[%swap3A_305, %swap3A_306], %swap3A_309 {strides = array<i32>} : memref<32x1024xf32, #tpu.memory_space<vmem>>, vector<1x16xf32>,
      %get3A_310 = arith.index_cast %scan3A_87 : i32 to index
      %get3A_311 = arith.constant 256 : index
      %get3A_312 = tpu.vector_load %arg7[%get3A_310, %get3A_311] {strides = array<i32>} : memref<32x1024xf32, #tpu.memory_space<vmem>>, vector<1x16xf32>,
      %get3A_313 = vector.shape_cast %get3A_312 : vector<1x16xf32> to vector<16xf32>
      %get3A_314 = arith.index_cast %scan3A_87 : i32 to index
      %get3A_315 = arith.constant 256 : index
      %get3A_316 = tpu.vector_load %arg8[%get3A_314, %get3A_315] {strides = array<i32>} : memref<32x1024xf32, #tpu.memory_space<vmem>>, vector<1x16xf32>,
      %get3A_317 = vector.shape_cast %get3A_316 : vector<1x16xf32> to vector<16xf32>
      %add3A_318 = arith.addf %get3A_313, %get3A_317 : vector<16xf32>
      %swap3A_319 = arith.index_cast %scan3A_87 : i32 to index
      %swap3A_320 = arith.constant 256 : index
      %swap3A_321 = tpu.vector_load %arg9[%swap3A_319, %swap3A_320] {strides = array<i32>} : memref<32x1024xf32, #tpu.memory_space<vmem>>, vector<1x16xf32>,
      %swap3A_322 = vector.shape_cast %swap3A_321 : vector<1x16xf32> to vector<16xf32>
      %swap3A_323 = vector.shape_cast %add3A_318 : vector<16xf32> to vector<1x16xf32>
      tpu.vector_store %arg9[%swap3A_319, %swap3A_320], %swap3A_323 {strides = array<i32>} : memref<32x1024xf32, #tpu.memory_space<vmem>>, vector<1x16xf32>,
      %get3A_324 = arith.index_cast %scan3A_87 : i32 to index
      %get3A_325 = arith.constant 272 : index
      %get3A_326 = tpu.vector_load %arg7[%get3A_324, %get3A_325] {strides = array<i32>} : memref<32x1024xf32, #tpu.memory_space<vmem>>, vector<1x16xf32>,
      %get3A_327 = vector.shape_cast %get3A_326 : vector<1x16xf32> to vector<16xf32>
      %get3A_328 = arith.index_cast %scan3A_87 : i32 to index
      %get3A_329 = arith.constant 272 : index
      %get3A_330 = tpu.vector_load %arg8[%get3A_328, %get3A_329] {strides = array<i32>} : memref<32x1024xf32, #tpu.memory_space<vmem>>, vector<1x16xf32>,
      %get3A_331 = vector.shape_cast %get3A_330 : vector<1x16xf32> to vector<16xf32>
      %add3A_332 = arith.addf %get3A_327, %get3A_331 : vector<16xf32>
      %swap3A_333 = arith.index_cast %scan3A_87 : i32 to index
      %swap3A_334 = arith.constant 272 : index
      %swap3A_335 = tpu.vector_load %arg9[%swap3A_333, %swap3A_334] {strides = array<i32>} : memref<32x1024xf32, #tpu.memory_space<vmem>>, vector<1x16xf32>,
      %swap3A_336 = vector.shape_cast %swap3A_335 : vector<1x16xf32> to vector<16xf32>
      %swap3A_337 = vector.shape_cast %add3A_332 : vector<16xf32> to vector<1x16xf32>
      tpu.vector_store %arg9[%swap3A_333, %swap3A_334], %swap3A_337 {strides = array<i32>} : memref<32x1024xf32, #tpu.memory_space<vmem>>, vector<1x16xf32>,
      %get3A_338 = arith.index_cast %scan3A_87 : i32 to index
      %get3A_339 = arith.constant 288 : index
      %get3A_340 = tpu.vector_load %arg7[%get3A_338, %get3A_339] {strides = array<i32>} : memref<32x1024xf32, #tpu.memory_space<vmem>>, vector<1x16xf32>,
      %get3A_341 = vector.shape_cast %get3A_340 : vector<1x16xf32> to vector<16xf32>
      %get3A_342 = arith.index_cast %scan3A_87 : i32 to index
      %get3A_343 = arith.constant 288 : index
      %get3A_344 = tpu.vector_load %arg8[%get3A_342, %get3A_343] {strides = array<i32>} : memref<32x1024xf32, #tpu.memory_space<vmem>>, vector<1x16xf32>,
      %get3A_345 = vector.shape_cast %get3A_344 : vector<1x16xf32> to vector<16xf32>
      %add3A_346 = arith.addf %get3A_341, %get3A_345 : vector<16xf32>
      %swap3A_347 = arith.index_cast %scan3A_87 : i32 to index
      %swap3A_348 = arith.constant 288 : index
      %swap3A_349 = tpu.vector_load %arg9[%swap3A_347, %swap3A_348] {strides = array<i32>} : memref<32x1024xf32, #tpu.memory_space<vmem>>, vector<1x16xf32>,
      %swap3A_350 = vector.shape_cast %swap3A_349 : vector<1x16xf32> to vector<16xf32>
      %swap3A_351 = vector.shape_cast %add3A_346 : vector<16xf32> to vector<1x16xf32>
      tpu.vector_store %arg9[%swap3A_347, %swap3A_348], %swap3A_351 {strides = array<i32>} : memref<32x1024xf32, #tpu.memory_space<vmem>>, vector<1x16xf32>,
      %get3A_352 = arith.index_cast %scan3A_87 : i32 to index
      %get3A_353 = arith.constant 304 : index
      %get3A_354 = tpu.vector_load %arg7[%get3A_352, %get3A_353] {strides = array<i32>} : memref<32x1024xf32, #tpu.memory_space<vmem>>, vector<1x16xf32>,
      %get3A_355 = vector.shape_cast %get3A_354 : vector<1x16xf32> to vector<16xf32>
      %get3A_356 = arith.index_cast %scan3A_87 : i32 to index
      %get3A_357 = arith.constant 304 : index
      %get3A_358 = tpu.vector_load %arg8[%get3A_356, %get3A_357] {strides = array<i32>} : memref<32x1024xf32, #tpu.memory_space<vmem>>, vector<1x16xf32>,
      %get3A_359 = vector.shape_cast %get3A_358 : vector<1x16xf32> to vector<16xf32>
      %add3A_360 = arith.addf %get3A_355, %get3A_359 : vector<16xf32>
      %swap3A_361 = arith.index_cast %scan3A_87 : i32 to index
      %swap3A_362 = arith.constant 304 : index
      %swap3A_363 = tpu.vector_load %arg9[%swap3A_361, %swap3A_362] {strides = array<i32>} : memref<32x1024xf32, #tpu.memory_space<vmem>>, vector<1x16xf32>,
      %swap3A_364 = vector.shape_cast %swap3A_363 : vector<1x16xf32> to vector<16xf32>
      %swap3A_365 = vector.shape_cast %add3A_360 : vector<16xf32> to vector<1x16xf32>
      tpu.vector_store %arg9[%swap3A_361, %swap3A_362], %swap3A_365 {strides = array<i32>} : memref<32x1024xf32, #tpu.memory_space<vmem>>, vector<1x16xf32>,
      %get3A_366 = arith.index_cast %scan3A_87 : i32 to index
      %get3A_367 = arith.constant 320 : index
      %get3A_368 = tpu.vector_load %arg7[%get3A_366, %get3A_367] {strides = array<i32>} : memref<32x1024xf32, #tpu.memory_space<vmem>>, vector<1x16xf32>,
      %get3A_369 = vector.shape_cast %get3A_368 : vector<1x16xf32> to vector<16xf32>
      %get3A_370 = arith.index_cast %scan3A_87 : i32 to index
      %get3A_371 = arith.constant 320 : index
      %get3A_372 = tpu.vector_load %arg8[%get3A_370, %get3A_371] {strides = array<i32>} : memref<32x1024xf32, #tpu.memory_space<vmem>>, vector<1x16xf32>,
      %get3A_373 = vector.shape_cast %get3A_372 : vector<1x16xf32> to vector<16xf32>
      %add3A_374 = arith.addf %get3A_369, %get3A_373 : vector<16xf32>
      %swap3A_375 = arith.index_cast %scan3A_87 : i32 to index
      %swap3A_376 = arith.constant 320 : index
      %swap3A_377 = tpu.vector_load %arg9[%swap3A_375, %swap3A_376] {strides = array<i32>} : memref<32x1024xf32, #tpu.memory_space<vmem>>, vector<1x16xf32>,
      %swap3A_378 = vector.shape_cast %swap3A_377 : vector<1x16xf32> to vector<16xf32>
      %swap3A_379 = vector.shape_cast %add3A_374 : vector<16xf32> to vector<1x16xf32>
      tpu.vector_store %arg9[%swap3A_375, %swap3A_376], %swap3A_379 {strides = array<i32>} : memref<32x1024xf32, #tpu.memory_space<vmem>>, vector<1x16xf32>,
      %get3A_380 = arith.index_cast %scan3A_87 : i32 to index
      %get3A_381 = arith.constant 336 : index
      %get3A_382 = tpu.vector_load %arg7[%get3A_380, %get3A_381] {strides = array<i32>} : memref<32x1024xf32, #tpu.memory_space<vmem>>, vector<1x16xf32>,
      %get3A_383 = vector.shape_cast %get3A_382 : vector<1x16xf32> to vector<16xf32>
      %get3A_384 = arith.index_cast %scan3A_87 : i32 to index
      %get3A_385 = arith.constant 336 : index
      %get3A_386 = tpu.vector_load %arg8[%get3A_384, %get3A_385] {strides = array<i32>} : memref<32x1024xf32, #tpu.memory_space<vmem>>, vector<1x16xf32>,
      %get3A_387 = vector.shape_cast %get3A_386 : vector<1x16xf32> to vector<16xf32>
      %add3A_388 = arith.addf %get3A_383, %get3A_387 : vector<16xf32>
      %swap3A_389 = arith.index_cast %scan3A_87 : i32 to index
      %swap3A_390 = arith.constant 336 : index
      %swap3A_391 = tpu.vector_load %arg9[%swap3A_389, %swap3A_390] {strides = array<i32>} : memref<32x1024xf32, #tpu.memory_space<vmem>>, vector<1x16xf32>,
      %swap3A_392 = vector.shape_cast %swap3A_391 : vector<1x16xf32> to vector<16xf32>
      %swap3A_393 = vector.shape_cast %add3A_388 : vector<16xf32> to vector<1x16xf32>
      tpu.vector_store %arg9[%swap3A_389, %swap3A_390], %swap3A_393 {strides = array<i32>} : memref<32x1024xf32, #tpu.memory_space<vmem>>, vector<1x16xf32>,
      %get3A_394 = arith.index_cast %scan3A_87 : i32 to index
      %get3A_395 = arith.constant 352 : index
      %get3A_396 = tpu.vector_load %arg7[%get3A_394, %get3A_395] {strides = array<i32>} : memref<32x1024xf32, #tpu.memory_space<vmem>>, vector<1x16xf32>,
      %get3A_397 = vector.shape_cast %get3A_396 : vector<1x16xf32> to vector<16xf32>
      %get3A_398 = arith.index_cast %scan3A_87 : i32 to index
      %get3A_399 = arith.constant 352 : index
      %get3A_400 = tpu.vector_load %arg8[%get3A_398, %get3A_399] {strides = array<i32>} : memref<32x1024xf32, #tpu.memory_space<vmem>>, vector<1x16xf32>,
      %get3A_401 = vector.shape_cast %get3A_400 : vector<1x16xf32> to vector<16xf32>
      %add3A_402 = arith.addf %get3A_397, %get3A_401 : vector<16xf32>
      %swap3A_403 = arith.index_cast %scan3A_87 : i32 to index
      %swap3A_404 = arith.constant 352 : index
      %swap3A_405 = tpu.vector_load %arg9[%swap3A_403, %swap3A_404] {strides = array<i32>} : memref<32x1024xf32, #tpu.memory_space<vmem>>, vector<1x16xf32>,
      %swap3A_406 = vector.shape_cast %swap3A_405 : vector<1x16xf32> to vector<16xf32>
      %swap3A_407 = vector.shape_cast %add3A_402 : vector<16xf32> to vector<1x16xf32>
      tpu.vector_store %arg9[%swap3A_403, %swap3A_404], %swap3A_407 {strides = array<i32>} : memref<32x1024xf32, #tpu.memory_space<vmem>>, vector<1x16xf32>,
      %get3A_408 = arith.index_cast %scan3A_87 : i32 to index
      %get3A_409 = arith.constant 368 : index
      %get3A_410 = tpu.vector_load %arg7[%get3A_408, %get3A_409] {strides = array<i32>} : memref<32x1024xf32, #tpu.memory_space<vmem>>, vector<1x16xf32>,
      %get3A_411 = vector.shape_cast %get3A_410 : vector<1x16xf32> to vector<16xf32>
      %get3A_412 = arith.index_cast %scan3A_87 : i32 to index
      %get3A_413 = arith.constant 368 : index
      %get3A_414 = tpu.vector_load %arg8[%get3A_412, %get3A_413] {strides = array<i32>} : memref<32x1024xf32, #tpu.memory_space<vmem>>, vector<1x16xf32>,
      %get3A_415 = vector.shape_cast %get3A_414 : vector<1x16xf32> to vector<16xf32>
      %add3A_416 = arith.addf %get3A_411, %get3A_415 : vector<16xf32>
      %swap3A_417 = arith.index_cast %scan3A_87 : i32 to index
      %swap3A_418 = arith.constant 368 : index
      %swap3A_419 = tpu.vector_load %arg9[%swap3A_417, %swap3A_418] {strides = array<i32>} : memref<32x1024xf32, #tpu.memory_space<vmem>>, vector<1x16xf32>,
      %swap3A_420 = vector.shape_cast %swap3A_419 : vector<1x16xf32> to vector<16xf32>
      %swap3A_421 = vector.shape_cast %add3A_416 : vector<16xf32> to vector<1x16xf32>
      tpu.vector_store %arg9[%swap3A_417, %swap3A_418], %swap3A_421 {strides = array<i32>} : memref<32x1024xf32, #tpu.memory_space<vmem>>, vector<1x16xf32>,
      %get3A_422 = arith.index_cast %scan3A_87 : i32 to index
      %get3A_423 = arith.constant 384 : index
      %get3A_424 = tpu.vector_load %arg7[%get3A_422, %get3A_423] {strides = array<i32>} : memref<32x1024xf32, #tpu.memory_space<vmem>>, vector<1x16xf32>,
      %get3A_425 = vector.shape_cast %get3A_424 : vector<1x16xf32> to vector<16xf32>
      %get3A_426 = arith.index_cast %scan3A_87 : i32 to index
      %get3A_427 = arith.constant 384 : index
      %get3A_428 = tpu.vector_load %arg8[%get3A_426, %get3A_427] {strides = array<i32>} : memref<32x1024xf32, #tpu.memory_space<vmem>>, vector<1x16xf32>,
      %get3A_429 = vector.shape_cast %get3A_428 : vector<1x16xf32> to vector<16xf32>
      %add3A_430 = arith.addf %get3A_425, %get3A_429 : vector<16xf32>
      %swap3A_431 = arith.index_cast %scan3A_87 : i32 to index
      %swap3A_432 = arith.constant 384 : index
      %swap3A_433 = tpu.vector_load %arg9[%swap3A_431, %swap3A_432] {strides = array<i32>} : memref<32x1024xf32, #tpu.memory_space<vmem>>, vector<1x16xf32>,
      %swap3A_434 = vector.shape_cast %swap3A_433 : vector<1x16xf32> to vector<16xf32>
      %swap3A_435 = vector.shape_cast %add3A_430 : vector<16xf32> to vector<1x16xf32>
      tpu.vector_store %arg9[%swap3A_431, %swap3A_432], %swap3A_435 {strides = array<i32>} : memref<32x1024xf32, #tpu.memory_space<vmem>>, vector<1x16xf32>,
      %get3A_436 = arith.index_cast %scan3A_87 : i32 to index
      %get3A_437 = arith.constant 400 : index
      %get3A_438 = tpu.vector_load %arg7[%get3A_436, %get3A_437] {strides = array<i32>} : memref<32x1024xf32, #tpu.memory_space<vmem>>, vector<1x16xf32>,
      %get3A_439 = vector.shape_cast %get3A_438 : vector<1x16xf32> to vector<16xf32>
      %get3A_440 = arith.index_cast %scan3A_87 : i32 to index
      %get3A_441 = arith.constant 400 : index
      %get3A_442 = tpu.vector_load %arg8[%get3A_440, %get3A_441] {strides = array<i32>} : memref<32x1024xf32, #tpu.memory_space<vmem>>, vector<1x16xf32>,
      %get3A_443 = vector.shape_cast %get3A_442 : vector<1x16xf32> to vector<16xf32>
      %add3A_444 = arith.addf %get3A_439, %get3A_443 : vector<16xf32>
      %swap3A_445 = arith.index_cast %scan3A_87 : i32 to index
      %swap3A_446 = arith.constant 400 : index
      %swap3A_447 = tpu.vector_load %arg9[%swap3A_445, %swap3A_446] {strides = array<i32>} : memref<32x1024xf32, #tpu.memory_space<vmem>>, vector<1x16xf32>,
      %swap3A_448 = vector.shape_cast %swap3A_447 : vector<1x16xf32> to vector<16xf32>
      %swap3A_449 = vector.shape_cast %add3A_444 : vector<16xf32> to vector<1x16xf32>
      tpu.vector_store %arg9[%swap3A_445, %swap3A_446], %swap3A_449 {strides = array<i32>} : memref<32x1024xf32, #tpu.memory_space<vmem>>, vector<1x16xf32>,
      %get3A_450 = arith.index_cast %scan3A_87 : i32 to index
      %get3A_451 = arith.constant 416 : index
      %get3A_452 = tpu.vector_load %arg7[%get3A_450, %get3A_451] {strides = array<i32>} : memref<32x1024xf32, #tpu.memory_space<vmem>>, vector<1x16xf32>,
      %get3A_453 = vector.shape_cast %get3A_452 : vector<1x16xf32> to vector<16xf32>
      %get3A_454 = arith.index_cast %scan3A_87 : i32 to index
      %get3A_455 = arith.constant 416 : index
      %get3A_456 = tpu.vector_load %arg8[%get3A_454, %get3A_455] {strides = array<i32>} : memref<32x1024xf32, #tpu.memory_space<vmem>>, vector<1x16xf32>,
      %get3A_457 = vector.shape_cast %get3A_456 : vector<1x16xf32> to vector<16xf32>
      %add3A_458 = arith.addf %get3A_453, %get3A_457 : vector<16xf32>
      %swap3A_459 = arith.index_cast %scan3A_87 : i32 to index
      %swap3A_460 = arith.constant 416 : index
      %swap3A_461 = tpu.vector_load %arg9[%swap3A_459, %swap3A_460] {strides = array<i32>} : memref<32x1024xf32, #tpu.memory_space<vmem>>, vector<1x16xf32>,
      %swap3A_462 = vector.shape_cast %swap3A_461 : vector<1x16xf32> to vector<16xf32>
      %swap3A_463 = vector.shape_cast %add3A_458 : vector<16xf32> to vector<1x16xf32>
      tpu.vector_store %arg9[%swap3A_459, %swap3A_460], %swap3A_463 {strides = array<i32>} : memref<32x1024xf32, #tpu.memory_space<vmem>>, vector<1x16xf32>,
      %get3A_464 = arith.index_cast %scan3A_87 : i32 to index
      %get3A_465 = arith.constant 432 : index
      %get3A_466 = tpu.vector_load %arg7[%get3A_464, %get3A_465] {strides = array<i32>} : memref<32x1024xf32, #tpu.memory_space<vmem>>, vector<1x16xf32>,
      %get3A_467 = vector.shape_cast %get3A_466 : vector<1x16xf32> to vector<16xf32>
      %get3A_468 = arith.index_cast %scan3A_87 : i32 to index
      %get3A_469 = arith.constant 432 : index
      %get3A_470 = tpu.vector_load %arg8[%get3A_468, %get3A_469] {strides = array<i32>} : memref<32x1024xf32, #tpu.memory_space<vmem>>, vector<1x16xf32>,
      %get3A_471 = vector.shape_cast %get3A_470 : vector<1x16xf32> to vector<16xf32>
      %add3A_472 = arith.addf %get3A_467, %get3A_471 : vector<16xf32>
      %swap3A_473 = arith.index_cast %scan3A_87 : i32 to index
      %swap3A_474 = arith.constant 432 : index
      %swap3A_475 = tpu.vector_load %arg9[%swap3A_473, %swap3A_474] {strides = array<i32>} : memref<32x1024xf32, #tpu.memory_space<vmem>>, vector<1x16xf32>,
      %swap3A_476 = vector.shape_cast %swap3A_475 : vector<1x16xf32> to vector<16xf32>
      %swap3A_477 = vector.shape_cast %add3A_472 : vector<16xf32> to vector<1x16xf32>
      tpu.vector_store %arg9[%swap3A_473, %swap3A_474], %swap3A_477 {strides = array<i32>} : memref<32x1024xf32, #tpu.memory_space<vmem>>, vector<1x16xf32>,
      %get3A_478 = arith.index_cast %scan3A_87 : i32 to index
      %get3A_479 = arith.constant 448 : index
      %get3A_480 = tpu.vector_load %arg7[%get3A_478, %get3A_479] {strides = array<i32>} : memref<32x1024xf32, #tpu.memory_space<vmem>>, vector<1x16xf32>,
      %get3A_481 = vector.shape_cast %get3A_480 : vector<1x16xf32> to vector<16xf32>
      %get3A_482 = arith.index_cast %scan3A_87 : i32 to index
      %get3A_483 = arith.constant 448 : index
      %get3A_484 = tpu.vector_load %arg8[%get3A_482, %get3A_483] {strides = array<i32>} : memref<32x1024xf32, #tpu.memory_space<vmem>>, vector<1x16xf32>,
      %get3A_485 = vector.shape_cast %get3A_484 : vector<1x16xf32> to vector<16xf32>
      %add3A_486 = arith.addf %get3A_481, %get3A_485 : vector<16xf32>
      %swap3A_487 = arith.index_cast %scan3A_87 : i32 to index
      %swap3A_488 = arith.constant 448 : index
      %swap3A_489 = tpu.vector_load %arg9[%swap3A_487, %swap3A_488] {strides = array<i32>} : memref<32x1024xf32, #tpu.memory_space<vmem>>, vector<1x16xf32>,
      %swap3A_490 = vector.shape_cast %swap3A_489 : vector<1x16xf32> to vector<16xf32>
      %swap3A_491 = vector.shape_cast %add3A_486 : vector<16xf32> to vector<1x16xf32>
      tpu.vector_store %arg9[%swap3A_487, %swap3A_488], %swap3A_491 {strides = array<i32>} : memref<32x1024xf32, #tpu.memory_space<vmem>>, vector<1x16xf32>,
      %get3A_492 = arith.index_cast %scan3A_87 : i32 to index
      %get3A_493 = arith.constant 464 : index
      %get3A_494 = tpu.vector_load %arg7[%get3A_492, %get3A_493] {strides = array<i32>} : memref<32x1024xf32, #tpu.memory_space<vmem>>, vector<1x16xf32>,
      %get3A_495 = vector.shape_cast %get3A_494 : vector<1x16xf32> to vector<16xf32>
      %get3A_496 = arith.index_cast %scan3A_87 : i32 to index
      %get3A_497 = arith.constant 464 : index
      %get3A_498 = tpu.vector_load %arg8[%get3A_496, %get3A_497] {strides = array<i32>} : memref<32x1024xf32, #tpu.memory_space<vmem>>, vector<1x16xf32>,
      %get3A_499 = vector.shape_cast %get3A_498 : vector<1x16xf32> to vector<16xf32>
      %add3A_500 = arith.addf %get3A_495, %get3A_499 : vector<16xf32>
      %swap3A_501 = arith.index_cast %scan3A_87 : i32 to index
      %swap3A_502 = arith.constant 464 : index
      %swap3A_503 = tpu.vector_load %arg9[%swap3A_501, %swap3A_502] {strides = array<i32>} : memref<32x1024xf32, #tpu.memory_space<vmem>>, vector<1x16xf32>,
      %swap3A_504 = vector.shape_cast %swap3A_503 : vector<1x16xf32> to vector<16xf32>
      %swap3A_505 = vector.shape_cast %add3A_500 : vector<16xf32> to vector<1x16xf32>
      tpu.vector_store %arg9[%swap3A_501, %swap3A_502], %swap3A_505 {strides = array<i32>} : memref<32x1024xf32, #tpu.memory_space<vmem>>, vector<1x16xf32>,
      %get3A_506 = arith.index_cast %scan3A_87 : i32 to index
      %get3A_507 = arith.constant 480 : index
      %get3A_508 = tpu.vector_load %arg7[%get3A_506, %get3A_507] {strides = array<i32>} : memref<32x1024xf32, #tpu.memory_space<vmem>>, vector<1x16xf32>,
      %get3A_509 = vector.shape_cast %get3A_508 : vector<1x16xf32> to vector<16xf32>
      %get3A_510 = arith.index_cast %scan3A_87 : i32 to index
      %get3A_511 = arith.constant 480 : index
      %get3A_512 = tpu.vector_load %arg8[%get3A_510, %get3A_511] {strides = array<i32>} : memref<32x1024xf32, #tpu.memory_space<vmem>>, vector<1x16xf32>,
      %get3A_513 = vector.shape_cast %get3A_512 : vector<1x16xf32> to vector<16xf32>
      %add3A_514 = arith.addf %get3A_509, %get3A_513 : vector<16xf32>
      %swap3A_515 = arith.index_cast %scan3A_87 : i32 to index
      %swap3A_516 = arith.constant 480 : index
      %swap3A_517 = tpu.vector_load %arg9[%swap3A_515, %swap3A_516] {strides = array<i32>} : memref<32x1024xf32, #tpu.memory_space<vmem>>, vector<1x16xf32>,
      %swap3A_518 = vector.shape_cast %swap3A_517 : vector<1x16xf32> to vector<16xf32>
      %swap3A_519 = vector.shape_cast %add3A_514 : vector<16xf32> to vector<1x16xf32>
      tpu.vector_store %arg9[%swap3A_515, %swap3A_516], %swap3A_519 {strides = array<i32>} : memref<32x1024xf32, #tpu.memory_space<vmem>>, vector<1x16xf32>,
      %get3A_520 = arith.index_cast %scan3A_87 : i32 to index
      %get3A_521 = arith.constant 496 : index
      %get3A_522 = tpu.vector_load %arg7[%get3A_520, %get3A_521] {strides = array<i32>} : memref<32x1024xf32, #tpu.memory_space<vmem>>, vector<1x16xf32>,
      %get3A_523 = vector.shape_cast %get3A_522 : vector<1x16xf32> to vector<16xf32>
      %get3A_524 = arith.index_cast %scan3A_87 : i32 to index
      %get3A_525 = arith.constant 496 : index
      %get3A_526 = tpu.vector_load %arg8[%get3A_524, %get3A_525] {strides = array<i32>} : memref<32x1024xf32, #tpu.memory_space<vmem>>, vector<1x16xf32>,
      %get3A_527 = vector.shape_cast %get3A_526 : vector<1x16xf32> to vector<16xf32>
      %add3A_528 = arith.addf %get3A_523, %get3A_527 : vector<16xf32>
      %swap3A_529 = arith.index_cast %scan3A_87 : i32 to index
      %swap3A_530 = arith.constant 496 : index
      %swap3A_531 = tpu.vector_load %arg9[%swap3A_529, %swap3A_530] {strides = array<i32>} : memref<32x1024xf32, #tpu.memory_space<vmem>>, vector<1x16xf32>,
      %swap3A_532 = vector.shape_cast %swap3A_531 : vector<1x16xf32> to vector<16xf32>
      %swap3A_533 = vector.shape_cast %add3A_528 : vector<16xf32> to vector<1x16xf32>
      tpu.vector_store %arg9[%swap3A_529, %swap3A_530], %swap3A_533 {strides = array<i32>} : memref<32x1024xf32, #tpu.memory_space<vmem>>, vector<1x16xf32>,
      %get3A_534 = arith.index_cast %scan3A_87 : i32 to index
      %get3A_535 = arith.constant 512 : index
      %get3A_536 = tpu.vector_load %arg7[%get3A_534, %get3A_535] {strides = array<i32>} : memref<32x1024xf32, #tpu.memory_space<vmem>>, vector<1x16xf32>,
      %get3A_537 = vector.shape_cast %get3A_536 : vector<1x16xf32> to vector<16xf32>
      %get3A_538 = arith.index_cast %scan3A_87 : i32 to index
      %get3A_539 = arith.constant 512 : index
      %get3A_540 = tpu.vector_load %arg8[%get3A_538, %get3A_539] {strides = array<i32>} : memref<32x1024xf32, #tpu.memory_space<vmem>>, vector<1x16xf32>,
      %get3A_541 = vector.shape_cast %get3A_540 : vector<1x16xf32> to vector<16xf32>
      %add3A_542 = arith.addf %get3A_537, %get3A_541 : vector<16xf32>
      %swap3A_543 = arith.index_cast %scan3A_87 : i32 to index
      %swap3A_544 = arith.constant 512 : index
      %swap3A_545 = tpu.vector_load %arg9[%swap3A_543, %swap3A_544] {strides = array<i32>} : memref<32x1024xf32, #tpu.memory_space<vmem>>, vector<1x16xf32>,
      %swap3A_546 = vector.shape_cast %swap3A_545 : vector<1x16xf32> to vector<16xf32>
      %swap3A_547 = vector.shape_cast %add3A_542 : vector<16xf32> to vector<1x16xf32>
      tpu.vector_store %arg9[%swap3A_543, %swap3A_544], %swap3A_547 {strides = array<i32>} : memref<32x1024xf32, #tpu.memory_space<vmem>>, vector<1x16xf32>,
      %get3A_548 = arith.index_cast %scan3A_87 : i32 to index
      %get3A_549 = arith.constant 528 : index
      %get3A_550 = tpu.vector_load %arg7[%get3A_548, %get3A_549] {strides = array<i32>} : memref<32x1024xf32, #tpu.memory_space<vmem>>, vector<1x16xf32>,
      %get3A_551 = vector.shape_cast %get3A_550 : vector<1x16xf32> to vector<16xf32>
      %get3A_552 = arith.index_cast %scan3A_87 : i32 to index
      %get3A_553 = arith.constant 528 : index
      %get3A_554 = tpu.vector_load %arg8[%get3A_552, %get3A_553] {strides = array<i32>} : memref<32x1024xf32, #tpu.memory_space<vmem>>, vector<1x16xf32>,
      %get3A_555 = vector.shape_cast %get3A_554 : vector<1x16xf32> to vector<16xf32>
      %add3A_556 = arith.addf %get3A_551, %get3A_555 : vector<16xf32>
      %swap3A_557 = arith.index_cast %scan3A_87 : i32 to index
      %swap3A_558 = arith.constant 528 : index
      %swap3A_559 = tpu.vector_load %arg9[%swap3A_557, %swap3A_558] {strides = array<i32>} : memref<32x1024xf32, #tpu.memory_space<vmem>>, vector<1x16xf32>,
      %swap3A_560 = vector.shape_cast %swap3A_559 : vector<1x16xf32> to vector<16xf32>
      %swap3A_561 = vector.shape_cast %add3A_556 : vector<16xf32> to vector<1x16xf32>
      tpu.vector_store %arg9[%swap3A_557, %swap3A_558], %swap3A_561 {strides = array<i32>} : memref<32x1024xf32, #tpu.memory_space<vmem>>, vector<1x16xf32>,
      %get3A_562 = arith.index_cast %scan3A_87 : i32 to index
      %get3A_563 = arith.constant 544 : index
      %get3A_564 = tpu.vector_load %arg7[%get3A_562, %get3A_563] {strides = array<i32>} : memref<32x1024xf32, #tpu.memory_space<vmem>>, vector<1x16xf32>,
      %get3A_565 = vector.shape_cast %get3A_564 : vector<1x16xf32> to vector<16xf32>
      %get3A_566 = arith.index_cast %scan3A_87 : i32 to index
      %get3A_567 = arith.constant 544 : index
      %get3A_568 = tpu.vector_load %arg8[%get3A_566, %get3A_567] {strides = array<i32>} : memref<32x1024xf32, #tpu.memory_space<vmem>>, vector<1x16xf32>,
      %get3A_569 = vector.shape_cast %get3A_568 : vector<1x16xf32> to vector<16xf32>
      %add3A_570 = arith.addf %get3A_565, %get3A_569 : vector<16xf32>
      %swap3A_571 = arith.index_cast %scan3A_87 : i32 to index
      %swap3A_572 = arith.constant 544 : index
      %swap3A_573 = tpu.vector_load %arg9[%swap3A_571, %swap3A_572] {strides = array<i32>} : memref<32x1024xf32, #tpu.memory_space<vmem>>, vector<1x16xf32>,
      %swap3A_574 = vector.shape_cast %swap3A_573 : vector<1x16xf32> to vector<16xf32>
      %swap3A_575 = vector.shape_cast %add3A_570 : vector<16xf32> to vector<1x16xf32>
      tpu.vector_store %arg9[%swap3A_571, %swap3A_572], %swap3A_575 {strides = array<i32>} : memref<32x1024xf32, #tpu.memory_space<vmem>>, vector<1x16xf32>,
      %get3A_576 = arith.index_cast %scan3A_87 : i32 to index
      %get3A_577 = arith.constant 560 : index
      %get3A_578 = tpu.vector_load %arg7[%get3A_576, %get3A_577] {strides = array<i32>} : memref<32x1024xf32, #tpu.memory_space<vmem>>, vector<1x16xf32>,
      %get3A_579 = vector.shape_cast %get3A_578 : vector<1x16xf32> to vector<16xf32>
      %get3A_580 = arith.index_cast %scan3A_87 : i32 to index
      %get3A_581 = arith.constant 560 : index
      %get3A_582 = tpu.vector_load %arg8[%get3A_580, %get3A_581] {strides = array<i32>} : memref<32x1024xf32, #tpu.memory_space<vmem>>, vector<1x16xf32>,
      %get3A_583 = vector.shape_cast %get3A_582 : vector<1x16xf32> to vector<16xf32>
      %add3A_584 = arith.addf %get3A_579, %get3A_583 : vector<16xf32>
      %swap3A_585 = arith.index_cast %scan3A_87 : i32 to index
      %swap3A_586 = arith.constant 560 : index
      %swap3A_587 = tpu.vector_load %arg9[%swap3A_585, %swap3A_586] {strides = array<i32>} : memref<32x1024xf32, #tpu.memory_space<vmem>>, vector<1x16xf32>,
      %swap3A_588 = vector.shape_cast %swap3A_587 : vector<1x16xf32> to vector<16xf32>
      %swap3A_589 = vector.shape_cast %add3A_584 : vector<16xf32> to vector<1x16xf32>
      tpu.vector_store %arg9[%swap3A_585, %swap3A_586], %swap3A_589 {strides = array<i32>} : memref<32x1024xf32, #tpu.memory_space<vmem>>, vector<1x16xf32>,
      %get3A_590 = arith.index_cast %scan3A_87 : i32 to index
      %get3A_591 = arith.constant 576 : index
      %get3A_592 = tpu.vector_load %arg7[%get3A_590, %get3A_591] {strides = array<i32>} : memref<32x1024xf32, #tpu.memory_space<vmem>>, vector<1x16xf32>,
      %get3A_593 = vector.shape_cast %get3A_592 : vector<1x16xf32> to vector<16xf32>
      %get3A_594 = arith.index_cast %scan3A_87 : i32 to index
      %get3A_595 = arith.constant 576 : index
      %get3A_596 = tpu.vector_load %arg8[%get3A_594, %get3A_595] {strides = array<i32>} : memref<32x1024xf32, #tpu.memory_space<vmem>>, vector<1x16xf32>,
      %get3A_597 = vector.shape_cast %get3A_596 : vector<1x16xf32> to vector<16xf32>
      %add3A_598 = arith.addf %get3A_593, %get3A_597 : vector<16xf32>
      %swap3A_599 = arith.index_cast %scan3A_87 : i32 to index
      %swap3A_600 = arith.constant 576 : index
      %swap3A_601 = tpu.vector_load %arg9[%swap3A_599, %swap3A_600] {strides = array<i32>} : memref<32x1024xf32, #tpu.memory_space<vmem>>, vector<1x16xf32>,
      %swap3A_602 = vector.shape_cast %swap3A_601 : vector<1x16xf32> to vector<16xf32>
      %swap3A_603 = vector.shape_cast %add3A_598 : vector<16xf32> to vector<1x16xf32>
      tpu.vector_store %arg9[%swap3A_599, %swap3A_600], %swap3A_603 {strides = array<i32>} : memref<32x1024xf32, #tpu.memory_space<vmem>>, vector<1x16xf32>,
      %get3A_604 = arith.index_cast %scan3A_87 : i32 to index
      %get3A_605 = arith.constant 592 : index
      %get3A_606 = tpu.vector_load %arg7[%get3A_604, %get3A_605] {strides = array<i32>} : memref<32x1024xf32, #tpu.memory_space<vmem>>, vector<1x16xf32>,
      %get3A_607 = vector.shape_cast %get3A_606 : vector<1x16xf32> to vector<16xf32>
      %get3A_608 = arith.index_cast %scan3A_87 : i32 to index
      %get3A_609 = arith.constant 592 : index
      %get3A_610 = tpu.vector_load %arg8[%get3A_608, %get3A_609] {strides = array<i32>} : memref<32x1024xf32, #tpu.memory_space<vmem>>, vector<1x16xf32>,
      %get3A_611 = vector.shape_cast %get3A_610 : vector<1x16xf32> to vector<16xf32>
      %add3A_612 = arith.addf %get3A_607, %get3A_611 : vector<16xf32>
      %swap3A_613 = arith.index_cast %scan3A_87 : i32 to index
      %swap3A_614 = arith.constant 592 : index
      %swap3A_615 = tpu.vector_load %arg9[%swap3A_613, %swap3A_614] {strides = array<i32>} : memref<32x1024xf32, #tpu.memory_space<vmem>>, vector<1x16xf32>,
      %swap3A_616 = vector.shape_cast %swap3A_615 : vector<1x16xf32> to vector<16xf32>
      %swap3A_617 = vector.shape_cast %add3A_612 : vector<16xf32> to vector<1x16xf32>
      tpu.vector_store %arg9[%swap3A_613, %swap3A_614], %swap3A_617 {strides = array<i32>} : memref<32x1024xf32, #tpu.memory_space<vmem>>, vector<1x16xf32>,
      %get3A_618 = arith.index_cast %scan3A_87 : i32 to index
      %get3A_619 = arith.constant 608 : index
      %get3A_620 = tpu.vector_load %arg7[%get3A_618, %get3A_619] {strides = array<i32>} : memref<32x1024xf32, #tpu.memory_space<vmem>>, vector<1x16xf32>,
      %get3A_621 = vector.shape_cast %get3A_620 : vector<1x16xf32> to vector<16xf32>
      %get3A_622 = arith.index_cast %scan3A_87 : i32 to index
      %get3A_623 = arith.constant 608 : index
      %get3A_624 = tpu.vector_load %arg8[%get3A_622, %get3A_623] {strides = array<i32>} : memref<32x1024xf32, #tpu.memory_space<vmem>>, vector<1x16xf32>,
      %get3A_625 = vector.shape_cast %get3A_624 : vector<1x16xf32> to vector<16xf32>
      %add3A_626 = arith.addf %get3A_621, %get3A_625 : vector<16xf32>
      %swap3A_627 = arith.index_cast %scan3A_87 : i32 to index
      %swap3A_628 = arith.constant 608 : index
      %swap3A_629 = tpu.vector_load %arg9[%swap3A_627, %swap3A_628] {strides = array<i32>} : memref<32x1024xf32, #tpu.memory_space<vmem>>, vector<1x16xf32>,
      %swap3A_630 = vector.shape_cast %swap3A_629 : vector<1x16xf32> to vector<16xf32>
      %swap3A_631 = vector.shape_cast %add3A_626 : vector<16xf32> to vector<1x16xf32>
      tpu.vector_store %arg9[%swap3A_627, %swap3A_628], %swap3A_631 {strides = array<i32>} : memref<32x1024xf32, #tpu.memory_space<vmem>>, vector<1x16xf32>,
      %get3A_632 = arith.index_cast %scan3A_87 : i32 to index
      %get3A_633 = arith.constant 624 : index
      %get3A_634 = tpu.vector_load %arg7[%get3A_632, %get3A_633] {strides = array<i32>} : memref<32x1024xf32, #tpu.memory_space<vmem>>, vector<1x16xf32>,
      %get3A_635 = vector.shape_cast %get3A_634 : vector<1x16xf32> to vector<16xf32>
      %get3A_636 = arith.index_cast %scan3A_87 : i32 to index
      %get3A_637 = arith.constant 624 : index
      %get3A_638 = tpu.vector_load %arg8[%get3A_636, %get3A_637] {strides = array<i32>} : memref<32x1024xf32, #tpu.memory_space<vmem>>, vector<1x16xf32>,
      %get3A_639 = vector.shape_cast %get3A_638 : vector<1x16xf32> to vector<16xf32>
      %add3A_640 = arith.addf %get3A_635, %get3A_639 : vector<16xf32>
      %swap3A_641 = arith.index_cast %scan3A_87 : i32 to index
      %swap3A_642 = arith.constant 624 : index
      %swap3A_643 = tpu.vector_load %arg9[%swap3A_641, %swap3A_642] {strides = array<i32>} : memref<32x1024xf32, #tpu.memory_space<vmem>>, vector<1x16xf32>,
      %swap3A_644 = vector.shape_cast %swap3A_643 : vector<1x16xf32> to vector<16xf32>
      %swap3A_645 = vector.shape_cast %add3A_640 : vector<16xf32> to vector<1x16xf32>
      tpu.vector_store %arg9[%swap3A_641, %swap3A_642], %swap3A_645 {strides = array<i32>} : memref<32x1024xf32, #tpu.memory_space<vmem>>, vector<1x16xf32>,
      %get3A_646 = arith.index_cast %scan3A_87 : i32 to index
      %get3A_647 = arith.constant 640 : index
      %get3A_648 = tpu.vector_load %arg7[%get3A_646, %get3A_647] {strides = array<i32>} : memref<32x1024xf32, #tpu.memory_space<vmem>>, vector<1x16xf32>,
      %get3A_649 = vector.shape_cast %get3A_648 : vector<1x16xf32> to vector<16xf32>
      %get3A_650 = arith.index_cast %scan3A_87 : i32 to index
      %get3A_651 = arith.constant 640 : index
      %get3A_652 = tpu.vector_load %arg8[%get3A_650, %get3A_651] {strides = array<i32>} : memref<32x1024xf32, #tpu.memory_space<vmem>>, vector<1x16xf32>,
      %get3A_653 = vector.shape_cast %get3A_652 : vector<1x16xf32> to vector<16xf32>
      %add3A_654 = arith.addf %get3A_649, %get3A_653 : vector<16xf32>
      %swap3A_655 = arith.index_cast %scan3A_87 : i32 to index
      %swap3A_656 = arith.constant 640 : index
      %swap3A_657 = tpu.vector_load %arg9[%swap3A_655, %swap3A_656] {strides = array<i32>} : memref<32x1024xf32, #tpu.memory_space<vmem>>, vector<1x16xf32>,
      %swap3A_658 = vector.shape_cast %swap3A_657 : vector<1x16xf32> to vector<16xf32>
      %swap3A_659 = vector.shape_cast %add3A_654 : vector<16xf32> to vector<1x16xf32>
      tpu.vector_store %arg9[%swap3A_655, %swap3A_656], %swap3A_659 {strides = array<i32>} : memref<32x1024xf32, #tpu.memory_space<vmem>>, vector<1x16xf32>,
      %get3A_660 = arith.index_cast %scan3A_87 : i32 to index
      %get3A_661 = arith.constant 656 : index
      %get3A_662 = tpu.vector_load %arg7[%get3A_660, %get3A_661] {strides = array<i32>} : memref<32x1024xf32, #tpu.memory_space<vmem>>, vector<1x16xf32>,
      %get3A_663 = vector.shape_cast %get3A_662 : vector<1x16xf32> to vector<16xf32>
      %get3A_664 = arith.index_cast %scan3A_87 : i32 to index
      %get3A_665 = arith.constant 656 : index
      %get3A_666 = tpu.vector_load %arg8[%get3A_664, %get3A_665] {strides = array<i32>} : memref<32x1024xf32, #tpu.memory_space<vmem>>, vector<1x16xf32>,
      %get3A_667 = vector.shape_cast %get3A_666 : vector<1x16xf32> to vector<16xf32>
      %add3A_668 = arith.addf %get3A_663, %get3A_667 : vector<16xf32>
      %swap3A_669 = arith.index_cast %scan3A_87 : i32 to index
      %swap3A_670 = arith.constant 656 : index
      %swap3A_671 = tpu.vector_load %arg9[%swap3A_669, %swap3A_670] {strides = array<i32>} : memref<32x1024xf32, #tpu.memory_space<vmem>>, vector<1x16xf32>,
      %swap3A_672 = vector.shape_cast %swap3A_671 : vector<1x16xf32> to vector<16xf32>
      %swap3A_673 = vector.shape_cast %add3A_668 : vector<16xf32> to vector<1x16xf32>
      tpu.vector_store %arg9[%swap3A_669, %swap3A_670], %swap3A_673 {strides = array<i32>} : memref<32x1024xf32, #tpu.memory_space<vmem>>, vector<1x16xf32>,
      %get3A_674 = arith.index_cast %scan3A_87 : i32 to index
      %get3A_675 = arith.constant 672 : index
      %get3A_676 = tpu.vector_load %arg7[%get3A_674, %get3A_675] {strides = array<i32>} : memref<32x1024xf32, #tpu.memory_space<vmem>>, vector<1x16xf32>,
      %get3A_677 = vector.shape_cast %get3A_676 : vector<1x16xf32> to vector<16xf32>
      %get3A_678 = arith.index_cast %scan3A_87 : i32 to index
      %get3A_679 = arith.constant 672 : index
      %get3A_680 = tpu.vector_load %arg8[%get3A_678, %get3A_679] {strides = array<i32>} : memref<32x1024xf32, #tpu.memory_space<vmem>>, vector<1x16xf32>,
      %get3A_681 = vector.shape_cast %get3A_680 : vector<1x16xf32> to vector<16xf32>
      %add3A_682 = arith.addf %get3A_677, %get3A_681 : vector<16xf32>
      %swap3A_683 = arith.index_cast %scan3A_87 : i32 to index
      %swap3A_684 = arith.constant 672 : index
      %swap3A_685 = tpu.vector_load %arg9[%swap3A_683, %swap3A_684] {strides = array<i32>} : memref<32x1024xf32, #tpu.memory_space<vmem>>, vector<1x16xf32>,
      %swap3A_686 = vector.shape_cast %swap3A_685 : vector<1x16xf32> to vector<16xf32>
      %swap3A_687 = vector.shape_cast %add3A_682 : vector<16xf32> to vector<1x16xf32>
      tpu.vector_store %arg9[%swap3A_683, %swap3A_684], %swap3A_687 {strides = array<i32>} : memref<32x1024xf32, #tpu.memory_space<vmem>>, vector<1x16xf32>,
      %get3A_688 = arith.index_cast %scan3A_87 : i32 to index
      %get3A_689 = arith.constant 688 : index
      %get3A_690 = tpu.vector_load %arg7[%get3A_688, %get3A_689] {strides = array<i32>} : memref<32x1024xf32, #tpu.memory_space<vmem>>, vector<1x16xf32>,
      %get3A_691 = vector.shape_cast %get3A_690 : vector<1x16xf32> to vector<16xf32>
      %get3A_692 = arith.index_cast %scan3A_87 : i32 to index
      %get3A_693 = arith.constant 688 : index
      %get3A_694 = tpu.vector_load %arg8[%get3A_692, %get3A_693] {strides = array<i32>} : memref<32x1024xf32, #tpu.memory_space<vmem>>, vector<1x16xf32>,
      %get3A_695 = vector.shape_cast %get3A_694 : vector<1x16xf32> to vector<16xf32>
      %add3A_696 = arith.addf %get3A_691, %get3A_695 : vector<16xf32>
      %swap3A_697 = arith.index_cast %scan3A_87 : i32 to index
      %swap3A_698 = arith.constant 688 : index
      %swap3A_699 = tpu.vector_load %arg9[%swap3A_697, %swap3A_698] {strides = array<i32>} : memref<32x1024xf32, #tpu.memory_space<vmem>>, vector<1x16xf32>,
      %swap3A_700 = vector.shape_cast %swap3A_699 : vector<1x16xf32> to vector<16xf32>
      %swap3A_701 = vector.shape_cast %add3A_696 : vector<16xf32> to vector<1x16xf32>
      tpu.vector_store %arg9[%swap3A_697, %swap3A_698], %swap3A_701 {strides = array<i32>} : memref<32x1024xf32, #tpu.memory_space<vmem>>, vector<1x16xf32>,
      %get3A_702 = arith.index_cast %scan3A_87 : i32 to index
      %get3A_703 = arith.constant 704 : index
      %get3A_704 = tpu.vector_load %arg7[%get3A_702, %get3A_703] {strides = array<i32>} : memref<32x1024xf32, #tpu.memory_space<vmem>>, vector<1x16xf32>,
      %get3A_705 = vector.shape_cast %get3A_704 : vector<1x16xf32> to vector<16xf32>
      %get3A_706 = arith.index_cast %scan3A_87 : i32 to index
      %get3A_707 = arith.constant 704 : index
      %get3A_708 = tpu.vector_load %arg8[%get3A_706, %get3A_707] {strides = array<i32>} : memref<32x1024xf32, #tpu.memory_space<vmem>>, vector<1x16xf32>,
      %get3A_709 = vector.shape_cast %get3A_708 : vector<1x16xf32> to vector<16xf32>
      %add3A_710 = arith.addf %get3A_705, %get3A_709 : vector<16xf32>
      %swap3A_711 = arith.index_cast %scan3A_87 : i32 to index
      %swap3A_712 = arith.constant 704 : index
      %swap3A_713 = tpu.vector_load %arg9[%swap3A_711, %swap3A_712] {strides = array<i32>} : memref<32x1024xf32, #tpu.memory_space<vmem>>, vector<1x16xf32>,
      %swap3A_714 = vector.shape_cast %swap3A_713 : vector<1x16xf32> to vector<16xf32>
      %swap3A_715 = vector.shape_cast %add3A_710 : vector<16xf32> to vector<1x16xf32>
      tpu.vector_store %arg9[%swap3A_711, %swap3A_712], %swap3A_715 {strides = array<i32>} : memref<32x1024xf32, #tpu.memory_space<vmem>>, vector<1x16xf32>,
      %get3A_716 = arith.index_cast %scan3A_87 : i32 to index
      %get3A_717 = arith.constant 720 : index
      %get3A_718 = tpu.vector_load %arg7[%get3A_716, %get3A_717] {strides = array<i32>} : memref<32x1024xf32, #tpu.memory_space<vmem>>, vector<1x16xf32>,
      %get3A_719 = vector.shape_cast %get3A_718 : vector<1x16xf32> to vector<16xf32>
      %get3A_720 = arith.index_cast %scan3A_87 : i32 to index
      %get3A_721 = arith.constant 720 : index
      %get3A_722 = tpu.vector_load %arg8[%get3A_720, %get3A_721] {strides = array<i32>} : memref<32x1024xf32, #tpu.memory_space<vmem>>, vector<1x16xf32>,
      %get3A_723 = vector.shape_cast %get3A_722 : vector<1x16xf32> to vector<16xf32>
      %add3A_724 = arith.addf %get3A_719, %get3A_723 : vector<16xf32>
      %swap3A_725 = arith.index_cast %scan3A_87 : i32 to index
      %swap3A_726 = arith.constant 720 : index
      %swap3A_727 = tpu.vector_load %arg9[%swap3A_725, %swap3A_726] {strides = array<i32>} : memref<32x1024xf32, #tpu.memory_space<vmem>>, vector<1x16xf32>,
      %swap3A_728 = vector.shape_cast %swap3A_727 : vector<1x16xf32> to vector<16xf32>
      %swap3A_729 = vector.shape_cast %add3A_724 : vector<16xf32> to vector<1x16xf32>
      tpu.vector_store %arg9[%swap3A_725, %swap3A_726], %swap3A_729 {strides = array<i32>} : memref<32x1024xf32, #tpu.memory_space<vmem>>, vector<1x16xf32>,
      %get3A_730 = arith.index_cast %scan3A_87 : i32 to index
      %get3A_731 = arith.constant 736 : index
      %get3A_732 = tpu.vector_load %arg7[%get3A_730, %get3A_731] {strides = array<i32>} : memref<32x1024xf32, #tpu.memory_space<vmem>>, vector<1x16xf32>,
      %get3A_733 = vector.shape_cast %get3A_732 : vector<1x16xf32> to vector<16xf32>
      %get3A_734 = arith.index_cast %scan3A_87 : i32 to index
      %get3A_735 = arith.constant 736 : index
      %get3A_736 = tpu.vector_load %arg8[%get3A_734, %get3A_735] {strides = array<i32>} : memref<32x1024xf32, #tpu.memory_space<vmem>>, vector<1x16xf32>,
      %get3A_737 = vector.shape_cast %get3A_736 : vector<1x16xf32> to vector<16xf32>
      %add3A_738 = arith.addf %get3A_733, %get3A_737 : vector<16xf32>
      %swap3A_739 = arith.index_cast %scan3A_87 : i32 to index
      %swap3A_740 = arith.constant 736 : index
      %swap3A_741 = tpu.vector_load %arg9[%swap3A_739, %swap3A_740] {strides = array<i32>} : memref<32x1024xf32, #tpu.memory_space<vmem>>, vector<1x16xf32>,
      %swap3A_742 = vector.shape_cast %swap3A_741 : vector<1x16xf32> to vector<16xf32>
      %swap3A_743 = vector.shape_cast %add3A_738 : vector<16xf32> to vector<1x16xf32>
      tpu.vector_store %arg9[%swap3A_739, %swap3A_740], %swap3A_743 {strides = array<i32>} : memref<32x1024xf32, #tpu.memory_space<vmem>>, vector<1x16xf32>,
      %get3A_744 = arith.index_cast %scan3A_87 : i32 to index
      %get3A_745 = arith.constant 752 : index
      %get3A_746 = tpu.vector_load %arg7[%get3A_744, %get3A_745] {strides = array<i32>} : memref<32x1024xf32, #tpu.memory_space<vmem>>, vector<1x16xf32>,
      %get3A_747 = vector.shape_cast %get3A_746 : vector<1x16xf32> to vector<16xf32>
      %get3A_748 = arith.index_cast %scan3A_87 : i32 to index
      %get3A_749 = arith.constant 752 : index
      %get3A_750 = tpu.vector_load %arg8[%get3A_748, %get3A_749] {strides = array<i32>} : memref<32x1024xf32, #tpu.memory_space<vmem>>, vector<1x16xf32>,
      %get3A_751 = vector.shape_cast %get3A_750 : vector<1x16xf32> to vector<16xf32>
      %add3A_752 = arith.addf %get3A_747, %get3A_751 : vector<16xf32>
      %swap3A_753 = arith.index_cast %scan3A_87 : i32 to index
      %swap3A_754 = arith.constant 752 : index
      %swap3A_755 = tpu.vector_load %arg9[%swap3A_753, %swap3A_754] {strides = array<i32>} : memref<32x1024xf32, #tpu.memory_space<vmem>>, vector<1x16xf32>,
      %swap3A_756 = vector.shape_cast %swap3A_755 : vector<1x16xf32> to vector<16xf32>
      %swap3A_757 = vector.shape_cast %add3A_752 : vector<16xf32> to vector<1x16xf32>
      tpu.vector_store %arg9[%swap3A_753, %swap3A_754], %swap3A_757 {strides = array<i32>} : memref<32x1024xf32, #tpu.memory_space<vmem>>, vector<1x16xf32>,
      %get3A_758 = arith.index_cast %scan3A_87 : i32 to index
      %get3A_759 = arith.constant 768 : index
      %get3A_760 = tpu.vector_load %arg7[%get3A_758, %get3A_759] {strides = array<i32>} : memref<32x1024xf32, #tpu.memory_space<vmem>>, vector<1x16xf32>,
      %get3A_761 = vector.shape_cast %get3A_760 : vector<1x16xf32> to vector<16xf32>
      %get3A_762 = arith.index_cast %scan3A_87 : i32 to index
      %get3A_763 = arith.constant 768 : index
      %get3A_764 = tpu.vector_load %arg8[%get3A_762, %get3A_763] {strides = array<i32>} : memref<32x1024xf32, #tpu.memory_space<vmem>>, vector<1x16xf32>,
      %get3A_765 = vector.shape_cast %get3A_764 : vector<1x16xf32> to vector<16xf32>
      %add3A_766 = arith.addf %get3A_761, %get3A_765 : vector<16xf32>
      %swap3A_767 = arith.index_cast %scan3A_87 : i32 to index
      %swap3A_768 = arith.constant 768 : index
      %swap3A_769 = tpu.vector_load %arg9[%swap3A_767, %swap3A_768] {strides = array<i32>} : memref<32x1024xf32, #tpu.memory_space<vmem>>, vector<1x16xf32>,
      %swap3A_770 = vector.shape_cast %swap3A_769 : vector<1x16xf32> to vector<16xf32>
      %swap3A_771 = vector.shape_cast %add3A_766 : vector<16xf32> to vector<1x16xf32>
      tpu.vector_store %arg9[%swap3A_767, %swap3A_768], %swap3A_771 {strides = array<i32>} : memref<32x1024xf32, #tpu.memory_space<vmem>>, vector<1x16xf32>,
      %get3A_772 = arith.index_cast %scan3A_87 : i32 to index
      %get3A_773 = arith.constant 784 : index
      %get3A_774 = tpu.vector_load %arg7[%get3A_772, %get3A_773] {strides = array<i32>} : memref<32x1024xf32, #tpu.memory_space<vmem>>, vector<1x16xf32>,
      %get3A_775 = vector.shape_cast %get3A_774 : vector<1x16xf32> to vector<16xf32>
      %get3A_776 = arith.index_cast %scan3A_87 : i32 to index
      %get3A_777 = arith.constant 784 : index
      %get3A_778 = tpu.vector_load %arg8[%get3A_776, %get3A_777] {strides = array<i32>} : memref<32x1024xf32, #tpu.memory_space<vmem>>, vector<1x16xf32>,
      %get3A_779 = vector.shape_cast %get3A_778 : vector<1x16xf32> to vector<16xf32>
      %add3A_780 = arith.addf %get3A_775, %get3A_779 : vector<16xf32>
      %swap3A_781 = arith.index_cast %scan3A_87 : i32 to index
      %swap3A_782 = arith.constant 784 : index
      %swap3A_783 = tpu.vector_load %arg9[%swap3A_781, %swap3A_782] {strides = array<i32>} : memref<32x1024xf32, #tpu.memory_space<vmem>>, vector<1x16xf32>,
      %swap3A_784 = vector.shape_cast %swap3A_783 : vector<1x16xf32> to vector<16xf32>
      %swap3A_785 = vector.shape_cast %add3A_780 : vector<16xf32> to vector<1x16xf32>
      tpu.vector_store %arg9[%swap3A_781, %swap3A_782], %swap3A_785 {strides = array<i32>} : memref<32x1024xf32, #tpu.memory_space<vmem>>, vector<1x16xf32>,
      %get3A_786 = arith.index_cast %scan3A_87 : i32 to index
      %get3A_787 = arith.constant 800 : index
      %get3A_788 = tpu.vector_load %arg7[%get3A_786, %get3A_787] {strides = array<i32>} : memref<32x1024xf32, #tpu.memory_space<vmem>>, vector<1x16xf32>,
      %get3A_789 = vector.shape_cast %get3A_788 : vector<1x16xf32> to vector<16xf32>
      %get3A_790 = arith.index_cast %scan3A_87 : i32 to index
      %get3A_791 = arith.constant 800 : index
      %get3A_792 = tpu.vector_load %arg8[%get3A_790, %get3A_791] {strides = array<i32>} : memref<32x1024xf32, #tpu.memory_space<vmem>>, vector<1x16xf32>,
      %get3A_793 = vector.shape_cast %get3A_792 : vector<1x16xf32> to vector<16xf32>
      %add3A_794 = arith.addf %get3A_789, %get3A_793 : vector<16xf32>
      %swap3A_795 = arith.index_cast %scan3A_87 : i32 to index
      %swap3A_796 = arith.constant 800 : index
      %swap3A_797 = tpu.vector_load %arg9[%swap3A_795, %swap3A_796] {strides = array<i32>} : memref<32x1024xf32, #tpu.memory_space<vmem>>, vector<1x16xf32>,
      %swap3A_798 = vector.shape_cast %swap3A_797 : vector<1x16xf32> to vector<16xf32>
      %swap3A_799 = vector.shape_cast %add3A_794 : vector<16xf32> to vector<1x16xf32>
      tpu.vector_store %arg9[%swap3A_795, %swap3A_796], %swap3A_799 {strides = array<i32>} : memref<32x1024xf32, #tpu.memory_space<vmem>>, vector<1x16xf32>,
      %get3A_800 = arith.index_cast %scan3A_87 : i32 to index
      %get3A_801 = arith.constant 816 : index
      %get3A_802 = tpu.vector_load %arg7[%get3A_800, %get3A_801] {strides = array<i32>} : memref<32x1024xf32, #tpu.memory_space<vmem>>, vector<1x16xf32>,
      %get3A_803 = vector.shape_cast %get3A_802 : vector<1x16xf32> to vector<16xf32>
      %get3A_804 = arith.index_cast %scan3A_87 : i32 to index
      %get3A_805 = arith.constant 816 : index
      %get3A_806 = tpu.vector_load %arg8[%get3A_804, %get3A_805] {strides = array<i32>} : memref<32x1024xf32, #tpu.memory_space<vmem>>, vector<1x16xf32>,
      %get3A_807 = vector.shape_cast %get3A_806 : vector<1x16xf32> to vector<16xf32>
      %add3A_808 = arith.addf %get3A_803, %get3A_807 : vector<16xf32>
      %swap3A_809 = arith.index_cast %scan3A_87 : i32 to index
      %swap3A_810 = arith.constant 816 : index
      %swap3A_811 = tpu.vector_load %arg9[%swap3A_809, %swap3A_810] {strides = array<i32>} : memref<32x1024xf32, #tpu.memory_space<vmem>>, vector<1x16xf32>,
      %swap3A_812 = vector.shape_cast %swap3A_811 : vector<1x16xf32> to vector<16xf32>
      %swap3A_813 = vector.shape_cast %add3A_808 : vector<16xf32> to vector<1x16xf32>
      tpu.vector_store %arg9[%swap3A_809, %swap3A_810], %swap3A_813 {strides = array<i32>} : memref<32x1024xf32, #tpu.memory_space<vmem>>, vector<1x16xf32>,
      %get3A_814 = arith.index_cast %scan3A_87 : i32 to index
      %get3A_815 = arith.constant 832 : index
      %get3A_816 = tpu.vector_load %arg7[%get3A_814, %get3A_815] {strides = array<i32>} : memref<32x1024xf32, #tpu.memory_space<vmem>>, vector<1x16xf32>,
      %get3A_817 = vector.shape_cast %get3A_816 : vector<1x16xf32> to vector<16xf32>
      %get3A_818 = arith.index_cast %scan3A_87 : i32 to index
      %get3A_819 = arith.constant 832 : index
      %get3A_820 = tpu.vector_load %arg8[%get3A_818, %get3A_819] {strides = array<i32>} : memref<32x1024xf32, #tpu.memory_space<vmem>>, vector<1x16xf32>,
      %get3A_821 = vector.shape_cast %get3A_820 : vector<1x16xf32> to vector<16xf32>
      %add3A_822 = arith.addf %get3A_817, %get3A_821 : vector<16xf32>
      %swap3A_823 = arith.index_cast %scan3A_87 : i32 to index
      %swap3A_824 = arith.constant 832 : index
      %swap3A_825 = tpu.vector_load %arg9[%swap3A_823, %swap3A_824] {strides = array<i32>} : memref<32x1024xf32, #tpu.memory_space<vmem>>, vector<1x16xf32>,
      %swap3A_826 = vector.shape_cast %swap3A_825 : vector<1x16xf32> to vector<16xf32>
      %swap3A_827 = vector.shape_cast %add3A_822 : vector<16xf32> to vector<1x16xf32>
      tpu.vector_store %arg9[%swap3A_823, %swap3A_824], %swap3A_827 {strides = array<i32>} : memref<32x1024xf32, #tpu.memory_space<vmem>>, vector<1x16xf32>,
      %get3A_828 = arith.index_cast %scan3A_87 : i32 to index
      %get3A_829 = arith.constant 848 : index
      %get3A_830 = tpu.vector_load %arg7[%get3A_828, %get3A_829] {strides = array<i32>} : memref<32x1024xf32, #tpu.memory_space<vmem>>, vector<1x16xf32>,
      %get3A_831 = vector.shape_cast %get3A_830 : vector<1x16xf32> to vector<16xf32>
      %get3A_832 = arith.index_cast %scan3A_87 : i32 to index
      %get3A_833 = arith.constant 848 : index
      %get3A_834 = tpu.vector_load %arg8[%get3A_832, %get3A_833] {strides = array<i32>} : memref<32x1024xf32, #tpu.memory_space<vmem>>, vector<1x16xf32>,
      %get3A_835 = vector.shape_cast %get3A_834 : vector<1x16xf32> to vector<16xf32>
      %add3A_836 = arith.addf %get3A_831, %get3A_835 : vector<16xf32>
      %swap3A_837 = arith.index_cast %scan3A_87 : i32 to index
      %swap3A_838 = arith.constant 848 : index
      %swap3A_839 = tpu.vector_load %arg9[%swap3A_837, %swap3A_838] {strides = array<i32>} : memref<32x1024xf32, #tpu.memory_space<vmem>>, vector<1x16xf32>,
      %swap3A_840 = vector.shape_cast %swap3A_839 : vector<1x16xf32> to vector<16xf32>
      %swap3A_841 = vector.shape_cast %add3A_836 : vector<16xf32> to vector<1x16xf32>
      tpu.vector_store %arg9[%swap3A_837, %swap3A_838], %swap3A_841 {strides = array<i32>} : memref<32x1024xf32, #tpu.memory_space<vmem>>, vector<1x16xf32>,
      %get3A_842 = arith.index_cast %scan3A_87 : i32 to index
      %get3A_843 = arith.constant 864 : index
      %get3A_844 = tpu.vector_load %arg7[%get3A_842, %get3A_843] {strides = array<i32>} : memref<32x1024xf32, #tpu.memory_space<vmem>>, vector<1x16xf32>,
      %get3A_845 = vector.shape_cast %get3A_844 : vector<1x16xf32> to vector<16xf32>
      %get3A_846 = arith.index_cast %scan3A_87 : i32 to index
      %get3A_847 = arith.constant 864 : index
      %get3A_848 = tpu.vector_load %arg8[%get3A_846, %get3A_847] {strides = array<i32>} : memref<32x1024xf32, #tpu.memory_space<vmem>>, vector<1x16xf32>,
      %get3A_849 = vector.shape_cast %get3A_848 : vector<1x16xf32> to vector<16xf32>
      %add3A_850 = arith.addf %get3A_845, %get3A_849 : vector<16xf32>
      %swap3A_851 = arith.index_cast %scan3A_87 : i32 to index
      %swap3A_852 = arith.constant 864 : index
      %swap3A_853 = tpu.vector_load %arg9[%swap3A_851, %swap3A_852] {strides = array<i32>} : memref<32x1024xf32, #tpu.memory_space<vmem>>, vector<1x16xf32>,
      %swap3A_854 = vector.shape_cast %swap3A_853 : vector<1x16xf32> to vector<16xf32>
      %swap3A_855 = vector.shape_cast %add3A_850 : vector<16xf32> to vector<1x16xf32>
      tpu.vector_store %arg9[%swap3A_851, %swap3A_852], %swap3A_855 {strides = array<i32>} : memref<32x1024xf32, #tpu.memory_space<vmem>>, vector<1x16xf32>,
      %get3A_856 = arith.index_cast %scan3A_87 : i32 to index
      %get3A_857 = arith.constant 880 : index
      %get3A_858 = tpu.vector_load %arg7[%get3A_856, %get3A_857] {strides = array<i32>} : memref<32x1024xf32, #tpu.memory_space<vmem>>, vector<1x16xf32>,
      %get3A_859 = vector.shape_cast %get3A_858 : vector<1x16xf32> to vector<16xf32>
      %get3A_860 = arith.index_cast %scan3A_87 : i32 to index
      %get3A_861 = arith.constant 880 : index
      %get3A_862 = tpu.vector_load %arg8[%get3A_860, %get3A_861] {strides = array<i32>} : memref<32x1024xf32, #tpu.memory_space<vmem>>, vector<1x16xf32>,
      %get3A_863 = vector.shape_cast %get3A_862 : vector<1x16xf32> to vector<16xf32>
      %add3A_864 = arith.addf %get3A_859, %get3A_863 : vector<16xf32>
      %swap3A_865 = arith.index_cast %scan3A_87 : i32 to index
      %swap3A_866 = arith.constant 880 : index
      %swap3A_867 = tpu.vector_load %arg9[%swap3A_865, %swap3A_866] {strides = array<i32>} : memref<32x1024xf32, #tpu.memory_space<vmem>>, vector<1x16xf32>,
      %swap3A_868 = vector.shape_cast %swap3A_867 : vector<1x16xf32> to vector<16xf32>
      %swap3A_869 = vector.shape_cast %add3A_864 : vector<16xf32> to vector<1x16xf32>
      tpu.vector_store %arg9[%swap3A_865, %swap3A_866], %swap3A_869 {strides = array<i32>} : memref<32x1024xf32, #tpu.memory_space<vmem>>, vector<1x16xf32>,
      %get3A_870 = arith.index_cast %scan3A_87 : i32 to index
      %get3A_871 = arith.constant 896 : index
      %get3A_872 = tpu.vector_load %arg7[%get3A_870, %get3A_871] {strides = array<i32>} : memref<32x1024xf32, #tpu.memory_space<vmem>>, vector<1x16xf32>,
      %get3A_873 = vector.shape_cast %get3A_872 : vector<1x16xf32> to vector<16xf32>
      %get3A_874 = arith.index_cast %scan3A_87 : i32 to index
      %get3A_875 = arith.constant 896 : index
      %get3A_876 = tpu.vector_load %arg8[%get3A_874, %get3A_875] {strides = array<i32>} : memref<32x1024xf32, #tpu.memory_space<vmem>>, vector<1x16xf32>,
      %get3A_877 = vector.shape_cast %get3A_876 : vector<1x16xf32> to vector<16xf32>
      %add3A_878 = arith.addf %get3A_873, %get3A_877 : vector<16xf32>
      %swap3A_879 = arith.index_cast %scan3A_87 : i32 to index
      %swap3A_880 = arith.constant 896 : index
      %swap3A_881 = tpu.vector_load %arg9[%swap3A_879, %swap3A_880] {strides = array<i32>} : memref<32x1024xf32, #tpu.memory_space<vmem>>, vector<1x16xf32>,
      %swap3A_882 = vector.shape_cast %swap3A_881 : vector<1x16xf32> to vector<16xf32>
      %swap3A_883 = vector.shape_cast %add3A_878 : vector<16xf32> to vector<1x16xf32>
      tpu.vector_store %arg9[%swap3A_879, %swap3A_880], %swap3A_883 {strides = array<i32>} : memref<32x1024xf32, #tpu.memory_space<vmem>>, vector<1x16xf32>,
      %get3A_884 = arith.index_cast %scan3A_87 : i32 to index
      %get3A_885 = arith.constant 912 : index
      %get3A_886 = tpu.vector_load %arg7[%get3A_884, %get3A_885] {strides = array<i32>} : memref<32x1024xf32, #tpu.memory_space<vmem>>, vector<1x16xf32>,
      %get3A_887 = vector.shape_cast %get3A_886 : vector<1x16xf32> to vector<16xf32>
      %get3A_888 = arith.index_cast %scan3A_87 : i32 to index
      %get3A_889 = arith.constant 912 : index
      %get3A_890 = tpu.vector_load %arg8[%get3A_888, %get3A_889] {strides = array<i32>} : memref<32x1024xf32, #tpu.memory_space<vmem>>, vector<1x16xf32>,
      %get3A_891 = vector.shape_cast %get3A_890 : vector<1x16xf32> to vector<16xf32>
      %add3A_892 = arith.addf %get3A_887, %get3A_891 : vector<16xf32>
      %swap3A_893 = arith.index_cast %scan3A_87 : i32 to index
      %swap3A_894 = arith.constant 912 : index
      %swap3A_895 = tpu.vector_load %arg9[%swap3A_893, %swap3A_894] {strides = array<i32>} : memref<32x1024xf32, #tpu.memory_space<vmem>>, vector<1x16xf32>,
      %swap3A_896 = vector.shape_cast %swap3A_895 : vector<1x16xf32> to vector<16xf32>
      %swap3A_897 = vector.shape_cast %add3A_892 : vector<16xf32> to vector<1x16xf32>
      tpu.vector_store %arg9[%swap3A_893, %swap3A_894], %swap3A_897 {strides = array<i32>} : memref<32x1024xf32, #tpu.memory_space<vmem>>, vector<1x16xf32>,
      %get3A_898 = arith.index_cast %scan3A_87 : i32 to index
      %get3A_899 = arith.constant 928 : index
      %get3A_900 = tpu.vector_load %arg7[%get3A_898, %get3A_899] {strides = array<i32>} : memref<32x1024xf32, #tpu.memory_space<vmem>>, vector<1x16xf32>,
      %get3A_901 = vector.shape_cast %get3A_900 : vector<1x16xf32> to vector<16xf32>
      %get3A_902 = arith.index_cast %scan3A_87 : i32 to index
      %get3A_903 = arith.constant 928 : index
      %get3A_904 = tpu.vector_load %arg8[%get3A_902, %get3A_903] {strides = array<i32>} : memref<32x1024xf32, #tpu.memory_space<vmem>>, vector<1x16xf32>,
      %get3A_905 = vector.shape_cast %get3A_904 : vector<1x16xf32> to vector<16xf32>
      %add3A_906 = arith.addf %get3A_901, %get3A_905 : vector<16xf32>
      %swap3A_907 = arith.index_cast %scan3A_87 : i32 to index
      %swap3A_908 = arith.constant 928 : index
      %swap3A_909 = tpu.vector_load %arg9[%swap3A_907, %swap3A_908] {strides = array<i32>} : memref<32x1024xf32, #tpu.memory_space<vmem>>, vector<1x16xf32>,
      %swap3A_910 = vector.shape_cast %swap3A_909 : vector<1x16xf32> to vector<16xf32>
      %swap3A_911 = vector.shape_cast %add3A_906 : vector<16xf32> to vector<1x16xf32>
      tpu.vector_store %arg9[%swap3A_907, %swap3A_908], %swap3A_911 {strides = array<i32>} : memref<32x1024xf32, #tpu.memory_space<vmem>>, vector<1x16xf32>,
      %get3A_912 = arith.index_cast %scan3A_87 : i32 to index
      %get3A_913 = arith.constant 944 : index
      %get3A_914 = tpu.vector_load %arg7[%get3A_912, %get3A_913] {strides = array<i32>} : memref<32x1024xf32, #tpu.memory_space<vmem>>, vector<1x16xf32>,
      %get3A_915 = vector.shape_cast %get3A_914 : vector<1x16xf32> to vector<16xf32>
      %get3A_916 = arith.index_cast %scan3A_87 : i32 to index
      %get3A_917 = arith.constant 944 : index
      %get3A_918 = tpu.vector_load %arg8[%get3A_916, %get3A_917] {strides = array<i32>} : memref<32x1024xf32, #tpu.memory_space<vmem>>, vector<1x16xf32>,
      %get3A_919 = vector.shape_cast %get3A_918 : vector<1x16xf32> to vector<16xf32>
      %add3A_920 = arith.addf %get3A_915, %get3A_919 : vector<16xf32>
      %swap3A_921 = arith.index_cast %scan3A_87 : i32 to index
      %swap3A_922 = arith.constant 944 : index
      %swap3A_923 = tpu.vector_load %arg9[%swap3A_921, %swap3A_922] {strides = array<i32>} : memref<32x1024xf32, #tpu.memory_space<vmem>>, vector<1x16xf32>,
      %swap3A_924 = vector.shape_cast %swap3A_923 : vector<1x16xf32> to vector<16xf32>
      %swap3A_925 = vector.shape_cast %add3A_920 : vector<16xf32> to vector<1x16xf32>
      tpu.vector_store %arg9[%swap3A_921, %swap3A_922], %swap3A_925 {strides = array<i32>} : memref<32x1024xf32, #tpu.memory_space<vmem>>, vector<1x16xf32>,
      %get3A_926 = arith.index_cast %scan3A_87 : i32 to index
      %get3A_927 = arith.constant 960 : index
      %get3A_928 = tpu.vector_load %arg7[%get3A_926, %get3A_927] {strides = array<i32>} : memref<32x1024xf32, #tpu.memory_space<vmem>>, vector<1x16xf32>,
      %get3A_929 = vector.shape_cast %get3A_928 : vector<1x16xf32> to vector<16xf32>
      %get3A_930 = arith.index_cast %scan3A_87 : i32 to index
      %get3A_931 = arith.constant 960 : index
      %get3A_932 = tpu.vector_load %arg8[%get3A_930, %get3A_931] {strides = array<i32>} : memref<32x1024xf32, #tpu.memory_space<vmem>>, vector<1x16xf32>,
      %get3A_933 = vector.shape_cast %get3A_932 : vector<1x16xf32> to vector<16xf32>
      %add3A_934 = arith.addf %get3A_929, %get3A_933 : vector<16xf32>
      %swap3A_935 = arith.index_cast %scan3A_87 : i32 to index
      %swap3A_936 = arith.constant 960 : index
      %swap3A_937 = tpu.vector_load %arg9[%swap3A_935, %swap3A_936] {strides = array<i32>} : memref<32x1024xf32, #tpu.memory_space<vmem>>, vector<1x16xf32>,
      %swap3A_938 = vector.shape_cast %swap3A_937 : vector<1x16xf32> to vector<16xf32>
      %swap3A_939 = vector.shape_cast %add3A_934 : vector<16xf32> to vector<1x16xf32>
      tpu.vector_store %arg9[%swap3A_935, %swap3A_936], %swap3A_939 {strides = array<i32>} : memref<32x1024xf32, #tpu.memory_space<vmem>>, vector<1x16xf32>,
      %get3A_940 = arith.index_cast %scan3A_87 : i32 to index
      %get3A_941 = arith.constant 976 : index
      %get3A_942 = tpu.vector_load %arg7[%get3A_940, %get3A_941] {strides = array<i32>} : memref<32x1024xf32, #tpu.memory_space<vmem>>, vector<1x16xf32>,
      %get3A_943 = vector.shape_cast %get3A_942 : vector<1x16xf32> to vector<16xf32>
      %get3A_944 = arith.index_cast %scan3A_87 : i32 to index
      %get3A_945 = arith.constant 976 : index
      %get3A_946 = tpu.vector_load %arg8[%get3A_944, %get3A_945] {strides = array<i32>} : memref<32x1024xf32, #tpu.memory_space<vmem>>, vector<1x16xf32>,
      %get3A_947 = vector.shape_cast %get3A_946 : vector<1x16xf32> to vector<16xf32>
      %add3A_948 = arith.addf %get3A_943, %get3A_947 : vector<16xf32>
      %swap3A_949 = arith.index_cast %scan3A_87 : i32 to index
      %swap3A_950 = arith.constant 976 : index
      %swap3A_951 = tpu.vector_load %arg9[%swap3A_949, %swap3A_950] {strides = array<i32>} : memref<32x1024xf32, #tpu.memory_space<vmem>>, vector<1x16xf32>,
      %swap3A_952 = vector.shape_cast %swap3A_951 : vector<1x16xf32> to vector<16xf32>
      %swap3A_953 = vector.shape_cast %add3A_948 : vector<16xf32> to vector<1x16xf32>
      tpu.vector_store %arg9[%swap3A_949, %swap3A_950], %swap3A_953 {strides = array<i32>} : memref<32x1024xf32, #tpu.memory_space<vmem>>, vector<1x16xf32>,
      %get3A_954 = arith.index_cast %scan3A_87 : i32 to index
      %get3A_955 = arith.constant 992 : index
      %get3A_956 = tpu.vector_load %arg7[%get3A_954, %get3A_955] {strides = array<i32>} : memref<32x1024xf32, #tpu.memory_space<vmem>>, vector<1x16xf32>,
      %get3A_957 = vector.shape_cast %get3A_956 : vector<1x16xf32> to vector<16xf32>
      %get3A_958 = arith.index_cast %scan3A_87 : i32 to index
      %get3A_959 = arith.constant 992 : index
      %get3A_960 = tpu.vector_load %arg8[%get3A_958, %get3A_959] {strides = array<i32>} : memref<32x1024xf32, #tpu.memory_space<vmem>>, vector<1x16xf32>,
      %get3A_961 = vector.shape_cast %get3A_960 : vector<1x16xf32> to vector<16xf32>
      %add3A_962 = arith.addf %get3A_957, %get3A_961 : vector<16xf32>
      %swap3A_963 = arith.index_cast %scan3A_87 : i32 to index
      %swap3A_964 = arith.constant 992 : index
      %swap3A_965 = tpu.vector_load %arg9[%swap3A_963, %swap3A_964] {strides = array<i32>} : memref<32x1024xf32, #tpu.memory_space<vmem>>, vector<1x16xf32>,
      %swap3A_966 = vector.shape_cast %swap3A_965 : vector<1x16xf32> to vector<16xf32>
      %swap3A_967 = vector.shape_cast %add3A_962 : vector<16xf32> to vector<1x16xf32>
      tpu.vector_store %arg9[%swap3A_963, %swap3A_964], %swap3A_967 {strides = array<i32>} : memref<32x1024xf32, #tpu.memory_space<vmem>>, vector<1x16xf32>,
      %get3A_968 = arith.index_cast %scan3A_87 : i32 to index
      %get3A_969 = arith.constant 1008 : index
      %get3A_970 = tpu.vector_load %arg7[%get3A_968, %get3A_969] {strides = array<i32>} : memref<32x1024xf32, #tpu.memory_space<vmem>>, vector<1x16xf32>,
      %get3A_971 = vector.shape_cast %get3A_970 : vector<1x16xf32> to vector<16xf32>
      %get3A_972 = arith.index_cast %scan3A_87 : i32 to index
      %get3A_973 = arith.constant 1008 : index
      %get3A_974 = tpu.vector_load %arg8[%get3A_972, %get3A_973] {strides = array<i32>} : memref<32x1024xf32, #tpu.memory_space<vmem>>, vector<1x16xf32>,
      %get3A_975 = vector.shape_cast %get3A_974 : vector<1x16xf32> to vector<16xf32>
      %add3A_976 = arith.addf %get3A_971, %get3A_975 : vector<16xf32>
      %swap3A_977 = arith.index_cast %scan3A_87 : i32 to index
      %swap3A_978 = arith.constant 1008 : index
      %swap3A_979 = tpu.vector_load %arg9[%swap3A_977, %swap3A_978] {strides = array<i32>} : memref<32x1024xf32, #tpu.memory_space<vmem>>, vector<1x16xf32>,
      %swap3A_980 = vector.shape_cast %swap3A_979 : vector<1x16xf32> to vector<16xf32>
      %swap3A_981 = vector.shape_cast %add3A_976 : vector<16xf32> to vector<1x16xf32>
      tpu.vector_store %arg9[%swap3A_977, %swap3A_978], %swap3A_981 {strides = array<i32>} : memref<32x1024xf32, #tpu.memory_space<vmem>>, vector<1x16xf32>,
    }
    %scan3A_84 = arith.constant 32 : i32
    %add3A_85 = arith.constant 32 : i32
    %add3A_86 = arith.addi %mul3A_2, %add3A_85 : i32
    "tpu.region"() ({
      %run_scoped3A_87 = tpu.sem_alloc : memref<!tpu.dma_semaphore, #tpu.memory_space<semaphore_mem>>
      %dma_start3A_88 = arith.constant 0 : i32
      %dma_start3A_89 = tpu.memref_slice %arg4[%add3A_86, %dma_start3A_88] : memref<2048x1024xf32, #tpu.memory_space<hbm>> -> memref<32x1024xf32, #tpu.memory_space<hbm>>
      %dma_start3A_90 = arith.constant 0 : i32
      %dma_start3A_91 = tpu.memref_slice %arg4[%add3A_86, %dma_start3A_90] : memref<2048x1024xf32, #tpu.memory_space<hbm>> -> memref<32x1024xf32, #tpu.memory_space<hbm>>
      tpu.enqueue_dma source(%arg9 : memref<32x1024xf32, #tpu.memory_space<vmem>>) target(%dma_start3A_91 : memref<32x1024xf32, #tpu.memory_space<hbm>>) target_semaphore(%run_scoped3A_87 : memref<!tpu.dma_semaphore, #tpu.memory_space<semaphore_mem>>)
      %dma_wait3A_92 = arith.constant 0 : i32
      %dma_wait3A_93 = tpu.memref_slice %arg4[%add3A_86, %dma_wait3A_92] : memref<2048x1024xf32, #tpu.memory_space<hbm>> -> memref<32x1024xf32, #tpu.memory_space<hbm>>
      %dma_wait3A_94 = arith.constant 0 : i32
      %dma_wait3A_95 = tpu.memref_slice %arg4[%add3A_86, %dma_wait3A_94] : memref<2048x1024xf32, #tpu.memory_space<hbm>> -> memref<32x1024xf32, #tpu.memory_space<hbm>>
      tpu.wait_dma2 semaphore(%run_scoped3A_87 : memref<!tpu.dma_semaphore, #tpu.memory_space<semaphore_mem>>) src(%arg9 : memref<32x1024xf32, #tpu.memory_space<vmem>>) dst(%dma_wait3A_95 : memref<32x1024xf32, #tpu.memory_space<hbm>>)
      tpu.yield
    }) : () -> ()
    return
  }
}

module attributes {stable_mosaic.version = 14 : i64} {
  func.func @_router_body(%arg0: i32, %arg1: memref<2048x1024xf32, #tpu.memory_space<vmem>>, %arg2: memref<1024x8xbf16, #tpu.memory_space<vmem>>, %arg3: memref<2x2048xi32, #tpu.memory_space<vmem>>, %arg4: memref<2x2048xf32, #tpu.memory_space<vmem>>, %arg5: memref<1x1xf32, #tpu.memory_space<vmem>>, %arg6: memref<1x4096xi32, #tpu.memory_space<vmem>>, %arg7: memref<1x48xi32, #tpu.memory_space<vmem>>) attributes {dimension_semantics = [#tpu.dimension_semantics<arbitrary>], iteration_bounds = array<i64: 1>, scalar_prefetch = 0 : i64, scratch_operands = 0 : i64, tpu.core_type = #tpu.core_type<tc>, window_params = [{pipeline_mode = #tpu.pipeline_mode<synchronous>, transform_indices = @transform_0, window_bounds = array<i64: 2048, 1024>}, {pipeline_mode = #tpu.pipeline_mode<synchronous>, transform_indices = @transform_1, window_bounds = array<i64: 1024, 8>}, {pipeline_mode = #tpu.pipeline_mode<synchronous>, transform_indices = @transform_2, window_bounds = array<i64: 2, 2048>}, {pipeline_mode = #tpu.pipeline_mode<synchronous>, transform_indices = @transform_3, window_bounds = array<i64: 2, 2048>}, {pipeline_mode = #tpu.pipeline_mode<synchronous>, transform_indices = @transform_4, window_bounds = array<i64: 1, 1>}, {pipeline_mode = #tpu.pipeline_mode<synchronous>, transform_indices = @transform_5, window_bounds = array<i64: 1, 4096>}, {pipeline_mode = #tpu.pipeline_mode<synchronous>, transform_indices = @transform_6, window_bounds = array<i64: 1, 48>}]} {
    %get3A = arith.constant 0 : index
    %get3A_0 = arith.constant 0 : index
    %get3A_1 = vector.load %arg1[%get3A, %get3A_0] : memref<2048x1024xf32, #tpu.memory_space<vmem>>, vector<2048x1024xf32>
    %convert_element_type3A = arith.truncf %get3A_1 : vector<2048x1024xf32> to vector<2048x1024xbf16>
    %get3A_2 = arith.constant 0 : index
    %get3A_3 = arith.constant 0 : index
    %get3A_4 = vector.load %arg2[%get3A_2, %get3A_3] : memref<1024x8xbf16, #tpu.memory_space<vmem>>, vector<1024x8xbf16>
    %dot_general3A = arith.constant dense<0.000000e+00> : vector<2048x8xf32>
    %dot_general3A_5 = tpu.matmul %convert_element_type3A, %get3A_4, %dot_general3A {dimension_numbers = #tpu.dot_dimension_numbers<[1], [0], [0], [1], [0, 0, 1, 1], [], []>, transpose_lhs_hint = false} : vector<2048x1024xbf16>, vector<1024x8xbf16>, vector<2048x8xf32> -> vector<2048x8xf32>
    %transpose3A = tpu.transpose %dot_general3A_5, [1, 0] : vector<2048x8xf32> -> vector<8x2048xf32>
    %reduce_max3A = arith.constant dense<0xFF800000> : vector<2048xf32>
    %reduce_max3A_6 = vector.multi_reduction <maximumf>, %transpose3A, %reduce_max3A [0] : vector<8x2048xf32> to vector<2048xf32>
    %broadcast_in_dim3A = vector.shape_cast %reduce_max3A_6 : vector<2048xf32> to vector<1x2048xf32>
    %sub3A = vector.broadcast %broadcast_in_dim3A : vector<1x2048xf32> to vector<8x2048xf32>
    %sub3A_7 = arith.subf %transpose3A, %sub3A : vector<8x2048xf32>
    %exp3A = math.exp %sub3A_7 : vector<8x2048xf32>
    %reduce_sum3A = arith.constant dense<0.000000e+00> : vector<2048xf32>
    %reduce_sum3A_8 = vector.multi_reduction <add>, %exp3A, %reduce_sum3A [0] : vector<8x2048xf32> to vector<2048xf32>
    %broadcast_in_dim3A_9 = vector.shape_cast %reduce_sum3A_8 : vector<2048xf32> to vector<1x2048xf32>
    %div3A = vector.broadcast %broadcast_in_dim3A_9 : vector<1x2048xf32> to vector<8x2048xf32>
    %div3A_10 = arith.divf %exp3A, %div3A : vector<8x2048xf32>
    %reduce_max3A_11 = arith.constant dense<0xFF800000> : vector<2048xf32>
    %reduce_max3A_12 = vector.multi_reduction <maximumf>, %div3A_10, %reduce_max3A_11 [0] : vector<8x2048xf32> to vector<2048xf32>
    %broadcast_in_dim3A_13 = vector.shape_cast %reduce_max3A_12 : vector<2048xf32> to vector<1x2048xf32>
    %iota3A = tpu.iota {dimensions = array<i32: 0>} : vector<8x2048xi32>
    %eq3A = vector.broadcast %broadcast_in_dim3A_13 : vector<1x2048xf32> to vector<8x2048xf32>
    %eq3A_14 = arith.cmpf oeq, %div3A_10, %eq3A : vector<8x2048xf32>
    %jit3A = arith.constant 8 : i32
    %broadcast_in_dim3A_15 = vector.broadcast %jit3A : i32 to vector<8x2048xi32>
    %select_n3A = arith.select %eq3A_14, %iota3A, %broadcast_in_dim3A_15 : vector<8x2048xi1>, vector<8x2048xi32>
    %reduce_min3A = arith.constant dense<2147483647> : vector<2048xi32>
    %reduce_min3A_16 = vector.multi_reduction <minsi>, %select_n3A, %reduce_min3A [0] : vector<8x2048xi32> to vector<2048xi32>
    %broadcast_in_dim3A_17 = vector.shape_cast %reduce_min3A_16 : vector<2048xi32> to vector<1x2048xi32>
    %eq3A_18 = vector.broadcast %broadcast_in_dim3A_17 : vector<1x2048xi32> to vector<8x2048xi32>
    %eq3A_19 = arith.cmpi eq, %iota3A, %eq3A_18 : vector<8x2048xi32>
    %jit3A_20 = arith.constant 0xFF800000 : f32
    %broadcast_in_dim3A_21 = vector.broadcast %jit3A_20 : f32 to vector<8x2048xf32>
    %select_n3A_22 = arith.select %eq3A_19, %broadcast_in_dim3A_21, %div3A_10 : vector<8x2048xi1>, vector<8x2048xf32>
    %reduce_max3A_23 = arith.constant dense<0xFF800000> : vector<2048xf32>
    %reduce_max3A_24 = vector.multi_reduction <maximumf>, %select_n3A_22, %reduce_max3A_23 [0] : vector<8x2048xf32> to vector<2048xf32>
    %broadcast_in_dim3A_25 = vector.shape_cast %reduce_max3A_24 : vector<2048xf32> to vector<1x2048xf32>
    %eq3A_26 = vector.broadcast %broadcast_in_dim3A_25 : vector<1x2048xf32> to vector<8x2048xf32>
    %eq3A_27 = arith.cmpf oeq, %select_n3A_22, %eq3A_26 : vector<8x2048xf32>
    %jit3A_28 = arith.constant 8 : i32
    %broadcast_in_dim3A_29 = vector.broadcast %jit3A_28 : i32 to vector<8x2048xi32>
    %select_n3A_30 = arith.select %eq3A_27, %iota3A, %broadcast_in_dim3A_29 : vector<8x2048xi1>, vector<8x2048xi32>
    %reduce_min3A_31 = arith.constant dense<2147483647> : vector<2048xi32>
    %reduce_min3A_32 = vector.multi_reduction <minsi>, %select_n3A_30, %reduce_min3A_31 [0] : vector<8x2048xi32> to vector<2048xi32>
    %broadcast_in_dim3A_33 = vector.shape_cast %reduce_min3A_32 : vector<2048xi32> to vector<1x2048xi32>
    %swap3A = arith.constant 0 : index
    %swap3A_34 = arith.constant 0 : index
    %swap3A_35 = vector.load %arg3[%swap3A, %swap3A_34] : memref<2x2048xi32, #tpu.memory_space<vmem>>, vector<1x2048xi32>
    tpu.vector_store %arg3[%swap3A, %swap3A_34], %broadcast_in_dim3A_17 {strides = array<i32>} : memref<2x2048xi32, #tpu.memory_space<vmem>>, vector<1x2048xi32>,
    %swap3A_36 = arith.constant 1 : index
    %swap3A_37 = arith.constant 0 : index
    %swap3A_38 = vector.load %arg3[%swap3A_36, %swap3A_37] : memref<2x2048xi32, #tpu.memory_space<vmem>>, vector<1x2048xi32>
    tpu.vector_store %arg3[%swap3A_36, %swap3A_37], %broadcast_in_dim3A_33 {strides = array<i32>} : memref<2x2048xi32, #tpu.memory_space<vmem>>, vector<1x2048xi32>,
    %swap3A_39 = arith.constant 0 : index
    %swap3A_40 = arith.constant 0 : index
    %swap3A_41 = vector.load %arg4[%swap3A_39, %swap3A_40] : memref<2x2048xf32, #tpu.memory_space<vmem>>, vector<1x2048xf32>
    tpu.vector_store %arg4[%swap3A_39, %swap3A_40], %broadcast_in_dim3A_13 {strides = array<i32>} : memref<2x2048xf32, #tpu.memory_space<vmem>>, vector<1x2048xf32>,
    %swap3A_42 = arith.constant 1 : index
    %swap3A_43 = arith.constant 0 : index
    %swap3A_44 = vector.load %arg4[%swap3A_42, %swap3A_43] : memref<2x2048xf32, #tpu.memory_space<vmem>>, vector<1x2048xf32>
    tpu.vector_store %arg4[%swap3A_42, %swap3A_43], %broadcast_in_dim3A_25 {strides = array<i32>} : memref<2x2048xf32, #tpu.memory_space<vmem>>, vector<1x2048xf32>,
    %eq3A_45 = vector.broadcast %broadcast_in_dim3A_17 : vector<1x2048xi32> to vector<8x2048xi32>
    %eq3A_46 = arith.cmpi eq, %iota3A, %eq3A_45 : vector<8x2048xi32>
    %eq3A_47 = vector.broadcast %broadcast_in_dim3A_33 : vector<1x2048xi32> to vector<8x2048xi32>
    %eq3A_48 = arith.cmpi eq, %iota3A, %eq3A_47 : vector<8x2048xi32>
    %jit3A_49 = arith.constant 0.000000e+00 : f32
    %broadcast_in_dim3A_50 = vector.shape_cast %broadcast_in_dim3A_13 : vector<1x2048xf32> to vector<1x2048xf32>
    %broadcast_in_dim3A_51 = vector.broadcast %broadcast_in_dim3A_50 : vector<1x2048xf32> to vector<8x2048xf32>
    %broadcast_in_dim3A_52 = vector.broadcast %jit3A_49 : f32 to vector<8x2048xf32>
    %select_n3A_53 = arith.select %eq3A_46, %broadcast_in_dim3A_51, %broadcast_in_dim3A_52 : vector<8x2048xi1>, vector<8x2048xf32>
    %jit3A_54 = arith.constant 0.000000e+00 : f32
    %broadcast_in_dim3A_55 = vector.shape_cast %broadcast_in_dim3A_25 : vector<1x2048xf32> to vector<1x2048xf32>
    %broadcast_in_dim3A_56 = vector.broadcast %broadcast_in_dim3A_55 : vector<1x2048xf32> to vector<8x2048xf32>
    %broadcast_in_dim3A_57 = vector.broadcast %jit3A_54 : f32 to vector<8x2048xf32>
    %select_n3A_58 = arith.select %eq3A_48, %broadcast_in_dim3A_56, %broadcast_in_dim3A_57 : vector<8x2048xi1>, vector<8x2048xf32>
    %add3A = arith.addf %select_n3A_53, %select_n3A_58 : vector<8x2048xf32>
    %reduce_sum3A_59 = arith.constant dense<0.000000e+00> : vector<8xf32>
    %reduce_sum3A_60 = vector.multi_reduction <add>, %add3A, %reduce_sum3A_59 [1] : vector<8x2048xf32> to vector<8xf32>
    %broadcast_in_dim3A_61 = vector.shape_cast %reduce_sum3A_60 : vector<8xf32> to vector<8x1xf32>
    %gt3A = arith.constant 0.000000e+00 : f32
    %gt3A_62 = vector.broadcast %gt3A : f32 to vector<1x2048xf32>
    %gt3A_63 = arith.cmpf ogt, %broadcast_in_dim3A_13, %gt3A_62 : vector<1x2048xf32>
    %and3A = vector.broadcast %gt3A_63 : vector<1x2048xi1> to vector<8x2048xi1>
    %and3A_64 = arith.andi %eq3A_46, %and3A : vector<8x2048xi1>
    %jit3A_65 = arith.constant 1.000000e+00 : f32
    %jit3A_66 = arith.constant 0.000000e+00 : f32
    %broadcast_in_dim3A_67 = vector.broadcast %jit3A_65 : f32 to vector<8x2048xf32>
    %broadcast_in_dim3A_68 = vector.broadcast %jit3A_66 : f32 to vector<8x2048xf32>
    %select_n3A_69 = arith.select %and3A_64, %broadcast_in_dim3A_67, %broadcast_in_dim3A_68 : vector<8x2048xi1>, vector<8x2048xf32>
    %gt3A_70 = arith.constant 0.000000e+00 : f32
    %gt3A_71 = vector.broadcast %gt3A_70 : f32 to vector<1x2048xf32>
    %gt3A_72 = arith.cmpf ogt, %broadcast_in_dim3A_25, %gt3A_71 : vector<1x2048xf32>
    %and3A_73 = vector.broadcast %gt3A_72 : vector<1x2048xi1> to vector<8x2048xi1>
    %and3A_74 = arith.andi %eq3A_48, %and3A_73 : vector<8x2048xi1>
    %jit3A_75 = arith.constant 1.000000e+00 : f32
    %jit3A_76 = arith.constant 0.000000e+00 : f32
    %broadcast_in_dim3A_77 = vector.broadcast %jit3A_75 : f32 to vector<8x2048xf32>
    %broadcast_in_dim3A_78 = vector.broadcast %jit3A_76 : f32 to vector<8x2048xf32>
    %select_n3A_79 = arith.select %and3A_74, %broadcast_in_dim3A_77, %broadcast_in_dim3A_78 : vector<8x2048xi1>, vector<8x2048xf32>
    %add3A_80 = arith.addf %select_n3A_69, %select_n3A_79 : vector<8x2048xf32>
    %reduce_sum3A_81 = arith.constant dense<0.000000e+00> : vector<8xf32>
    %reduce_sum3A_82 = vector.multi_reduction <add>, %add3A_80, %reduce_sum3A_81 [1] : vector<8x2048xf32> to vector<8xf32>
    %broadcast_in_dim3A_83 = vector.shape_cast %reduce_sum3A_82 : vector<8xf32> to vector<8x1xf32>
    %reduce_sum3A_84 = arith.constant dense<0.000000e+00> : vector<8xf32>
    %reduce_sum3A_85 = vector.multi_reduction <add>, %div3A_10, %reduce_sum3A_84 [1] : vector<8x2048xf32> to vector<8xf32>
    %broadcast_in_dim3A_86 = vector.shape_cast %reduce_sum3A_85 : vector<8xf32> to vector<8x1xf32>
    %log3A = math.log %broadcast_in_dim3A_9 : vector<1x2048xf32>
    %add3A_87 = arith.addf %broadcast_in_dim3A, %log3A : vector<1x2048xf32>
    %mul3A = arith.mulf %add3A_87, %add3A_87 : vector<1x2048xf32>
    %reduce_sum3A_88 = vector.shape_cast %mul3A : vector<1x2048xf32> to vector<1x1x2048xf32>
    %reduce_sum3A_89 = arith.constant dense<0.000000e+00> : vector<1xf32>
    %reduce_sum3A_90 = vector.multi_reduction <add>, %reduce_sum3A_88, %reduce_sum3A_89 [1, 2] : vector<1x1x2048xf32> to vector<1xf32>
    %reduce_sum3A_91 = vector.shape_cast %reduce_sum3A_90 : vector<1xf32> to vector<1x1x1xf32>
    %reduce_sum3A_92 = vector.extract %reduce_sum3A_91[0, 0, 0] : f32 from vector<1x1x1xf32>
    %abs3A = math.absf %broadcast_in_dim3A_61 : vector<8x1xf32>
    %reduce_sum3A_93 = vector.shape_cast %abs3A : vector<8x1xf32> to vector<1x8x1xf32>
    %reduce_sum3A_94 = arith.constant dense<0.000000e+00> : vector<1xf32>
    %reduce_sum3A_95 = vector.multi_reduction <add>, %reduce_sum3A_93, %reduce_sum3A_94 [1, 2] : vector<1x8x1xf32> to vector<1xf32>
    %reduce_sum3A_96 = vector.shape_cast %reduce_sum3A_95 : vector<1xf32> to vector<1x1x1xf32>
    %reduce_sum3A_97 = vector.extract %reduce_sum3A_96[0, 0, 0] : f32 from vector<1x1x1xf32>
    %max3A = arith.constant 9.99999996E-13 : f32
    %max3A_98 = arith.maximumf %reduce_sum3A_97, %max3A : f32
    %div3A_99 = vector.broadcast %max3A_98 : f32 to vector<8x1xf32>
    %div3A_100 = arith.divf %broadcast_in_dim3A_61, %div3A_99 : vector<8x1xf32>
    %reduce_sum3A_101 = vector.shape_cast %div3A_100 : vector<8x1xf32> to vector<1x8x1xf32>
    %reduce_sum3A_102 = arith.constant dense<0.000000e+00> : vector<1xf32>
    %reduce_sum3A_103 = vector.multi_reduction <add>, %reduce_sum3A_101, %reduce_sum3A_102 [1, 2] : vector<1x8x1xf32> to vector<1xf32>
    %reduce_sum3A_104 = vector.shape_cast %reduce_sum3A_103 : vector<1xf32> to vector<1x1x1xf32>
    %reduce_sum3A_105 = vector.extract %reduce_sum3A_104[0, 0, 0] : f32 from vector<1x1x1xf32>
    %div3A_106 = arith.constant 8.000000e+00 : f32
    %div3A_107 = arith.divf %reduce_sum3A_105, %div3A_106 : f32
    %sub3A_108 = vector.broadcast %div3A_107 : f32 to vector<8x1xf32>
    %sub3A_109 = arith.subf %div3A_100, %sub3A_108 : vector<8x1xf32>
    %integer_pow3A = arith.mulf %sub3A_109, %sub3A_109 : vector<8x1xf32>
    %reduce_sum3A_110 = vector.shape_cast %integer_pow3A : vector<8x1xf32> to vector<1x8x1xf32>
    %reduce_sum3A_111 = arith.constant dense<0.000000e+00> : vector<1xf32>
    %reduce_sum3A_112 = vector.multi_reduction <add>, %reduce_sum3A_110, %reduce_sum3A_111 [1, 2] : vector<1x8x1xf32> to vector<1xf32>
    %reduce_sum3A_113 = vector.shape_cast %reduce_sum3A_112 : vector<1xf32> to vector<1x1x1xf32>
    %reduce_sum3A_114 = vector.extract %reduce_sum3A_113[0, 0, 0] : f32 from vector<1x1x1xf32>
    %div3A_115 = arith.constant 7.000000e+00 : f32
    %div3A_116 = arith.divf %reduce_sum3A_114, %div3A_115 : f32
    %mul3A_117 = arith.constant 0.00999999977 : f32
    %mul3A_118 = arith.mulf %mul3A_117, %div3A_116 : f32
    %mul3A_119 = arith.mulf %div3A_107, %div3A_107 : f32
    %add3A_120 = arith.constant 1.000000e-10 : f32
    %add3A_121 = arith.addf %mul3A_119, %add3A_120 : f32
    %div3A_122 = arith.divf %mul3A_118, %add3A_121 : f32
    %abs3A_123 = math.absf %broadcast_in_dim3A_86 : vector<8x1xf32>
    %reduce_sum3A_124 = vector.shape_cast %abs3A_123 : vector<8x1xf32> to vector<1x8x1xf32>
    %reduce_sum3A_125 = arith.constant dense<0.000000e+00> : vector<1xf32>
    %reduce_sum3A_126 = vector.multi_reduction <add>, %reduce_sum3A_124, %reduce_sum3A_125 [1, 2] : vector<1x8x1xf32> to vector<1xf32>
    %reduce_sum3A_127 = vector.shape_cast %reduce_sum3A_126 : vector<1xf32> to vector<1x1x1xf32>
    %reduce_sum3A_128 = vector.extract %reduce_sum3A_127[0, 0, 0] : f32 from vector<1x1x1xf32>
    %max3A_129 = arith.constant 9.99999996E-13 : f32
    %max3A_130 = arith.maximumf %reduce_sum3A_128, %max3A_129 : f32
    %div3A_131 = vector.broadcast %max3A_130 : f32 to vector<8x1xf32>
    %div3A_132 = arith.divf %broadcast_in_dim3A_86, %div3A_131 : vector<8x1xf32>
    %abs3A_133 = math.absf %broadcast_in_dim3A_83 : vector<8x1xf32>
    %reduce_sum3A_134 = vector.shape_cast %abs3A_133 : vector<8x1xf32> to vector<1x8x1xf32>
    %reduce_sum3A_135 = arith.constant dense<0.000000e+00> : vector<1xf32>
    %reduce_sum3A_136 = vector.multi_reduction <add>, %reduce_sum3A_134, %reduce_sum3A_135 [1, 2] : vector<1x8x1xf32> to vector<1xf32>
    %reduce_sum3A_137 = vector.shape_cast %reduce_sum3A_136 : vector<1xf32> to vector<1x1x1xf32>
    %reduce_sum3A_138 = vector.extract %reduce_sum3A_137[0, 0, 0] : f32 from vector<1x1x1xf32>
    %max3A_139 = arith.constant 9.99999996E-13 : f32
    %max3A_140 = arith.maximumf %reduce_sum3A_138, %max3A_139 : f32
    %div3A_141 = vector.broadcast %max3A_140 : f32 to vector<8x1xf32>
    %div3A_142 = arith.divf %broadcast_in_dim3A_83, %div3A_141 : vector<8x1xf32>
    %mul3A_143 = arith.mulf %div3A_132, %div3A_142 : vector<8x1xf32>
    %reduce_sum3A_144 = vector.shape_cast %mul3A_143 : vector<8x1xf32> to vector<1x8x1xf32>
    %reduce_sum3A_145 = arith.constant dense<0.000000e+00> : vector<1xf32>
    %reduce_sum3A_146 = vector.multi_reduction <add>, %reduce_sum3A_144, %reduce_sum3A_145 [1, 2] : vector<1x8x1xf32> to vector<1xf32>
    %reduce_sum3A_147 = vector.shape_cast %reduce_sum3A_146 : vector<1xf32> to vector<1x1x1xf32>
    %reduce_sum3A_148 = vector.extract %reduce_sum3A_147[0, 0, 0] : f32 from vector<1x1x1xf32>
    %sub3A_149 = arith.constant 1.000000e+00 : f32
    %sub3A_150 = arith.subf %sub3A_149, %reduce_sum3A_148 : f32
    %mul3A_151 = arith.constant 1.000000e-01 : f32
    %mul3A_152 = arith.mulf %mul3A_151, %sub3A_150 : f32
    %mul3A_153 = arith.constant 8.000000e+00 : f32
    %mul3A_154 = arith.mulf %mul3A_152, %mul3A_153 : f32
    %mul3A_155 = arith.constant 9.99999974E-5 : f32
    %mul3A_156 = arith.mulf %mul3A_155, %reduce_sum3A_92 : f32
    %div3A_157 = arith.constant 2.048000e+03 : f32
    %div3A_158 = arith.divf %mul3A_156, %div3A_157 : f32
    %add3A_159 = arith.addf %div3A_122, %mul3A_154 : f32
    %add3A_160 = arith.addf %add3A_159, %div3A_158 : f32
    %reshape3A = vector.broadcast %add3A_160 : f32 to vector<1x1xf32>
    %swap3A_161 = arith.constant 0 : index
    %swap3A_162 = arith.constant 0 : index
    %swap3A_163 = vector.load %arg5[%swap3A_161, %swap3A_162] : memref<1x1xf32, #tpu.memory_space<vmem>>, vector<1x1xf32>
    tpu.vector_store %arg5[%swap3A_161, %swap3A_162], %reshape3A {strides = array<i32>} : memref<1x1xf32, #tpu.memory_space<vmem>>, vector<1x1xf32>,
    %jit3A_164 = arith.constant 1.000000e+00 : f32
    %jit3A_165 = arith.constant 0.000000e+00 : f32
    %broadcast_in_dim3A_166 = vector.broadcast %jit3A_164 : f32 to vector<8x2048xf32>
    %broadcast_in_dim3A_167 = vector.broadcast %jit3A_165 : f32 to vector<8x2048xf32>
    %select_n3A_168 = arith.select %eq3A_46, %broadcast_in_dim3A_166, %broadcast_in_dim3A_167 : vector<8x2048xi1>, vector<8x2048xf32>
    %jit3A_169 = arith.constant 1.000000e+00 : f32
    %jit3A_170 = arith.constant 0.000000e+00 : f32
    %broadcast_in_dim3A_171 = vector.broadcast %jit3A_169 : f32 to vector<8x2048xf32>
    %broadcast_in_dim3A_172 = vector.broadcast %jit3A_170 : f32 to vector<8x2048xf32>
    %select_n3A_173 = arith.select %eq3A_48, %broadcast_in_dim3A_171, %broadcast_in_dim3A_172 : vector<8x2048xi1>, vector<8x2048xf32>
    %concatenate3A = tpu.concatenate %select_n3A_168, %select_n3A_173 in 1 : vector<8x2048xf32>, vector<8x2048xf32> -> vector<8x4096xf32>
    %reduce_sum3A_174 = arith.constant dense<0.000000e+00> : vector<8xf32>
    %reduce_sum3A_175 = vector.multi_reduction <add>, %concatenate3A, %reduce_sum3A_174 [1] : vector<8x4096xf32> to vector<8xf32>
    %broadcast_in_dim3A_176 = vector.shape_cast %reduce_sum3A_175 : vector<8xf32> to vector<8x1xf32>
    %add3A_177 = arith.constant 1.270000e+02 : f32
    %add3A_178 = vector.broadcast %add3A_177 : f32 to vector<8x1xf32>
    %add3A_179 = arith.addf %broadcast_in_dim3A_176, %add3A_178 : vector<8x1xf32>
    %div3A_180 = arith.constant 1.280000e+02 : f32
    %div3A_181 = vector.broadcast %div3A_180 : f32 to vector<8x1xf32>
    %div3A_182 = arith.divf %add3A_179, %div3A_181 : vector<8x1xf32>
    %floor3A = math.floor %div3A_182 : vector<8x1xf32>
    %mul3A_183 = arith.constant 1.280000e+02 : f32
    %mul3A_184 = vector.broadcast %mul3A_183 : f32 to vector<8x1xf32>
    %mul3A_185 = arith.mulf %floor3A, %mul3A_184 : vector<8x1xf32>
    %iota3A_186 = tpu.iota {dimensions = array<i32: 0>} : vector<8x8xi32>
    %iota3A_187 = tpu.iota {dimensions = array<i32: 1>} : vector<8x8xi32>
    %lt3A = arith.cmpi slt, %iota3A_187, %iota3A_186 : vector<8x8xi32>
    %jit3A_188 = arith.constant 1.000000e+00 : f32
    %jit3A_189 = arith.constant 0.000000e+00 : f32
    %broadcast_in_dim3A_190 = vector.broadcast %jit3A_188 : f32 to vector<8x8xf32>
    %broadcast_in_dim3A_191 = vector.broadcast %jit3A_189 : f32 to vector<8x8xf32>
    %select_n3A_192 = arith.select %lt3A, %broadcast_in_dim3A_190, %broadcast_in_dim3A_191 : vector<8x8xi1>, vector<8x8xf32>
    %dot_general3A_193 = arith.constant dense<0.000000e+00> : vector<8x1xf32>
    %dot_general3A_194 = tpu.matmul %select_n3A_192, %mul3A_185, %dot_general3A_193 {dimension_numbers = #tpu.dot_dimension_numbers<[1], [0], [0], [1], [0, 0, 1, 1], [], []>, transpose_lhs_hint = false} : vector<8x8xf32>, vector<8x1xf32>, vector<8x1xf32> -> vector<8x1xf32>
    %iota3A_195 = tpu.iota {dimensions = array<i32: 0>} : vector<128x128xi32>
    %iota3A_196 = tpu.iota {dimensions = array<i32: 1>} : vector<128x128xi32>
    %le3A = arith.cmpi sle, %iota3A_195, %iota3A_196 : vector<128x128xi32>
    %jit3A_197 = arith.constant 1.000000e+00 : f32
    %jit3A_198 = arith.constant 0.000000e+00 : f32
    %broadcast_in_dim3A_199 = vector.broadcast %jit3A_197 : f32 to vector<128x128xf32>
    %broadcast_in_dim3A_200 = vector.broadcast %jit3A_198 : f32 to vector<128x128xf32>
    %select_n3A_201 = arith.select %le3A, %broadcast_in_dim3A_199, %broadcast_in_dim3A_200 : vector<128x128xi1>, vector<128x128xf32>
    %broadcast_in_dim3A_202 = arith.constant 0.000000e+00 : f32
    %broadcast_in_dim3A_203 = vector.broadcast %broadcast_in_dim3A_202 : f32 to vector<8x1xf32>
    %slice3A = vector.extract_strided_slice %concatenate3A {offsets = [0, 0], sizes = [8, 128], strides = [1, 1]} : vector<8x4096xf32> to vector<8x128xf32>
    %dot_general3A_204 = arith.constant dense<0.000000e+00> : vector<8x128xf32>
    %dot_general3A_205 = tpu.matmul %slice3A, %select_n3A_201, %dot_general3A_204 {dimension_numbers = #tpu.dot_dimension_numbers<[1], [0], [0], [1], [0, 0, 1, 1], [], []>, transpose_lhs_hint = false} : vector<8x128xf32>, vector<128x128xf32>, vector<8x128xf32> -> vector<8x128xf32>
    %add3A_206 = vector.broadcast %broadcast_in_dim3A_203 : vector<8x1xf32> to vector<8x128xf32>
    %add3A_207 = arith.addf %dot_general3A_205, %add3A_206 : vector<8x128xf32>
    %sub3A_208 = arith.constant 1.000000e+00 : f32
    %sub3A_209 = vector.broadcast %sub3A_208 : f32 to vector<8x128xf32>
    %sub3A_210 = arith.subf %add3A_207, %sub3A_209 : vector<8x128xf32>
    %add3A_211 = vector.broadcast %dot_general3A_194 : vector<8x1xf32> to vector<8x128xf32>
    %add3A_212 = arith.addf %sub3A_210, %add3A_211 : vector<8x128xf32>
    %mul3A_213 = arith.mulf %add3A_212, %slice3A : vector<8x128xf32>
    %reduce_sum3A_214 = arith.constant dense<0.000000e+00> : vector<128xf32>
    %reduce_sum3A_215 = vector.multi_reduction <add>, %mul3A_213, %reduce_sum3A_214 [0] : vector<8x128xf32> to vector<128xf32>
    %broadcast_in_dim3A_216 = vector.shape_cast %reduce_sum3A_215 : vector<128xf32> to vector<1x128xf32>
    %convert_element_type3A_217 = arith.fptosi %broadcast_in_dim3A_216 : vector<1x128xf32> to vector<1x128xi32>
    %swap3A_218 = arith.constant 0 : index
    %swap3A_219 = arith.constant 0 : index
    %swap3A_220 = vector.load %arg6[%swap3A_218, %swap3A_219] : memref<1x4096xi32, #tpu.memory_space<vmem>>, vector<1x128xi32>
    tpu.vector_store %arg6[%swap3A_218, %swap3A_219], %convert_element_type3A_217 {strides = array<i32>} : memref<1x4096xi32, #tpu.memory_space<vmem>>, vector<1x128xi32>,
    %reduce_sum3A_221 = arith.constant dense<0.000000e+00> : vector<8xf32>
    %reduce_sum3A_222 = vector.multi_reduction <add>, %slice3A, %reduce_sum3A_221 [1] : vector<8x128xf32> to vector<8xf32>
    %broadcast_in_dim3A_223 = vector.shape_cast %reduce_sum3A_222 : vector<8xf32> to vector<8x1xf32>
    %add3A_224 = arith.addf %broadcast_in_dim3A_203, %broadcast_in_dim3A_223 : vector<8x1xf32>
    %slice3A_225 = vector.extract_strided_slice %concatenate3A {offsets = [0, 128], sizes = [8, 128], strides = [1, 1]} : vector<8x4096xf32> to vector<8x128xf32>
    %dot_general3A_226 = arith.constant dense<0.000000e+00> : vector<8x128xf32>
    %dot_general3A_227 = tpu.matmul %slice3A_225, %select_n3A_201, %dot_general3A_226 {dimension_numbers = #tpu.dot_dimension_numbers<[1], [0], [0], [1], [0, 0, 1, 1], [], []>, transpose_lhs_hint = false} : vector<8x128xf32>, vector<128x128xf32>, vector<8x128xf32> -> vector<8x128xf32>
    %add3A_228 = vector.broadcast %add3A_224 : vector<8x1xf32> to vector<8x128xf32>
    %add3A_229 = arith.addf %dot_general3A_227, %add3A_228 : vector<8x128xf32>
    %sub3A_230 = arith.constant 1.000000e+00 : f32
    %sub3A_231 = vector.broadcast %sub3A_230 : f32 to vector<8x128xf32>
    %sub3A_232 = arith.subf %add3A_229, %sub3A_231 : vector<8x128xf32>
    %add3A_233 = vector.broadcast %dot_general3A_194 : vector<8x1xf32> to vector<8x128xf32>
    %add3A_234 = arith.addf %sub3A_232, %add3A_233 : vector<8x128xf32>
    %mul3A_235 = arith.mulf %add3A_234, %slice3A_225 : vector<8x128xf32>
    %reduce_sum3A_236 = arith.constant dense<0.000000e+00> : vector<128xf32>
    %reduce_sum3A_237 = vector.multi_reduction <add>, %mul3A_235, %reduce_sum3A_236 [0] : vector<8x128xf32> to vector<128xf32>
    %broadcast_in_dim3A_238 = vector.shape_cast %reduce_sum3A_237 : vector<128xf32> to vector<1x128xf32>
    %convert_element_type3A_239 = arith.fptosi %broadcast_in_dim3A_238 : vector<1x128xf32> to vector<1x128xi32>
    %swap3A_240 = arith.constant 0 : index
    %swap3A_241 = arith.constant 128 : index
    %swap3A_242 = vector.load %arg6[%swap3A_240, %swap3A_241] : memref<1x4096xi32, #tpu.memory_space<vmem>>, vector<1x128xi32>
    tpu.vector_store %arg6[%swap3A_240, %swap3A_241], %convert_element_type3A_239 {strides = array<i32>} : memref<1x4096xi32, #tpu.memory_space<vmem>>, vector<1x128xi32>,
    %reduce_sum3A_243 = arith.constant dense<0.000000e+00> : vector<8xf32>
    %reduce_sum3A_244 = vector.multi_reduction <add>, %slice3A_225, %reduce_sum3A_243 [1] : vector<8x128xf32> to vector<8xf32>
    %broadcast_in_dim3A_245 = vector.shape_cast %reduce_sum3A_244 : vector<8xf32> to vector<8x1xf32>
    %add3A_246 = arith.addf %add3A_224, %broadcast_in_dim3A_245 : vector<8x1xf32>
    %slice3A_247 = vector.extract_strided_slice %concatenate3A {offsets = [0, 256], sizes = [8, 128], strides = [1, 1]} : vector<8x4096xf32> to vector<8x128xf32>
    %dot_general3A_248 = arith.constant dense<0.000000e+00> : vector<8x128xf32>
    %dot_general3A_249 = tpu.matmul %slice3A_247, %select_n3A_201, %dot_general3A_248 {dimension_numbers = #tpu.dot_dimension_numbers<[1], [0], [0], [1], [0, 0, 1, 1], [], []>, transpose_lhs_hint = false} : vector<8x128xf32>, vector<128x128xf32>, vector<8x128xf32> -> vector<8x128xf32>
    %add3A_250 = vector.broadcast %add3A_246 : vector<8x1xf32> to vector<8x128xf32>
    %add3A_251 = arith.addf %dot_general3A_249, %add3A_250 : vector<8x128xf32>
    %sub3A_252 = arith.constant 1.000000e+00 : f32
    %sub3A_253 = vector.broadcast %sub3A_252 : f32 to vector<8x128xf32>
    %sub3A_254 = arith.subf %add3A_251, %sub3A_253 : vector<8x128xf32>
    %add3A_255 = vector.broadcast %dot_general3A_194 : vector<8x1xf32> to vector<8x128xf32>
    %add3A_256 = arith.addf %sub3A_254, %add3A_255 : vector<8x128xf32>
    %mul3A_257 = arith.mulf %add3A_256, %slice3A_247 : vector<8x128xf32>
    %reduce_sum3A_258 = arith.constant dense<0.000000e+00> : vector<128xf32>
    %reduce_sum3A_259 = vector.multi_reduction <add>, %mul3A_257, %reduce_sum3A_258 [0] : vector<8x128xf32> to vector<128xf32>
    %broadcast_in_dim3A_260 = vector.shape_cast %reduce_sum3A_259 : vector<128xf32> to vector<1x128xf32>
    %convert_element_type3A_261 = arith.fptosi %broadcast_in_dim3A_260 : vector<1x128xf32> to vector<1x128xi32>
    %swap3A_262 = arith.constant 0 : index
    %swap3A_263 = arith.constant 256 : index
    %swap3A_264 = vector.load %arg6[%swap3A_262, %swap3A_263] : memref<1x4096xi32, #tpu.memory_space<vmem>>, vector<1x128xi32>
    tpu.vector_store %arg6[%swap3A_262, %swap3A_263], %convert_element_type3A_261 {strides = array<i32>} : memref<1x4096xi32, #tpu.memory_space<vmem>>, vector<1x128xi32>,
    %reduce_sum3A_265 = arith.constant dense<0.000000e+00> : vector<8xf32>
    %reduce_sum3A_266 = vector.multi_reduction <add>, %slice3A_247, %reduce_sum3A_265 [1] : vector<8x128xf32> to vector<8xf32>
    %broadcast_in_dim3A_267 = vector.shape_cast %reduce_sum3A_266 : vector<8xf32> to vector<8x1xf32>
    %add3A_268 = arith.addf %add3A_246, %broadcast_in_dim3A_267 : vector<8x1xf32>
    %slice3A_269 = vector.extract_strided_slice %concatenate3A {offsets = [0, 384], sizes = [8, 128], strides = [1, 1]} : vector<8x4096xf32> to vector<8x128xf32>
    %dot_general3A_270 = arith.constant dense<0.000000e+00> : vector<8x128xf32>
    %dot_general3A_271 = tpu.matmul %slice3A_269, %select_n3A_201, %dot_general3A_270 {dimension_numbers = #tpu.dot_dimension_numbers<[1], [0], [0], [1], [0, 0, 1, 1], [], []>, transpose_lhs_hint = false} : vector<8x128xf32>, vector<128x128xf32>, vector<8x128xf32> -> vector<8x128xf32>
    %add3A_272 = vector.broadcast %add3A_268 : vector<8x1xf32> to vector<8x128xf32>
    %add3A_273 = arith.addf %dot_general3A_271, %add3A_272 : vector<8x128xf32>
    %sub3A_274 = arith.constant 1.000000e+00 : f32
    %sub3A_275 = vector.broadcast %sub3A_274 : f32 to vector<8x128xf32>
    %sub3A_276 = arith.subf %add3A_273, %sub3A_275 : vector<8x128xf32>
    %add3A_277 = vector.broadcast %dot_general3A_194 : vector<8x1xf32> to vector<8x128xf32>
    %add3A_278 = arith.addf %sub3A_276, %add3A_277 : vector<8x128xf32>
    %mul3A_279 = arith.mulf %add3A_278, %slice3A_269 : vector<8x128xf32>
    %reduce_sum3A_280 = arith.constant dense<0.000000e+00> : vector<128xf32>
    %reduce_sum3A_281 = vector.multi_reduction <add>, %mul3A_279, %reduce_sum3A_280 [0] : vector<8x128xf32> to vector<128xf32>
    %broadcast_in_dim3A_282 = vector.shape_cast %reduce_sum3A_281 : vector<128xf32> to vector<1x128xf32>
    %convert_element_type3A_283 = arith.fptosi %broadcast_in_dim3A_282 : vector<1x128xf32> to vector<1x128xi32>
    %swap3A_284 = arith.constant 0 : index
    %swap3A_285 = arith.constant 384 : index
    %swap3A_286 = vector.load %arg6[%swap3A_284, %swap3A_285] : memref<1x4096xi32, #tpu.memory_space<vmem>>, vector<1x128xi32>
    tpu.vector_store %arg6[%swap3A_284, %swap3A_285], %convert_element_type3A_283 {strides = array<i32>} : memref<1x4096xi32, #tpu.memory_space<vmem>>, vector<1x128xi32>,
    %reduce_sum3A_287 = arith.constant dense<0.000000e+00> : vector<8xf32>
    %reduce_sum3A_288 = vector.multi_reduction <add>, %slice3A_269, %reduce_sum3A_287 [1] : vector<8x128xf32> to vector<8xf32>
    %broadcast_in_dim3A_289 = vector.shape_cast %reduce_sum3A_288 : vector<8xf32> to vector<8x1xf32>
    %add3A_290 = arith.addf %add3A_268, %broadcast_in_dim3A_289 : vector<8x1xf32>
    %slice3A_291 = vector.extract_strided_slice %concatenate3A {offsets = [0, 512], sizes = [8, 128], strides = [1, 1]} : vector<8x4096xf32> to vector<8x128xf32>
    %dot_general3A_292 = arith.constant dense<0.000000e+00> : vector<8x128xf32>
    %dot_general3A_293 = tpu.matmul %slice3A_291, %select_n3A_201, %dot_general3A_292 {dimension_numbers = #tpu.dot_dimension_numbers<[1], [0], [0], [1], [0, 0, 1, 1], [], []>, transpose_lhs_hint = false} : vector<8x128xf32>, vector<128x128xf32>, vector<8x128xf32> -> vector<8x128xf32>
    %add3A_294 = vector.broadcast %add3A_290 : vector<8x1xf32> to vector<8x128xf32>
    %add3A_295 = arith.addf %dot_general3A_293, %add3A_294 : vector<8x128xf32>
    %sub3A_296 = arith.constant 1.000000e+00 : f32
    %sub3A_297 = vector.broadcast %sub3A_296 : f32 to vector<8x128xf32>
    %sub3A_298 = arith.subf %add3A_295, %sub3A_297 : vector<8x128xf32>
    %add3A_299 = vector.broadcast %dot_general3A_194 : vector<8x1xf32> to vector<8x128xf32>
    %add3A_300 = arith.addf %sub3A_298, %add3A_299 : vector<8x128xf32>
    %mul3A_301 = arith.mulf %add3A_300, %slice3A_291 : vector<8x128xf32>
    %reduce_sum3A_302 = arith.constant dense<0.000000e+00> : vector<128xf32>
    %reduce_sum3A_303 = vector.multi_reduction <add>, %mul3A_301, %reduce_sum3A_302 [0] : vector<8x128xf32> to vector<128xf32>
    %broadcast_in_dim3A_304 = vector.shape_cast %reduce_sum3A_303 : vector<128xf32> to vector<1x128xf32>
    %convert_element_type3A_305 = arith.fptosi %broadcast_in_dim3A_304 : vector<1x128xf32> to vector<1x128xi32>
    %swap3A_306 = arith.constant 0 : index
    %swap3A_307 = arith.constant 512 : index
    %swap3A_308 = vector.load %arg6[%swap3A_306, %swap3A_307] : memref<1x4096xi32, #tpu.memory_space<vmem>>, vector<1x128xi32>
    tpu.vector_store %arg6[%swap3A_306, %swap3A_307], %convert_element_type3A_305 {strides = array<i32>} : memref<1x4096xi32, #tpu.memory_space<vmem>>, vector<1x128xi32>,
    %reduce_sum3A_309 = arith.constant dense<0.000000e+00> : vector<8xf32>
    %reduce_sum3A_310 = vector.multi_reduction <add>, %slice3A_291, %reduce_sum3A_309 [1] : vector<8x128xf32> to vector<8xf32>
    %broadcast_in_dim3A_311 = vector.shape_cast %reduce_sum3A_310 : vector<8xf32> to vector<8x1xf32>
    %add3A_312 = arith.addf %add3A_290, %broadcast_in_dim3A_311 : vector<8x1xf32>
    %slice3A_313 = vector.extract_strided_slice %concatenate3A {offsets = [0, 640], sizes = [8, 128], strides = [1, 1]} : vector<8x4096xf32> to vector<8x128xf32>
    %dot_general3A_314 = arith.constant dense<0.000000e+00> : vector<8x128xf32>
    %dot_general3A_315 = tpu.matmul %slice3A_313, %select_n3A_201, %dot_general3A_314 {dimension_numbers = #tpu.dot_dimension_numbers<[1], [0], [0], [1], [0, 0, 1, 1], [], []>, transpose_lhs_hint = false} : vector<8x128xf32>, vector<128x128xf32>, vector<8x128xf32> -> vector<8x128xf32>
    %add3A_316 = vector.broadcast %add3A_312 : vector<8x1xf32> to vector<8x128xf32>
    %add3A_317 = arith.addf %dot_general3A_315, %add3A_316 : vector<8x128xf32>
    %sub3A_318 = arith.constant 1.000000e+00 : f32
    %sub3A_319 = vector.broadcast %sub3A_318 : f32 to vector<8x128xf32>
    %sub3A_320 = arith.subf %add3A_317, %sub3A_319 : vector<8x128xf32>
    %add3A_321 = vector.broadcast %dot_general3A_194 : vector<8x1xf32> to vector<8x128xf32>
    %add3A_322 = arith.addf %sub3A_320, %add3A_321 : vector<8x128xf32>
    %mul3A_323 = arith.mulf %add3A_322, %slice3A_313 : vector<8x128xf32>
    %reduce_sum3A_324 = arith.constant dense<0.000000e+00> : vector<128xf32>
    %reduce_sum3A_325 = vector.multi_reduction <add>, %mul3A_323, %reduce_sum3A_324 [0] : vector<8x128xf32> to vector<128xf32>
    %broadcast_in_dim3A_326 = vector.shape_cast %reduce_sum3A_325 : vector<128xf32> to vector<1x128xf32>
    %convert_element_type3A_327 = arith.fptosi %broadcast_in_dim3A_326 : vector<1x128xf32> to vector<1x128xi32>
    %swap3A_328 = arith.constant 0 : index
    %swap3A_329 = arith.constant 640 : index
    %swap3A_330 = vector.load %arg6[%swap3A_328, %swap3A_329] : memref<1x4096xi32, #tpu.memory_space<vmem>>, vector<1x128xi32>
    tpu.vector_store %arg6[%swap3A_328, %swap3A_329], %convert_element_type3A_327 {strides = array<i32>} : memref<1x4096xi32, #tpu.memory_space<vmem>>, vector<1x128xi32>,
    %reduce_sum3A_331 = arith.constant dense<0.000000e+00> : vector<8xf32>
    %reduce_sum3A_332 = vector.multi_reduction <add>, %slice3A_313, %reduce_sum3A_331 [1] : vector<8x128xf32> to vector<8xf32>
    %broadcast_in_dim3A_333 = vector.shape_cast %reduce_sum3A_332 : vector<8xf32> to vector<8x1xf32>
    %add3A_334 = arith.addf %add3A_312, %broadcast_in_dim3A_333 : vector<8x1xf32>
    %slice3A_335 = vector.extract_strided_slice %concatenate3A {offsets = [0, 768], sizes = [8, 128], strides = [1, 1]} : vector<8x4096xf32> to vector<8x128xf32>
    %dot_general3A_336 = arith.constant dense<0.000000e+00> : vector<8x128xf32>
    %dot_general3A_337 = tpu.matmul %slice3A_335, %select_n3A_201, %dot_general3A_336 {dimension_numbers = #tpu.dot_dimension_numbers<[1], [0], [0], [1], [0, 0, 1, 1], [], []>, transpose_lhs_hint = false} : vector<8x128xf32>, vector<128x128xf32>, vector<8x128xf32> -> vector<8x128xf32>
    %add3A_338 = vector.broadcast %add3A_334 : vector<8x1xf32> to vector<8x128xf32>
    %add3A_339 = arith.addf %dot_general3A_337, %add3A_338 : vector<8x128xf32>
    %sub3A_340 = arith.constant 1.000000e+00 : f32
    %sub3A_341 = vector.broadcast %sub3A_340 : f32 to vector<8x128xf32>
    %sub3A_342 = arith.subf %add3A_339, %sub3A_341 : vector<8x128xf32>
    %add3A_343 = vector.broadcast %dot_general3A_194 : vector<8x1xf32> to vector<8x128xf32>
    %add3A_344 = arith.addf %sub3A_342, %add3A_343 : vector<8x128xf32>
    %mul3A_345 = arith.mulf %add3A_344, %slice3A_335 : vector<8x128xf32>
    %reduce_sum3A_346 = arith.constant dense<0.000000e+00> : vector<128xf32>
    %reduce_sum3A_347 = vector.multi_reduction <add>, %mul3A_345, %reduce_sum3A_346 [0] : vector<8x128xf32> to vector<128xf32>
    %broadcast_in_dim3A_348 = vector.shape_cast %reduce_sum3A_347 : vector<128xf32> to vector<1x128xf32>
    %convert_element_type3A_349 = arith.fptosi %broadcast_in_dim3A_348 : vector<1x128xf32> to vector<1x128xi32>
    %swap3A_350 = arith.constant 0 : index
    %swap3A_351 = arith.constant 768 : index
    %swap3A_352 = vector.load %arg6[%swap3A_350, %swap3A_351] : memref<1x4096xi32, #tpu.memory_space<vmem>>, vector<1x128xi32>
    tpu.vector_store %arg6[%swap3A_350, %swap3A_351], %convert_element_type3A_349 {strides = array<i32>} : memref<1x4096xi32, #tpu.memory_space<vmem>>, vector<1x128xi32>,
    %reduce_sum3A_353 = arith.constant dense<0.000000e+00> : vector<8xf32>
    %reduce_sum3A_354 = vector.multi_reduction <add>, %slice3A_335, %reduce_sum3A_353 [1] : vector<8x128xf32> to vector<8xf32>
    %broadcast_in_dim3A_355 = vector.shape_cast %reduce_sum3A_354 : vector<8xf32> to vector<8x1xf32>
    %add3A_356 = arith.addf %add3A_334, %broadcast_in_dim3A_355 : vector<8x1xf32>
    %slice3A_357 = vector.extract_strided_slice %concatenate3A {offsets = [0, 896], sizes = [8, 128], strides = [1, 1]} : vector<8x4096xf32> to vector<8x128xf32>
    %dot_general3A_358 = arith.constant dense<0.000000e+00> : vector<8x128xf32>
    %dot_general3A_359 = tpu.matmul %slice3A_357, %select_n3A_201, %dot_general3A_358 {dimension_numbers = #tpu.dot_dimension_numbers<[1], [0], [0], [1], [0, 0, 1, 1], [], []>, transpose_lhs_hint = false} : vector<8x128xf32>, vector<128x128xf32>, vector<8x128xf32> -> vector<8x128xf32>
    %add3A_360 = vector.broadcast %add3A_356 : vector<8x1xf32> to vector<8x128xf32>
    %add3A_361 = arith.addf %dot_general3A_359, %add3A_360 : vector<8x128xf32>
    %sub3A_362 = arith.constant 1.000000e+00 : f32
    %sub3A_363 = vector.broadcast %sub3A_362 : f32 to vector<8x128xf32>
    %sub3A_364 = arith.subf %add3A_361, %sub3A_363 : vector<8x128xf32>
    %add3A_365 = vector.broadcast %dot_general3A_194 : vector<8x1xf32> to vector<8x128xf32>
    %add3A_366 = arith.addf %sub3A_364, %add3A_365 : vector<8x128xf32>
    %mul3A_367 = arith.mulf %add3A_366, %slice3A_357 : vector<8x128xf32>
    %reduce_sum3A_368 = arith.constant dense<0.000000e+00> : vector<128xf32>
    %reduce_sum3A_369 = vector.multi_reduction <add>, %mul3A_367, %reduce_sum3A_368 [0] : vector<8x128xf32> to vector<128xf32>
    %broadcast_in_dim3A_370 = vector.shape_cast %reduce_sum3A_369 : vector<128xf32> to vector<1x128xf32>
    %convert_element_type3A_371 = arith.fptosi %broadcast_in_dim3A_370 : vector<1x128xf32> to vector<1x128xi32>
    %swap3A_372 = arith.constant 0 : index
    %swap3A_373 = arith.constant 896 : index
    %swap3A_374 = vector.load %arg6[%swap3A_372, %swap3A_373] : memref<1x4096xi32, #tpu.memory_space<vmem>>, vector<1x128xi32>
    tpu.vector_store %arg6[%swap3A_372, %swap3A_373], %convert_element_type3A_371 {strides = array<i32>} : memref<1x4096xi32, #tpu.memory_space<vmem>>, vector<1x128xi32>,
    %reduce_sum3A_375 = arith.constant dense<0.000000e+00> : vector<8xf32>
    %reduce_sum3A_376 = vector.multi_reduction <add>, %slice3A_357, %reduce_sum3A_375 [1] : vector<8x128xf32> to vector<8xf32>
    %broadcast_in_dim3A_377 = vector.shape_cast %reduce_sum3A_376 : vector<8xf32> to vector<8x1xf32>
    %add3A_378 = arith.addf %add3A_356, %broadcast_in_dim3A_377 : vector<8x1xf32>
    %slice3A_379 = vector.extract_strided_slice %concatenate3A {offsets = [0, 1024], sizes = [8, 128], strides = [1, 1]} : vector<8x4096xf32> to vector<8x128xf32>
    %dot_general3A_380 = arith.constant dense<0.000000e+00> : vector<8x128xf32>
    %dot_general3A_381 = tpu.matmul %slice3A_379, %select_n3A_201, %dot_general3A_380 {dimension_numbers = #tpu.dot_dimension_numbers<[1], [0], [0], [1], [0, 0, 1, 1], [], []>, transpose_lhs_hint = false} : vector<8x128xf32>, vector<128x128xf32>, vector<8x128xf32> -> vector<8x128xf32>
    %add3A_382 = vector.broadcast %add3A_378 : vector<8x1xf32> to vector<8x128xf32>
    %add3A_383 = arith.addf %dot_general3A_381, %add3A_382 : vector<8x128xf32>
    %sub3A_384 = arith.constant 1.000000e+00 : f32
    %sub3A_385 = vector.broadcast %sub3A_384 : f32 to vector<8x128xf32>
    %sub3A_386 = arith.subf %add3A_383, %sub3A_385 : vector<8x128xf32>
    %add3A_387 = vector.broadcast %dot_general3A_194 : vector<8x1xf32> to vector<8x128xf32>
    %add3A_388 = arith.addf %sub3A_386, %add3A_387 : vector<8x128xf32>
    %mul3A_389 = arith.mulf %add3A_388, %slice3A_379 : vector<8x128xf32>
    %reduce_sum3A_390 = arith.constant dense<0.000000e+00> : vector<128xf32>
    %reduce_sum3A_391 = vector.multi_reduction <add>, %mul3A_389, %reduce_sum3A_390 [0] : vector<8x128xf32> to vector<128xf32>
    %broadcast_in_dim3A_392 = vector.shape_cast %reduce_sum3A_391 : vector<128xf32> to vector<1x128xf32>
    %convert_element_type3A_393 = arith.fptosi %broadcast_in_dim3A_392 : vector<1x128xf32> to vector<1x128xi32>
    %swap3A_394 = arith.constant 0 : index
    %swap3A_395 = arith.constant 1024 : index
    %swap3A_396 = vector.load %arg6[%swap3A_394, %swap3A_395] : memref<1x4096xi32, #tpu.memory_space<vmem>>, vector<1x128xi32>
    tpu.vector_store %arg6[%swap3A_394, %swap3A_395], %convert_element_type3A_393 {strides = array<i32>} : memref<1x4096xi32, #tpu.memory_space<vmem>>, vector<1x128xi32>,
    %reduce_sum3A_397 = arith.constant dense<0.000000e+00> : vector<8xf32>
    %reduce_sum3A_398 = vector.multi_reduction <add>, %slice3A_379, %reduce_sum3A_397 [1] : vector<8x128xf32> to vector<8xf32>
    %broadcast_in_dim3A_399 = vector.shape_cast %reduce_sum3A_398 : vector<8xf32> to vector<8x1xf32>
    %add3A_400 = arith.addf %add3A_378, %broadcast_in_dim3A_399 : vector<8x1xf32>
    %slice3A_401 = vector.extract_strided_slice %concatenate3A {offsets = [0, 1152], sizes = [8, 128], strides = [1, 1]} : vector<8x4096xf32> to vector<8x128xf32>
    %dot_general3A_402 = arith.constant dense<0.000000e+00> : vector<8x128xf32>
    %dot_general3A_403 = tpu.matmul %slice3A_401, %select_n3A_201, %dot_general3A_402 {dimension_numbers = #tpu.dot_dimension_numbers<[1], [0], [0], [1], [0, 0, 1, 1], [], []>, transpose_lhs_hint = false} : vector<8x128xf32>, vector<128x128xf32>, vector<8x128xf32> -> vector<8x128xf32>
    %add3A_404 = vector.broadcast %add3A_400 : vector<8x1xf32> to vector<8x128xf32>
    %add3A_405 = arith.addf %dot_general3A_403, %add3A_404 : vector<8x128xf32>
    %sub3A_406 = arith.constant 1.000000e+00 : f32
    %sub3A_407 = vector.broadcast %sub3A_406 : f32 to vector<8x128xf32>
    %sub3A_408 = arith.subf %add3A_405, %sub3A_407 : vector<8x128xf32>
    %add3A_409 = vector.broadcast %dot_general3A_194 : vector<8x1xf32> to vector<8x128xf32>
    %add3A_410 = arith.addf %sub3A_408, %add3A_409 : vector<8x128xf32>
    %mul3A_411 = arith.mulf %add3A_410, %slice3A_401 : vector<8x128xf32>
    %reduce_sum3A_412 = arith.constant dense<0.000000e+00> : vector<128xf32>
    %reduce_sum3A_413 = vector.multi_reduction <add>, %mul3A_411, %reduce_sum3A_412 [0] : vector<8x128xf32> to vector<128xf32>
    %broadcast_in_dim3A_414 = vector.shape_cast %reduce_sum3A_413 : vector<128xf32> to vector<1x128xf32>
    %convert_element_type3A_415 = arith.fptosi %broadcast_in_dim3A_414 : vector<1x128xf32> to vector<1x128xi32>
    %swap3A_416 = arith.constant 0 : index
    %swap3A_417 = arith.constant 1152 : index
    %swap3A_418 = vector.load %arg6[%swap3A_416, %swap3A_417] : memref<1x4096xi32, #tpu.memory_space<vmem>>, vector<1x128xi32>
    tpu.vector_store %arg6[%swap3A_416, %swap3A_417], %convert_element_type3A_415 {strides = array<i32>} : memref<1x4096xi32, #tpu.memory_space<vmem>>, vector<1x128xi32>,
    %reduce_sum3A_419 = arith.constant dense<0.000000e+00> : vector<8xf32>
    %reduce_sum3A_420 = vector.multi_reduction <add>, %slice3A_401, %reduce_sum3A_419 [1] : vector<8x128xf32> to vector<8xf32>
    %broadcast_in_dim3A_421 = vector.shape_cast %reduce_sum3A_420 : vector<8xf32> to vector<8x1xf32>
    %add3A_422 = arith.addf %add3A_400, %broadcast_in_dim3A_421 : vector<8x1xf32>
    %slice3A_423 = vector.extract_strided_slice %concatenate3A {offsets = [0, 1280], sizes = [8, 128], strides = [1, 1]} : vector<8x4096xf32> to vector<8x128xf32>
    %dot_general3A_424 = arith.constant dense<0.000000e+00> : vector<8x128xf32>
    %dot_general3A_425 = tpu.matmul %slice3A_423, %select_n3A_201, %dot_general3A_424 {dimension_numbers = #tpu.dot_dimension_numbers<[1], [0], [0], [1], [0, 0, 1, 1], [], []>, transpose_lhs_hint = false} : vector<8x128xf32>, vector<128x128xf32>, vector<8x128xf32> -> vector<8x128xf32>
    %add3A_426 = vector.broadcast %add3A_422 : vector<8x1xf32> to vector<8x128xf32>
    %add3A_427 = arith.addf %dot_general3A_425, %add3A_426 : vector<8x128xf32>
    %sub3A_428 = arith.constant 1.000000e+00 : f32
    %sub3A_429 = vector.broadcast %sub3A_428 : f32 to vector<8x128xf32>
    %sub3A_430 = arith.subf %add3A_427, %sub3A_429 : vector<8x128xf32>
    %add3A_431 = vector.broadcast %dot_general3A_194 : vector<8x1xf32> to vector<8x128xf32>
    %add3A_432 = arith.addf %sub3A_430, %add3A_431 : vector<8x128xf32>
    %mul3A_433 = arith.mulf %add3A_432, %slice3A_423 : vector<8x128xf32>
    %reduce_sum3A_434 = arith.constant dense<0.000000e+00> : vector<128xf32>
    %reduce_sum3A_435 = vector.multi_reduction <add>, %mul3A_433, %reduce_sum3A_434 [0] : vector<8x128xf32> to vector<128xf32>
    %broadcast_in_dim3A_436 = vector.shape_cast %reduce_sum3A_435 : vector<128xf32> to vector<1x128xf32>
    %convert_element_type3A_437 = arith.fptosi %broadcast_in_dim3A_436 : vector<1x128xf32> to vector<1x128xi32>
    %swap3A_438 = arith.constant 0 : index
    %swap3A_439 = arith.constant 1280 : index
    %swap3A_440 = vector.load %arg6[%swap3A_438, %swap3A_439] : memref<1x4096xi32, #tpu.memory_space<vmem>>, vector<1x128xi32>
    tpu.vector_store %arg6[%swap3A_438, %swap3A_439], %convert_element_type3A_437 {strides = array<i32>} : memref<1x4096xi32, #tpu.memory_space<vmem>>, vector<1x128xi32>,
    %reduce_sum3A_441 = arith.constant dense<0.000000e+00> : vector<8xf32>
    %reduce_sum3A_442 = vector.multi_reduction <add>, %slice3A_423, %reduce_sum3A_441 [1] : vector<8x128xf32> to vector<8xf32>
    %broadcast_in_dim3A_443 = vector.shape_cast %reduce_sum3A_442 : vector<8xf32> to vector<8x1xf32>
    %add3A_444 = arith.addf %add3A_422, %broadcast_in_dim3A_443 : vector<8x1xf32>
    %slice3A_445 = vector.extract_strided_slice %concatenate3A {offsets = [0, 1408], sizes = [8, 128], strides = [1, 1]} : vector<8x4096xf32> to vector<8x128xf32>
    %dot_general3A_446 = arith.constant dense<0.000000e+00> : vector<8x128xf32>
    %dot_general3A_447 = tpu.matmul %slice3A_445, %select_n3A_201, %dot_general3A_446 {dimension_numbers = #tpu.dot_dimension_numbers<[1], [0], [0], [1], [0, 0, 1, 1], [], []>, transpose_lhs_hint = false} : vector<8x128xf32>, vector<128x128xf32>, vector<8x128xf32> -> vector<8x128xf32>
    %add3A_448 = vector.broadcast %add3A_444 : vector<8x1xf32> to vector<8x128xf32>
    %add3A_449 = arith.addf %dot_general3A_447, %add3A_448 : vector<8x128xf32>
    %sub3A_450 = arith.constant 1.000000e+00 : f32
    %sub3A_451 = vector.broadcast %sub3A_450 : f32 to vector<8x128xf32>
    %sub3A_452 = arith.subf %add3A_449, %sub3A_451 : vector<8x128xf32>
    %add3A_453 = vector.broadcast %dot_general3A_194 : vector<8x1xf32> to vector<8x128xf32>
    %add3A_454 = arith.addf %sub3A_452, %add3A_453 : vector<8x128xf32>
    %mul3A_455 = arith.mulf %add3A_454, %slice3A_445 : vector<8x128xf32>
    %reduce_sum3A_456 = arith.constant dense<0.000000e+00> : vector<128xf32>
    %reduce_sum3A_457 = vector.multi_reduction <add>, %mul3A_455, %reduce_sum3A_456 [0] : vector<8x128xf32> to vector<128xf32>
    %broadcast_in_dim3A_458 = vector.shape_cast %reduce_sum3A_457 : vector<128xf32> to vector<1x128xf32>
    %convert_element_type3A_459 = arith.fptosi %broadcast_in_dim3A_458 : vector<1x128xf32> to vector<1x128xi32>
    %swap3A_460 = arith.constant 0 : index
    %swap3A_461 = arith.constant 1408 : index
    %swap3A_462 = vector.load %arg6[%swap3A_460, %swap3A_461] : memref<1x4096xi32, #tpu.memory_space<vmem>>, vector<1x128xi32>
    tpu.vector_store %arg6[%swap3A_460, %swap3A_461], %convert_element_type3A_459 {strides = array<i32>} : memref<1x4096xi32, #tpu.memory_space<vmem>>, vector<1x128xi32>,
    %reduce_sum3A_463 = arith.constant dense<0.000000e+00> : vector<8xf32>
    %reduce_sum3A_464 = vector.multi_reduction <add>, %slice3A_445, %reduce_sum3A_463 [1] : vector<8x128xf32> to vector<8xf32>
    %broadcast_in_dim3A_465 = vector.shape_cast %reduce_sum3A_464 : vector<8xf32> to vector<8x1xf32>
    %add3A_466 = arith.addf %add3A_444, %broadcast_in_dim3A_465 : vector<8x1xf32>
    %slice3A_467 = vector.extract_strided_slice %concatenate3A {offsets = [0, 1536], sizes = [8, 128], strides = [1, 1]} : vector<8x4096xf32> to vector<8x128xf32>
    %dot_general3A_468 = arith.constant dense<0.000000e+00> : vector<8x128xf32>
    %dot_general3A_469 = tpu.matmul %slice3A_467, %select_n3A_201, %dot_general3A_468 {dimension_numbers = #tpu.dot_dimension_numbers<[1], [0], [0], [1], [0, 0, 1, 1], [], []>, transpose_lhs_hint = false} : vector<8x128xf32>, vector<128x128xf32>, vector<8x128xf32> -> vector<8x128xf32>
    %add3A_470 = vector.broadcast %add3A_466 : vector<8x1xf32> to vector<8x128xf32>
    %add3A_471 = arith.addf %dot_general3A_469, %add3A_470 : vector<8x128xf32>
    %sub3A_472 = arith.constant 1.000000e+00 : f32
    %sub3A_473 = vector.broadcast %sub3A_472 : f32 to vector<8x128xf32>
    %sub3A_474 = arith.subf %add3A_471, %sub3A_473 : vector<8x128xf32>
    %add3A_475 = vector.broadcast %dot_general3A_194 : vector<8x1xf32> to vector<8x128xf32>
    %add3A_476 = arith.addf %sub3A_474, %add3A_475 : vector<8x128xf32>
    %mul3A_477 = arith.mulf %add3A_476, %slice3A_467 : vector<8x128xf32>
    %reduce_sum3A_478 = arith.constant dense<0.000000e+00> : vector<128xf32>
    %reduce_sum3A_479 = vector.multi_reduction <add>, %mul3A_477, %reduce_sum3A_478 [0] : vector<8x128xf32> to vector<128xf32>
    %broadcast_in_dim3A_480 = vector.shape_cast %reduce_sum3A_479 : vector<128xf32> to vector<1x128xf32>
    %convert_element_type3A_481 = arith.fptosi %broadcast_in_dim3A_480 : vector<1x128xf32> to vector<1x128xi32>
    %swap3A_482 = arith.constant 0 : index
    %swap3A_483 = arith.constant 1536 : index
    %swap3A_484 = vector.load %arg6[%swap3A_482, %swap3A_483] : memref<1x4096xi32, #tpu.memory_space<vmem>>, vector<1x128xi32>
    tpu.vector_store %arg6[%swap3A_482, %swap3A_483], %convert_element_type3A_481 {strides = array<i32>} : memref<1x4096xi32, #tpu.memory_space<vmem>>, vector<1x128xi32>,
    %reduce_sum3A_485 = arith.constant dense<0.000000e+00> : vector<8xf32>
    %reduce_sum3A_486 = vector.multi_reduction <add>, %slice3A_467, %reduce_sum3A_485 [1] : vector<8x128xf32> to vector<8xf32>
    %broadcast_in_dim3A_487 = vector.shape_cast %reduce_sum3A_486 : vector<8xf32> to vector<8x1xf32>
    %add3A_488 = arith.addf %add3A_466, %broadcast_in_dim3A_487 : vector<8x1xf32>
    %slice3A_489 = vector.extract_strided_slice %concatenate3A {offsets = [0, 1664], sizes = [8, 128], strides = [1, 1]} : vector<8x4096xf32> to vector<8x128xf32>
    %dot_general3A_490 = arith.constant dense<0.000000e+00> : vector<8x128xf32>
    %dot_general3A_491 = tpu.matmul %slice3A_489, %select_n3A_201, %dot_general3A_490 {dimension_numbers = #tpu.dot_dimension_numbers<[1], [0], [0], [1], [0, 0, 1, 1], [], []>, transpose_lhs_hint = false} : vector<8x128xf32>, vector<128x128xf32>, vector<8x128xf32> -> vector<8x128xf32>
    %add3A_492 = vector.broadcast %add3A_488 : vector<8x1xf32> to vector<8x128xf32>
    %add3A_493 = arith.addf %dot_general3A_491, %add3A_492 : vector<8x128xf32>
    %sub3A_494 = arith.constant 1.000000e+00 : f32
    %sub3A_495 = vector.broadcast %sub3A_494 : f32 to vector<8x128xf32>
    %sub3A_496 = arith.subf %add3A_493, %sub3A_495 : vector<8x128xf32>
    %add3A_497 = vector.broadcast %dot_general3A_194 : vector<8x1xf32> to vector<8x128xf32>
    %add3A_498 = arith.addf %sub3A_496, %add3A_497 : vector<8x128xf32>
    %mul3A_499 = arith.mulf %add3A_498, %slice3A_489 : vector<8x128xf32>
    %reduce_sum3A_500 = arith.constant dense<0.000000e+00> : vector<128xf32>
    %reduce_sum3A_501 = vector.multi_reduction <add>, %mul3A_499, %reduce_sum3A_500 [0] : vector<8x128xf32> to vector<128xf32>
    %broadcast_in_dim3A_502 = vector.shape_cast %reduce_sum3A_501 : vector<128xf32> to vector<1x128xf32>
    %convert_element_type3A_503 = arith.fptosi %broadcast_in_dim3A_502 : vector<1x128xf32> to vector<1x128xi32>
    %swap3A_504 = arith.constant 0 : index
    %swap3A_505 = arith.constant 1664 : index
    %swap3A_506 = vector.load %arg6[%swap3A_504, %swap3A_505] : memref<1x4096xi32, #tpu.memory_space<vmem>>, vector<1x128xi32>
    tpu.vector_store %arg6[%swap3A_504, %swap3A_505], %convert_element_type3A_503 {strides = array<i32>} : memref<1x4096xi32, #tpu.memory_space<vmem>>, vector<1x128xi32>,
    %reduce_sum3A_507 = arith.constant dense<0.000000e+00> : vector<8xf32>
    %reduce_sum3A_508 = vector.multi_reduction <add>, %slice3A_489, %reduce_sum3A_507 [1] : vector<8x128xf32> to vector<8xf32>
    %broadcast_in_dim3A_509 = vector.shape_cast %reduce_sum3A_508 : vector<8xf32> to vector<8x1xf32>
    %add3A_510 = arith.addf %add3A_488, %broadcast_in_dim3A_509 : vector<8x1xf32>
    %slice3A_511 = vector.extract_strided_slice %concatenate3A {offsets = [0, 1792], sizes = [8, 128], strides = [1, 1]} : vector<8x4096xf32> to vector<8x128xf32>
    %dot_general3A_512 = arith.constant dense<0.000000e+00> : vector<8x128xf32>
    %dot_general3A_513 = tpu.matmul %slice3A_511, %select_n3A_201, %dot_general3A_512 {dimension_numbers = #tpu.dot_dimension_numbers<[1], [0], [0], [1], [0, 0, 1, 1], [], []>, transpose_lhs_hint = false} : vector<8x128xf32>, vector<128x128xf32>, vector<8x128xf32> -> vector<8x128xf32>
    %add3A_514 = vector.broadcast %add3A_510 : vector<8x1xf32> to vector<8x128xf32>
    %add3A_515 = arith.addf %dot_general3A_513, %add3A_514 : vector<8x128xf32>
    %sub3A_516 = arith.constant 1.000000e+00 : f32
    %sub3A_517 = vector.broadcast %sub3A_516 : f32 to vector<8x128xf32>
    %sub3A_518 = arith.subf %add3A_515, %sub3A_517 : vector<8x128xf32>
    %add3A_519 = vector.broadcast %dot_general3A_194 : vector<8x1xf32> to vector<8x128xf32>
    %add3A_520 = arith.addf %sub3A_518, %add3A_519 : vector<8x128xf32>
    %mul3A_521 = arith.mulf %add3A_520, %slice3A_511 : vector<8x128xf32>
    %reduce_sum3A_522 = arith.constant dense<0.000000e+00> : vector<128xf32>
    %reduce_sum3A_523 = vector.multi_reduction <add>, %mul3A_521, %reduce_sum3A_522 [0] : vector<8x128xf32> to vector<128xf32>
    %broadcast_in_dim3A_524 = vector.shape_cast %reduce_sum3A_523 : vector<128xf32> to vector<1x128xf32>
    %convert_element_type3A_525 = arith.fptosi %broadcast_in_dim3A_524 : vector<1x128xf32> to vector<1x128xi32>
    %swap3A_526 = arith.constant 0 : index
    %swap3A_527 = arith.constant 1792 : index
    %swap3A_528 = vector.load %arg6[%swap3A_526, %swap3A_527] : memref<1x4096xi32, #tpu.memory_space<vmem>>, vector<1x128xi32>
    tpu.vector_store %arg6[%swap3A_526, %swap3A_527], %convert_element_type3A_525 {strides = array<i32>} : memref<1x4096xi32, #tpu.memory_space<vmem>>, vector<1x128xi32>,
    %reduce_sum3A_529 = arith.constant dense<0.000000e+00> : vector<8xf32>
    %reduce_sum3A_530 = vector.multi_reduction <add>, %slice3A_511, %reduce_sum3A_529 [1] : vector<8x128xf32> to vector<8xf32>
    %broadcast_in_dim3A_531 = vector.shape_cast %reduce_sum3A_530 : vector<8xf32> to vector<8x1xf32>
    %add3A_532 = arith.addf %add3A_510, %broadcast_in_dim3A_531 : vector<8x1xf32>
    %slice3A_533 = vector.extract_strided_slice %concatenate3A {offsets = [0, 1920], sizes = [8, 128], strides = [1, 1]} : vector<8x4096xf32> to vector<8x128xf32>
    %dot_general3A_534 = arith.constant dense<0.000000e+00> : vector<8x128xf32>
    %dot_general3A_535 = tpu.matmul %slice3A_533, %select_n3A_201, %dot_general3A_534 {dimension_numbers = #tpu.dot_dimension_numbers<[1], [0], [0], [1], [0, 0, 1, 1], [], []>, transpose_lhs_hint = false} : vector<8x128xf32>, vector<128x128xf32>, vector<8x128xf32> -> vector<8x128xf32>
    %add3A_536 = vector.broadcast %add3A_532 : vector<8x1xf32> to vector<8x128xf32>
    %add3A_537 = arith.addf %dot_general3A_535, %add3A_536 : vector<8x128xf32>
    %sub3A_538 = arith.constant 1.000000e+00 : f32
    %sub3A_539 = vector.broadcast %sub3A_538 : f32 to vector<8x128xf32>
    %sub3A_540 = arith.subf %add3A_537, %sub3A_539 : vector<8x128xf32>
    %add3A_541 = vector.broadcast %dot_general3A_194 : vector<8x1xf32> to vector<8x128xf32>
    %add3A_542 = arith.addf %sub3A_540, %add3A_541 : vector<8x128xf32>
    %mul3A_543 = arith.mulf %add3A_542, %slice3A_533 : vector<8x128xf32>
    %reduce_sum3A_544 = arith.constant dense<0.000000e+00> : vector<128xf32>
    %reduce_sum3A_545 = vector.multi_reduction <add>, %mul3A_543, %reduce_sum3A_544 [0] : vector<8x128xf32> to vector<128xf32>
    %broadcast_in_dim3A_546 = vector.shape_cast %reduce_sum3A_545 : vector<128xf32> to vector<1x128xf32>
    %convert_element_type3A_547 = arith.fptosi %broadcast_in_dim3A_546 : vector<1x128xf32> to vector<1x128xi32>
    %swap3A_548 = arith.constant 0 : index
    %swap3A_549 = arith.constant 1920 : index
    %swap3A_550 = vector.load %arg6[%swap3A_548, %swap3A_549] : memref<1x4096xi32, #tpu.memory_space<vmem>>, vector<1x128xi32>
    tpu.vector_store %arg6[%swap3A_548, %swap3A_549], %convert_element_type3A_547 {strides = array<i32>} : memref<1x4096xi32, #tpu.memory_space<vmem>>, vector<1x128xi32>,
    %reduce_sum3A_551 = arith.constant dense<0.000000e+00> : vector<8xf32>
    %reduce_sum3A_552 = vector.multi_reduction <add>, %slice3A_533, %reduce_sum3A_551 [1] : vector<8x128xf32> to vector<8xf32>
    %broadcast_in_dim3A_553 = vector.shape_cast %reduce_sum3A_552 : vector<8xf32> to vector<8x1xf32>
    %add3A_554 = arith.addf %add3A_532, %broadcast_in_dim3A_553 : vector<8x1xf32>
    %slice3A_555 = vector.extract_strided_slice %concatenate3A {offsets = [0, 2048], sizes = [8, 128], strides = [1, 1]} : vector<8x4096xf32> to vector<8x128xf32>
    %dot_general3A_556 = arith.constant dense<0.000000e+00> : vector<8x128xf32>
    %dot_general3A_557 = tpu.matmul %slice3A_555, %select_n3A_201, %dot_general3A_556 {dimension_numbers = #tpu.dot_dimension_numbers<[1], [0], [0], [1], [0, 0, 1, 1], [], []>, transpose_lhs_hint = false} : vector<8x128xf32>, vector<128x128xf32>, vector<8x128xf32> -> vector<8x128xf32>
    %add3A_558 = vector.broadcast %add3A_554 : vector<8x1xf32> to vector<8x128xf32>
    %add3A_559 = arith.addf %dot_general3A_557, %add3A_558 : vector<8x128xf32>
    %sub3A_560 = arith.constant 1.000000e+00 : f32
    %sub3A_561 = vector.broadcast %sub3A_560 : f32 to vector<8x128xf32>
    %sub3A_562 = arith.subf %add3A_559, %sub3A_561 : vector<8x128xf32>
    %add3A_563 = vector.broadcast %dot_general3A_194 : vector<8x1xf32> to vector<8x128xf32>
    %add3A_564 = arith.addf %sub3A_562, %add3A_563 : vector<8x128xf32>
    %mul3A_565 = arith.mulf %add3A_564, %slice3A_555 : vector<8x128xf32>
    %reduce_sum3A_566 = arith.constant dense<0.000000e+00> : vector<128xf32>
    %reduce_sum3A_567 = vector.multi_reduction <add>, %mul3A_565, %reduce_sum3A_566 [0] : vector<8x128xf32> to vector<128xf32>
    %broadcast_in_dim3A_568 = vector.shape_cast %reduce_sum3A_567 : vector<128xf32> to vector<1x128xf32>
    %convert_element_type3A_569 = arith.fptosi %broadcast_in_dim3A_568 : vector<1x128xf32> to vector<1x128xi32>
    %swap3A_570 = arith.constant 0 : index
    %swap3A_571 = arith.constant 2048 : index
    %swap3A_572 = vector.load %arg6[%swap3A_570, %swap3A_571] : memref<1x4096xi32, #tpu.memory_space<vmem>>, vector<1x128xi32>
    tpu.vector_store %arg6[%swap3A_570, %swap3A_571], %convert_element_type3A_569 {strides = array<i32>} : memref<1x4096xi32, #tpu.memory_space<vmem>>, vector<1x128xi32>,
    %reduce_sum3A_573 = arith.constant dense<0.000000e+00> : vector<8xf32>
    %reduce_sum3A_574 = vector.multi_reduction <add>, %slice3A_555, %reduce_sum3A_573 [1] : vector<8x128xf32> to vector<8xf32>
    %broadcast_in_dim3A_575 = vector.shape_cast %reduce_sum3A_574 : vector<8xf32> to vector<8x1xf32>
    %add3A_576 = arith.addf %add3A_554, %broadcast_in_dim3A_575 : vector<8x1xf32>
    %slice3A_577 = vector.extract_strided_slice %concatenate3A {offsets = [0, 2176], sizes = [8, 128], strides = [1, 1]} : vector<8x4096xf32> to vector<8x128xf32>
    %dot_general3A_578 = arith.constant dense<0.000000e+00> : vector<8x128xf32>
    %dot_general3A_579 = tpu.matmul %slice3A_577, %select_n3A_201, %dot_general3A_578 {dimension_numbers = #tpu.dot_dimension_numbers<[1], [0], [0], [1], [0, 0, 1, 1], [], []>, transpose_lhs_hint = false} : vector<8x128xf32>, vector<128x128xf32>, vector<8x128xf32> -> vector<8x128xf32>
    %add3A_580 = vector.broadcast %add3A_576 : vector<8x1xf32> to vector<8x128xf32>
    %add3A_581 = arith.addf %dot_general3A_579, %add3A_580 : vector<8x128xf32>
    %sub3A_582 = arith.constant 1.000000e+00 : f32
    %sub3A_583 = vector.broadcast %sub3A_582 : f32 to vector<8x128xf32>
    %sub3A_584 = arith.subf %add3A_581, %sub3A_583 : vector<8x128xf32>
    %add3A_585 = vector.broadcast %dot_general3A_194 : vector<8x1xf32> to vector<8x128xf32>
    %add3A_586 = arith.addf %sub3A_584, %add3A_585 : vector<8x128xf32>
    %mul3A_587 = arith.mulf %add3A_586, %slice3A_577 : vector<8x128xf32>
    %reduce_sum3A_588 = arith.constant dense<0.000000e+00> : vector<128xf32>
    %reduce_sum3A_589 = vector.multi_reduction <add>, %mul3A_587, %reduce_sum3A_588 [0] : vector<8x128xf32> to vector<128xf32>
    %broadcast_in_dim3A_590 = vector.shape_cast %reduce_sum3A_589 : vector<128xf32> to vector<1x128xf32>
    %convert_element_type3A_591 = arith.fptosi %broadcast_in_dim3A_590 : vector<1x128xf32> to vector<1x128xi32>
    %swap3A_592 = arith.constant 0 : index
    %swap3A_593 = arith.constant 2176 : index
    %swap3A_594 = vector.load %arg6[%swap3A_592, %swap3A_593] : memref<1x4096xi32, #tpu.memory_space<vmem>>, vector<1x128xi32>
    tpu.vector_store %arg6[%swap3A_592, %swap3A_593], %convert_element_type3A_591 {strides = array<i32>} : memref<1x4096xi32, #tpu.memory_space<vmem>>, vector<1x128xi32>,
    %reduce_sum3A_595 = arith.constant dense<0.000000e+00> : vector<8xf32>
    %reduce_sum3A_596 = vector.multi_reduction <add>, %slice3A_577, %reduce_sum3A_595 [1] : vector<8x128xf32> to vector<8xf32>
    %broadcast_in_dim3A_597 = vector.shape_cast %reduce_sum3A_596 : vector<8xf32> to vector<8x1xf32>
    %add3A_598 = arith.addf %add3A_576, %broadcast_in_dim3A_597 : vector<8x1xf32>
    %slice3A_599 = vector.extract_strided_slice %concatenate3A {offsets = [0, 2304], sizes = [8, 128], strides = [1, 1]} : vector<8x4096xf32> to vector<8x128xf32>
    %dot_general3A_600 = arith.constant dense<0.000000e+00> : vector<8x128xf32>
    %dot_general3A_601 = tpu.matmul %slice3A_599, %select_n3A_201, %dot_general3A_600 {dimension_numbers = #tpu.dot_dimension_numbers<[1], [0], [0], [1], [0, 0, 1, 1], [], []>, transpose_lhs_hint = false} : vector<8x128xf32>, vector<128x128xf32>, vector<8x128xf32> -> vector<8x128xf32>
    %add3A_602 = vector.broadcast %add3A_598 : vector<8x1xf32> to vector<8x128xf32>
    %add3A_603 = arith.addf %dot_general3A_601, %add3A_602 : vector<8x128xf32>
    %sub3A_604 = arith.constant 1.000000e+00 : f32
    %sub3A_605 = vector.broadcast %sub3A_604 : f32 to vector<8x128xf32>
    %sub3A_606 = arith.subf %add3A_603, %sub3A_605 : vector<8x128xf32>
    %add3A_607 = vector.broadcast %dot_general3A_194 : vector<8x1xf32> to vector<8x128xf32>
    %add3A_608 = arith.addf %sub3A_606, %add3A_607 : vector<8x128xf32>
    %mul3A_609 = arith.mulf %add3A_608, %slice3A_599 : vector<8x128xf32>
    %reduce_sum3A_610 = arith.constant dense<0.000000e+00> : vector<128xf32>
    %reduce_sum3A_611 = vector.multi_reduction <add>, %mul3A_609, %reduce_sum3A_610 [0] : vector<8x128xf32> to vector<128xf32>
    %broadcast_in_dim3A_612 = vector.shape_cast %reduce_sum3A_611 : vector<128xf32> to vector<1x128xf32>
    %convert_element_type3A_613 = arith.fptosi %broadcast_in_dim3A_612 : vector<1x128xf32> to vector<1x128xi32>
    %swap3A_614 = arith.constant 0 : index
    %swap3A_615 = arith.constant 2304 : index
    %swap3A_616 = vector.load %arg6[%swap3A_614, %swap3A_615] : memref<1x4096xi32, #tpu.memory_space<vmem>>, vector<1x128xi32>
    tpu.vector_store %arg6[%swap3A_614, %swap3A_615], %convert_element_type3A_613 {strides = array<i32>} : memref<1x4096xi32, #tpu.memory_space<vmem>>, vector<1x128xi32>,
    %reduce_sum3A_617 = arith.constant dense<0.000000e+00> : vector<8xf32>
    %reduce_sum3A_618 = vector.multi_reduction <add>, %slice3A_599, %reduce_sum3A_617 [1] : vector<8x128xf32> to vector<8xf32>
    %broadcast_in_dim3A_619 = vector.shape_cast %reduce_sum3A_618 : vector<8xf32> to vector<8x1xf32>
    %add3A_620 = arith.addf %add3A_598, %broadcast_in_dim3A_619 : vector<8x1xf32>
    %slice3A_621 = vector.extract_strided_slice %concatenate3A {offsets = [0, 2432], sizes = [8, 128], strides = [1, 1]} : vector<8x4096xf32> to vector<8x128xf32>
    %dot_general3A_622 = arith.constant dense<0.000000e+00> : vector<8x128xf32>
    %dot_general3A_623 = tpu.matmul %slice3A_621, %select_n3A_201, %dot_general3A_622 {dimension_numbers = #tpu.dot_dimension_numbers<[1], [0], [0], [1], [0, 0, 1, 1], [], []>, transpose_lhs_hint = false} : vector<8x128xf32>, vector<128x128xf32>, vector<8x128xf32> -> vector<8x128xf32>
    %add3A_624 = vector.broadcast %add3A_620 : vector<8x1xf32> to vector<8x128xf32>
    %add3A_625 = arith.addf %dot_general3A_623, %add3A_624 : vector<8x128xf32>
    %sub3A_626 = arith.constant 1.000000e+00 : f32
    %sub3A_627 = vector.broadcast %sub3A_626 : f32 to vector<8x128xf32>
    %sub3A_628 = arith.subf %add3A_625, %sub3A_627 : vector<8x128xf32>
    %add3A_629 = vector.broadcast %dot_general3A_194 : vector<8x1xf32> to vector<8x128xf32>
    %add3A_630 = arith.addf %sub3A_628, %add3A_629 : vector<8x128xf32>
    %mul3A_631 = arith.mulf %add3A_630, %slice3A_621 : vector<8x128xf32>
    %reduce_sum3A_632 = arith.constant dense<0.000000e+00> : vector<128xf32>
    %reduce_sum3A_633 = vector.multi_reduction <add>, %mul3A_631, %reduce_sum3A_632 [0] : vector<8x128xf32> to vector<128xf32>
    %broadcast_in_dim3A_634 = vector.shape_cast %reduce_sum3A_633 : vector<128xf32> to vector<1x128xf32>
    %convert_element_type3A_635 = arith.fptosi %broadcast_in_dim3A_634 : vector<1x128xf32> to vector<1x128xi32>
    %swap3A_636 = arith.constant 0 : index
    %swap3A_637 = arith.constant 2432 : index
    %swap3A_638 = vector.load %arg6[%swap3A_636, %swap3A_637] : memref<1x4096xi32, #tpu.memory_space<vmem>>, vector<1x128xi32>
    tpu.vector_store %arg6[%swap3A_636, %swap3A_637], %convert_element_type3A_635 {strides = array<i32>} : memref<1x4096xi32, #tpu.memory_space<vmem>>, vector<1x128xi32>,
    %reduce_sum3A_639 = arith.constant dense<0.000000e+00> : vector<8xf32>
    %reduce_sum3A_640 = vector.multi_reduction <add>, %slice3A_621, %reduce_sum3A_639 [1] : vector<8x128xf32> to vector<8xf32>
    %broadcast_in_dim3A_641 = vector.shape_cast %reduce_sum3A_640 : vector<8xf32> to vector<8x1xf32>
    %add3A_642 = arith.addf %add3A_620, %broadcast_in_dim3A_641 : vector<8x1xf32>
    %slice3A_643 = vector.extract_strided_slice %concatenate3A {offsets = [0, 2560], sizes = [8, 128], strides = [1, 1]} : vector<8x4096xf32> to vector<8x128xf32>
    %dot_general3A_644 = arith.constant dense<0.000000e+00> : vector<8x128xf32>
    %dot_general3A_645 = tpu.matmul %slice3A_643, %select_n3A_201, %dot_general3A_644 {dimension_numbers = #tpu.dot_dimension_numbers<[1], [0], [0], [1], [0, 0, 1, 1], [], []>, transpose_lhs_hint = false} : vector<8x128xf32>, vector<128x128xf32>, vector<8x128xf32> -> vector<8x128xf32>
    %add3A_646 = vector.broadcast %add3A_642 : vector<8x1xf32> to vector<8x128xf32>
    %add3A_647 = arith.addf %dot_general3A_645, %add3A_646 : vector<8x128xf32>
    %sub3A_648 = arith.constant 1.000000e+00 : f32
    %sub3A_649 = vector.broadcast %sub3A_648 : f32 to vector<8x128xf32>
    %sub3A_650 = arith.subf %add3A_647, %sub3A_649 : vector<8x128xf32>
    %add3A_651 = vector.broadcast %dot_general3A_194 : vector<8x1xf32> to vector<8x128xf32>
    %add3A_652 = arith.addf %sub3A_650, %add3A_651 : vector<8x128xf32>
    %mul3A_653 = arith.mulf %add3A_652, %slice3A_643 : vector<8x128xf32>
    %reduce_sum3A_654 = arith.constant dense<0.000000e+00> : vector<128xf32>
    %reduce_sum3A_655 = vector.multi_reduction <add>, %mul3A_653, %reduce_sum3A_654 [0] : vector<8x128xf32> to vector<128xf32>
    %broadcast_in_dim3A_656 = vector.shape_cast %reduce_sum3A_655 : vector<128xf32> to vector<1x128xf32>
    %convert_element_type3A_657 = arith.fptosi %broadcast_in_dim3A_656 : vector<1x128xf32> to vector<1x128xi32>
    %swap3A_658 = arith.constant 0 : index
    %swap3A_659 = arith.constant 2560 : index
    %swap3A_660 = vector.load %arg6[%swap3A_658, %swap3A_659] : memref<1x4096xi32, #tpu.memory_space<vmem>>, vector<1x128xi32>
    tpu.vector_store %arg6[%swap3A_658, %swap3A_659], %convert_element_type3A_657 {strides = array<i32>} : memref<1x4096xi32, #tpu.memory_space<vmem>>, vector<1x128xi32>,
    %reduce_sum3A_661 = arith.constant dense<0.000000e+00> : vector<8xf32>
    %reduce_sum3A_662 = vector.multi_reduction <add>, %slice3A_643, %reduce_sum3A_661 [1] : vector<8x128xf32> to vector<8xf32>
    %broadcast_in_dim3A_663 = vector.shape_cast %reduce_sum3A_662 : vector<8xf32> to vector<8x1xf32>
    %add3A_664 = arith.addf %add3A_642, %broadcast_in_dim3A_663 : vector<8x1xf32>
    %slice3A_665 = vector.extract_strided_slice %concatenate3A {offsets = [0, 2688], sizes = [8, 128], strides = [1, 1]} : vector<8x4096xf32> to vector<8x128xf32>
    %dot_general3A_666 = arith.constant dense<0.000000e+00> : vector<8x128xf32>
    %dot_general3A_667 = tpu.matmul %slice3A_665, %select_n3A_201, %dot_general3A_666 {dimension_numbers = #tpu.dot_dimension_numbers<[1], [0], [0], [1], [0, 0, 1, 1], [], []>, transpose_lhs_hint = false} : vector<8x128xf32>, vector<128x128xf32>, vector<8x128xf32> -> vector<8x128xf32>
    %add3A_668 = vector.broadcast %add3A_664 : vector<8x1xf32> to vector<8x128xf32>
    %add3A_669 = arith.addf %dot_general3A_667, %add3A_668 : vector<8x128xf32>
    %sub3A_670 = arith.constant 1.000000e+00 : f32
    %sub3A_671 = vector.broadcast %sub3A_670 : f32 to vector<8x128xf32>
    %sub3A_672 = arith.subf %add3A_669, %sub3A_671 : vector<8x128xf32>
    %add3A_673 = vector.broadcast %dot_general3A_194 : vector<8x1xf32> to vector<8x128xf32>
    %add3A_674 = arith.addf %sub3A_672, %add3A_673 : vector<8x128xf32>
    %mul3A_675 = arith.mulf %add3A_674, %slice3A_665 : vector<8x128xf32>
    %reduce_sum3A_676 = arith.constant dense<0.000000e+00> : vector<128xf32>
    %reduce_sum3A_677 = vector.multi_reduction <add>, %mul3A_675, %reduce_sum3A_676 [0] : vector<8x128xf32> to vector<128xf32>
    %broadcast_in_dim3A_678 = vector.shape_cast %reduce_sum3A_677 : vector<128xf32> to vector<1x128xf32>
    %convert_element_type3A_679 = arith.fptosi %broadcast_in_dim3A_678 : vector<1x128xf32> to vector<1x128xi32>
    %swap3A_680 = arith.constant 0 : index
    %swap3A_681 = arith.constant 2688 : index
    %swap3A_682 = vector.load %arg6[%swap3A_680, %swap3A_681] : memref<1x4096xi32, #tpu.memory_space<vmem>>, vector<1x128xi32>
    tpu.vector_store %arg6[%swap3A_680, %swap3A_681], %convert_element_type3A_679 {strides = array<i32>} : memref<1x4096xi32, #tpu.memory_space<vmem>>, vector<1x128xi32>,
    %reduce_sum3A_683 = arith.constant dense<0.000000e+00> : vector<8xf32>
    %reduce_sum3A_684 = vector.multi_reduction <add>, %slice3A_665, %reduce_sum3A_683 [1] : vector<8x128xf32> to vector<8xf32>
    %broadcast_in_dim3A_685 = vector.shape_cast %reduce_sum3A_684 : vector<8xf32> to vector<8x1xf32>
    %add3A_686 = arith.addf %add3A_664, %broadcast_in_dim3A_685 : vector<8x1xf32>
    %slice3A_687 = vector.extract_strided_slice %concatenate3A {offsets = [0, 2816], sizes = [8, 128], strides = [1, 1]} : vector<8x4096xf32> to vector<8x128xf32>
    %dot_general3A_688 = arith.constant dense<0.000000e+00> : vector<8x128xf32>
    %dot_general3A_689 = tpu.matmul %slice3A_687, %select_n3A_201, %dot_general3A_688 {dimension_numbers = #tpu.dot_dimension_numbers<[1], [0], [0], [1], [0, 0, 1, 1], [], []>, transpose_lhs_hint = false} : vector<8x128xf32>, vector<128x128xf32>, vector<8x128xf32> -> vector<8x128xf32>
    %add3A_690 = vector.broadcast %add3A_686 : vector<8x1xf32> to vector<8x128xf32>
    %add3A_691 = arith.addf %dot_general3A_689, %add3A_690 : vector<8x128xf32>
    %sub3A_692 = arith.constant 1.000000e+00 : f32
    %sub3A_693 = vector.broadcast %sub3A_692 : f32 to vector<8x128xf32>
    %sub3A_694 = arith.subf %add3A_691, %sub3A_693 : vector<8x128xf32>
    %add3A_695 = vector.broadcast %dot_general3A_194 : vector<8x1xf32> to vector<8x128xf32>
    %add3A_696 = arith.addf %sub3A_694, %add3A_695 : vector<8x128xf32>
    %mul3A_697 = arith.mulf %add3A_696, %slice3A_687 : vector<8x128xf32>
    %reduce_sum3A_698 = arith.constant dense<0.000000e+00> : vector<128xf32>
    %reduce_sum3A_699 = vector.multi_reduction <add>, %mul3A_697, %reduce_sum3A_698 [0] : vector<8x128xf32> to vector<128xf32>
    %broadcast_in_dim3A_700 = vector.shape_cast %reduce_sum3A_699 : vector<128xf32> to vector<1x128xf32>
    %convert_element_type3A_701 = arith.fptosi %broadcast_in_dim3A_700 : vector<1x128xf32> to vector<1x128xi32>
    %swap3A_702 = arith.constant 0 : index
    %swap3A_703 = arith.constant 2816 : index
    %swap3A_704 = vector.load %arg6[%swap3A_702, %swap3A_703] : memref<1x4096xi32, #tpu.memory_space<vmem>>, vector<1x128xi32>
    tpu.vector_store %arg6[%swap3A_702, %swap3A_703], %convert_element_type3A_701 {strides = array<i32>} : memref<1x4096xi32, #tpu.memory_space<vmem>>, vector<1x128xi32>,
    %reduce_sum3A_705 = arith.constant dense<0.000000e+00> : vector<8xf32>
    %reduce_sum3A_706 = vector.multi_reduction <add>, %slice3A_687, %reduce_sum3A_705 [1] : vector<8x128xf32> to vector<8xf32>
    %broadcast_in_dim3A_707 = vector.shape_cast %reduce_sum3A_706 : vector<8xf32> to vector<8x1xf32>
    %add3A_708 = arith.addf %add3A_686, %broadcast_in_dim3A_707 : vector<8x1xf32>
    %slice3A_709 = vector.extract_strided_slice %concatenate3A {offsets = [0, 2944], sizes = [8, 128], strides = [1, 1]} : vector<8x4096xf32> to vector<8x128xf32>
    %dot_general3A_710 = arith.constant dense<0.000000e+00> : vector<8x128xf32>
    %dot_general3A_711 = tpu.matmul %slice3A_709, %select_n3A_201, %dot_general3A_710 {dimension_numbers = #tpu.dot_dimension_numbers<[1], [0], [0], [1], [0, 0, 1, 1], [], []>, transpose_lhs_hint = false} : vector<8x128xf32>, vector<128x128xf32>, vector<8x128xf32> -> vector<8x128xf32>
    %add3A_712 = vector.broadcast %add3A_708 : vector<8x1xf32> to vector<8x128xf32>
    %add3A_713 = arith.addf %dot_general3A_711, %add3A_712 : vector<8x128xf32>
    %sub3A_714 = arith.constant 1.000000e+00 : f32
    %sub3A_715 = vector.broadcast %sub3A_714 : f32 to vector<8x128xf32>
    %sub3A_716 = arith.subf %add3A_713, %sub3A_715 : vector<8x128xf32>
    %add3A_717 = vector.broadcast %dot_general3A_194 : vector<8x1xf32> to vector<8x128xf32>
    %add3A_718 = arith.addf %sub3A_716, %add3A_717 : vector<8x128xf32>
    %mul3A_719 = arith.mulf %add3A_718, %slice3A_709 : vector<8x128xf32>
    %reduce_sum3A_720 = arith.constant dense<0.000000e+00> : vector<128xf32>
    %reduce_sum3A_721 = vector.multi_reduction <add>, %mul3A_719, %reduce_sum3A_720 [0] : vector<8x128xf32> to vector<128xf32>
    %broadcast_in_dim3A_722 = vector.shape_cast %reduce_sum3A_721 : vector<128xf32> to vector<1x128xf32>
    %convert_element_type3A_723 = arith.fptosi %broadcast_in_dim3A_722 : vector<1x128xf32> to vector<1x128xi32>
    %swap3A_724 = arith.constant 0 : index
    %swap3A_725 = arith.constant 2944 : index
    %swap3A_726 = vector.load %arg6[%swap3A_724, %swap3A_725] : memref<1x4096xi32, #tpu.memory_space<vmem>>, vector<1x128xi32>
    tpu.vector_store %arg6[%swap3A_724, %swap3A_725], %convert_element_type3A_723 {strides = array<i32>} : memref<1x4096xi32, #tpu.memory_space<vmem>>, vector<1x128xi32>,
    %reduce_sum3A_727 = arith.constant dense<0.000000e+00> : vector<8xf32>
    %reduce_sum3A_728 = vector.multi_reduction <add>, %slice3A_709, %reduce_sum3A_727 [1] : vector<8x128xf32> to vector<8xf32>
    %broadcast_in_dim3A_729 = vector.shape_cast %reduce_sum3A_728 : vector<8xf32> to vector<8x1xf32>
    %add3A_730 = arith.addf %add3A_708, %broadcast_in_dim3A_729 : vector<8x1xf32>
    %slice3A_731 = vector.extract_strided_slice %concatenate3A {offsets = [0, 3072], sizes = [8, 128], strides = [1, 1]} : vector<8x4096xf32> to vector<8x128xf32>
    %dot_general3A_732 = arith.constant dense<0.000000e+00> : vector<8x128xf32>
    %dot_general3A_733 = tpu.matmul %slice3A_731, %select_n3A_201, %dot_general3A_732 {dimension_numbers = #tpu.dot_dimension_numbers<[1], [0], [0], [1], [0, 0, 1, 1], [], []>, transpose_lhs_hint = false} : vector<8x128xf32>, vector<128x128xf32>, vector<8x128xf32> -> vector<8x128xf32>
    %add3A_734 = vector.broadcast %add3A_730 : vector<8x1xf32> to vector<8x128xf32>
    %add3A_735 = arith.addf %dot_general3A_733, %add3A_734 : vector<8x128xf32>
    %sub3A_736 = arith.constant 1.000000e+00 : f32
    %sub3A_737 = vector.broadcast %sub3A_736 : f32 to vector<8x128xf32>
    %sub3A_738 = arith.subf %add3A_735, %sub3A_737 : vector<8x128xf32>
    %add3A_739 = vector.broadcast %dot_general3A_194 : vector<8x1xf32> to vector<8x128xf32>
    %add3A_740 = arith.addf %sub3A_738, %add3A_739 : vector<8x128xf32>
    %mul3A_741 = arith.mulf %add3A_740, %slice3A_731 : vector<8x128xf32>
    %reduce_sum3A_742 = arith.constant dense<0.000000e+00> : vector<128xf32>
    %reduce_sum3A_743 = vector.multi_reduction <add>, %mul3A_741, %reduce_sum3A_742 [0] : vector<8x128xf32> to vector<128xf32>
    %broadcast_in_dim3A_744 = vector.shape_cast %reduce_sum3A_743 : vector<128xf32> to vector<1x128xf32>
    %convert_element_type3A_745 = arith.fptosi %broadcast_in_dim3A_744 : vector<1x128xf32> to vector<1x128xi32>
    %swap3A_746 = arith.constant 0 : index
    %swap3A_747 = arith.constant 3072 : index
    %swap3A_748 = vector.load %arg6[%swap3A_746, %swap3A_747] : memref<1x4096xi32, #tpu.memory_space<vmem>>, vector<1x128xi32>
    tpu.vector_store %arg6[%swap3A_746, %swap3A_747], %convert_element_type3A_745 {strides = array<i32>} : memref<1x4096xi32, #tpu.memory_space<vmem>>, vector<1x128xi32>,
    %reduce_sum3A_749 = arith.constant dense<0.000000e+00> : vector<8xf32>
    %reduce_sum3A_750 = vector.multi_reduction <add>, %slice3A_731, %reduce_sum3A_749 [1] : vector<8x128xf32> to vector<8xf32>
    %broadcast_in_dim3A_751 = vector.shape_cast %reduce_sum3A_750 : vector<8xf32> to vector<8x1xf32>
    %add3A_752 = arith.addf %add3A_730, %broadcast_in_dim3A_751 : vector<8x1xf32>
    %slice3A_753 = vector.extract_strided_slice %concatenate3A {offsets = [0, 3200], sizes = [8, 128], strides = [1, 1]} : vector<8x4096xf32> to vector<8x128xf32>
    %dot_general3A_754 = arith.constant dense<0.000000e+00> : vector<8x128xf32>
    %dot_general3A_755 = tpu.matmul %slice3A_753, %select_n3A_201, %dot_general3A_754 {dimension_numbers = #tpu.dot_dimension_numbers<[1], [0], [0], [1], [0, 0, 1, 1], [], []>, transpose_lhs_hint = false} : vector<8x128xf32>, vector<128x128xf32>, vector<8x128xf32> -> vector<8x128xf32>
    %add3A_756 = vector.broadcast %add3A_752 : vector<8x1xf32> to vector<8x128xf32>
    %add3A_757 = arith.addf %dot_general3A_755, %add3A_756 : vector<8x128xf32>
    %sub3A_758 = arith.constant 1.000000e+00 : f32
    %sub3A_759 = vector.broadcast %sub3A_758 : f32 to vector<8x128xf32>
    %sub3A_760 = arith.subf %add3A_757, %sub3A_759 : vector<8x128xf32>
    %add3A_761 = vector.broadcast %dot_general3A_194 : vector<8x1xf32> to vector<8x128xf32>
    %add3A_762 = arith.addf %sub3A_760, %add3A_761 : vector<8x128xf32>
    %mul3A_763 = arith.mulf %add3A_762, %slice3A_753 : vector<8x128xf32>
    %reduce_sum3A_764 = arith.constant dense<0.000000e+00> : vector<128xf32>
    %reduce_sum3A_765 = vector.multi_reduction <add>, %mul3A_763, %reduce_sum3A_764 [0] : vector<8x128xf32> to vector<128xf32>
    %broadcast_in_dim3A_766 = vector.shape_cast %reduce_sum3A_765 : vector<128xf32> to vector<1x128xf32>
    %convert_element_type3A_767 = arith.fptosi %broadcast_in_dim3A_766 : vector<1x128xf32> to vector<1x128xi32>
    %swap3A_768 = arith.constant 0 : index
    %swap3A_769 = arith.constant 3200 : index
    %swap3A_770 = vector.load %arg6[%swap3A_768, %swap3A_769] : memref<1x4096xi32, #tpu.memory_space<vmem>>, vector<1x128xi32>
    tpu.vector_store %arg6[%swap3A_768, %swap3A_769], %convert_element_type3A_767 {strides = array<i32>} : memref<1x4096xi32, #tpu.memory_space<vmem>>, vector<1x128xi32>,
    %reduce_sum3A_771 = arith.constant dense<0.000000e+00> : vector<8xf32>
    %reduce_sum3A_772 = vector.multi_reduction <add>, %slice3A_753, %reduce_sum3A_771 [1] : vector<8x128xf32> to vector<8xf32>
    %broadcast_in_dim3A_773 = vector.shape_cast %reduce_sum3A_772 : vector<8xf32> to vector<8x1xf32>
    %add3A_774 = arith.addf %add3A_752, %broadcast_in_dim3A_773 : vector<8x1xf32>
    %slice3A_775 = vector.extract_strided_slice %concatenate3A {offsets = [0, 3328], sizes = [8, 128], strides = [1, 1]} : vector<8x4096xf32> to vector<8x128xf32>
    %dot_general3A_776 = arith.constant dense<0.000000e+00> : vector<8x128xf32>
    %dot_general3A_777 = tpu.matmul %slice3A_775, %select_n3A_201, %dot_general3A_776 {dimension_numbers = #tpu.dot_dimension_numbers<[1], [0], [0], [1], [0, 0, 1, 1], [], []>, transpose_lhs_hint = false} : vector<8x128xf32>, vector<128x128xf32>, vector<8x128xf32> -> vector<8x128xf32>
    %add3A_778 = vector.broadcast %add3A_774 : vector<8x1xf32> to vector<8x128xf32>
    %add3A_779 = arith.addf %dot_general3A_777, %add3A_778 : vector<8x128xf32>
    %sub3A_780 = arith.constant 1.000000e+00 : f32
    %sub3A_781 = vector.broadcast %sub3A_780 : f32 to vector<8x128xf32>
    %sub3A_782 = arith.subf %add3A_779, %sub3A_781 : vector<8x128xf32>
    %add3A_783 = vector.broadcast %dot_general3A_194 : vector<8x1xf32> to vector<8x128xf32>
    %add3A_784 = arith.addf %sub3A_782, %add3A_783 : vector<8x128xf32>
    %mul3A_785 = arith.mulf %add3A_784, %slice3A_775 : vector<8x128xf32>
    %reduce_sum3A_786 = arith.constant dense<0.000000e+00> : vector<128xf32>
    %reduce_sum3A_787 = vector.multi_reduction <add>, %mul3A_785, %reduce_sum3A_786 [0] : vector<8x128xf32> to vector<128xf32>
    %broadcast_in_dim3A_788 = vector.shape_cast %reduce_sum3A_787 : vector<128xf32> to vector<1x128xf32>
    %convert_element_type3A_789 = arith.fptosi %broadcast_in_dim3A_788 : vector<1x128xf32> to vector<1x128xi32>
    %swap3A_790 = arith.constant 0 : index
    %swap3A_791 = arith.constant 3328 : index
    %swap3A_792 = vector.load %arg6[%swap3A_790, %swap3A_791] : memref<1x4096xi32, #tpu.memory_space<vmem>>, vector<1x128xi32>
    tpu.vector_store %arg6[%swap3A_790, %swap3A_791], %convert_element_type3A_789 {strides = array<i32>} : memref<1x4096xi32, #tpu.memory_space<vmem>>, vector<1x128xi32>,
    %reduce_sum3A_793 = arith.constant dense<0.000000e+00> : vector<8xf32>
    %reduce_sum3A_794 = vector.multi_reduction <add>, %slice3A_775, %reduce_sum3A_793 [1] : vector<8x128xf32> to vector<8xf32>
    %broadcast_in_dim3A_795 = vector.shape_cast %reduce_sum3A_794 : vector<8xf32> to vector<8x1xf32>
    %add3A_796 = arith.addf %add3A_774, %broadcast_in_dim3A_795 : vector<8x1xf32>
    %slice3A_797 = vector.extract_strided_slice %concatenate3A {offsets = [0, 3456], sizes = [8, 128], strides = [1, 1]} : vector<8x4096xf32> to vector<8x128xf32>
    %dot_general3A_798 = arith.constant dense<0.000000e+00> : vector<8x128xf32>
    %dot_general3A_799 = tpu.matmul %slice3A_797, %select_n3A_201, %dot_general3A_798 {dimension_numbers = #tpu.dot_dimension_numbers<[1], [0], [0], [1], [0, 0, 1, 1], [], []>, transpose_lhs_hint = false} : vector<8x128xf32>, vector<128x128xf32>, vector<8x128xf32> -> vector<8x128xf32>
    %add3A_800 = vector.broadcast %add3A_796 : vector<8x1xf32> to vector<8x128xf32>
    %add3A_801 = arith.addf %dot_general3A_799, %add3A_800 : vector<8x128xf32>
    %sub3A_802 = arith.constant 1.000000e+00 : f32
    %sub3A_803 = vector.broadcast %sub3A_802 : f32 to vector<8x128xf32>
    %sub3A_804 = arith.subf %add3A_801, %sub3A_803 : vector<8x128xf32>
    %add3A_805 = vector.broadcast %dot_general3A_194 : vector<8x1xf32> to vector<8x128xf32>
    %add3A_806 = arith.addf %sub3A_804, %add3A_805 : vector<8x128xf32>
    %mul3A_807 = arith.mulf %add3A_806, %slice3A_797 : vector<8x128xf32>
    %reduce_sum3A_808 = arith.constant dense<0.000000e+00> : vector<128xf32>
    %reduce_sum3A_809 = vector.multi_reduction <add>, %mul3A_807, %reduce_sum3A_808 [0] : vector<8x128xf32> to vector<128xf32>
    %broadcast_in_dim3A_810 = vector.shape_cast %reduce_sum3A_809 : vector<128xf32> to vector<1x128xf32>
    %convert_element_type3A_811 = arith.fptosi %broadcast_in_dim3A_810 : vector<1x128xf32> to vector<1x128xi32>
    %swap3A_812 = arith.constant 0 : index
    %swap3A_813 = arith.constant 3456 : index
    %swap3A_814 = vector.load %arg6[%swap3A_812, %swap3A_813] : memref<1x4096xi32, #tpu.memory_space<vmem>>, vector<1x128xi32>
    tpu.vector_store %arg6[%swap3A_812, %swap3A_813], %convert_element_type3A_811 {strides = array<i32>} : memref<1x4096xi32, #tpu.memory_space<vmem>>, vector<1x128xi32>,
    %reduce_sum3A_815 = arith.constant dense<0.000000e+00> : vector<8xf32>
    %reduce_sum3A_816 = vector.multi_reduction <add>, %slice3A_797, %reduce_sum3A_815 [1] : vector<8x128xf32> to vector<8xf32>
    %broadcast_in_dim3A_817 = vector.shape_cast %reduce_sum3A_816 : vector<8xf32> to vector<8x1xf32>
    %add3A_818 = arith.addf %add3A_796, %broadcast_in_dim3A_817 : vector<8x1xf32>
    %slice3A_819 = vector.extract_strided_slice %concatenate3A {offsets = [0, 3584], sizes = [8, 128], strides = [1, 1]} : vector<8x4096xf32> to vector<8x128xf32>
    %dot_general3A_820 = arith.constant dense<0.000000e+00> : vector<8x128xf32>
    %dot_general3A_821 = tpu.matmul %slice3A_819, %select_n3A_201, %dot_general3A_820 {dimension_numbers = #tpu.dot_dimension_numbers<[1], [0], [0], [1], [0, 0, 1, 1], [], []>, transpose_lhs_hint = false} : vector<8x128xf32>, vector<128x128xf32>, vector<8x128xf32> -> vector<8x128xf32>
    %add3A_822 = vector.broadcast %add3A_818 : vector<8x1xf32> to vector<8x128xf32>
    %add3A_823 = arith.addf %dot_general3A_821, %add3A_822 : vector<8x128xf32>
    %sub3A_824 = arith.constant 1.000000e+00 : f32
    %sub3A_825 = vector.broadcast %sub3A_824 : f32 to vector<8x128xf32>
    %sub3A_826 = arith.subf %add3A_823, %sub3A_825 : vector<8x128xf32>
    %add3A_827 = vector.broadcast %dot_general3A_194 : vector<8x1xf32> to vector<8x128xf32>
    %add3A_828 = arith.addf %sub3A_826, %add3A_827 : vector<8x128xf32>
    %mul3A_829 = arith.mulf %add3A_828, %slice3A_819 : vector<8x128xf32>
    %reduce_sum3A_830 = arith.constant dense<0.000000e+00> : vector<128xf32>
    %reduce_sum3A_831 = vector.multi_reduction <add>, %mul3A_829, %reduce_sum3A_830 [0] : vector<8x128xf32> to vector<128xf32>
    %broadcast_in_dim3A_832 = vector.shape_cast %reduce_sum3A_831 : vector<128xf32> to vector<1x128xf32>
    %convert_element_type3A_833 = arith.fptosi %broadcast_in_dim3A_832 : vector<1x128xf32> to vector<1x128xi32>
    %swap3A_834 = arith.constant 0 : index
    %swap3A_835 = arith.constant 3584 : index
    %swap3A_836 = vector.load %arg6[%swap3A_834, %swap3A_835] : memref<1x4096xi32, #tpu.memory_space<vmem>>, vector<1x128xi32>
    tpu.vector_store %arg6[%swap3A_834, %swap3A_835], %convert_element_type3A_833 {strides = array<i32>} : memref<1x4096xi32, #tpu.memory_space<vmem>>, vector<1x128xi32>,
    %reduce_sum3A_837 = arith.constant dense<0.000000e+00> : vector<8xf32>
    %reduce_sum3A_838 = vector.multi_reduction <add>, %slice3A_819, %reduce_sum3A_837 [1] : vector<8x128xf32> to vector<8xf32>
    %broadcast_in_dim3A_839 = vector.shape_cast %reduce_sum3A_838 : vector<8xf32> to vector<8x1xf32>
    %add3A_840 = arith.addf %add3A_818, %broadcast_in_dim3A_839 : vector<8x1xf32>
    %slice3A_841 = vector.extract_strided_slice %concatenate3A {offsets = [0, 3712], sizes = [8, 128], strides = [1, 1]} : vector<8x4096xf32> to vector<8x128xf32>
    %dot_general3A_842 = arith.constant dense<0.000000e+00> : vector<8x128xf32>
    %dot_general3A_843 = tpu.matmul %slice3A_841, %select_n3A_201, %dot_general3A_842 {dimension_numbers = #tpu.dot_dimension_numbers<[1], [0], [0], [1], [0, 0, 1, 1], [], []>, transpose_lhs_hint = false} : vector<8x128xf32>, vector<128x128xf32>, vector<8x128xf32> -> vector<8x128xf32>
    %add3A_844 = vector.broadcast %add3A_840 : vector<8x1xf32> to vector<8x128xf32>
    %add3A_845 = arith.addf %dot_general3A_843, %add3A_844 : vector<8x128xf32>
    %sub3A_846 = arith.constant 1.000000e+00 : f32
    %sub3A_847 = vector.broadcast %sub3A_846 : f32 to vector<8x128xf32>
    %sub3A_848 = arith.subf %add3A_845, %sub3A_847 : vector<8x128xf32>
    %add3A_849 = vector.broadcast %dot_general3A_194 : vector<8x1xf32> to vector<8x128xf32>
    %add3A_850 = arith.addf %sub3A_848, %add3A_849 : vector<8x128xf32>
    %mul3A_851 = arith.mulf %add3A_850, %slice3A_841 : vector<8x128xf32>
    %reduce_sum3A_852 = arith.constant dense<0.000000e+00> : vector<128xf32>
    %reduce_sum3A_853 = vector.multi_reduction <add>, %mul3A_851, %reduce_sum3A_852 [0] : vector<8x128xf32> to vector<128xf32>
    %broadcast_in_dim3A_854 = vector.shape_cast %reduce_sum3A_853 : vector<128xf32> to vector<1x128xf32>
    %convert_element_type3A_855 = arith.fptosi %broadcast_in_dim3A_854 : vector<1x128xf32> to vector<1x128xi32>
    %swap3A_856 = arith.constant 0 : index
    %swap3A_857 = arith.constant 3712 : index
    %swap3A_858 = vector.load %arg6[%swap3A_856, %swap3A_857] : memref<1x4096xi32, #tpu.memory_space<vmem>>, vector<1x128xi32>
    tpu.vector_store %arg6[%swap3A_856, %swap3A_857], %convert_element_type3A_855 {strides = array<i32>} : memref<1x4096xi32, #tpu.memory_space<vmem>>, vector<1x128xi32>,
    %reduce_sum3A_859 = arith.constant dense<0.000000e+00> : vector<8xf32>
    %reduce_sum3A_860 = vector.multi_reduction <add>, %slice3A_841, %reduce_sum3A_859 [1] : vector<8x128xf32> to vector<8xf32>
    %broadcast_in_dim3A_861 = vector.shape_cast %reduce_sum3A_860 : vector<8xf32> to vector<8x1xf32>
    %add3A_862 = arith.addf %add3A_840, %broadcast_in_dim3A_861 : vector<8x1xf32>
    %slice3A_863 = vector.extract_strided_slice %concatenate3A {offsets = [0, 3840], sizes = [8, 128], strides = [1, 1]} : vector<8x4096xf32> to vector<8x128xf32>
    %dot_general3A_864 = arith.constant dense<0.000000e+00> : vector<8x128xf32>
    %dot_general3A_865 = tpu.matmul %slice3A_863, %select_n3A_201, %dot_general3A_864 {dimension_numbers = #tpu.dot_dimension_numbers<[1], [0], [0], [1], [0, 0, 1, 1], [], []>, transpose_lhs_hint = false} : vector<8x128xf32>, vector<128x128xf32>, vector<8x128xf32> -> vector<8x128xf32>
    %add3A_866 = vector.broadcast %add3A_862 : vector<8x1xf32> to vector<8x128xf32>
    %add3A_867 = arith.addf %dot_general3A_865, %add3A_866 : vector<8x128xf32>
    %sub3A_868 = arith.constant 1.000000e+00 : f32
    %sub3A_869 = vector.broadcast %sub3A_868 : f32 to vector<8x128xf32>
    %sub3A_870 = arith.subf %add3A_867, %sub3A_869 : vector<8x128xf32>
    %add3A_871 = vector.broadcast %dot_general3A_194 : vector<8x1xf32> to vector<8x128xf32>
    %add3A_872 = arith.addf %sub3A_870, %add3A_871 : vector<8x128xf32>
    %mul3A_873 = arith.mulf %add3A_872, %slice3A_863 : vector<8x128xf32>
    %reduce_sum3A_874 = arith.constant dense<0.000000e+00> : vector<128xf32>
    %reduce_sum3A_875 = vector.multi_reduction <add>, %mul3A_873, %reduce_sum3A_874 [0] : vector<8x128xf32> to vector<128xf32>
    %broadcast_in_dim3A_876 = vector.shape_cast %reduce_sum3A_875 : vector<128xf32> to vector<1x128xf32>
    %convert_element_type3A_877 = arith.fptosi %broadcast_in_dim3A_876 : vector<1x128xf32> to vector<1x128xi32>
    %swap3A_878 = arith.constant 0 : index
    %swap3A_879 = arith.constant 3840 : index
    %swap3A_880 = vector.load %arg6[%swap3A_878, %swap3A_879] : memref<1x4096xi32, #tpu.memory_space<vmem>>, vector<1x128xi32>
    tpu.vector_store %arg6[%swap3A_878, %swap3A_879], %convert_element_type3A_877 {strides = array<i32>} : memref<1x4096xi32, #tpu.memory_space<vmem>>, vector<1x128xi32>,
    %reduce_sum3A_881 = arith.constant dense<0.000000e+00> : vector<8xf32>
    %reduce_sum3A_882 = vector.multi_reduction <add>, %slice3A_863, %reduce_sum3A_881 [1] : vector<8x128xf32> to vector<8xf32>
    %broadcast_in_dim3A_883 = vector.shape_cast %reduce_sum3A_882 : vector<8xf32> to vector<8x1xf32>
    %add3A_884 = arith.addf %add3A_862, %broadcast_in_dim3A_883 : vector<8x1xf32>
    %slice3A_885 = vector.extract_strided_slice %concatenate3A {offsets = [0, 3968], sizes = [8, 128], strides = [1, 1]} : vector<8x4096xf32> to vector<8x128xf32>
    %dot_general3A_886 = arith.constant dense<0.000000e+00> : vector<8x128xf32>
    %dot_general3A_887 = tpu.matmul %slice3A_885, %select_n3A_201, %dot_general3A_886 {dimension_numbers = #tpu.dot_dimension_numbers<[1], [0], [0], [1], [0, 0, 1, 1], [], []>, transpose_lhs_hint = false} : vector<8x128xf32>, vector<128x128xf32>, vector<8x128xf32> -> vector<8x128xf32>
    %add3A_888 = vector.broadcast %add3A_884 : vector<8x1xf32> to vector<8x128xf32>
    %add3A_889 = arith.addf %dot_general3A_887, %add3A_888 : vector<8x128xf32>
    %sub3A_890 = arith.constant 1.000000e+00 : f32
    %sub3A_891 = vector.broadcast %sub3A_890 : f32 to vector<8x128xf32>
    %sub3A_892 = arith.subf %add3A_889, %sub3A_891 : vector<8x128xf32>
    %add3A_893 = vector.broadcast %dot_general3A_194 : vector<8x1xf32> to vector<8x128xf32>
    %add3A_894 = arith.addf %sub3A_892, %add3A_893 : vector<8x128xf32>
    %mul3A_895 = arith.mulf %add3A_894, %slice3A_885 : vector<8x128xf32>
    %reduce_sum3A_896 = arith.constant dense<0.000000e+00> : vector<128xf32>
    %reduce_sum3A_897 = vector.multi_reduction <add>, %mul3A_895, %reduce_sum3A_896 [0] : vector<8x128xf32> to vector<128xf32>
    %broadcast_in_dim3A_898 = vector.shape_cast %reduce_sum3A_897 : vector<128xf32> to vector<1x128xf32>
    %convert_element_type3A_899 = arith.fptosi %broadcast_in_dim3A_898 : vector<1x128xf32> to vector<1x128xi32>
    %swap3A_900 = arith.constant 0 : index
    %swap3A_901 = arith.constant 3968 : index
    %swap3A_902 = vector.load %arg6[%swap3A_900, %swap3A_901] : memref<1x4096xi32, #tpu.memory_space<vmem>>, vector<1x128xi32>
    tpu.vector_store %arg6[%swap3A_900, %swap3A_901], %convert_element_type3A_899 {strides = array<i32>} : memref<1x4096xi32, #tpu.memory_space<vmem>>, vector<1x128xi32>,
    %add3A_903 = arith.addf %dot_general3A_194, %mul3A_185 : vector<8x1xf32>
    %iota3A_904 = tpu.iota {dimensions = array<i32: 1>} : vector<8x48xi32>
    %convert_element_type3A_905 = arith.sitofp %iota3A_904 : vector<8x48xi32> to vector<8x48xf32>
    %mul3A_906 = arith.constant 1.280000e+02 : f32
    %mul3A_907 = vector.broadcast %mul3A_906 : f32 to vector<8x48xf32>
    %mul3A_908 = arith.mulf %convert_element_type3A_905, %mul3A_907 : vector<8x48xf32>
    %ge3A = vector.broadcast %add3A_903 : vector<8x1xf32> to vector<8x48xf32>
    %ge3A_909 = arith.cmpf oge, %mul3A_908, %ge3A : vector<8x48xf32>
    %jit3A_910 = arith.constant 1.000000e+00 : f32
    %jit3A_911 = arith.constant 0.000000e+00 : f32
    %broadcast_in_dim3A_912 = vector.broadcast %jit3A_910 : f32 to vector<8x48xf32>
    %broadcast_in_dim3A_913 = vector.broadcast %jit3A_911 : f32 to vector<8x48xf32>
    %select_n3A_914 = arith.select %ge3A_909, %broadcast_in_dim3A_912, %broadcast_in_dim3A_913 : vector<8x48xi1>, vector<8x48xf32>
    %reduce_sum3A_915 = arith.constant dense<0.000000e+00> : vector<48xf32>
    %reduce_sum3A_916 = vector.multi_reduction <add>, %select_n3A_914, %reduce_sum3A_915 [0] : vector<8x48xf32> to vector<48xf32>
    %broadcast_in_dim3A_917 = vector.shape_cast %reduce_sum3A_916 : vector<48xf32> to vector<1x48xf32>
    %min3A = arith.constant 7.000000e+00 : f32
    %min3A_918 = vector.broadcast %min3A : f32 to vector<1x48xf32>
    %min3A_919 = arith.minimumf %broadcast_in_dim3A_917, %min3A_918 : vector<1x48xf32>
    %convert_element_type3A_920 = arith.fptosi %min3A_919 : vector<1x48xf32> to vector<1x48xi32>
    %swap3A_921 = arith.constant 0 : index
    %swap3A_922 = arith.constant 0 : index
    %swap3A_923 = vector.load %arg7[%swap3A_921, %swap3A_922] : memref<1x48xi32, #tpu.memory_space<vmem>>, vector<1x48xi32>
    tpu.vector_store %arg7[%swap3A_921, %swap3A_922], %convert_element_type3A_920 {strides = array<i32>} : memref<1x48xi32, #tpu.memory_space<vmem>>, vector<1x48xi32>,
    return
  }
  func.func @transform_0(%arg0: i32) -> (i32, i32) {
    %c0_i32 = arith.constant 0 : i32
    %c0_i32_0 = arith.constant 0 : i32
    %c0_i32_1 = arith.constant 0 : i32
    return %c0_i32, %c0_i32_0 : i32, i32
  }
  func.func @transform_1(%arg0: i32) -> (i32, i32) {
    %c0_i32 = arith.constant 0 : i32
    %c0_i32_0 = arith.constant 0 : i32
    %c0_i32_1 = arith.constant 0 : i32
    return %c0_i32, %c0_i32_0 : i32, i32
  }
  func.func @transform_2(%arg0: i32) -> (i32, i32) {
    %c0_i32 = arith.constant 0 : i32
    %c0_i32_0 = arith.constant 0 : i32
    %c0_i32_1 = arith.constant 0 : i32
    return %c0_i32, %c0_i32_0 : i32, i32
  }
  func.func @transform_3(%arg0: i32) -> (i32, i32) {
    %c0_i32 = arith.constant 0 : i32
    %c0_i32_0 = arith.constant 0 : i32
    %c0_i32_1 = arith.constant 0 : i32
    return %c0_i32, %c0_i32_0 : i32, i32
  }
  func.func @transform_4(%arg0: i32) -> (i32, i32) {
    %c0_i32 = arith.constant 0 : i32
    %c0_i32_0 = arith.constant 0 : i32
    %c0_i32_1 = arith.constant 0 : i32
    return %c0_i32, %c0_i32_0 : i32, i32
  }
  func.func @transform_5(%arg0: i32) -> (i32, i32) {
    %c0_i32 = arith.constant 0 : i32
    %c0_i32_0 = arith.constant 0 : i32
    %c0_i32_1 = arith.constant 0 : i32
    return %c0_i32, %c0_i32_0 : i32, i32
  }
  func.func @transform_6(%arg0: i32) -> (i32, i32) {
    %c0_i32 = arith.constant 0 : i32
    %c0_i32_0 = arith.constant 0 : i32
    %c0_i32_1 = arith.constant 0 : i32
    return %c0_i32, %c0_i32_0 : i32, i32
  }
}

module attributes {stable_mosaic.version = 14 : i64} {
  func.func @_gmm_body(%arg0: i32, %arg1: memref<40xi32, #tpu.memory_space<smem>>, %arg2: memref<128x1024xf32, #tpu.memory_space<vmem>>, %arg3: memref<1x1024x512xbf16, #tpu.memory_space<vmem>>, %arg4: memref<1x512x1024xbf16, #tpu.memory_space<vmem>>, %arg5: memref<128x1xf32, #tpu.memory_space<vmem>>, %arg6: memref<128x1024xf32, #tpu.memory_space<vmem>>) attributes {dimension_semantics = [#tpu.dimension_semantics<arbitrary>], iteration_bounds = array<i64: 40>, scalar_prefetch = 1 : i64, scratch_operands = 0 : i64, tpu.core_type = #tpu.core_type<tc>, window_params = [{transform_indices = @transform_0, window_bounds = array<i64: 128, 1024>}, {transform_indices = @transform_1, window_bounds = array<i64: 1, 1024, 512>}, {transform_indices = @transform_2, window_bounds = array<i64: 1, 512, 1024>}, {transform_indices = @transform_3, window_bounds = array<i64: 128, 1>}, {transform_indices = @transform_4, window_bounds = array<i64: 128, 1024>}]} {
    %get3A = arith.constant 0 : index
    %get3A_0 = arith.constant 0 : index
    %get3A_1 = vector.load %arg2[%get3A, %get3A_0] : memref<128x1024xf32, #tpu.memory_space<vmem>>, vector<128x1024xf32>
    %convert_element_type3A = arith.truncf %get3A_1 : vector<128x1024xf32> to vector<128x1024xbf16>
    %get3A_2 = arith.constant 0 : index
    %get3A_3 = arith.constant 0 : index
    %get3A_4 = arith.constant 0 : index
    %get3A_5 = vector.load %arg3[%get3A_2, %get3A_3, %get3A_4] : memref<1x1024x512xbf16, #tpu.memory_space<vmem>>, vector<1x1024x512xbf16>
    %get3A_6 = vector.shape_cast %get3A_5 : vector<1x1024x512xbf16> to vector<1024x512xbf16>
    %dot_general3A = arith.constant dense<0.000000e+00> : vector<128x512xf32>
    %dot_general3A_7 = tpu.matmul %convert_element_type3A, %get3A_6, %dot_general3A {dimension_numbers = #tpu.dot_dimension_numbers<[1], [0], [0], [1], [0, 0, 1, 1], [], []>, transpose_lhs_hint = false} : vector<128x1024xbf16>, vector<1024x512xbf16>, vector<128x512xf32> -> vector<128x512xf32>
    %max3A = arith.constant 0.000000e+00 : f32
    %max3A_8 = vector.broadcast %max3A : f32 to vector<128x512xf32>
    %max3A_9 = arith.maximumf %dot_general3A_7, %max3A_8 : vector<128x512xf32>
    %convert_element_type3A_10 = arith.truncf %max3A_9 : vector<128x512xf32> to vector<128x512xbf16>
    %get3A_11 = arith.constant 0 : index
    %get3A_12 = arith.constant 0 : index
    %get3A_13 = arith.constant 0 : index
    %get3A_14 = vector.load %arg4[%get3A_11, %get3A_12, %get3A_13] : memref<1x512x1024xbf16, #tpu.memory_space<vmem>>, vector<1x512x1024xbf16>
    %get3A_15 = vector.shape_cast %get3A_14 : vector<1x512x1024xbf16> to vector<512x1024xbf16>
    %dot_general3A_16 = arith.constant dense<0.000000e+00> : vector<128x1024xf32>
    %dot_general3A_17 = tpu.matmul %convert_element_type3A_10, %get3A_15, %dot_general3A_16 {dimension_numbers = #tpu.dot_dimension_numbers<[1], [0], [0], [1], [0, 0, 1, 1], [], []>, transpose_lhs_hint = false} : vector<128x512xbf16>, vector<512x1024xbf16>, vector<128x1024xf32> -> vector<128x1024xf32>
    %get3A_18 = arith.constant 0 : index
    %get3A_19 = arith.constant 0 : index
    %get3A_20 = vector.load %arg5[%get3A_18, %get3A_19] : memref<128x1xf32, #tpu.memory_space<vmem>>, vector<128x1xf32>
    %mul3A = vector.broadcast %get3A_20 : vector<128x1xf32> to vector<128x1024xf32>
    %mul3A_21 = arith.mulf %dot_general3A_17, %mul3A : vector<128x1024xf32>
    %swap3A = arith.constant 0 : index
    %swap3A_22 = arith.constant 0 : index
    %swap3A_23 = vector.load %arg6[%swap3A, %swap3A_22] : memref<128x1024xf32, #tpu.memory_space<vmem>>, vector<128x1024xf32>
    tpu.vector_store %arg6[%swap3A, %swap3A_22], %mul3A_21 {strides = array<i32>} : memref<128x1024xf32, #tpu.memory_space<vmem>>, vector<128x1024xf32>,
    return
  }
  func.func @transform_0(%arg0: i32, %arg1: memref<40xi32, #tpu.memory_space<smem>>) -> (i32, i32) {
    %c0_i32 = arith.constant 0 : i32
    %c0_i32_0 = arith.constant 0 : i32
    return %arg0, %c0_i32 : i32, i32
  }
  func.func @transform_1(%arg0: i32, %arg1: memref<40xi32, #tpu.memory_space<smem>>) -> (i32, i32, i32) {
    %get3A = arith.index_cast %arg0 : i32 to index
    %get3A_0 = memref.load %arg1[%get3A] : memref<40xi32, #tpu.memory_space<smem>>
    %c0_i32 = arith.constant 0 : i32
    %c0_i32_1 = arith.constant 0 : i32
    %c0_i32_2 = arith.constant 0 : i32
    return %get3A_0, %c0_i32, %c0_i32_1 : i32, i32, i32
  }
  func.func @transform_2(%arg0: i32, %arg1: memref<40xi32, #tpu.memory_space<smem>>) -> (i32, i32, i32) {
    %get3A = arith.index_cast %arg0 : i32 to index
    %get3A_0 = memref.load %arg1[%get3A] : memref<40xi32, #tpu.memory_space<smem>>
    %c0_i32 = arith.constant 0 : i32
    %c0_i32_1 = arith.constant 0 : i32
    %c0_i32_2 = arith.constant 0 : i32
    return %get3A_0, %c0_i32, %c0_i32_1 : i32, i32, i32
  }
  func.func @transform_3(%arg0: i32, %arg1: memref<40xi32, #tpu.memory_space<smem>>) -> (i32, i32) {
    %c0_i32 = arith.constant 0 : i32
    %c0_i32_0 = arith.constant 0 : i32
    return %arg0, %c0_i32 : i32, i32
  }
  func.func @transform_4(%arg0: i32, %arg1: memref<40xi32, #tpu.memory_space<smem>>) -> (i32, i32) {
    %c0_i32 = arith.constant 0 : i32
    %c0_i32_0 = arith.constant 0 : i32
    return %arg0, %c0_i32 : i32, i32
  }
}

</mosaic_0001>

<sc_bundles>
// kernel: _moe_sparse.10.cloned.1.call-start
scs
__scs_entry_jumppad:
0x0: {  	(pc) =	sbr.rel $0x88, $3  }
0x1: {  	(tag) =	ssettag $0x0;
	lr =	simm.s32 $0x1  }
0x2: {  	[smem:$0x3F9D] =	sst lr;
	_ =	strace $0xD0000000  }
0x3: {  	_ = 	snop  }
0x4: {  	_ = 	snop  }
0x5: {  	_ = 	snop  }
0x6: {  	_ = 	snop  }
0x7: {  	_ = 	snop  }
__scs_overlays_trampoline_lowered:
0x8: {  	[smem:$0x3FAC] =	sst s0  }
0x9: {  	[smem:$0x3FAD] =	sst s1  }
0xa: {  	[smem:$0x3FAE] =	sst s2  }
0xb: {  	[smem:$0x3FAF] =	sst s3  }
0xc: {  	[smem:$0x3FB0] =	sst s4  }
0xd: {  	[smem:$0x3FB1] =	sst s5  }
0xe: {  	[smem:$0x3FB2] =	sst s6  }
0xf: {  	[smem:$0x3FB3] =	sst s7  }
0x10: {  	[smem:$0x3FB4] =	sst s8  }
0x11: {  	[smem:$0x3FB5] =	sst s9;
	s0 =	simm.s32 @!p0 $0x0  }
0x12: {  	s1 =	sld [smem:$0x3F9B];
	s0 =	simm.s32 @p0 $0x1  }
0x13: {  	[smem:$0x3FB6] =	sst s0;
	s0 =	simm.s32 @!p1 $0x0  }
0x14: {  	s2 =	sld [smem:$0x3F9A];
	s0 =	simm.s32 @p1 $0x1  }
0x15: {  	[smem:$0x3FB7] =	sst s0;
	s0 =	simm.s32 @!p2 $0x0  }
0x16: {  	s3 =	sld [smem:$0x3FDB];
	s0 =	simm.s32 @p2 $0x1  }
0x17: {  	s4 =	simm.s32 $0x1BF5;
	[smem:$0x3FB9] =	sst s0  }
0x18: {  	s0 =	sld [smem:$0x3F9C];
	_ =	swait.ge [sflag:s4], $0x0  }
0x19: {  	s7 =	sld [smem:$0x3F9D]  }
0x1a: {  	s8 =	sadd.s32 $0xFFFFE003, lr  }
0x1b: {  	s9 =	sadd.s32 $0xFFFFFEF7, lr;
	s5 =	simm.s32 $0xFFFFFFFF;
	p2 =	slt.u32 s8, $0xFFFFF086  }
0x1c: {  	p1 =	slt.u32 s9, $0xF7A;
	s5 =	simm.s32 @!p2 $0x0  }
0x1d: {  	s5 =	simm.s32 @p1 $0x1;
	p0 =	seq.s32 s7, s2  }
0x1e: {  	s7 =	smul.u32 @!p0 $0xF7A, s2;
	p2 =	seq.s32 @!p0 s5, $0x0  }
0x1f: {  	s9 =	smul.u32 $0xF7A, s1;
	s8 =	simm.s32 @!p0 $0x1BF5;
	p2 =	por !p2, p0  }
0x20: {  	[sflag:s8] =	ssyncset.s32 @!p0 $0xFFFFF086;
	s6 =	sadd.s32 @!p0 s3, s7;
	s7 =	simm.s32 @!p0 $0x108  }
0x21: {  	s3 =	sadd.s32 s3, s9;
	s6 =	sadd.s32 @!p0 $0x88, s6;
	s7 =	simm.s32 @p2 $0x1082  }
0x22: {  	[simem:s7], [sflag:s8] =	dma.local @!p0 [hbm:s6], $0xF7A  }
0x23: {  	s9 =	sor.u32 $0xD0000000, s2;
	s6 =	simm.s32 $0x108;
	_ =	swait.ge @!p0 [sflag:s8], $0x0  }
0x24: {  	s3 =	sadd.s32 $0x88, s3;
	s6 =	simm.s32 @!p1 $0x1082;
	[sflag:s4] =	ssyncset.s32 $0xFFFFF086  }
0x25: {  	[simem:s6], [sflag:s4] =	dma.local [hbm:s3], $0xF7A  }
0x26: {  	[smem:$0x3F9D] =	sst s1;
	(tag) =	ssettag s2;
	_ =	strace s9  }
0x27: {  	s1 =	sld [smem:$0x3FAD]  }
0x28: {  	s2 =	sld [smem:$0x3FAE]  }
0x29: {  	s4 =	sld [smem:$0x3FB0]  }
0x2a: {  	p0 =	seq.s32 s5, $0x0;
	s5 =	sld [smem:$0x3FB1]  }
0x2b: {  	s6 =	sld [smem:$0x3FB2]  }
0x2c: {  	s7 =	sld [smem:$0x3FB3]  }
0x2d: {  	s3 =	simm.s32 $0x108;
	s8 =	sld [smem:$0x3FB4]  }
0x2e: {  	s3 =	simm.s32 @!p0 $0x1082;
	s9 =	sld [smem:$0x3FB5]  }
0x2f: {  	lr =	sadd.s32 s0, s3;
	s0 =	sld [smem:$0x3FAC]  }
0x30: {  	s3 =	sld [smem:$0x3FAF]  }
0x31: {  	[smem:$0x3FB8] =	sst s10  }
0x32: {  	s10 =	sld [smem:$0x3FB6];
	_ =	sdelay $0x3  }
0x33: {  	p0 =	seq.s32 s10, $0x1;
	s10 =	sld [smem:$0x3FB8];
	_ =	sdelay $0x3  }
0x34: {  	[smem:$0x3FB8] =	sst s10  }
0x35: {  	s10 =	sld [smem:$0x3FB7];
	_ =	sdelay $0x3  }
0x36: {  	p1 =	seq.s32 s10, $0x1;
	s10 =	sld [smem:$0x3FB8];
	_ =	sdelay $0x3  }
0x37: {  	[smem:$0x3FB8] =	sst s10  }
0x38: {  	s10 =	sld [smem:$0x3FB9]  }
0x39: {  	_ = 	snop;
	(pc) =	sbr.ind lr, $3  }
0x3a: {  	_ = 	snop  }
0x3b: {  	_ = 	snop  }
0x3c: {  	p2 =	seq.s32 s10, $0x1;
	s10 =	sld [smem:$0x3FB8]  }
0x3d: {  	_ =	shalt  }
0x3e: {  	_ =	shalt  }
0x3f: {  	_ =	shalt  }
0x40: {  	_ =	shalt  }
0x41: {  	_ =	shalt  }
0x42: {  	_ =	shalt  }
0x43: {  	_ =	shalt  }
0x44: {  	_ =	shalt  }
0x45: {  	_ =	shalt  }
0x46: {  	_ =	shalt  }
0x47: {  	_ =	shalt  }
0x48: {  	_ =	shalt  }
0x49: {  	_ =	shalt  }
0x4a: {  	_ =	shalt  }
0x4b: {  	_ =	shalt  }
0x4c: {  	_ =	shalt  }
0x4d: {  	_ =	shalt  }
0x4e: {  	_ =	shalt  }
0x4f: {  	_ =	shalt  }
0x50: {  	_ =	shalt  }
0x51: {  	_ =	shalt  }
0x52: {  	_ =	shalt  }
0x53: {  	_ =	shalt  }
0x54: {  	_ =	shalt  }
0x55: {  	_ =	shalt  }
0x56: {  	_ =	shalt  }
0x57: {  	_ =	shalt  }
0x58: {  	_ =	shalt  }
0x59: {  	_ =	shalt  }
0x5a: {  	_ =	shalt  }
0x5b: {  	_ =	shalt  }
0x5c: {  	_ =	shalt  }
0x5d: {  	_ =	shalt  }
0x5e: {  	_ =	shalt  }
0x5f: {  	_ =	shalt  }
0x60: {  	_ =	shalt  }
0x61: {  	_ =	shalt  }
0x62: {  	_ =	shalt  }
0x63: {  	_ =	shalt  }
0x64: {  	_ =	shalt  }
0x65: {  	_ =	shalt  }
0x66: {  	_ =	shalt  }
0x67: {  	_ =	shalt  }
0x68: {  	_ =	shalt  }
0x69: {  	_ =	shalt  }
0x6a: {  	_ =	shalt  }
0x6b: {  	_ =	shalt  }
0x6c: {  	_ =	shalt  }
0x6d: {  	_ =	shalt  }
0x6e: {  	_ =	shalt  }
0x6f: {  	_ =	shalt  }
0x70: {  	_ =	shalt  }
0x71: {  	_ =	shalt  }
0x72: {  	_ =	shalt  }
0x73: {  	_ =	shalt  }
0x74: {  	_ =	shalt  }
0x75: {  	_ =	shalt  }
0x76: {  	_ =	shalt  }
0x77: {  	_ =	shalt  }
0x78: {  	_ =	shalt  }
0x79: {  	_ =	shalt  }
0x7a: {  	_ =	shalt  }
0x7b: {  	_ =	shalt  }
0x7c: {  	_ =	shalt  }
0x7d: {  	_ =	shalt  }
0x7e: {  	_ =	shalt  }
0x7f: {  	_ =	shalt  }
0x80: {  	_ =	shalt  }
0x81: {  	_ =	shalt  }
0x82: {  	_ =	shalt  }
0x83: {  	_ =	shalt  }
0x84: {  	_ =	shalt  }
0x85: {  	_ =	shalt  }
0x86: {  	_ =	shalt  }
0x87: {  	_ =	shalt  }
.Lfunc_end0:
.L_simem_size_0:
called_computation.1_lowered:
.L_overlay_start_0:
0x88: {  	s2 =	sld [smem:$0x3FD9]  }
0x89: {  	s3 =	sld [smem:$0x3FFE];
	_ =	sdelay $0x1  }
0x8a: {  	s1 =	srdreg.scid  }
0x8b: {  	s0 =	sand.u32 $0x1, s1  }
0x8c: {  	s14 =	sshll.u32 s0, $0xA;
	s2 =	sadd.s32 s3, s2  }
0x8d: {  	s2 =	sadd.s32 s2, s14  }
0x8e: {  	[smem:$0x3FC4] =	sst s2  }
0x8f: {  	_ = 	snop  }
0x90: {  	s2 =	sld [smem:$0x3FD0];
	_ =	sdelay $0x2  }
0x91: {  	s4 =	simm.s32 $0xA;
	s5 =	simm.s32 $0x10;
	s15 =	sld [smem:$0x3FC9]  }
0x92: {  	[smem:s5], [sflag:s4] =	dma.local [hbm:s2], $0x1  }
0x93: {  	_ =	swait.eq [sflag:s4], $0x1  }
0x94: {  	[sflag:s4] =	ssyncset.done $0x0  }
0x95: {  	[sflag:s4] =	ssyncadd.s32 $0xFFFFFFFF  }
0x96: {  	s16 =	sld [smem:$0x10];
	(tm) =	ssettm $0x1  }
0x97: {  	s17 =	sld [smem:$0x3FFB];
	_ =	sdelay $0x3  }
0x98: {  	_ =	strace s17  }
0x99: {  	s4 =	sld [smem:$0x3FFC];
	_ =	sdelay $0x3  }
0x9a: {  	_ =	strace s4  }
0x9b: {  	s4 =	sld [smem:$0x3FFD];
	_ =	sdelay $0x3  }
0x9c: {  	_ =	strace s4  }
0x9d: {  	_ =	strace $0x8FFFFFFF  }
0x9e: {  	s18 =	sld [smem:$0x3FDB];
	_ =	sdelay $0x1  }
0x9f: {  	s19 =	simm.s32 $_scs_section_size  }
0xa0: {  	s6 =	simm.s32 $_size__tile_overlayer_lowered;
	s7 =	simm.s32 $_tile_overlayer_lowered  }
0xa1: {  	s22 =	simm.s32 $0x1BFF;
	s21 =	sshll.u32 s7, $0x1;
	s4 =	sadd.s32 s19, s18  }
0xa2: {  	s8 =	simm.s32 $0x0;
	s20 =	sshll.u32 s6, $0x1;
	s6 =	sadd.s32 s21, s4  }
0xa3: {  	[timem:s8], [sflag:s22] =	dma.local [hbm:s6], s20  }
0xa4: {  	_ =	swait.ge [sflag:s22], s20  }
0xa5: {  	s5 =	ssub.s32 $0x0, s20;
	[sflag:s22] =	ssyncset.done $0x0  }
0xa6: {  	[sflag:s22] =	ssyncadd.s32 s5;
	_ =	sdelay $0x1  }
0xa7: {  	s23 =	simm.s32 $0x1B8B  }
0xa8: {  	_ =	swait.ge [sflag:s23], $0x1  }
0xa9: {  	[sflag:s23] =	ssyncset.done $0x0  }
0xaa: {  	s25 =	simm.s32 $0x1B8E;
	s24 =	sld [smem:$0x3FFE];
	[sflag:s23] =	ssyncadd.s32 $0xFFFFFFFF  }
0xab: {  	s26 =	simm.s32 $execute0_lowered;
	[smem:$0x3FD2] =	sst s25  }
0xac: {  	s6 =	sshll.u32 s26, $0x1;
	_ =	strace $0x80000049;
	[dreg:$0x1] =	wrdreg $0xFFFFFFFF  }
0xad: {  	s28 =	simm.s32 $_size_execute0_lowered;
	s4 =	sadd.s32 s4, s6;
	[dreg:$0x0] =	wrdreg $0x0  }
0xae: {  	s6 =	sshll.u32 s28, $0x1;
	[dreg:$0x2] =	wrdreg s4  }
0xaf: {  	[dreg:$0x3] =	wrdreg s6  }
0xb0: {  	[dreg:$0x4] =	wrdreg $0xC0  }
0xb1: {  	_ =	task [dreg:s8], $0x5FFFF  }
0xb2: {  	[dreg:$0x1] =	wrdreg $0xFFFFFFFF  }
0xb3: {  	[dreg:$0x0] =	wrdreg $0x60  }
0xb4: {  	[dreg:$0x2] =	wrdreg s16  }
0xb5: {  	[dreg:$0x3] =	wrdreg s24  }
0xb6: {  	[dreg:$0x4] =	wrdreg s15  }
0xb7: {  	[dreg:$0x5] =	wrdreg $0x9  }
0xb8: {  	_ =	task.clear_ibuf [dreg:s8], $0x6FFFF;
	_ =	strace $0x90000049  }
0xb9: {  	s29 =	simm.s32 $0x9;
	_ =	strace $0x8000004B  }
0xba: {  	_ =	swait.ge [sflag:s29], $0x1  }
0xbb: {  	[sflag:s29] =	ssyncadd.s32 $0xFFFFFFFF  }
0xbc: {  	_ =	strace $0x9000004B  }
0xbd: {  	_ =	sfence  }
0xbe: {  	s30 =	sld [smem:$0x0];
	_ =	sdelay $0x2  }
0xbf: {  	s31 =	sshll.u32 s1, $0xD;
	s1 =	sshrl.u32 s1, $0x2  }
0xc0: {  	s3 =	sand.u32 $0x4000, s31;
	s1 =	sadd.s32 s1, s30  }
0xc1: {  	s0 =	sor.u32 s3, s0;
	s1 =	sshll.u32 s1, $0x11  }
0xc2: {  	s0 =	sor.u32 s1, s0  }
0xc3: {  	s0 =	sadd.s32 $0x8F2B, s0  }
0xc4: {  	[sflag:s0] =	ssyncadd.remote.s32 $0x1  }
0xc5: {  	_ =	sfence.sel $0xFFFF  }
0xc6: {  	[dreg:$0x0] =	wrdreg $0xFFFFFFFF;
	(pc) =	sbr.abs _section_cstart, $3  }
0xc7: {  	[dreg:$0x1] =	wrdreg $0xFFFFFFFF  }
0xc8: {  	_ =	task.clear_ibuf [dreg:s8], $0x2FFFF;
	_ =	strace $0x9FFFFFFF  }
0xc9: {  	(tm) =	ssettm $0x7FFFFFFF  }
tec
execute0_lowered:
.L_overlay_start_1:
0x0: {  	(tag) =	ssettag $0x1  }
0x1: {  	s1 =	rddreg [dreg:$0x0]  }
0x2: {  	s0 =	srdreg.scid;
	s4 =	rddreg [dreg:$0x1]  }
0x3: {  	s5 =	stileid.u32;
	s2 =	rddreg [dreg:$0x2]  }
0x4: {  	s26 =	simm.s32 $0x100;
	s30 =	simm.s32 $0x300;
	s31 =	simm.s32 $0x500  }
0x5: {  	s12 =	simm.s32 $0x2D00;
	s13 =	simm.s32 $0x3500;
	s14 =	simm.s32 $0x3D00  }
0x6: {  	s15 =	simm.s32 $0x4500;
	s16 =	simm.s32 $0x4D00;
	s0 =	sand.u32 $0x1, s0  }
0x7: {  	s28 =	simm.s32 $0xA500;
	s29 =	simm.s32 $0xB500;
	s3 =	sshll.u32 s0, $0x4  }
0x8: {  	s7 =	sadd.s32 $0x3000, s4;
	s8 =	sadd.s32 $0x3A00, s4;
	s5 =	sor.u32 s5, s3  }
0x9: {  	s0 =	ssub.s32 $0x2, s0;
	s3 =	simm.s32 $0x0;
	s6 =	smul.u32 $0xA0, s5  }
0xa: {  	s11 =	sshrl.u32 s0, $0x1;
	[smem:$0x7FF] =	sst s3;
	s18 =	smul.u32 $0x28000, s5  }
0xb: {  	s5 =	smul.u32 $0x5000, s5;
	_ =	strace $0x8000004A;
	[dreg:$0xd] =	wrdreg s26  }
0xc: {  	s0 =	ssub.s32 s0, s11;
	s11 =	simm.s32 $0x2500;
	[dreg:$0xe] =	wrdreg s30  }
0xd: {  	s26 =	simm.s32 $0x9D00;
	s6 =	sshrl.u32 s6, $0x3;
	s21 =	sshrl.u32 s18, $0x3  }
0xe: {  	s22 =	sadd.s32 s8, s5;
	s5 =	sadd.s32 $0x200, s2;
	s18 =	simm.s32 $0x5D00  }
0xf: {  	s4 =	sadd.s32 s6, s4;
	s9 =	sadd.s32 s1, s6;
	s10 =	sadd.s32 $0x280, s6  }
0x10: {  	s17 =	sadd.s32 s7, s6;
	s6 =	sadd.s32 s8, s21;
	[dreg:$0x9] =	wrdreg s22  }
0x11: {  	s8 =	simm.s32 $0x3;
	s21 =	simm.s32 $0x7500;
	[dreg:$0x4] =	wrdreg s9  }
0x12: {  	s22 =	simm.s32 $0x7D00;
	s1 =	sadd.s32 s1, s10;
	[dreg:$0x6] =	wrdreg s17  }
0x13: {  	s19 =	sadd.s32 s7, s10;
	s20 =	sadd.s32 $0x3600, s4;
	[dreg:$0x5] =	wrdreg s1  }
0x14: {  	s23 =	sadd.s32 $0x1400, s6;
	s4 =	sadd.s32 $0x100, s2;
	[dreg:$0x7] =	wrdreg s19  }
0x15: {  	s24 =	sadd.s32 $0x2800, s6;
	s25 =	sadd.s32 $0x3C00, s6;
	[dreg:$0x8] =	wrdreg s20  }
0x16: {  	s6 =	sadd.s32 $0x300, s2;
	s7 =	smax.u32 s0, $0x1;
	[dreg:$0xa] =	wrdreg s23  }
0x17: {  	v2 =	vlaneseq.u32;
	s10 =	simm.s32 $0xD00;
	s17 =	simm.s32 $0x5500;
	[dreg:$0xb] =	wrdreg s24  }
0x18: {  	vm0 =	vmmov $0xffff;
	v1 =	vshrl.u32 v2, $0x3;
	[dreg:$0xc] =	wrdreg s25;
	s19 =	simm.s32 $0x6500;
	s20 =	simm.s32 $0x6D00  }
0x19: {  	v0 =	vand.u32 $0x7, v2;
	v2 =	vor.u32 $0x8, v2;
	v1 =	vmul.u32 $0x8, v1;
	s23 =	simm.s32 $0x8500;
	s24 =	simm.s32 $0x8D00;
	s25 =	simm.s32 $0x9500  }
.LBB2_1:
0x1a: {  	s30 =	rddreg [dreg:$0x4]  }
0x1b: {  	[tilespmem:s3], [sflag:$0x3] =	stream.linear.gather [hbm4b:s30+s3], $0xA0, $0x38;
	[tilespmem:$0x14500] =	vst v63  }
0x1c: {  	_ =	swait.ge [sflag:s8], $0xA0  }
0x1d: {  	s9 =	rddreg [dreg:$0x5];
	[sflag:s8] =	ssyncset.done $0x0  }
0x1e: {  	s1 =	rddreg [dreg:$0xd];
	[sflag:s8] =	ssyncadd.s32 $0xFFFFFF60  }
0x1f: {  	[tilespmem:s1], [sflag:$0x3] =	stream.linear.gather [hbm4b:s9+s3], $0xA0, $0x38;
	[tilespmem:$0x14500] =	vst v63  }
0x20: {  	_ =	swait.ge [sflag:s8], $0xA0  }
0x21: {  	[sflag:s8] =	ssyncset.done $0x0  }
0x22: {  	s0 =	simm.s32 $0x200;
	s30 =	rddreg [dreg:$0x6];
	[sflag:s8] =	ssyncadd.s32 $0xFFFFFF60  }
0x23: {  	[tilespmem:s0], [sflag:$0x3] =	stream.linear.gather [hbm4b:s30+s3], $0xA0, $0x38;
	[tilespmem:$0x14500] =	vst v63  }
0x24: {  	_ =	swait.ge [sflag:s8], $0xA0  }
0x25: {  	s1 =	rddreg [dreg:$0x7];
	[sflag:s8] =	ssyncset.done $0x0  }
0x26: {  	s9 =	rddreg [dreg:$0xe];
	[sflag:s8] =	ssyncadd.s32 $0xFFFFFF60  }
0x27: {  	[tilespmem:s9], [sflag:$0x3] =	stream.linear.gather [hbm4b:s1+s3], $0xA0, $0x38;
	[tilespmem:$0x14500] =	vst v63  }
0x28: {  	_ =	swait.ge [sflag:s8], $0xA0  }
0x29: {  	[sflag:s8] =	ssyncset.done $0x0  }
0x2a: {  	[sflag:s8] =	ssyncadd.s32 $0xFFFFFF60  }
0x2b: {  	v3 =	vld [tilespmem:$0x0]  }
0x2c: {  	v4 =	vld [tilespmem:$0x100]  }
0x2d: {  	v5 =	vld [tilespmem:$0x200]  }
0x2e: {  	v6 =	vld [tilespmem:$0x300]  }
0x2f: {  	v7 =	vld [tilespmem:$0x10]  }
0x30: {  	v8 =	vld [tilespmem:$0x110]  }
0x31: {  	v9 =	vld [tilespmem:$0x210]  }
0x32: {  	v10 =	vld [tilespmem:$0x310]  }
0x33: {  	v11 =	vld [tilespmem:$0x20]  }
0x34: {  	v12 =	vld [tilespmem:$0x120]  }
0x35: {  	v13 =	vld [tilespmem:$0x220]  }
0x36: {  	v14 =	vld [tilespmem:$0x320]  }
0x37: {  	v15 =	vld [tilespmem:$0x30]  }
0x38: {  	v16 =	vld [tilespmem:$0x130]  }
0x39: {  	v17 =	vld [tilespmem:$0x230]  }
0x3a: {  	v18 =	vld [tilespmem:$0x330]  }
0x3b: {  	v19 =	vld [tilespmem:$0x40]  }
0x3c: {  	v20 =	vld [tilespmem:$0x140]  }
0x3d: {  	v21 =	vld [tilespmem:$0x240]  }
0x3e: {  	v22 =	vld [tilespmem:$0x340]  }
0x3f: {  	v23 =	vld [tilespmem:$0x50]  }
0x40: {  	v24 =	vld [tilespmem:$0x150]  }
0x41: {  	v25 =	vld [tilespmem:$0x250]  }
0x42: {  	v57 =	vld [tilespmem:$0x350]  }
0x43: {  	v26 =	vld [tilespmem:$0x60]  }
0x44: {  	v58 =	vld [tilespmem:$0x160]  }
0x45: {  	v59 =	vld [tilespmem:$0x260];
	v3 =	vadd.s32 v3, v4  }
0x46: {  	v61 =	vld [tilespmem:$0x360];
	v5 =	vadd.f32 v6, v5;
	vm1 =	vgt.s32 v3, $0x1  }
0x47: {  	v63 =	vld [tilespmem:$0x70];
	v7 =	vadd.s32 v7, v8;
	v3 =	vnsel vm1, $0x1, v3  }
0x48: {  	v28 =	vld [tilespmem:$0x170];
	v62 =	vadd.f32 v10, v9;
	vm1 =	vgt.s32 v7, $0x1;
	[tilespmem:$0x200] =	vst v5;
	v3 =	vadd.s32 $0xFFFFFFFF, v3  }
0x49: {  	v30 =	vld [tilespmem:$0x270];
	v60 =	vadd.s32 v11, v12;
	[tilespmem:$0x400] =	vst v3;
	v3 =	vnsel vm1, $0x1, v7  }
0x4a: {  	v32 =	vld [tilespmem:$0x370];
	v29 =	vadd.f32 v14, v13;
	[tilespmem:$0x210] =	vst v62;
	vm1 =	vgt.s32 v60, $0x1;
	v3 =	vadd.s32 $0xFFFFFFFF, v3  }
0x4b: {  	v34 =	vld [tilespmem:$0x80];
	v27 =	vadd.s32 v15, v16;
	[tilespmem:$0x410] =	vst v3;
	v3 =	vnsel vm1, $0x1, v60  }
0x4c: {  	v36 =	vld [tilespmem:$0x180];
	v33 =	vadd.f32 v18, v17;
	[tilespmem:$0x220] =	vst v29;
	vm1 =	vgt.s32 v27, $0x1;
	v3 =	vadd.s32 $0xFFFFFFFF, v3  }
0x4d: {  	v38 =	vld [tilespmem:$0x280];
	v31 =	vadd.s32 v19, v20;
	[tilespmem:$0x420] =	vst v3;
	v3 =	vnsel vm1, $0x1, v27  }
0x4e: {  	v40 =	vld [tilespmem:$0x90];
	v37 =	vadd.f32 v22, v21;
	[tilespmem:$0x230] =	vst v33;
	vm1 =	vgt.s32 v31, $0x1;
	v3 =	vadd.s32 $0xFFFFFFFF, v3  }
0x4f: {  	v41 =	vld [tilespmem:$0x190];
	v35 =	vadd.s32 v23, v24;
	[tilespmem:$0x430] =	vst v3;
	v3 =	vnsel vm1, $0x1, v31  }
0x50: {  	v43 =	vld [tilespmem:$0x380];
	v4 =	vadd.f32 v57, v25;
	[tilespmem:$0x240] =	vst v37;
	vm1 =	vgt.s32 v35, $0x1;
	v3 =	vadd.s32 $0xFFFFFFFF, v3  }
0x51: {  	v45 =	vld [tilespmem:$0x290];
	v39 =	vadd.s32 v26, v58;
	[tilespmem:$0x440] =	vst v3;
	v3 =	vnsel vm1, $0x1, v35  }
0x52: {  	v47 =	vld [tilespmem:$0x390];
	v44 =	vadd.f32 v61, v59;
	[tilespmem:$0x250] =	vst v4;
	vm1 =	vgt.s32 v39, $0x1;
	v3 =	vadd.s32 $0xFFFFFFFF, v3  }
0x53: {  	v42 =	vadd.s32 v63, v28;
	[tilespmem:$0x450] =	vst v3;
	v3 =	vnsel vm1, $0x1, v39  }
0x54: {  	v48 =	vadd.f32 v32, v30;
	[tilespmem:$0x260] =	vst v44;
	vm1 =	vgt.s32 v42, $0x1;
	v3 =	vadd.s32 $0xFFFFFFFF, v3  }
0x55: {  	[tilespmem:$0x460] =	vst v3;
	v3 =	vnsel vm1, $0x1, v42  }
0x56: {  	v46 =	vadd.s32 v34, v36;
	v50 =	vadd.f32 v43, v38;
	[tilespmem:$0x270] =	vst v48;
	v3 =	vadd.s32 $0xFFFFFFFF, v3  }
0x57: {  	v51 =	vadd.f32 v47, v45;
	vm1 =	vgt.s32 v46, $0x1;
	[tilespmem:$0x470] =	vst v3;
	v3 =	vadd.s32 v40, v41  }
0x58: {  	[tilespmem:$0x280] =	vst v50;
	v49 =	vnsel vm1, $0x1, v46;
	vm1 =	vgt.s32 v3, $0x1  }
0x59: {  	[tilespmem:$0x290] =	vst v51;
	v5 =	vadd.s32 $0xFFFFFFFF, v49;
	v3 =	vnsel vm1, $0x1, v3  }
0x5a: {  	[tilespmem:$0x480] =	vst v5;
	v3 =	vadd.s32 $0xFFFFFFFF, v3  }
0x5b: {  	s30 =	rddreg [dreg:$0x8];
	[tilespmem:$0x490] =	vst v3  }
0x5c: {  	[hbm4b:s30+s3] =	stream.linear.scatter [tilespmem:s0], [sflag:$0x3], $0xA0, $0x38;
	[tilespmem:$0x14500] =	vst v63  }
0x5d: {  	_ =	swait.ge [sflag:s8], $0xA0  }
0x5e: {  	[sflag:s8] =	ssyncset.done $0x0  }
0x5f: {  	[sflag:s8] =	ssyncadd.s32 $0xFFFFFF60  }
0x60: {  	v3 =	vld [tilespmem:$0x400];
	_ =	sdelay $0x4  }
0x61: {  	v52 =	vshll.u32 v3, $0x3  }
0x62: {  	v3 =	vand.u32 $0x7, v3;
	v4 =	vand.u32 $0xFFFFFFC0, v52  }
0x63: {  	v3 =	vor.u32 v3, v4  }
0x64: {  	v4 =	vperm.xlane v3, v0;
	_ =	sdelay $0x1  }
0x65: {  	v4 =	vadd.s32 v1, v4;
	_ =	sdelay $0x4  }
0x66: {  	[tilespmem:s31], [sflag:$0x1] =	stream.indirect_vreg.gather [hbm4b:s2+s3], $0x80, v4, vm0, $0xb8;
	[tilespmem:$0x14500] =	vst v63  }
0x67: {  	v3 =	vperm.xlane v3, v2  }
0x68: {  	[tilespmem:s10], [sflag:$0x1] =	stream.indirect_vreg.gather [hbm4b:s4+s3], $0x80, v4, vm0, $0xb8;
	[tilespmem:$0x14500] =	vst v63  }
0x69: {  	s30 =	simm.s32 $0x1500;
	v3 =	vadd.s32 v1, v3  }
0x6a: {  	[tilespmem:s30], [sflag:$0x1] =	stream.indirect_vreg.gather [hbm4b:s5+s3], $0x80, v4, vm0, $0xb8;
	[tilespmem:$0x14500] =	vst v63  }
0x6b: {  	s9 =	simm.s32 $0x1D00  }
0x6c: {  	[tilespmem:s9], [sflag:$0x1] =	stream.indirect_vreg.gather [hbm4b:s6+s3], $0x80, v4, vm0, $0xb8;
	[tilespmem:$0x14500] =	vst v63  }
0x6d: {  	_ = 	snop  }
0x6e: {  	[tilespmem:s11], [sflag:$0x1] =	stream.indirect_vreg.gather [hbm4b:s2+s3], $0x80, v3, vm0, $0xb8;
	[tilespmem:$0x14500] =	vst v63  }
0x6f: {  	_ = 	snop  }
0x70: {  	[tilespmem:s12], [sflag:$0x1] =	stream.indirect_vreg.gather [hbm4b:s4+s3], $0x80, v3, vm0, $0xb8;
	[tilespmem:$0x14500] =	vst v63  }
0x71: {  	_ = 	snop  }
0x72: {  	[tilespmem:s13], [sflag:$0x1] =	stream.indirect_vreg.gather [hbm4b:s5+s3], $0x80, v3, vm0, $0xb8;
	[tilespmem:$0x14500] =	vst v63  }
0x73: {  	_ = 	snop  }
0x74: {  	[tilespmem:s14], [sflag:$0x1] =	stream.indirect_vreg.gather [hbm4b:s6+s3], $0x80, v3, vm0, $0xb8;
	[tilespmem:$0x14500] =	vst v63  }
0x75: {  	v3 =	vld [tilespmem:$0x410];
	_ =	sdelay $0x4  }
0x76: {  	v53 =	vshll.u32 v3, $0x3  }
0x77: {  	v3 =	vand.u32 $0x7, v3;
	v4 =	vand.u32 $0xFFFFFFC0, v53  }
0x78: {  	v3 =	vor.u32 v3, v4  }
0x79: {  	v4 =	vperm.xlane v3, v0;
	_ =	sdelay $0x1  }
0x7a: {  	v4 =	vadd.s32 v1, v4;
	_ =	sdelay $0x4  }
0x7b: {  	[tilespmem:s15], [sflag:$0x1] =	stream.indirect_vreg.gather [hbm4b:s2+s3], $0x80, v4, vm0, $0xb8;
	[tilespmem:$0x14500] =	vst v63  }
0x7c: {  	v3 =	vperm.xlane v3, v2  }
0x7d: {  	[tilespmem:s16], [sflag:$0x1] =	stream.indirect_vreg.gather [hbm4b:s4+s3], $0x80, v4, vm0, $0xb8;
	[tilespmem:$0x14500] =	vst v63  }
0x7e: {  	v3 =	vadd.s32 v1, v3  }
0x7f: {  	[tilespmem:s17], [sflag:$0x1] =	stream.indirect_vreg.gather [hbm4b:s5+s3], $0x80, v4, vm0, $0xb8;
	[tilespmem:$0x14500] =	vst v63  }
0x80: {  	_ = 	snop  }
0x81: {  	[tilespmem:s18], [sflag:$0x1] =	stream.indirect_vreg.gather [hbm4b:s6+s3], $0x80, v4, vm0, $0xb8;
	[tilespmem:$0x14500] =	vst v63  }
0x82: {  	_ = 	snop  }
0x83: {  	[tilespmem:s19], [sflag:$0x1] =	stream.indirect_vreg.gather [hbm4b:s2+s3], $0x80, v3, vm0, $0xb8;
	[tilespmem:$0x14500] =	vst v63  }
0x84: {  	_ = 	snop  }
0x85: {  	[tilespmem:s20], [sflag:$0x1] =	stream.indirect_vreg.gather [hbm4b:s4+s3], $0x80, v3, vm0, $0xb8;
	[tilespmem:$0x14500] =	vst v63  }
0x86: {  	_ = 	snop  }
0x87: {  	[tilespmem:s21], [sflag:$0x1] =	stream.indirect_vreg.gather [hbm4b:s5+s3], $0x80, v3, vm0, $0xb8;
	[tilespmem:$0x14500] =	vst v63  }
0x88: {  	_ = 	snop  }
0x89: {  	[tilespmem:s22], [sflag:$0x1] =	stream.indirect_vreg.gather [hbm4b:s6+s3], $0x80, v3, vm0, $0xb8;
	[tilespmem:$0x14500] =	vst v63  }
0x8a: {  	v3 =	vld.msk [tilespmem:$0x420], $0xff;
	_ =	sdelay $0x4  }
0x8b: {  	v54 =	vshll.u32 v3, $0x3  }
0x8c: {  	v3 =	vand.u32 $0x7, v3;
	v4 =	vand.u32 $0xFFFFFFC0, v54  }
0x8d: {  	v3 =	vor.u32 v3, v4  }
0x8e: {  	v3 =	vperm.xlane v3, v0;
	_ =	sdelay $0x1  }
0x8f: {  	v3 =	vadd.s32 v1, v3;
	_ =	sdelay $0x4  }
0x90: {  	[tilespmem:s23], [sflag:$0x1] =	stream.indirect_vreg.gather [hbm4b:s2+s3], $0x80, v3, vm0, $0xb8;
	[tilespmem:$0x14500] =	vst v63  }
0x91: {  	_ = 	snop  }
0x92: {  	[tilespmem:s24], [sflag:$0x1] =	stream.indirect_vreg.gather [hbm4b:s4+s3], $0x80, v3, vm0, $0xb8;
	[tilespmem:$0x14500] =	vst v63  }
0x93: {  	_ = 	snop  }
0x94: {  	[tilespmem:s25], [sflag:$0x1] =	stream.indirect_vreg.gather [hbm4b:s5+s3], $0x80, v3, vm0, $0xb8;
	[tilespmem:$0x14500] =	vst v63  }
0x95: {  	_ = 	snop  }
0x96: {  	[tilespmem:s26], [sflag:$0x1] =	stream.indirect_vreg.gather [hbm4b:s6+s3], $0x80, v3, vm0, $0xb8;
	[tilespmem:$0x14500] =	vst v63  }
0x97: {  	v3 =	vld [tilespmem:$0x428];
	_ =	sdelay $0x4  }
0x98: {  	v55 =	vshll.u32 v3, $0x3  }
0x99: {  	v3 =	vand.u32 $0x7, v3;
	v4 =	vand.u32 $0xFFFFFFC0, v55  }
0x9a: {  	v3 =	vor.u32 v3, v4  }
0x9b: {  	v4 =	vperm.xlane v3, v0;
	_ =	sdelay $0x1  }
0x9c: {  	v4 =	vadd.s32 v1, v4;
	_ =	sdelay $0x4  }
0x9d: {  	[tilespmem:s28], [sflag:$0x2] =	stream.indirect_vreg.gather [hbm4b:s2+s3], $0x80, v4, vm0, $0xb8;
	[tilespmem:$0x14500] =	vst v63  }
0x9e: {  	s1 =	simm.s32 $0xAD00;
	v3 =	vperm.xlane v3, v2  }
0x9f: {  	[tilespmem:s1], [sflag:$0x2] =	stream.indirect_vreg.gather [hbm4b:s4+s3], $0x80, v4, vm0, $0xb8;
	[tilespmem:$0x14500] =	vst v63  }
0xa0: {  	v3 =	vadd.s32 v1, v3  }
0xa1: {  	[tilespmem:s29], [sflag:$0x2] =	stream.indirect_vreg.gather [hbm4b:s5+s3], $0x80, v4, vm0, $0xb8;
	[tilespmem:$0x14500] =	vst v63  }
0xa2: {  	s1 =	simm.s32 $0xBD00  }
0xa3: {  	[tilespmem:s1], [sflag:$0x2] =	stream.indirect_vreg.gather [hbm4b:s6+s3], $0x80, v4, vm0, $0xb8;
	[tilespmem:$0x14500] =	vst v63  }
0xa4: {  	s1 =	simm.s32 $0xC500  }
0xa5: {  	[tilespmem:s1], [sflag:$0x2] =	stream.indirect_vreg.gather [hbm4b:s2+s3], $0x80, v3, vm0, $0xb8;
	[tilespmem:$0x14500] =	vst v63  }
0xa6: {  	s1 =	simm.s32 $0xCD00  }
0xa7: {  	[tilespmem:s1], [sflag:$0x2] =	stream.indirect_vreg.gather [hbm4b:s4+s3], $0x80, v3, vm0, $0xb8;
	[tilespmem:$0x14500] =	vst v63  }
0xa8: {  	s1 =	simm.s32 $0xD500  }
0xa9: {  	[tilespmem:s1], [sflag:$0x2] =	stream.indirect_vreg.gather [hbm4b:s5+s3], $0x80, v3, vm0, $0xb8;
	[tilespmem:$0x14500] =	vst v63  }
0xaa: {  	s1 =	simm.s32 $0xDD00  }
0xab: {  	[tilespmem:s1], [sflag:$0x2] =	stream.indirect_vreg.gather [hbm4b:s6+s3], $0x80, v3, vm0, $0xb8;
	[tilespmem:$0x14500] =	vst v63  }
0xac: {  	v3 =	vld [tilespmem:$0x438];
	_ =	sdelay $0x4  }
0xad: {  	v56 =	vshll.u32 v3, $0x3  }
0xae: {  	v3 =	vand.u32 $0x7, v3;
	v4 =	vand.u32 $0xFFFFFFC0, v56  }
0xaf: {  	v3 =	vor.u32 v3, v4  }
0xb0: {  	v4 =	vperm.xlane v3, v0;
	_ =	sdelay $0x1  }
0xb1: {  	v4 =	vadd.s32 v1, v4;
	_ =	sdelay $0x3  }
0xb2: {  	s1 =	simm.s32 $0xE500  }
0xb3: {  	[tilespmem:s1], [sflag:$0x2] =	stream.indirect_vreg.gather [hbm4b:s2+s3], $0x80, v4, vm0, $0xb8;
	[tilespmem:$0x14500] =	vst v63  }
0xb4: {  	v3 =	vperm.xlane v3, v2;
	s1 =	simm.s32 $0xED00  }
0xb5: {  	[tilespmem:s1], [sflag:$0x2] =	stream.indirect_vreg.gather [hbm4b:s4+s3], $0x80, v4, vm0, $0xb8;
	[tilespmem:$0x14500] =	vst v63  }
0xb6: {  	v3 =	vadd.s32 v1, v3;
	s1 =	simm.s32 $0xF500  }
0xb7: {  	[tilespmem:s1], [sflag:$0x2] =	stream.indirect_vreg.gather [hbm4b:s5+s3], $0x80, v4, vm0, $0xb8;
	[tilespmem:$0x14500] =	vst v63  }
0xb8: {  	s1 =	simm.s32 $0xFD00  }
0xb9: {  	[tilespmem:s1], [sflag:$0x2] =	stream.indirect_vreg.gather [hbm4b:s6+s3], $0x80, v4, vm0, $0xb8;
	[tilespmem:$0x14500] =	vst v63  }
0xba: {  	s1 =	simm.s32 $0x10500  }
0xbb: {  	[tilespmem:s1], [sflag:$0x2] =	stream.indirect_vreg.gather [hbm4b:s2+s3], $0x80, v3, vm0, $0xb8;
	[tilespmem:$0x14500] =	vst v63  }
0xbc: {  	s1 =	simm.s32 $0x10D00  }
0xbd: {  	[tilespmem:s1], [sflag:$0x2] =	stream.indirect_vreg.gather [hbm4b:s4+s3], $0x80, v3, vm0, $0xb8;
	[tilespmem:$0x14500] =	vst v63  }
0xbe: {  	s1 =	simm.s32 $0x11500  }
0xbf: {  	[tilespmem:s1], [sflag:$0x2] =	stream.indirect_vreg.gather [hbm4b:s5+s3], $0x80, v3, vm0, $0xb8;
	[tilespmem:$0x14500] =	vst v63  }
0xc0: {  	s1 =	simm.s32 $0x11D00  }
0xc1: {  	[tilespmem:s1], [sflag:$0x2] =	stream.indirect_vreg.gather [hbm4b:s6+s3], $0x80, v3, vm0, $0xb8;
	[tilespmem:$0x14500] =	vst v63  }
0xc2: {  	v3 =	vld.msk [tilespmem:$0x448], $0xff;
	_ =	sdelay $0x4  }
0xc3: {  	v57 =	vshll.u32 v3, $0x3  }
0xc4: {  	v3 =	vand.u32 $0x7, v3;
	v4 =	vand.u32 $0xFFFFFFC0, v57  }
0xc5: {  	v3 =	vor.u32 v3, v4  }
0xc6: {  	v3 =	vperm.xlane v3, v0;
	_ =	sdelay $0x1  }
0xc7: {  	v3 =	vadd.s32 v1, v3;
	_ =	sdelay $0x3  }
0xc8: {  	s1 =	simm.s32 $0x12500  }
0xc9: {  	[tilespmem:s1], [sflag:$0x2] =	stream.indirect_vreg.gather [hbm4b:s2+s3], $0x80, v3, vm0, $0xb8;
	[tilespmem:$0x14500] =	vst v63  }
0xca: {  	s1 =	simm.s32 $0x12D00  }
0xcb: {  	[tilespmem:s1], [sflag:$0x2] =	stream.indirect_vreg.gather [hbm4b:s4+s3], $0x80, v3, vm0, $0xb8;
	[tilespmem:$0x14500] =	vst v63  }
0xcc: {  	s1 =	simm.s32 $0x13500  }
0xcd: {  	[tilespmem:s1], [sflag:$0x2] =	stream.indirect_vreg.gather [hbm4b:s5+s3], $0x80, v3, vm0, $0xb8;
	[tilespmem:$0x14500] =	vst v63  }
0xce: {  	s0 =	simm.s32 $0x1;
	s1 =	simm.s32 $0x13D00  }
0xcf: {  	[tilespmem:s1], [sflag:$0x2] =	stream.indirect_vreg.gather [hbm4b:s6+s3], $0x80, v3, vm0, $0xb8;
	[tilespmem:$0x14500] =	vst v63  }
0xd0: {  	_ =	swait.ge [sflag:s0], $0xA000  }
0xd1: {  	[sflag:s0] =	ssyncset.done $0x0  }
0xd2: {  	s1 =	rddreg [dreg:$0x9];
	[sflag:s0] =	ssyncadd.s32 $0xFFFF6000  }
0xd3: {  	[hbm4b:s1+s3] =	stream.linear.scatter [tilespmem:s31], [sflag:$0x3], $0xA000, $0x38;
	[tilespmem:$0x14500] =	vst v63  }
0xd4: {  	_ =	swait.ge [sflag:s8], $0xA000  }
0xd5: {  	[sflag:s8] =	ssyncset.done $0x0  }
0xd6: {  	[sflag:s8] =	ssyncadd.s32 $0xFFFF6000  }
0xd7: {  	v3 =	vld [tilespmem:$0x450];
	_ =	sdelay $0x4  }
0xd8: {  	v58 =	vshll.u32 v3, $0x3  }
0xd9: {  	v3 =	vand.u32 $0x7, v3;
	v4 =	vand.u32 $0xFFFFFFC0, v58  }
0xda: {  	v3 =	vor.u32 v3, v4  }
0xdb: {  	v4 =	vperm.xlane v3, v0;
	_ =	sdelay $0x1  }
0xdc: {  	v4 =	vadd.s32 v1, v4;
	_ =	sdelay $0x4  }
0xdd: {  	[tilespmem:s31], [sflag:$0x1] =	stream.indirect_vreg.gather [hbm4b:s2+s3], $0x80, v4, vm0, $0xb8;
	[tilespmem:$0x14500] =	vst v63  }
0xde: {  	v3 =	vperm.xlane v3, v2  }
0xdf: {  	[tilespmem:s10], [sflag:$0x1] =	stream.indirect_vreg.gather [hbm4b:s4+s3], $0x80, v4, vm0, $0xb8;
	[tilespmem:$0x14500] =	vst v63  }
0xe0: {  	v3 =	vadd.s32 v1, v3  }
0xe1: {  	[tilespmem:s30], [sflag:$0x1] =	stream.indirect_vreg.gather [hbm4b:s5+s3], $0x80, v4, vm0, $0xb8;
	[tilespmem:$0x14500] =	vst v63  }
0xe2: {  	_ = 	snop  }
0xe3: {  	[tilespmem:s9], [sflag:$0x1] =	stream.indirect_vreg.gather [hbm4b:s6+s3], $0x80, v4, vm0, $0xb8;
	[tilespmem:$0x14500] =	vst v63  }
0xe4: {  	_ = 	snop  }
0xe5: {  	[tilespmem:s11], [sflag:$0x1] =	stream.indirect_vreg.gather [hbm4b:s2+s3], $0x80, v3, vm0, $0xb8;
	[tilespmem:$0x14500] =	vst v63  }
0xe6: {  	_ = 	snop  }
0xe7: {  	[tilespmem:s12], [sflag:$0x1] =	stream.indirect_vreg.gather [hbm4b:s4+s3], $0x80, v3, vm0, $0xb8;
	[tilespmem:$0x14500] =	vst v63  }
0xe8: {  	_ = 	snop  }
0xe9: {  	[tilespmem:s13], [sflag:$0x1] =	stream.indirect_vreg.gather [hbm4b:s5+s3], $0x80, v3, vm0, $0xb8;
	[tilespmem:$0x14500] =	vst v63  }
0xea: {  	_ = 	snop  }
0xeb: {  	[tilespmem:s14], [sflag:$0x1] =	stream.indirect_vreg.gather [hbm4b:s6+s3], $0x80, v3, vm0, $0xb8;
	[tilespmem:$0x14500] =	vst v63  }
0xec: {  	v3 =	vld [tilespmem:$0x460];
	_ =	sdelay $0x4  }
0xed: {  	v59 =	vshll.u32 v3, $0x3  }
0xee: {  	v3 =	vand.u32 $0x7, v3;
	v4 =	vand.u32 $0xFFFFFFC0, v59  }
0xef: {  	v3 =	vor.u32 v3, v4  }
0xf0: {  	v4 =	vperm.xlane v3, v0;
	_ =	sdelay $0x1  }
0xf1: {  	v4 =	vadd.s32 v1, v4;
	_ =	sdelay $0x4  }
0xf2: {  	[tilespmem:s15], [sflag:$0x1] =	stream.indirect_vreg.gather [hbm4b:s2+s3], $0x80, v4, vm0, $0xb8;
	[tilespmem:$0x14500] =	vst v63  }
0xf3: {  	v3 =	vperm.xlane v3, v2  }
0xf4: {  	[tilespmem:s16], [sflag:$0x1] =	stream.indirect_vreg.gather [hbm4b:s4+s3], $0x80, v4, vm0, $0xb8;
	[tilespmem:$0x14500] =	vst v63  }
0xf5: {  	v3 =	vadd.s32 v1, v3  }
0xf6: {  	[tilespmem:s17], [sflag:$0x1] =	stream.indirect_vreg.gather [hbm4b:s5+s3], $0x80, v4, vm0, $0xb8;
	[tilespmem:$0x14500] =	vst v63  }
0xf7: {  	_ = 	snop  }
0xf8: {  	[tilespmem:s18], [sflag:$0x1] =	stream.indirect_vreg.gather [hbm4b:s6+s3], $0x80, v4, vm0, $0xb8;
	[tilespmem:$0x14500] =	vst v63  }
0xf9: {  	_ = 	snop  }
0xfa: {  	[tilespmem:s19], [sflag:$0x1] =	stream.indirect_vreg.gather [hbm4b:s2+s3], $0x80, v3, vm0, $0xb8;
	[tilespmem:$0x14500] =	vst v63  }
0xfb: {  	_ = 	snop  }
0xfc: {  	[tilespmem:s20], [sflag:$0x1] =	stream.indirect_vreg.gather [hbm4b:s4+s3], $0x80, v3, vm0, $0xb8;
	[tilespmem:$0x14500] =	vst v63  }
0xfd: {  	_ = 	snop  }
0xfe: {  	[tilespmem:s21], [sflag:$0x1] =	stream.indirect_vreg.gather [hbm4b:s5+s3], $0x80, v3, vm0, $0xb8;
	[tilespmem:$0x14500] =	vst v63  }
0xff: {  	_ = 	snop  }
0x100: {  	[tilespmem:s22], [sflag:$0x1] =	stream.indirect_vreg.gather [hbm4b:s6+s3], $0x80, v3, vm0, $0xb8;
	[tilespmem:$0x14500] =	vst v63  }
0x101: {  	v3 =	vld.msk [tilespmem:$0x470], $0xff;
	_ =	sdelay $0x4  }
0x102: {  	v60 =	vshll.u32 v3, $0x3  }
0x103: {  	v3 =	vand.u32 $0x7, v3;
	v4 =	vand.u32 $0xFFFFFFC0, v60  }
0x104: {  	v3 =	vor.u32 v3, v4  }
0x105: {  	v3 =	vperm.xlane v3, v0;
	_ =	sdelay $0x1  }
0x106: {  	v3 =	vadd.s32 v1, v3;
	_ =	sdelay $0x4  }
0x107: {  	[tilespmem:s23], [sflag:$0x1] =	stream.indirect_vreg.gather [hbm4b:s2+s3], $0x80, v3, vm0, $0xb8;
	[tilespmem:$0x14500] =	vst v63  }
0x108: {  	_ = 	snop  }
0x109: {  	[tilespmem:s24], [sflag:$0x1] =	stream.indirect_vreg.gather [hbm4b:s4+s3], $0x80, v3, vm0, $0xb8;
	[tilespmem:$0x14500] =	vst v63  }
0x10a: {  	_ = 	snop  }
0x10b: {  	[tilespmem:s25], [sflag:$0x1] =	stream.indirect_vreg.gather [hbm4b:s5+s3], $0x80, v3, vm0, $0xb8;
	[tilespmem:$0x14500] =	vst v63  }
0x10c: {  	s9 =	simm.s32 $0x2  }
0x10d: {  	[tilespmem:s26], [sflag:$0x1] =	stream.indirect_vreg.gather [hbm4b:s6+s3], $0x80, v3, vm0, $0xb8;
	[tilespmem:$0x14500] =	vst v63  }
0x10e: {  	_ =	swait.ge [sflag:s9], $0xA000  }
0x10f: {  	[sflag:s9] =	ssyncset.done $0x0  }
0x110: {  	s30 =	rddreg [dreg:$0xa];
	[sflag:s9] =	ssyncadd.s32 $0xFFFF6000  }
0x111: {  	[hbm4b:s30+s3] =	stream.linear.scatter [tilespmem:s28], [sflag:$0x3], $0xA000, $0x38;
	[tilespmem:$0x14500] =	vst v63  }
0x112: {  	_ =	swait.ge [sflag:s8], $0xA000  }
0x113: {  	[sflag:s8] =	ssyncset.done $0x0  }
0x114: {  	[sflag:s8] =	ssyncadd.s32 $0xFFFF6000  }
0x115: {  	v3 =	vld [tilespmem:$0x478];
	_ =	sdelay $0x4  }
0x116: {  	v61 =	vshll.u32 v3, $0x3  }
0x117: {  	v3 =	vand.u32 $0x7, v3;
	v4 =	vand.u32 $0xFFFFFFC0, v61  }
0x118: {  	v3 =	vor.u32 v3, v4  }
0x119: {  	v4 =	vperm.xlane v3, v0;
	_ =	sdelay $0x1  }
0x11a: {  	v4 =	vadd.s32 v1, v4;
	_ =	sdelay $0x4  }
0x11b: {  	[tilespmem:s28], [sflag:$0x2] =	stream.indirect_vreg.gather [hbm4b:s2+s3], $0x80, v4, vm0, $0xb8;
	[tilespmem:$0x14500] =	vst v63  }
0x11c: {  	s30 =	simm.s32 $0xAD00;
	v3 =	vperm.xlane v3, v2  }
0x11d: {  	[tilespmem:s30], [sflag:$0x2] =	stream.indirect_vreg.gather [hbm4b:s4+s3], $0x80, v4, vm0, $0xb8;
	[tilespmem:$0x14500] =	vst v63  }
0x11e: {  	v3 =	vadd.s32 v1, v3  }
0x11f: {  	[tilespmem:s29], [sflag:$0x2] =	stream.indirect_vreg.gather [hbm4b:s5+s3], $0x80, v4, vm0, $0xb8;
	[tilespmem:$0x14500] =	vst v63  }
0x120: {  	s30 =	simm.s32 $0xBD00  }
0x121: {  	[tilespmem:s30], [sflag:$0x2] =	stream.indirect_vreg.gather [hbm4b:s6+s3], $0x80, v4, vm0, $0xb8;
	[tilespmem:$0x14500] =	vst v63  }
0x122: {  	s30 =	simm.s32 $0xC500  }
0x123: {  	[tilespmem:s30], [sflag:$0x2] =	stream.indirect_vreg.gather [hbm4b:s2+s3], $0x80, v3, vm0, $0xb8;
	[tilespmem:$0x14500] =	vst v63  }
0x124: {  	s30 =	simm.s32 $0xCD00  }
0x125: {  	[tilespmem:s30], [sflag:$0x2] =	stream.indirect_vreg.gather [hbm4b:s4+s3], $0x80, v3, vm0, $0xb8;
	[tilespmem:$0x14500] =	vst v63  }
0x126: {  	s30 =	simm.s32 $0xD500  }
0x127: {  	[tilespmem:s30], [sflag:$0x2] =	stream.indirect_vreg.gather [hbm4b:s5+s3], $0x80, v3, vm0, $0xb8;
	[tilespmem:$0x14500] =	vst v63  }
0x128: {  	s30 =	simm.s32 $0xDD00  }
0x129: {  	[tilespmem:s30], [sflag:$0x2] =	stream.indirect_vreg.gather [hbm4b:s6+s3], $0x80, v3, vm0, $0xb8;
	[tilespmem:$0x14500] =	vst v63  }
0x12a: {  	v3 =	vld [tilespmem:$0x488];
	_ =	sdelay $0x4  }
0x12b: {  	v62 =	vshll.u32 v3, $0x3  }
0x12c: {  	v3 =	vand.u32 $0x7, v3;
	v4 =	vand.u32 $0xFFFFFFC0, v62  }
0x12d: {  	v3 =	vor.u32 v3, v4  }
0x12e: {  	v4 =	vperm.xlane v3, v0;
	_ =	sdelay $0x1  }
0x12f: {  	v4 =	vadd.s32 v1, v4;
	_ =	sdelay $0x3  }
0x130: {  	s30 =	simm.s32 $0xE500  }
0x131: {  	[tilespmem:s30], [sflag:$0x2] =	stream.indirect_vreg.gather [hbm4b:s2+s3], $0x80, v4, vm0, $0xb8;
	[tilespmem:$0x14500] =	vst v63  }
0x132: {  	v3 =	vperm.xlane v3, v2;
	s30 =	simm.s32 $0xED00  }
0x133: {  	[tilespmem:s30], [sflag:$0x2] =	stream.indirect_vreg.gather [hbm4b:s4+s3], $0x80, v4, vm0, $0xb8;
	[tilespmem:$0x14500] =	vst v63  }
0x134: {  	v3 =	vadd.s32 v1, v3;
	s30 =	simm.s32 $0xF500  }
0x135: {  	[tilespmem:s30], [sflag:$0x2] =	stream.indirect_vreg.gather [hbm4b:s5+s3], $0x80, v4, vm0, $0xb8;
	[tilespmem:$0x14500] =	vst v63  }
0x136: {  	s30 =	simm.s32 $0xFD00  }
0x137: {  	[tilespmem:s30], [sflag:$0x2] =	stream.indirect_vreg.gather [hbm4b:s6+s3], $0x80, v4, vm0, $0xb8;
	[tilespmem:$0x14500] =	vst v63  }
0x138: {  	s30 =	simm.s32 $0x10500  }
0x139: {  	[tilespmem:s30], [sflag:$0x2] =	stream.indirect_vreg.gather [hbm4b:s2+s3], $0x80, v3, vm0, $0xb8;
	[tilespmem:$0x14500] =	vst v63  }
0x13a: {  	s30 =	simm.s32 $0x10D00  }
0x13b: {  	[tilespmem:s30], [sflag:$0x2] =	stream.indirect_vreg.gather [hbm4b:s4+s3], $0x80, v3, vm0, $0xb8;
	[tilespmem:$0x14500] =	vst v63  }
0x13c: {  	s30 =	simm.s32 $0x11500  }
0x13d: {  	[tilespmem:s30], [sflag:$0x2] =	stream.indirect_vreg.gather [hbm4b:s5+s3], $0x80, v3, vm0, $0xb8;
	[tilespmem:$0x14500] =	vst v63  }
0x13e: {  	s30 =	simm.s32 $0x11D00  }
0x13f: {  	[tilespmem:s30], [sflag:$0x2] =	stream.indirect_vreg.gather [hbm4b:s6+s3], $0x80, v3, vm0, $0xb8;
	[tilespmem:$0x14500] =	vst v63  }
0x140: {  	v3 =	vld.msk [tilespmem:$0x498], $0xff;
	_ =	sdelay $0x4  }
0x141: {  	v63 =	vshll.u32 v3, $0x3  }
0x142: {  	v3 =	vand.u32 $0x7, v3;
	v4 =	vand.u32 $0xFFFFFFC0, v63  }
0x143: {  	v3 =	vor.u32 v3, v4  }
0x144: {  	v3 =	vperm.xlane v3, v0;
	_ =	sdelay $0x1  }
0x145: {  	v3 =	vadd.s32 v1, v3;
	_ =	sdelay $0x3  }
0x146: {  	s30 =	simm.s32 $0x12500  }
0x147: {  	[tilespmem:s30], [sflag:$0x2] =	stream.indirect_vreg.gather [hbm4b:s2+s3], $0x80, v3, vm0, $0xb8;
	[tilespmem:$0x14500] =	vst v63  }
0x148: {  	s30 =	simm.s32 $0x12D00  }
0x149: {  	[tilespmem:s30], [sflag:$0x2] =	stream.indirect_vreg.gather [hbm4b:s4+s3], $0x80, v3, vm0, $0xb8;
	[tilespmem:$0x14500] =	vst v63  }
0x14a: {  	s30 =	simm.s32 $0x13500  }
0x14b: {  	[tilespmem:s30], [sflag:$0x2] =	stream.indirect_vreg.gather [hbm4b:s5+s3], $0x80, v3, vm0, $0xb8;
	[tilespmem:$0x14500] =	vst v63  }
0x14c: {  	s30 =	simm.s32 $0x13D00  }
0x14d: {  	[tilespmem:s30], [sflag:$0x2] =	stream.indirect_vreg.gather [hbm4b:s6+s3], $0x80, v3, vm0, $0xb8;
	[tilespmem:$0x14500] =	vst v63  }
0x14e: {  	_ =	swait.ge [sflag:s0], $0xA000  }
0x14f: {  	[sflag:s0] =	ssyncset.done $0x0  }
0x150: {  	s30 =	rddreg [dreg:$0xb];
	[sflag:s0] =	ssyncadd.s32 $0xFFFF6000  }
0x151: {  	[hbm4b:s30+s3] =	stream.linear.scatter [tilespmem:s31], [sflag:$0x3], $0xA000, $0x38;
	[tilespmem:$0x14500] =	vst v63  }
0x152: {  	_ =	swait.ge [sflag:s8], $0xA000  }
0x153: {  	[sflag:s8] =	ssyncset.done $0x0  }
0x154: {  	[sflag:s8] =	ssyncadd.s32 $0xFFFF6000  }
0x155: {  	_ =	swait.ge [sflag:s9], $0xA000  }
0x156: {  	p0 =	sne.s32 s7, $0x1;
	[sflag:s9] =	ssyncset.done $0x0  }
.Ltmp0:
0x157: {  	s30 =	rddreg [dreg:$0xc];
	[sflag:s9] =	ssyncadd.s32 $0xFFFF6000;
	(pc) =	sbr.rel @p0 .LBB2_1-.Ltmp0, $4  }
0x158: {  	[hbm4b:s30+s3] =	stream.linear.scatter [tilespmem:s28], [sflag:$0x3], $0xA000, $0x38;
	[tilespmem:$0x14500] =	vst v63  }
0x159: {  	_ =	swait.ge [sflag:s8], $0xA000  }
0x15a: {  	[sflag:s8] =	ssyncset.done $0x0  }
0x15b: {  	s7 =	sadd.s32 $0xFFFFFFFF, s7;
	[sflag:s8] =	ssyncadd.s32 $0xFFFF6000  }
0x15c: {  	_ =	sfence.sel $0x180000  }
0x15d: {  	[bflag:$0x0] =	sbarrier.arrive $0xFFFF  }
0x15e: {  	_ =	strace $0x9000004A  }
0x15f: {  	s0 =	stileid.u32;
	[bflag:$0x2] =	sbarrier.arrive $0xFFFF  }
0x160: {  	p0 =	sne.s32 s0, $0x0;
	s0 =	rddreg [dreg:$0x3]  }
0x161: {  	s0 =	sadd.s32 @!p0 $0x100000, s0  }
0x162: {  	[sflag:s0] =	ssyncadd.tile.s32 @!p0 $0x1;
	_ =	shalt  }
.Lfunc_end2:
_tile_overlayer_lowered:
.L_overlay_start_2:
0x163: {  	(tag) =	ssettag $0x2  }
0x164: {  	s0 =	rddreg [dreg:$0x0];
	s2 =	stileid.u32  }
0x165: {  	s1 =	rddreg [dreg:$0x1];
	p0 =	sne.s32 s2, $0x0  }
0x166: {  	s3 =	rddreg [dreg:$0x2];
	[bflag:$0x3] =	sbarrier.arrive $0xFFFF;
	s2 =	simm.s32 @!p0 $0x1C03  }
0x167: {  	[timem:s3], [sflag:s2] =	dma.local @!p0 [hbm:s0], s1  }
0x168: {  	s0 =	simm.s32 @!p0 $0x3  }
0x169: {  	_ =	swait.ge @!p0 [sflag:s0], s1  }
0x16a: {  	s1 =	ssub.s32 @!p0 $0x0, s1;
	[sflag:s0] =	ssyncset.done @!p0 $0x0  }
0x16b: {  	[sflag:s0] =	ssyncadd.s32 @!p0 s1  }
0x16c: {  	[bflag:$0x3] =	sbarrier.arrive $0xFFFF  }
0x16d: {  	_ =	shalt  }

// kernel: _moe_sparse.13.cloned.1.call-start
scs
__scs_entry_jumppad:
0x0: {  	(pc) =	sbr.rel $0x88, $3  }
0x1: {  	(tag) =	ssettag $0x0;
	lr =	simm.s32 $0x1  }
0x2: {  	[smem:$0x3F9D] =	sst lr;
	_ =	strace $0xD0000000  }
0x3: {  	_ = 	snop  }
0x4: {  	_ = 	snop  }
0x5: {  	_ = 	snop  }
0x6: {  	_ = 	snop  }
0x7: {  	_ = 	snop  }
__scs_overlays_trampoline_lowered:
0x8: {  	[smem:$0x3FAC] =	sst s0  }
0x9: {  	[smem:$0x3FAD] =	sst s1  }
0xa: {  	[smem:$0x3FAE] =	sst s2  }
0xb: {  	[smem:$0x3FAF] =	sst s3  }
0xc: {  	[smem:$0x3FB0] =	sst s4  }
0xd: {  	[smem:$0x3FB1] =	sst s5  }
0xe: {  	[smem:$0x3FB2] =	sst s6  }
0xf: {  	[smem:$0x3FB3] =	sst s7  }
0x10: {  	[smem:$0x3FB4] =	sst s8  }
0x11: {  	[smem:$0x3FB5] =	sst s9;
	s0 =	simm.s32 @!p0 $0x0  }
0x12: {  	s1 =	sld [smem:$0x3F9B];
	s0 =	simm.s32 @p0 $0x1  }
0x13: {  	[smem:$0x3FB6] =	sst s0;
	s0 =	simm.s32 @!p1 $0x0  }
0x14: {  	s2 =	sld [smem:$0x3F9A];
	s0 =	simm.s32 @p1 $0x1  }
0x15: {  	[smem:$0x3FB7] =	sst s0;
	s0 =	simm.s32 @!p2 $0x0  }
0x16: {  	s3 =	sld [smem:$0x3FDB];
	s0 =	simm.s32 @p2 $0x1  }
0x17: {  	s4 =	simm.s32 $0x1BF5;
	[smem:$0x3FB9] =	sst s0  }
0x18: {  	s0 =	sld [smem:$0x3F9C];
	_ =	swait.ge [sflag:s4], $0x0  }
0x19: {  	s7 =	sld [smem:$0x3F9D]  }
0x1a: {  	s8 =	sadd.s32 $0xFFFFE003, lr  }
0x1b: {  	s9 =	sadd.s32 $0xFFFFFEF7, lr;
	s5 =	simm.s32 $0xFFFFFFFF;
	p2 =	slt.u32 s8, $0xFFFFF086  }
0x1c: {  	p1 =	slt.u32 s9, $0xF7A;
	s5 =	simm.s32 @!p2 $0x0  }
0x1d: {  	s5 =	simm.s32 @p1 $0x1;
	p0 =	seq.s32 s7, s2  }
0x1e: {  	s7 =	smul.u32 @!p0 $0xF7A, s2;
	p2 =	seq.s32 @!p0 s5, $0x0  }
0x1f: {  	s9 =	smul.u32 $0xF7A, s1;
	s8 =	simm.s32 @!p0 $0x1BF5;
	p2 =	por !p2, p0  }
0x20: {  	[sflag:s8] =	ssyncset.s32 @!p0 $0xFFFFF086;
	s6 =	sadd.s32 @!p0 s3, s7;
	s7 =	simm.s32 @!p0 $0x108  }
0x21: {  	s3 =	sadd.s32 s3, s9;
	s6 =	sadd.s32 @!p0 $0x88, s6;
	s7 =	simm.s32 @p2 $0x1082  }
0x22: {  	[simem:s7], [sflag:s8] =	dma.local @!p0 [hbm:s6], $0xF7A  }
0x23: {  	s9 =	sor.u32 $0xD0000000, s2;
	s6 =	simm.s32 $0x108;
	_ =	swait.ge @!p0 [sflag:s8], $0x0  }
0x24: {  	s3 =	sadd.s32 $0x88, s3;
	s6 =	simm.s32 @!p1 $0x1082;
	[sflag:s4] =	ssyncset.s32 $0xFFFFF086  }
0x25: {  	[simem:s6], [sflag:s4] =	dma.local [hbm:s3], $0xF7A  }
0x26: {  	[smem:$0x3F9D] =	sst s1;
	(tag) =	ssettag s2;
	_ =	strace s9  }
0x27: {  	s1 =	sld [smem:$0x3FAD]  }
0x28: {  	s2 =	sld [smem:$0x3FAE]  }
0x29: {  	s4 =	sld [smem:$0x3FB0]  }
0x2a: {  	p0 =	seq.s32 s5, $0x0;
	s5 =	sld [smem:$0x3FB1]  }
0x2b: {  	s6 =	sld [smem:$0x3FB2]  }
0x2c: {  	s7 =	sld [smem:$0x3FB3]  }
0x2d: {  	s3 =	simm.s32 $0x108;
	s8 =	sld [smem:$0x3FB4]  }
0x2e: {  	s3 =	simm.s32 @!p0 $0x1082;
	s9 =	sld [smem:$0x3FB5]  }
0x2f: {  	lr =	sadd.s32 s0, s3;
	s0 =	sld [smem:$0x3FAC]  }
0x30: {  	s3 =	sld [smem:$0x3FAF]  }
0x31: {  	[smem:$0x3FB8] =	sst s10  }
0x32: {  	s10 =	sld [smem:$0x3FB6];
	_ =	sdelay $0x3  }
0x33: {  	p0 =	seq.s32 s10, $0x1;
	s10 =	sld [smem:$0x3FB8];
	_ =	sdelay $0x3  }
0x34: {  	[smem:$0x3FB8] =	sst s10  }
0x35: {  	s10 =	sld [smem:$0x3FB7];
	_ =	sdelay $0x3  }
0x36: {  	p1 =	seq.s32 s10, $0x1;
	s10 =	sld [smem:$0x3FB8];
	_ =	sdelay $0x3  }
0x37: {  	[smem:$0x3FB8] =	sst s10  }
0x38: {  	s10 =	sld [smem:$0x3FB9]  }
0x39: {  	_ = 	snop;
	(pc) =	sbr.ind lr, $3  }
0x3a: {  	_ = 	snop  }
0x3b: {  	_ = 	snop  }
0x3c: {  	p2 =	seq.s32 s10, $0x1;
	s10 =	sld [smem:$0x3FB8]  }
0x3d: {  	_ =	shalt  }
0x3e: {  	_ =	shalt  }
0x3f: {  	_ =	shalt  }
0x40: {  	_ =	shalt  }
0x41: {  	_ =	shalt  }
0x42: {  	_ =	shalt  }
0x43: {  	_ =	shalt  }
0x44: {  	_ =	shalt  }
0x45: {  	_ =	shalt  }
0x46: {  	_ =	shalt  }
0x47: {  	_ =	shalt  }
0x48: {  	_ =	shalt  }
0x49: {  	_ =	shalt  }
0x4a: {  	_ =	shalt  }
0x4b: {  	_ =	shalt  }
0x4c: {  	_ =	shalt  }
0x4d: {  	_ =	shalt  }
0x4e: {  	_ =	shalt  }
0x4f: {  	_ =	shalt  }
0x50: {  	_ =	shalt  }
0x51: {  	_ =	shalt  }
0x52: {  	_ =	shalt  }
0x53: {  	_ =	shalt  }
0x54: {  	_ =	shalt  }
0x55: {  	_ =	shalt  }
0x56: {  	_ =	shalt  }
0x57: {  	_ =	shalt  }
0x58: {  	_ =	shalt  }
0x59: {  	_ =	shalt  }
0x5a: {  	_ =	shalt  }
0x5b: {  	_ =	shalt  }
0x5c: {  	_ =	shalt  }
0x5d: {  	_ =	shalt  }
0x5e: {  	_ =	shalt  }
0x5f: {  	_ =	shalt  }
0x60: {  	_ =	shalt  }
0x61: {  	_ =	shalt  }
0x62: {  	_ =	shalt  }
0x63: {  	_ =	shalt  }
0x64: {  	_ =	shalt  }
0x65: {  	_ =	shalt  }
0x66: {  	_ =	shalt  }
0x67: {  	_ =	shalt  }
0x68: {  	_ =	shalt  }
0x69: {  	_ =	shalt  }
0x6a: {  	_ =	shalt  }
0x6b: {  	_ =	shalt  }
0x6c: {  	_ =	shalt  }
0x6d: {  	_ =	shalt  }
0x6e: {  	_ =	shalt  }
0x6f: {  	_ =	shalt  }
0x70: {  	_ =	shalt  }
0x71: {  	_ =	shalt  }
0x72: {  	_ =	shalt  }
0x73: {  	_ =	shalt  }
0x74: {  	_ =	shalt  }
0x75: {  	_ =	shalt  }
0x76: {  	_ =	shalt  }
0x77: {  	_ =	shalt  }
0x78: {  	_ =	shalt  }
0x79: {  	_ =	shalt  }
0x7a: {  	_ =	shalt  }
0x7b: {  	_ =	shalt  }
0x7c: {  	_ =	shalt  }
0x7d: {  	_ =	shalt  }
0x7e: {  	_ =	shalt  }
0x7f: {  	_ =	shalt  }
0x80: {  	_ =	shalt  }
0x81: {  	_ =	shalt  }
0x82: {  	_ =	shalt  }
0x83: {  	_ =	shalt  }
0x84: {  	_ =	shalt  }
0x85: {  	_ =	shalt  }
0x86: {  	_ =	shalt  }
0x87: {  	_ =	shalt  }
.Lfunc_end0:
.L_simem_size_0:
called_computation.2_lowered:
.L_overlay_start_0:
0x88: {  	s2 =	sld [smem:$0x3FD9]  }
0x89: {  	s3 =	sld [smem:$0x3FFE];
	_ =	sdelay $0x1  }
0x8a: {  	s1 =	srdreg.scid  }
0x8b: {  	s0 =	sand.u32 $0x1, s1  }
0x8c: {  	s14 =	sshll.u32 s0, $0xA;
	s2 =	sadd.s32 s3, s2  }
0x8d: {  	s2 =	sadd.s32 s2, s14  }
0x8e: {  	[smem:$0x3FC4] =	sst s2  }
0x8f: {  	_ = 	snop  }
0x90: {  	s2 =	sld [smem:$0x3FD0];
	_ =	sdelay $0x2  }
0x91: {  	s15 =	simm.s32 $0xA;
	s4 =	simm.s32 $0x10  }
0x92: {  	[smem:s4], [sflag:s15] =	dma.local [hbm:s2], $0x1  }
0x93: {  	_ =	swait.eq [sflag:s15], $0x1  }
0x94: {  	[sflag:s15] =	ssyncset.done $0x0  }
0x95: {  	[sflag:s15] =	ssyncadd.s32 $0xFFFFFFFF  }
0x96: {  	s16 =	sld [smem:$0x10];
	(tm) =	ssettm $0x1  }
0x97: {  	s17 =	sld [smem:$0x3FFB];
	_ =	sdelay $0x3  }
0x98: {  	_ =	strace s17  }
0x99: {  	s3 =	sld [smem:$0x3FFC];
	_ =	sdelay $0x3  }
0x9a: {  	_ =	strace s3  }
0x9b: {  	s3 =	sld [smem:$0x3FFD];
	_ =	sdelay $0x3  }
0x9c: {  	_ =	strace s3  }
0x9d: {  	_ =	strace $0x8FFFFFFF  }
0x9e: {  	s18 =	sld [smem:$0x3FDB];
	_ =	sdelay $0x1  }
0x9f: {  	s19 =	simm.s32 $_scs_section_size  }
0xa0: {  	s5 =	simm.s32 $_size__tile_overlayer_lowered;
	s6 =	simm.s32 $_tile_overlayer_lowered  }
0xa1: {  	s22 =	simm.s32 $0x1BFF;
	s21 =	sshll.u32 s6, $0x1;
	s3 =	sadd.s32 s19, s18  }
0xa2: {  	s7 =	simm.s32 $0x0;
	s20 =	sshll.u32 s5, $0x1;
	s5 =	sadd.s32 s21, s3  }
0xa3: {  	[timem:s7], [sflag:s22] =	dma.local [hbm:s5], s20  }
0xa4: {  	_ =	swait.ge [sflag:s22], s20  }
0xa5: {  	s4 =	ssub.s32 $0x0, s20;
	[sflag:s22] =	ssyncset.done $0x0  }
0xa6: {  	[sflag:s22] =	ssyncadd.s32 s4;
	_ =	sdelay $0x1  }
0xa7: {  	s23 =	simm.s32 $0x1B8B  }
0xa8: {  	_ =	swait.ge [sflag:s23], $0x1  }
0xa9: {  	[sflag:s23] =	ssyncset.done $0x0  }
0xaa: {  	s25 =	simm.s32 $0x1B8E;
	s24 =	sld [smem:$0x3FFE];
	[sflag:s23] =	ssyncadd.s32 $0xFFFFFFFF  }
0xab: {  	s26 =	simm.s32 $execute0_lowered;
	[smem:$0x3FD2] =	sst s25  }
0xac: {  	s5 =	sshll.u32 s26, $0x1;
	_ =	strace $0x8000004C;
	[dreg:$0x1] =	wrdreg $0xFFFFFFFF  }
0xad: {  	s28 =	simm.s32 $_size_execute0_lowered;
	s3 =	sadd.s32 s3, s5;
	[dreg:$0x0] =	wrdreg $0x0  }
0xae: {  	s5 =	sshll.u32 s28, $0x1;
	[dreg:$0x2] =	wrdreg s3  }
0xaf: {  	[dreg:$0x3] =	wrdreg s5  }
0xb0: {  	[dreg:$0x4] =	wrdreg $0xC0  }
0xb1: {  	_ =	task [dreg:s7], $0x5FFFF  }
0xb2: {  	[dreg:$0x1] =	wrdreg $0xFFFFFFFF  }
0xb3: {  	[dreg:$0x0] =	wrdreg $0x60  }
0xb4: {  	[dreg:$0x2] =	wrdreg s24  }
0xb5: {  	[dreg:$0x3] =	wrdreg s16  }
0xb6: {  	[dreg:$0x4] =	wrdreg $0x9  }
0xb7: {  	_ =	task.clear_ibuf [dreg:s7], $0x5FFFF;
	_ =	strace $0x9000004C  }
0xb8: {  	s29 =	simm.s32 $0x9;
	_ =	strace $0x8000004E  }
0xb9: {  	_ =	swait.ge [sflag:s29], $0x1  }
0xba: {  	[sflag:s29] =	ssyncadd.s32 $0xFFFFFFFF  }
0xbb: {  	_ =	strace $0x9000004E  }
0xbc: {  	_ =	sfence  }
0xbd: {  	s30 =	sld [smem:$0x0];
	_ =	sdelay $0x2  }
0xbe: {  	s31 =	sshll.u32 s1, $0xD;
	s1 =	sshrl.u32 s1, $0x2  }
0xbf: {  	s3 =	sand.u32 $0x4000, s31;
	s1 =	sadd.s32 s1, s30  }
0xc0: {  	s0 =	sor.u32 s3, s0;
	s1 =	sshll.u32 s1, $0x11  }
0xc1: {  	s0 =	sor.u32 s1, s0  }
0xc2: {  	s0 =	sadd.s32 $0x8F2B, s0  }
0xc3: {  	[sflag:s0] =	ssyncadd.remote.s32 $0x1  }
0xc4: {  	_ =	sfence.sel $0xFFFF  }
0xc5: {  	[dreg:$0x0] =	wrdreg $0xFFFFFFFF;
	(pc) =	sbr.abs _section_cstart, $3  }
0xc6: {  	[dreg:$0x1] =	wrdreg $0xFFFFFFFF  }
0xc7: {  	_ =	task.clear_ibuf [dreg:s7], $0x2FFFF;
	_ =	strace $0x9FFFFFFF  }
0xc8: {  	(tm) =	ssettm $0x7FFFFFFF  }
0xc9: {  	_ =	shalt  }
tec
execute0_lowered:
.L_overlay_start_1:
0x0: {  	(tag) =	ssettag $0x1  }
0x1: {  	s0 =	rddreg [dreg:$0x0]  }
0x2: {  	s1 =	rddreg [dreg:$0x1]  }
0x3: {  	s2 =	simm.s32 $0x0;
	s3 =	srdreg.scid;
	s6 =	stileid.u32  }
0x4: {  	s14 =	simm.s32 $0x3;
	s18 =	simm.s32 $0xAA00;
	s19 =	simm.s32 $0xB200  }
0x5: {  	s20 =	simm.s32 $0xBA00;
	s21 =	simm.s32 $0xC200;
	s12 =	simm.s32 $0xEA00  }
0x6: {  	s13 =	simm.s32 $0xFA00;
	s28 =	simm.s32 $0x2;
	s29 =	simm.s32 $0x10200  }
0x7: {  	s30 =	simm.s32 $0x0;
	[smem:$0x7FF] =	sst s2;
	s4 =	sand.u32 $0x1, s3  }
0x8: {  	s3 =	sadd.s32 $0xA3A00, s0;
	s6 =	sshll.u32 s6, $0x6;
	s7 =	sadd.s32 $0x2C00, s0  }
0x9: {  	s10 =	sadd.s32 $0xA3D00, s0;
	s5 =	sshll.u32 s4, $0xA;
	s4 =	ssub.s32 $0x2, s4  }
0xa: {  	_ =	strace $0x8000004D;
	s5 =	sor.u32 s6, s5;
	s22 =	sshrl.u32 s4, $0x1  }
0xb: {  	s8 =	sshrl.u32 s5, $0x3;
	s11 =	sor.u32 $0x20, s5;
	s6 =	ssub.s32 s4, s22  }
0xc: {  	s5 =	sshll.u32 s5, $0x7;
	s22 =	simm.s32 $0xCA00;
	s4 =	sadd.s32 s7, s8  }
0xd: {  	s23 =	sshrl.u32 s11, $0x3;
	s8 =	sadd.s32 $0xA3B00, s0;
	s25 =	sadd.s32 s1, s5  }
0xe: {  	s26 =	sshll.u32 s11, $0x7;
	s31 =	smax.u32 s6, $0x1;
	[dreg:$0x6] =	wrdreg s25  }
0xf: {  	s5 =	simm.s32 $0x9200;
	s9 =	sadd.s32 $0x100, s4;
	[dreg:$0x8] =	wrdreg s31  }
0x10: {  	s6 =	simm.s32 $0x9A00;
	s7 =	sadd.s32 s7, s23;
	[dreg:$0x3] =	wrdreg s9  }
0x11: {  	s11 =	simm.s32 $0xD200;
	s24 =	sadd.s32 $0x104, s4;
	[dreg:$0x4] =	wrdreg s7  }
0x12: {  	v2 =	vlaneseq.u32;
	s23 =	simm.s32 $0xDA00;
	s25 =	simm.s32 $0xF200;
	[dreg:$0x5] =	wrdreg s24  }
0x13: {  	vm0 =	vmmov $0xffff;
	v1 =	vshrl.u32 v2, $0x3;
	s9 =	sadd.s32 $0xA3C00, s0;
	s0 =	sadd.s32 s1, s26;
	s7 =	simm.s32 $0xA200  }
0x14: {  	v0 =	vand.u32 $0x7, v2;
	v2 =	vor.u32 $0x8, v2;
	v1 =	vmul.u32 $0x8, v1;
	s24 =	simm.s32 $0xE200;
	s26 =	simm.s32 $0x1;
	[dreg:$0x7] =	wrdreg s0  }
.LBB2_1:
0x15: {  	[tilespmem:s2], [sflag:$0x3] =	stream.linear.gather [hbm4b:s4+s2], $0x20, $0x38;
	[tilespmem:$0x18200] =	vst v63  }
0x16: {  	_ =	swait.ge [sflag:s14], $0x20  }
0x17: {  	[sflag:s14] =	ssyncset.done $0x0  }
0x18: {  	s1 =	simm.s32 $0x100;
	s0 =	rddreg [dreg:$0x3];
	[sflag:s14] =	ssyncadd.s32 $0xFFFFFFE0  }
0x19: {  	[tilespmem:s1], [sflag:$0x3] =	stream.linear.gather [hbm4b:s0+s2], $0x20, $0x38;
	[tilespmem:$0x18200] =	vst v63  }
0x1a: {  	_ =	swait.ge [sflag:s14], $0x20  }
0x1b: {  	[sflag:s14] =	ssyncset.done $0x0  }
0x1c: {  	s17 =	simm.s32 $0x80;
	s16 =	rddreg [dreg:$0x4];
	[sflag:s14] =	ssyncadd.s32 $0xFFFFFFE0  }
0x1d: {  	[tilespmem:s17], [sflag:$0x3] =	stream.linear.gather [hbm4b:s16+s2], $0x20, $0x38;
	[tilespmem:$0x18200] =	vst v63  }
0x1e: {  	_ =	swait.ge [sflag:s14], $0x20  }
0x1f: {  	[sflag:s14] =	ssyncset.done $0x0  }
0x20: {  	s15 =	simm.s32 $0x180;
	s1 =	rddreg [dreg:$0x5];
	[sflag:s14] =	ssyncadd.s32 $0xFFFFFFE0  }
0x21: {  	[tilespmem:s15], [sflag:$0x3] =	stream.linear.gather [hbm4b:s1+s2], $0x20, $0x38;
	[tilespmem:$0x18200] =	vst v63  }
0x22: {  	_ =	swait.ge [sflag:s14], $0x20  }
0x23: {  	[sflag:s14] =	ssyncset.done $0x0  }
0x24: {  	[sflag:s14] =	ssyncadd.s32 $0xFFFFFFE0  }
0x25: {  	v3 =	vld [tilespmem:$0x0];
	_ =	sdelay $0x4  }
0x26: {  	v4 =	vshll.u32 v3, $0x3  }
0x27: {  	v3 =	vand.u32 $0x7, v3;
	v4 =	vand.u32 $0xFFFFFFC0, v4  }
0x28: {  	v3 =	vor.u32 v3, v4  }
0x29: {  	v4 =	vperm.xlane v3, v0;
	_ =	sdelay $0x1  }
0x2a: {  	v4 =	vadd.s32 v1, v4;
	_ =	sdelay $0x3  }
0x2b: {  	s16 =	simm.s32 $0x200  }
0x2c: {  	[tilespmem:s16], [sflag:$0x1] =	stream.indirect_vreg.gather [hbm4b:s3+s2], $0x80, v4, vm0, $0xb8;
	[tilespmem:$0x18200] =	vst v63  }
0x2d: {  	s17 =	simm.s32 $0xA00;
	v3 =	vperm.xlane v3, v2  }
0x2e: {  	[tilespmem:s17], [sflag:$0x1] =	stream.indirect_vreg.gather [hbm4b:s8+s2], $0x80, v4, vm0, $0xb8;
	[tilespmem:$0x18200] =	vst v63  }
0x2f: {  	s1 =	simm.s32 $0x1200;
	v3 =	vadd.s32 v1, v3  }
0x30: {  	[tilespmem:s1], [sflag:$0x1] =	stream.indirect_vreg.gather [hbm4b:s9+s2], $0x80, v4, vm0, $0xb8;
	[tilespmem:$0x18200] =	vst v63  }
0x31: {  	s15 =	simm.s32 $0x1A00  }
0x32: {  	[tilespmem:s15], [sflag:$0x1] =	stream.indirect_vreg.gather [hbm4b:s10+s2], $0x80, v4, vm0, $0xb8;
	[tilespmem:$0x18200] =	vst v63  }
0x33: {  	s16 =	simm.s32 $0x2200  }
0x34: {  	[tilespmem:s16], [sflag:$0x1] =	stream.indirect_vreg.gather [hbm4b:s3+s2], $0x80, v3, vm0, $0xb8;
	[tilespmem:$0x18200] =	vst v63  }
0x35: {  	s17 =	simm.s32 $0x2A00  }
0x36: {  	[tilespmem:s17], [sflag:$0x1] =	stream.indirect_vreg.gather [hbm4b:s8+s2], $0x80, v3, vm0, $0xb8;
	[tilespmem:$0x18200] =	vst v63  }
0x37: {  	s1 =	simm.s32 $0x3200  }
0x38: {  	[tilespmem:s1], [sflag:$0x1] =	stream.indirect_vreg.gather [hbm4b:s9+s2], $0x80, v3, vm0, $0xb8;
	[tilespmem:$0x18200] =	vst v63  }
0x39: {  	s15 =	simm.s32 $0x3A00  }
0x3a: {  	[tilespmem:s15], [sflag:$0x1] =	stream.indirect_vreg.gather [hbm4b:s10+s2], $0x80, v3, vm0, $0xb8;
	[tilespmem:$0x18200] =	vst v63  }
0x3b: {  	v3 =	vld [tilespmem:$0x10];
	_ =	sdelay $0x4  }
0x3c: {  	v61 =	vshll.u32 v3, $0x3  }
0x3d: {  	v3 =	vand.u32 $0x7, v3;
	v4 =	vand.u32 $0xFFFFFFC0, v61  }
0x3e: {  	v3 =	vor.u32 v3, v4  }
0x3f: {  	v4 =	vperm.xlane v3, v0;
	_ =	sdelay $0x1  }
0x40: {  	v4 =	vadd.s32 v1, v4;
	_ =	sdelay $0x3  }
0x41: {  	s16 =	simm.s32 $0x4200  }
0x42: {  	[tilespmem:s16], [sflag:$0x1] =	stream.indirect_vreg.gather [hbm4b:s3+s2], $0x80, v4, vm0, $0xb8;
	[tilespmem:$0x18200] =	vst v63  }
0x43: {  	s17 =	simm.s32 $0x4A00;
	v3 =	vperm.xlane v3, v2  }
0x44: {  	[tilespmem:s17], [sflag:$0x1] =	stream.indirect_vreg.gather [hbm4b:s8+s2], $0x80, v4, vm0, $0xb8;
	[tilespmem:$0x18200] =	vst v63  }
0x45: {  	s1 =	simm.s32 $0x5200;
	v3 =	vadd.s32 v1, v3  }
0x46: {  	[tilespmem:s1], [sflag:$0x1] =	stream.indirect_vreg.gather [hbm4b:s9+s2], $0x80, v4, vm0, $0xb8;
	[tilespmem:$0x18200] =	vst v63  }
0x47: {  	s15 =	simm.s32 $0x5A00  }
0x48: {  	[tilespmem:s15], [sflag:$0x1] =	stream.indirect_vreg.gather [hbm4b:s10+s2], $0x80, v4, vm0, $0xb8;
	[tilespmem:$0x18200] =	vst v63  }
0x49: {  	s16 =	simm.s32 $0x6200  }
0x4a: {  	[tilespmem:s16], [sflag:$0x1] =	stream.indirect_vreg.gather [hbm4b:s3+s2], $0x80, v3, vm0, $0xb8;
	[tilespmem:$0x18200] =	vst v63  }
0x4b: {  	s17 =	simm.s32 $0x6A00  }
0x4c: {  	[tilespmem:s17], [sflag:$0x1] =	stream.indirect_vreg.gather [hbm4b:s8+s2], $0x80, v3, vm0, $0xb8;
	[tilespmem:$0x18200] =	vst v63  }
0x4d: {  	s1 =	simm.s32 $0x7200  }
0x4e: {  	[tilespmem:s1], [sflag:$0x1] =	stream.indirect_vreg.gather [hbm4b:s9+s2], $0x80, v3, vm0, $0xb8;
	[tilespmem:$0x18200] =	vst v63  }
0x4f: {  	s15 =	simm.s32 $0x7A00  }
0x50: {  	[tilespmem:s15], [sflag:$0x1] =	stream.indirect_vreg.gather [hbm4b:s10+s2], $0x80, v3, vm0, $0xb8;
	[tilespmem:$0x18200] =	vst v63  }
0x51: {  	v3 =	vld [tilespmem:$0x100];
	_ =	sdelay $0x4  }
0x52: {  	v62 =	vshll.u32 v3, $0x3  }
0x53: {  	v3 =	vand.u32 $0x7, v3;
	v4 =	vand.u32 $0xFFFFFFC0, v62  }
0x54: {  	v3 =	vor.u32 v3, v4  }
0x55: {  	v4 =	vperm.xlane v3, v0;
	_ =	sdelay $0x1  }
0x56: {  	v4 =	vadd.s32 v1, v4;
	_ =	sdelay $0x3  }
0x57: {  	s16 =	simm.s32 $0x8200  }
0x58: {  	[tilespmem:s16], [sflag:$0x2] =	stream.indirect_vreg.gather [hbm4b:s3+s2], $0x80, v4, vm0, $0xb8;
	[tilespmem:$0x18200] =	vst v63  }
0x59: {  	s17 =	simm.s32 $0x8A00;
	v3 =	vperm.xlane v3, v2  }
0x5a: {  	[tilespmem:s17], [sflag:$0x2] =	stream.indirect_vreg.gather [hbm4b:s8+s2], $0x80, v4, vm0, $0xb8;
	[tilespmem:$0x18200] =	vst v63  }
0x5b: {  	v3 =	vadd.s32 v1, v3  }
0x5c: {  	[tilespmem:s5], [sflag:$0x2] =	stream.indirect_vreg.gather [hbm4b:s9+s2], $0x80, v4, vm0, $0xb8;
	[tilespmem:$0x18200] =	vst v63  }
0x5d: {  	_ = 	snop  }
0x5e: {  	[tilespmem:s6], [sflag:$0x2] =	stream.indirect_vreg.gather [hbm4b:s10+s2], $0x80, v4, vm0, $0xb8;
	[tilespmem:$0x18200] =	vst v63  }
0x5f: {  	_ = 	snop  }
0x60: {  	[tilespmem:s7], [sflag:$0x2] =	stream.indirect_vreg.gather [hbm4b:s3+s2], $0x80, v3, vm0, $0xb8;
	[tilespmem:$0x18200] =	vst v63  }
0x61: {  	_ = 	snop  }
0x62: {  	[tilespmem:s18], [sflag:$0x2] =	stream.indirect_vreg.gather [hbm4b:s8+s2], $0x80, v3, vm0, $0xb8;
	[tilespmem:$0x18200] =	vst v63  }
0x63: {  	_ = 	snop  }
0x64: {  	[tilespmem:s19], [sflag:$0x2] =	stream.indirect_vreg.gather [hbm4b:s9+s2], $0x80, v3, vm0, $0xb8;
	[tilespmem:$0x18200] =	vst v63  }
0x65: {  	_ = 	snop  }
0x66: {  	[tilespmem:s20], [sflag:$0x2] =	stream.indirect_vreg.gather [hbm4b:s10+s2], $0x80, v3, vm0, $0xb8;
	[tilespmem:$0x18200] =	vst v63  }
0x67: {  	v3 =	vld [tilespmem:$0x110];
	_ =	sdelay $0x4  }
0x68: {  	v63 =	vshll.u32 v3, $0x3  }
0x69: {  	v3 =	vand.u32 $0x7, v3;
	v4 =	vand.u32 $0xFFFFFFC0, v63  }
0x6a: {  	v3 =	vor.u32 v3, v4  }
0x6b: {  	v4 =	vperm.xlane v3, v0;
	_ =	sdelay $0x1  }
0x6c: {  	v4 =	vadd.s32 v1, v4;
	_ =	sdelay $0x4  }
0x6d: {  	[tilespmem:s21], [sflag:$0x2] =	stream.indirect_vreg.gather [hbm4b:s3+s2], $0x80, v4, vm0, $0xb8;
	[tilespmem:$0x18200] =	vst v63  }
0x6e: {  	v3 =	vperm.xlane v3, v2  }
0x6f: {  	[tilespmem:s22], [sflag:$0x2] =	stream.indirect_vreg.gather [hbm4b:s8+s2], $0x80, v4, vm0, $0xb8;
	[tilespmem:$0x18200] =	vst v63  }
0x70: {  	v3 =	vadd.s32 v1, v3  }
0x71: {  	[tilespmem:s11], [sflag:$0x2] =	stream.indirect_vreg.gather [hbm4b:s9+s2], $0x80, v4, vm0, $0xb8;
	[tilespmem:$0x18200] =	vst v63  }
0x72: {  	_ = 	snop  }
0x73: {  	[tilespmem:s23], [sflag:$0x2] =	stream.indirect_vreg.gather [hbm4b:s10+s2], $0x80, v4, vm0, $0xb8;
	[tilespmem:$0x18200] =	vst v63  }
0x74: {  	_ = 	snop  }
0x75: {  	[tilespmem:s24], [sflag:$0x2] =	stream.indirect_vreg.gather [hbm4b:s3+s2], $0x80, v3, vm0, $0xb8;
	[tilespmem:$0x18200] =	vst v63  }
0x76: {  	_ = 	snop  }
0x77: {  	[tilespmem:s12], [sflag:$0x2] =	stream.indirect_vreg.gather [hbm4b:s8+s2], $0x80, v3, vm0, $0xb8;
	[tilespmem:$0x18200] =	vst v63  }
0x78: {  	_ = 	snop  }
0x79: {  	[tilespmem:s25], [sflag:$0x2] =	stream.indirect_vreg.gather [hbm4b:s9+s2], $0x80, v3, vm0, $0xb8;
	[tilespmem:$0x18200] =	vst v63  }
0x7a: {  	_ = 	snop  }
0x7b: {  	[tilespmem:s13], [sflag:$0x2] =	stream.indirect_vreg.gather [hbm4b:s10+s2], $0x80, v3, vm0, $0xb8;
	[tilespmem:$0x18200] =	vst v63  }
0x7c: {  	_ =	swait.ge [sflag:s26], $0x8000  }
0x7d: {  	[sflag:s26] =	ssyncset.done $0x0  }
0x7e: {  	[sflag:s26] =	ssyncadd.s32 $0xFFFF8000  }
0x7f: {  	_ =	swait.ge [sflag:s28], $0x8000  }
0x80: {  	s31 =	simm.s32 $0xFFFF8000;
	s0 =	simm.s32 $0x0;
	[sflag:s28] =	ssyncset.done $0x0  }
0x81: {  	s1 =	simm.s32 $0x0;
	s15 =	simm.s32 $0x0;
	[sflag:s28] =	ssyncadd.s32 $0xFFFF8000  }
.LBB2_2:
0x82: {  	s16 =	sadd.s32 $0x8000, s31  }
0x83: {  	s17 =	sand.u32 $0x380, s15;
	s16 =	sand.u32 $0x6000, s16  }
0x84: {  	s16 =	sor.u32 s17, s16  }
0x85: {  	v3 =	vld [tilespmem:s16+$0x200]  }
0x86: {  	v4 =	vld [tilespmem:s16+$0x8200]  }
0x87: {  	v5 =	vld [tilespmem:s16+$0x210]  }
0x88: {  	v6 =	vld [tilespmem:s16+$0x8210]  }
0x89: {  	v7 =	vld [tilespmem:s16+$0x220]  }
0x8a: {  	v8 =	vld [tilespmem:s16+$0x8220]  }
0x8b: {  	v9 =	vld [tilespmem:s16+$0x230]  }
0x8c: {  	v10 =	vld [tilespmem:s16+$0x8230]  }
0x8d: {  	v11 =	vld [tilespmem:s16+$0x240]  }
0x8e: {  	v12 =	vld [tilespmem:s16+$0x8240]  }
0x8f: {  	v13 =	vld [tilespmem:s16+$0x250]  }
0x90: {  	v14 =	vld [tilespmem:s16+$0x8250]  }
0x91: {  	v15 =	vld [tilespmem:s16+$0x260]  }
0x92: {  	v16 =	vld [tilespmem:s16+$0x8260]  }
0x93: {  	v17 =	vld [tilespmem:s16+$0x270]  }
0x94: {  	v18 =	vld [tilespmem:s16+$0x8270]  }
0x95: {  	v19 =	vld [tilespmem:s16+$0x600]  }
0x96: {  	v20 =	vld [tilespmem:s16+$0x8600]  }
0x97: {  	v21 =	vld [tilespmem:s16+$0x610]  }
0x98: {  	v22 =	vld [tilespmem:s16+$0x8610]  }
0x99: {  	v23 =	vld [tilespmem:s16+$0x620]  }
0x9a: {  	v24 =	vld [tilespmem:s16+$0x8620]  }
0x9b: {  	v25 =	vld [tilespmem:s16+$0x630]  }
0x9c: {  	v26 =	vld [tilespmem:s16+$0x8630]  }
0x9d: {  	v27 =	vld [tilespmem:s16+$0x640]  }
0x9e: {  	v28 =	vld [tilespmem:s16+$0x8640]  }
0x9f: {  	v29 =	vld [tilespmem:s16+$0x650]  }
0xa0: {  	v30 =	vld [tilespmem:s16+$0x8650]  }
0xa1: {  	v31 =	vld [tilespmem:s16+$0x660]  }
0xa2: {  	v32 =	vld [tilespmem:s16+$0x8660]  }
0xa3: {  	v33 =	vld [tilespmem:s16+$0x670]  }
0xa4: {  	v34 =	vld [tilespmem:s16+$0x8670]  }
0xa5: {  	v35 =	vld [tilespmem:s16+$0xA00]  }
0xa6: {  	v36 =	vld [tilespmem:s16+$0x8A00]  }
0xa7: {  	v37 =	vld [tilespmem:s16+$0xA10]  }
0xa8: {  	v38 =	vld [tilespmem:s16+$0x8A10]  }
0xa9: {  	v39 =	vld [tilespmem:s16+$0xA20]  }
0xaa: {  	v40 =	vld [tilespmem:s16+$0x8A20]  }
0xab: {  	v41 =	vld [tilespmem:s16+$0xA30]  }
0xac: {  	v42 =	vld [tilespmem:s16+$0x8A30]  }
0xad: {  	v43 =	vld [tilespmem:s16+$0xA40]  }
0xae: {  	v44 =	vld [tilespmem:s16+$0x8A40]  }
0xaf: {  	v45 =	vld [tilespmem:s16+$0xA50]  }
0xb0: {  	v46 =	vld [tilespmem:s16+$0x8A50]  }
0xb1: {  	v47 =	vld [tilespmem:s16+$0xA60]  }
0xb2: {  	v48 =	vld [tilespmem:s16+$0x8A60]  }
0xb3: {  	v49 =	vld [tilespmem:s16+$0xA70]  }
0xb4: {  	v50 =	vld [tilespmem:s16+$0x8A70]  }
0xb5: {  	v51 =	vld [tilespmem:s16+$0xE00]  }
0xb6: {  	v52 =	vld [tilespmem:s16+$0x8E00]  }
0xb7: {  	v53 =	vld [tilespmem:s16+$0xE10]  }
0xb8: {  	v54 =	vld [tilespmem:s16+$0x8E10]  }
0xb9: {  	v55 =	vld [tilespmem:s16+$0xE20]  }
0xba: {  	v56 =	vld [tilespmem:s16+$0x8E20]  }
0xbb: {  	v57 =	vld [tilespmem:s16+$0xE30]  }
0xbc: {  	v58 =	vld [tilespmem:s16+$0x8E30]  }
0xbd: {  	v59 =	vld [tilespmem:s16+$0xE40]  }
0xbe: {  	v60 =	vld [tilespmem:s16+$0x8E40]  }
0xbf: {  	v61 =	vld [tilespmem:s16+$0xE50]  }
0xc0: {  	v62 =	vld [tilespmem:s16+$0x8E50]  }
0xc1: {  	v63 =	vld [tilespmem:s16+$0xE60]  }
0xc2: {  	v3 =	vadd.f32 v4, v3;
	v4 =	vld [tilespmem:s16+$0x8E60]  }
0xc3: {  	v5 =	vadd.f32 v6, v5;
	v6 =	vld [tilespmem:s16+$0xE70]  }
0xc4: {  	v14 =	vadd.f32 v14, v13;
	v13 =	vld [tilespmem:s16+$0x9220];
	[tilespmem:s16+$0x10200] =	vst v3  }
0xc5: {  	v18 =	vadd.f32 v18, v17;
	v17 =	vld [tilespmem:s16+$0x9240];
	v3 =	vadd.f32 v8, v7;
	[tilespmem:s16+$0x10210] =	vst v5  }
0xc6: {  	v22 =	vadd.f32 v22, v21;
	v21 =	vld [tilespmem:s16+$0x9260];
	[tilespmem:s16+$0x10250] =	vst v14  }
0xc7: {  	v7 =	vld [tilespmem:s16+$0x8E70];
	[tilespmem:s16+$0x10220] =	vst v3;
	v3 =	vadd.f32 v12, v11  }
0xc8: {  	v8 =	vld [tilespmem:s16+$0x1200];
	[tilespmem:s16+$0x10270] =	vst v18  }
0xc9: {  	v5 =	vadd.f32 v10, v9;
	v9 =	vld [tilespmem:s16+$0x9200];
	[tilespmem:s16+$0x10240] =	vst v3;
	v3 =	vadd.f32 v16, v15  }
0xca: {  	v26 =	vadd.f32 v26, v25;
	v10 =	vld [tilespmem:s16+$0x1210];
	[tilespmem:s16+$0x10610] =	vst v22  }
0xcb: {  	v14 =	vld [tilespmem:s16+$0x1230];
	[tilespmem:s16+$0x10260] =	vst v3;
	v3 =	vadd.f32 v20, v19  }
0xcc: {  	v30 =	vadd.f32 v30, v29;
	[tilespmem:s16+$0x10630] =	vst v26;
	v18 =	vld [tilespmem:s16+$0x1250]  }
0xcd: {  	v19 =	vld [tilespmem:s16+$0x9250];
	[tilespmem:s16+$0x10600] =	vst v3;
	v3 =	vadd.f32 v24, v23  }
0xce: {  	v34 =	vadd.f32 v34, v33;
	[tilespmem:s16+$0x10650] =	vst v30;
	v22 =	vld [tilespmem:s16+$0x1270]  }
0xcf: {  	v11 =	vld [tilespmem:s16+$0x9210];
	[tilespmem:s16+$0x10620] =	vst v3;
	v3 =	vadd.f32 v28, v27  }
0xd0: {  	[tilespmem:s16+$0x10670] =	vst v34;
	v12 =	vld [tilespmem:s16+$0x1220]  }
0xd1: {  	v15 =	vld [tilespmem:s16+$0x9230];
	[tilespmem:s16+$0x10640] =	vst v3;
	v3 =	vadd.f32 v32, v31  }
0xd2: {  	[tilespmem:s16+$0x10230] =	vst v5;
	v16 =	vld [tilespmem:s16+$0x1240];
	v19 =	vadd.f32 v19, v18  }
0xd3: {  	v20 =	vld [tilespmem:s16+$0x1260];
	[tilespmem:s16+$0x10660] =	vst v3;
	v3 =	vadd.f32 v36, v35  }
0xd4: {  	v24 =	vld [tilespmem:s16+$0x1600];
	[tilespmem:s16+$0x11250] =	vst v19;
	v36 =	vadd.f32 v38, v37  }
0xd5: {  	v37 =	vld [tilespmem:s16+$0x9270];
	[tilespmem:s16+$0x10A00] =	vst v3;
	v3 =	vadd.f32 v40, v39  }
0xd6: {  	v38 =	vadd.f32 v42, v41;
	v41 =	vld [tilespmem:s16+$0x1610];
	[tilespmem:s16+$0x10A10] =	vst v36  }
0xd7: {  	v42 =	vld [tilespmem:s16+$0x9610];
	[tilespmem:s16+$0x10A20] =	vst v3;
	v3 =	vadd.f32 v44, v43  }
0xd8: {  	v35 =	vld [tilespmem:s16+$0x1A10];
	[tilespmem:s16+$0x10A30] =	vst v38;
	v40 =	vadd.f32 v46, v45  }
0xd9: {  	v39 =	vld [tilespmem:s16+$0x9600];
	[tilespmem:s16+$0x10A40] =	vst v3;
	v3 =	vadd.f32 v48, v47  }
0xda: {  	v45 =	vld [tilespmem:s16+$0x9620];
	v46 =	vadd.f32 v54, v53;
	[tilespmem:s16+$0x10A50] =	vst v40  }
0xdb: {  	v53 =	vld [tilespmem:s16+$0x1650];
	[tilespmem:s16+$0x10A60] =	vst v3;
	v3 =	vadd.f32 v52, v51  }
0xdc: {  	v54 =	vld [tilespmem:s16+$0x9650];
	v43 =	vadd.f32 v50, v49;
	[tilespmem:s16+$0x10E10] =	vst v46  }
0xdd: {  	v36 =	vld [tilespmem:s16+$0x9A10];
	[tilespmem:s16+$0x10E00] =	vst v3;
	v3 =	vadd.f32 v56, v55  }
0xde: {  	v38 =	vld [tilespmem:s16+$0x1A20];
	v49 =	vadd.f32 v58, v57;
	[tilespmem:s16+$0x10A70] =	vst v43  }
0xdf: {  	v44 =	vld [tilespmem:s16+$0x1620];
	[tilespmem:s16+$0x10E20] =	vst v3;
	v3 =	vadd.f32 v60, v59  }
0xe0: {  	v50 =	vld [tilespmem:s16+$0x1640];
	v58 =	vadd.f32 v11, v10;
	[tilespmem:s16+$0x10E30] =	vst v49  }
0xe1: {  	v57 =	vld [tilespmem:s16+$0x9660];
	[tilespmem:s16+$0x10E40] =	vst v3;
	v3 =	vadd.f32 v4, v63  }
0xe2: {  	v46 =	vld [tilespmem:s16+$0x1A50];
	v37 =	vadd.f32 v37, v22;
	[tilespmem:s16+$0x11210] =	vst v58  }
0xe3: {  	v40 =	vadd.f32 v42, v41;
	v41 =	vld [tilespmem:s16+$0x1A30];
	[tilespmem:s16+$0x10E60] =	vst v3;
	v3 =	vadd.f32 v9, v8  }
0xe4: {  	v42 =	vld [tilespmem:s16+$0x9A30];
	[tilespmem:s16+$0x11270] =	vst v37  }
0xe5: {  	v47 =	vld [tilespmem:s16+$0x1630];
	[tilespmem:s16+$0x11200] =	vst v3;
	v3 =	vadd.f32 v13, v12  }
0xe6: {  	v48 =	vld [tilespmem:s16+$0x9630];
	[tilespmem:s16+$0x11610] =	vst v40;
	v52 =	vadd.f32 v62, v61  }
0xe7: {  	v49 =	vld [tilespmem:s16+$0x1A60];
	[tilespmem:s16+$0x11220] =	vst v3;
	v3 =	vadd.f32 v17, v16  }
0xe8: {  	v51 =	vld [tilespmem:s16+$0x9640];
	v61 =	vadd.f32 v15, v14;
	[tilespmem:s16+$0x10E50] =	vst v52  }
0xe9: {  	v62 =	vld [tilespmem:s16+$0x1A00];
	[tilespmem:s16+$0x11240] =	vst v3;
	v3 =	vadd.f32 v21, v20  }
0xea: {  	v55 =	vadd.f32 v7, v6;
	v56 =	vld [tilespmem:s16+$0x1660];
	[tilespmem:s16+$0x11230] =	vst v61  }
0xeb: {  	v52 =	vld [tilespmem:s16+$0x1A70];
	[tilespmem:s16+$0x11260] =	vst v3;
	v3 =	vadd.f32 v39, v24  }
0xec: {  	v43 =	vadd.f32 v48, v47;
	v47 =	vld [tilespmem:s16+$0x9A50];
	[tilespmem:s16+$0x10E70] =	vst v55  }
0xed: {  	v59 =	vld [tilespmem:s16+$0x1670];
	[tilespmem:s16+$0x11600] =	vst v3;
	v3 =	vadd.f32 v45, v44  }
0xee: {  	[tilespmem:s16+$0x11630] =	vst v43;
	v63 =	vld [tilespmem:s16+$0x9A00];
	v4 =	vadd.f32 v54, v53  }
0xef: {  	v60 =	vld [tilespmem:s16+$0x9670];
	[tilespmem:s16+$0x11620] =	vst v3;
	v3 =	vadd.f32 v51, v50  }
0xf0: {  	v54 =	vadd.f32 v42, v41;
	[tilespmem:s16+$0x11650] =	vst v4;
	v39 =	vld [tilespmem:s16+$0x9A20]  }
0xf1: {  	v44 =	vld [tilespmem:s16+$0x1A40];
	[tilespmem:s16+$0x11640] =	vst v3;
	v3 =	vadd.f32 v57, v56  }
0xf2: {  	[tilespmem:s16+$0x11A30] =	vst v54;
	v55 =	vadd.f32 v47, v46;
	v45 =	vld [tilespmem:s16+$0x9A40]  }
0xf3: {  	v53 =	vld [tilespmem:s16+$0x9A70];
	[tilespmem:s16+$0x11660] =	vst v3;
	v3 =	vadd.f32 v63, v62  }
0xf4: {  	v48 =	vadd.f32 v60, v59;
	[tilespmem:s16+$0x11A50] =	vst v55;
	v50 =	vld [tilespmem:s16+$0x9A60]  }
0xf5: {  	[tilespmem:s16+$0x11A00] =	vst v3;
	v3 =	vadd.f32 v39, v38  }
0xf6: {  	[tilespmem:s16+$0x11670] =	vst v48;
	v51 =	vadd.f32 v36, v35  }
0xf7: {  	[tilespmem:s16+$0x11A20] =	vst v3;
	v3 =	vadd.f32 v45, v44  }
0xf8: {  	s17 =	sand.u32 $0x7, s0;
	[tilespmem:s16+$0x11A10] =	vst v51;
	v56 =	vadd.f32 v53, v52  }
0xf9: {  	s17 =	sshll.u32 s17, $0x7;
	[tilespmem:s16+$0x11A40] =	vst v3;
	v3 =	vadd.f32 v50, v49  }
0xfa: {  	s17 =	sadd.s32 s17, s1;
	[tilespmem:s16+$0x11A70] =	vst v56  }
0xfb: {  	[tilespmem:s16+$0x11A60] =	vst v3;
	s16 =	sor.u32 $0x1C00, s17  }
0xfc: {  	v3 =	vld [tilespmem:s16+$0x200]  }
0xfd: {  	v4 =	vld [tilespmem:s16+$0x8200];
	_ =	sdelay $0x4  }
0xfe: {  	v3 =	vadd.f32 v4, v3;
	_ =	sdelay $0x1  }
0xff: {  	[tilespmem:s16+$0x10200] =	vst v3;
	s16 =	sor.u32 $0x1C10, s17  }
0x100: {  	v3 =	vld [tilespmem:s16+$0x200]  }
0x101: {  	v57 =	vld [tilespmem:s16+$0x8200];
	_ =	sdelay $0x4  }
0x102: {  	v3 =	vadd.f32 v57, v3;
	_ =	sdelay $0x1  }
0x103: {  	[tilespmem:s16+$0x10200] =	vst v3;
	s16 =	sor.u32 $0x1C20, s17  }
0x104: {  	v3 =	vld [tilespmem:s16+$0x200]  }
0x105: {  	v58 =	vld [tilespmem:s16+$0x8200];
	_ =	sdelay $0x4  }
0x106: {  	v3 =	vadd.f32 v58, v3;
	_ =	sdelay $0x1  }
0x107: {  	[tilespmem:s16+$0x10200] =	vst v3;
	s16 =	sor.u32 $0x1C30, s17  }
0x108: {  	v3 =	vld [tilespmem:s16+$0x200]  }
0x109: {  	v59 =	vld [tilespmem:s16+$0x8200];
	_ =	sdelay $0x4  }
0x10a: {  	v3 =	vadd.f32 v59, v3;
	_ =	sdelay $0x1  }
0x10b: {  	[tilespmem:s16+$0x10200] =	vst v3;
	s16 =	sor.u32 $0x1C40, s17  }
0x10c: {  	v3 =	vld [tilespmem:s16+$0x200]  }
0x10d: {  	v60 =	vld [tilespmem:s16+$0x8200];
	_ =	sdelay $0x4  }
0x10e: {  	v3 =	vadd.f32 v60, v3;
	_ =	sdelay $0x1  }
0x10f: {  	[tilespmem:s16+$0x10200] =	vst v3;
	s16 =	sor.u32 $0x1C50, s17  }
0x110: {  	v3 =	vld [tilespmem:s16+$0x200]  }
0x111: {  	v61 =	vld [tilespmem:s16+$0x8200];
	_ =	sdelay $0x4  }
0x112: {  	v3 =	vadd.f32 v61, v3;
	_ =	sdelay $0x1  }
0x113: {  	[tilespmem:s16+$0x10200] =	vst v3;
	s16 =	sor.u32 $0x1C60, s17  }
0x114: {  	v3 =	vld [tilespmem:s16+$0x200]  }
0x115: {  	v62 =	vld [tilespmem:s16+$0x8200];
	_ =	sdelay $0x4  }
0x116: {  	v3 =	vadd.f32 v62, v3;
	_ =	sdelay $0x1  }
0x117: {  	s17 =	sor.u32 $0x1C70, s17;
	[tilespmem:s16+$0x10200] =	vst v3  }
0x118: {  	v3 =	vld [tilespmem:s17+$0x200]  }
0x119: {  	v63 =	vld [tilespmem:s17+$0x8200];
	_ =	sdelay $0x1  }
0x11a: {  	p0 =	sne.s32 s15, $0xF80  }
.Ltmp0:
0x11b: {  	_ = 	snop;
	(pc) =	sbr.rel @p0 .LBB2_2-.Ltmp0, $4  }
0x11c: {  	_ = 	snop  }
0x11d: {  	v3 =	vadd.f32 v63, v3  }
0x11e: {  	s31 =	sadd.s32 $0x400, s31  }
0x11f: {  	s15 =	sadd.s32 $0x80, s15;
	s0 =	sadd.s32 $0x1, s0;
	s1 =	sadd.s32 $0x400, s1;
	[tilespmem:s17+$0x10200] =	vst v3  }
0x120: {  	s31 =	simm.s32 $0x0;
	s0 =	rddreg [dreg:$0x6]  }
0x121: {  	[hbm4b:s0+s31] =	stream.linear.scatter [tilespmem:s29], [sflag:$0x3], $0x8000, $0x38;
	[tilespmem:$0x18200] =	vst v63  }
0x122: {  	_ =	swait.ge [sflag:s14], $0x8000  }
0x123: {  	[sflag:s14] =	ssyncset.done $0x0  }
0x124: {  	[sflag:s14] =	ssyncadd.s32 $0xFFFF8000  }
0x125: {  	v3 =	vld [tilespmem:$0x80];
	_ =	sdelay $0x4  }
0x126: {  	v4 =	vshll.u32 v3, $0x3  }
0x127: {  	v3 =	vand.u32 $0x7, v3;
	v4 =	vand.u32 $0xFFFFFFC0, v4  }
0x128: {  	v3 =	vor.u32 v3, v4  }
0x129: {  	v4 =	vperm.xlane v3, v0;
	_ =	sdelay $0x1  }
0x12a: {  	v4 =	vadd.s32 v1, v4;
	_ =	sdelay $0x3  }
0x12b: {  	s16 =	simm.s32 $0x200  }
0x12c: {  	[tilespmem:s16], [sflag:$0x1] =	stream.indirect_vreg.gather [hbm4b:s3+s31], $0x80, v4, vm0, $0xb8;
	[tilespmem:$0x18200] =	vst v63  }
0x12d: {  	s17 =	simm.s32 $0xA00;
	v3 =	vperm.xlane v3, v2  }
0x12e: {  	[tilespmem:s17], [sflag:$0x1] =	stream.indirect_vreg.gather [hbm4b:s8+s31], $0x80, v4, vm0, $0xb8;
	[tilespmem:$0x18200] =	vst v63  }
0x12f: {  	s1 =	simm.s32 $0x1200;
	v3 =	vadd.s32 v1, v3  }
0x130: {  	[tilespmem:s1], [sflag:$0x1] =	stream.indirect_vreg.gather [hbm4b:s9+s31], $0x80, v4, vm0, $0xb8;
	[tilespmem:$0x18200] =	vst v63  }
0x131: {  	s15 =	simm.s32 $0x1A00  }
0x132: {  	[tilespmem:s15], [sflag:$0x1] =	stream.indirect_vreg.gather [hbm4b:s10+s31], $0x80, v4, vm0, $0xb8;
	[tilespmem:$0x18200] =	vst v63  }
0x133: {  	s16 =	simm.s32 $0x2200  }
0x134: {  	[tilespmem:s16], [sflag:$0x1] =	stream.indirect_vreg.gather [hbm4b:s3+s31], $0x80, v3, vm0, $0xb8;
	[tilespmem:$0x18200] =	vst v63  }
0x135: {  	s17 =	simm.s32 $0x2A00  }
0x136: {  	[tilespmem:s17], [sflag:$0x1] =	stream.indirect_vreg.gather [hbm4b:s8+s31], $0x80, v3, vm0, $0xb8;
	[tilespmem:$0x18200] =	vst v63  }
0x137: {  	s1 =	simm.s32 $0x3200  }
0x138: {  	[tilespmem:s1], [sflag:$0x1] =	stream.indirect_vreg.gather [hbm4b:s9+s31], $0x80, v3, vm0, $0xb8;
	[tilespmem:$0x18200] =	vst v63  }
0x139: {  	s15 =	simm.s32 $0x3A00  }
0x13a: {  	[tilespmem:s15], [sflag:$0x1] =	stream.indirect_vreg.gather [hbm4b:s10+s31], $0x80, v3, vm0, $0xb8;
	[tilespmem:$0x18200] =	vst v63  }
0x13b: {  	v3 =	vld [tilespmem:$0x90];
	_ =	sdelay $0x4  }
0x13c: {  	v61 =	vshll.u32 v3, $0x3  }
0x13d: {  	v3 =	vand.u32 $0x7, v3;
	v4 =	vand.u32 $0xFFFFFFC0, v61  }
0x13e: {  	v3 =	vor.u32 v3, v4  }
0x13f: {  	v4 =	vperm.xlane v3, v0;
	_ =	sdelay $0x1  }
0x140: {  	v4 =	vadd.s32 v1, v4;
	_ =	sdelay $0x3  }
0x141: {  	s16 =	simm.s32 $0x4200  }
0x142: {  	[tilespmem:s16], [sflag:$0x1] =	stream.indirect_vreg.gather [hbm4b:s3+s31], $0x80, v4, vm0, $0xb8;
	[tilespmem:$0x18200] =	vst v63  }
0x143: {  	s17 =	simm.s32 $0x4A00;
	v3 =	vperm.xlane v3, v2  }
0x144: {  	[tilespmem:s17], [sflag:$0x1] =	stream.indirect_vreg.gather [hbm4b:s8+s31], $0x80, v4, vm0, $0xb8;
	[tilespmem:$0x18200] =	vst v63  }
0x145: {  	s1 =	simm.s32 $0x5200;
	v3 =	vadd.s32 v1, v3  }
0x146: {  	[tilespmem:s1], [sflag:$0x1] =	stream.indirect_vreg.gather [hbm4b:s9+s31], $0x80, v4, vm0, $0xb8;
	[tilespmem:$0x18200] =	vst v63  }
0x147: {  	s15 =	simm.s32 $0x5A00  }
0x148: {  	[tilespmem:s15], [sflag:$0x1] =	stream.indirect_vreg.gather [hbm4b:s10+s31], $0x80, v4, vm0, $0xb8;
	[tilespmem:$0x18200] =	vst v63  }
0x149: {  	s16 =	simm.s32 $0x6200  }
0x14a: {  	[tilespmem:s16], [sflag:$0x1] =	stream.indirect_vreg.gather [hbm4b:s3+s31], $0x80, v3, vm0, $0xb8;
	[tilespmem:$0x18200] =	vst v63  }
0x14b: {  	s17 =	simm.s32 $0x6A00  }
0x14c: {  	[tilespmem:s17], [sflag:$0x1] =	stream.indirect_vreg.gather [hbm4b:s8+s31], $0x80, v3, vm0, $0xb8;
	[tilespmem:$0x18200] =	vst v63  }
0x14d: {  	s1 =	simm.s32 $0x7200  }
0x14e: {  	[tilespmem:s1], [sflag:$0x1] =	stream.indirect_vreg.gather [hbm4b:s9+s31], $0x80, v3, vm0, $0xb8;
	[tilespmem:$0x18200] =	vst v63  }
0x14f: {  	s15 =	simm.s32 $0x7A00  }
0x150: {  	[tilespmem:s15], [sflag:$0x1] =	stream.indirect_vreg.gather [hbm4b:s10+s31], $0x80, v3, vm0, $0xb8;
	[tilespmem:$0x18200] =	vst v63  }
0x151: {  	v3 =	vld [tilespmem:$0x180];
	_ =	sdelay $0x4  }
0x152: {  	v62 =	vshll.u32 v3, $0x3  }
0x153: {  	v3 =	vand.u32 $0x7, v3;
	v4 =	vand.u32 $0xFFFFFFC0, v62  }
0x154: {  	v3 =	vor.u32 v3, v4  }
0x155: {  	v4 =	vperm.xlane v3, v0;
	_ =	sdelay $0x1  }
0x156: {  	v4 =	vadd.s32 v1, v4;
	_ =	sdelay $0x3  }
0x157: {  	s16 =	simm.s32 $0x8200  }
0x158: {  	[tilespmem:s16], [sflag:$0x2] =	stream.indirect_vreg.gather [hbm4b:s3+s31], $0x80, v4, vm0, $0xb8;
	[tilespmem:$0x18200] =	vst v63  }
0x159: {  	s17 =	simm.s32 $0x8A00;
	v3 =	vperm.xlane v3, v2  }
0x15a: {  	[tilespmem:s17], [sflag:$0x2] =	stream.indirect_vreg.gather [hbm4b:s8+s31], $0x80, v4, vm0, $0xb8;
	[tilespmem:$0x18200] =	vst v63  }
0x15b: {  	v3 =	vadd.s32 v1, v3  }
0x15c: {  	[tilespmem:s5], [sflag:$0x2] =	stream.indirect_vreg.gather [hbm4b:s9+s31], $0x80, v4, vm0, $0xb8;
	[tilespmem:$0x18200] =	vst v63  }
0x15d: {  	_ = 	snop  }
0x15e: {  	[tilespmem:s6], [sflag:$0x2] =	stream.indirect_vreg.gather [hbm4b:s10+s31], $0x80, v4, vm0, $0xb8;
	[tilespmem:$0x18200] =	vst v63  }
0x15f: {  	_ = 	snop  }
0x160: {  	[tilespmem:s7], [sflag:$0x2] =	stream.indirect_vreg.gather [hbm4b:s3+s31], $0x80, v3, vm0, $0xb8;
	[tilespmem:$0x18200] =	vst v63  }
0x161: {  	_ = 	snop  }
0x162: {  	[tilespmem:s18], [sflag:$0x2] =	stream.indirect_vreg.gather [hbm4b:s8+s31], $0x80, v3, vm0, $0xb8;
	[tilespmem:$0x18200] =	vst v63  }
0x163: {  	_ = 	snop  }
0x164: {  	[tilespmem:s19], [sflag:$0x2] =	stream.indirect_vreg.gather [hbm4b:s9+s31], $0x80, v3, vm0, $0xb8;
	[tilespmem:$0x18200] =	vst v63  }
0x165: {  	_ = 	snop  }
0x166: {  	[tilespmem:s20], [sflag:$0x2] =	stream.indirect_vreg.gather [hbm4b:s10+s31], $0x80, v3, vm0, $0xb8;
	[tilespmem:$0x18200] =	vst v63  }
0x167: {  	v3 =	vld [tilespmem:$0x190];
	_ =	sdelay $0x4  }
0x168: {  	v63 =	vshll.u32 v3, $0x3  }
0x169: {  	v3 =	vand.u32 $0x7, v3;
	v4 =	vand.u32 $0xFFFFFFC0, v63  }
0x16a: {  	v3 =	vor.u32 v3, v4  }
0x16b: {  	v4 =	vperm.xlane v3, v0;
	_ =	sdelay $0x1  }
0x16c: {  	v4 =	vadd.s32 v1, v4;
	_ =	sdelay $0x4  }
0x16d: {  	[tilespmem:s21], [sflag:$0x2] =	stream.indirect_vreg.gather [hbm4b:s3+s31], $0x80, v4, vm0, $0xb8;
	[tilespmem:$0x18200] =	vst v63  }
0x16e: {  	v3 =	vperm.xlane v3, v2  }
0x16f: {  	[tilespmem:s22], [sflag:$0x2] =	stream.indirect_vreg.gather [hbm4b:s8+s31], $0x80, v4, vm0, $0xb8;
	[tilespmem:$0x18200] =	vst v63  }
0x170: {  	v3 =	vadd.s32 v1, v3  }
0x171: {  	[tilespmem:s11], [sflag:$0x2] =	stream.indirect_vreg.gather [hbm4b:s9+s31], $0x80, v4, vm0, $0xb8;
	[tilespmem:$0x18200] =	vst v63  }
0x172: {  	_ = 	snop  }
0x173: {  	[tilespmem:s23], [sflag:$0x2] =	stream.indirect_vreg.gather [hbm4b:s10+s31], $0x80, v4, vm0, $0xb8;
	[tilespmem:$0x18200] =	vst v63  }
0x174: {  	_ = 	snop  }
0x175: {  	[tilespmem:s24], [sflag:$0x2] =	stream.indirect_vreg.gather [hbm4b:s3+s31], $0x80, v3, vm0, $0xb8;
	[tilespmem:$0x18200] =	vst v63  }
0x176: {  	_ = 	snop  }
0x177: {  	[tilespmem:s12], [sflag:$0x2] =	stream.indirect_vreg.gather [hbm4b:s8+s31], $0x80, v3, vm0, $0xb8;
	[tilespmem:$0x18200] =	vst v63  }
0x178: {  	_ = 	snop  }
0x179: {  	[tilespmem:s25], [sflag:$0x2] =	stream.indirect_vreg.gather [hbm4b:s9+s31], $0x80, v3, vm0, $0xb8;
	[tilespmem:$0x18200] =	vst v63  }
0x17a: {  	_ = 	snop  }
0x17b: {  	[tilespmem:s13], [sflag:$0x2] =	stream.indirect_vreg.gather [hbm4b:s10+s31], $0x80, v3, vm0, $0xb8;
	[tilespmem:$0x18200] =	vst v63  }
0x17c: {  	_ =	swait.ge [sflag:s26], $0x8000  }
0x17d: {  	[sflag:s26] =	ssyncset.done $0x0  }
0x17e: {  	[sflag:s26] =	ssyncadd.s32 $0xFFFF8000  }
0x17f: {  	_ =	swait.ge [sflag:s28], $0x8000  }
0x180: {  	s0 =	simm.s32 $0xFFFF8000;
	[sflag:s28] =	ssyncset.done $0x0  }
0x181: {  	s1 =	simm.s32 $0x0;
	s15 =	simm.s32 $0x0;
	[sflag:s28] =	ssyncadd.s32 $0xFFFF8000  }
.LBB2_4:
0x182: {  	s16 =	sadd.s32 $0x8000, s0  }
0x183: {  	s17 =	sand.u32 $0x380, s15;
	s16 =	sand.u32 $0x6000, s16  }
0x184: {  	s16 =	sor.u32 s17, s16  }
0x185: {  	v3 =	vld [tilespmem:s16+$0x200]  }
0x186: {  	v4 =	vld [tilespmem:s16+$0x8200]  }
0x187: {  	v5 =	vld [tilespmem:s16+$0x210]  }
0x188: {  	v6 =	vld [tilespmem:s16+$0x8210]  }
0x189: {  	v7 =	vld [tilespmem:s16+$0x220]  }
0x18a: {  	v8 =	vld [tilespmem:s16+$0x8220]  }
0x18b: {  	v9 =	vld [tilespmem:s16+$0x230]  }
0x18c: {  	v10 =	vld [tilespmem:s16+$0x8230]  }
0x18d: {  	v11 =	vld [tilespmem:s16+$0x240]  }
0x18e: {  	v12 =	vld [tilespmem:s16+$0x8240]  }
0x18f: {  	v13 =	vld [tilespmem:s16+$0x250]  }
0x190: {  	v14 =	vld [tilespmem:s16+$0x8250]  }
0x191: {  	v15 =	vld [tilespmem:s16+$0x260]  }
0x192: {  	v16 =	vld [tilespmem:s16+$0x8260]  }
0x193: {  	v17 =	vld [tilespmem:s16+$0x270]  }
0x194: {  	v18 =	vld [tilespmem:s16+$0x8270]  }
0x195: {  	v19 =	vld [tilespmem:s16+$0x600]  }
0x196: {  	v20 =	vld [tilespmem:s16+$0x8600]  }
0x197: {  	v21 =	vld [tilespmem:s16+$0x610]  }
0x198: {  	v22 =	vld [tilespmem:s16+$0x8610]  }
0x199: {  	v23 =	vld [tilespmem:s16+$0x620]  }
0x19a: {  	v24 =	vld [tilespmem:s16+$0x8620]  }
0x19b: {  	v25 =	vld [tilespmem:s16+$0x630]  }
0x19c: {  	v26 =	vld [tilespmem:s16+$0x8630]  }
0x19d: {  	v27 =	vld [tilespmem:s16+$0x640]  }
0x19e: {  	v28 =	vld [tilespmem:s16+$0x8640]  }
0x19f: {  	v29 =	vld [tilespmem:s16+$0x650]  }
0x1a0: {  	v30 =	vld [tilespmem:s16+$0x8650]  }
0x1a1: {  	v31 =	vld [tilespmem:s16+$0x660]  }
0x1a2: {  	v32 =	vld [tilespmem:s16+$0x8660]  }
0x1a3: {  	v33 =	vld [tilespmem:s16+$0x670]  }
0x1a4: {  	v34 =	vld [tilespmem:s16+$0x8670]  }
0x1a5: {  	v35 =	vld [tilespmem:s16+$0xA00]  }
0x1a6: {  	v36 =	vld [tilespmem:s16+$0x8A00]  }
0x1a7: {  	v37 =	vld [tilespmem:s16+$0xA10]  }
0x1a8: {  	v38 =	vld [tilespmem:s16+$0x8A10]  }
0x1a9: {  	v39 =	vld [tilespmem:s16+$0xA20]  }
0x1aa: {  	v40 =	vld [tilespmem:s16+$0x8A20]  }
0x1ab: {  	v41 =	vld [tilespmem:s16+$0xA30]  }
0x1ac: {  	v42 =	vld [tilespmem:s16+$0x8A30]  }
0x1ad: {  	v43 =	vld [tilespmem:s16+$0xA40]  }
0x1ae: {  	v44 =	vld [tilespmem:s16+$0x8A40]  }
0x1af: {  	v45 =	vld [tilespmem:s16+$0xA50]  }
0x1b0: {  	v46 =	vld [tilespmem:s16+$0x8A50]  }
0x1b1: {  	v47 =	vld [tilespmem:s16+$0xA60]  }
0x1b2: {  	v48 =	vld [tilespmem:s16+$0x8A60]  }
0x1b3: {  	v49 =	vld [tilespmem:s16+$0xA70]  }
0x1b4: {  	v50 =	vld [tilespmem:s16+$0x8A70]  }
0x1b5: {  	v51 =	vld [tilespmem:s16+$0xE00]  }
0x1b6: {  	v52 =	vld [tilespmem:s16+$0x8E00]  }
0x1b7: {  	v53 =	vld [tilespmem:s16+$0xE10]  }
0x1b8: {  	v54 =	vld [tilespmem:s16+$0x8E10]  }
0x1b9: {  	v55 =	vld [tilespmem:s16+$0xE20]  }
0x1ba: {  	v56 =	vld [tilespmem:s16+$0x8E20]  }
0x1bb: {  	v57 =	vld [tilespmem:s16+$0xE30]  }
0x1bc: {  	v58 =	vld [tilespmem:s16+$0x8E30]  }
0x1bd: {  	v59 =	vld [tilespmem:s16+$0xE40]  }
0x1be: {  	v60 =	vld [tilespmem:s16+$0x8E40]  }
0x1bf: {  	v61 =	vld [tilespmem:s16+$0xE50]  }
0x1c0: {  	v62 =	vld [tilespmem:s16+$0x8E50]  }
0x1c1: {  	v63 =	vld [tilespmem:s16+$0xE60]  }
0x1c2: {  	v3 =	vadd.f32 v4, v3;
	v4 =	vld [tilespmem:s16+$0x8E60]  }
0x1c3: {  	v5 =	vadd.f32 v6, v5;
	v6 =	vld [tilespmem:s16+$0xE70]  }
0x1c4: {  	v14 =	vadd.f32 v14, v13;
	v13 =	vld [tilespmem:s16+$0x9220];
	[tilespmem:s16+$0x10200] =	vst v3  }
0x1c5: {  	v18 =	vadd.f32 v18, v17;
	v17 =	vld [tilespmem:s16+$0x9240];
	v3 =	vadd.f32 v8, v7;
	[tilespmem:s16+$0x10210] =	vst v5  }
0x1c6: {  	v22 =	vadd.f32 v22, v21;
	v21 =	vld [tilespmem:s16+$0x9260];
	[tilespmem:s16+$0x10250] =	vst v14  }
0x1c7: {  	v7 =	vld [tilespmem:s16+$0x8E70];
	[tilespmem:s16+$0x10220] =	vst v3;
	v3 =	vadd.f32 v12, v11  }
0x1c8: {  	v8 =	vld [tilespmem:s16+$0x1200];
	[tilespmem:s16+$0x10270] =	vst v18  }
0x1c9: {  	v5 =	vadd.f32 v10, v9;
	v9 =	vld [tilespmem:s16+$0x9200];
	[tilespmem:s16+$0x10240] =	vst v3;
	v3 =	vadd.f32 v16, v15  }
0x1ca: {  	v26 =	vadd.f32 v26, v25;
	v10 =	vld [tilespmem:s16+$0x1210];
	[tilespmem:s16+$0x10610] =	vst v22  }
0x1cb: {  	v14 =	vld [tilespmem:s16+$0x1230];
	[tilespmem:s16+$0x10260] =	vst v3;
	v3 =	vadd.f32 v20, v19  }
0x1cc: {  	v30 =	vadd.f32 v30, v29;
	[tilespmem:s16+$0x10630] =	vst v26;
	v18 =	vld [tilespmem:s16+$0x1250]  }
0x1cd: {  	v19 =	vld [tilespmem:s16+$0x9250];
	[tilespmem:s16+$0x10600] =	vst v3;
	v3 =	vadd.f32 v24, v23  }
0x1ce: {  	v34 =	vadd.f32 v34, v33;
	[tilespmem:s16+$0x10650] =	vst v30;
	v22 =	vld [tilespmem:s16+$0x1270]  }
0x1cf: {  	v11 =	vld [tilespmem:s16+$0x9210];
	[tilespmem:s16+$0x10620] =	vst v3;
	v3 =	vadd.f32 v28, v27  }
0x1d0: {  	[tilespmem:s16+$0x10670] =	vst v34;
	v12 =	vld [tilespmem:s16+$0x1220]  }
0x1d1: {  	v15 =	vld [tilespmem:s16+$0x9230];
	[tilespmem:s16+$0x10640] =	vst v3;
	v3 =	vadd.f32 v32, v31  }
0x1d2: {  	[tilespmem:s16+$0x10230] =	vst v5;
	v16 =	vld [tilespmem:s16+$0x1240];
	v19 =	vadd.f32 v19, v18  }
0x1d3: {  	v20 =	vld [tilespmem:s16+$0x1260];
	[tilespmem:s16+$0x10660] =	vst v3;
	v3 =	vadd.f32 v36, v35  }
0x1d4: {  	v24 =	vld [tilespmem:s16+$0x1600];
	[tilespmem:s16+$0x11250] =	vst v19;
	v36 =	vadd.f32 v38, v37  }
0x1d5: {  	v37 =	vld [tilespmem:s16+$0x9270];
	[tilespmem:s16+$0x10A00] =	vst v3;
	v3 =	vadd.f32 v40, v39  }
0x1d6: {  	v38 =	vadd.f32 v42, v41;
	v41 =	vld [tilespmem:s16+$0x1610];
	[tilespmem:s16+$0x10A10] =	vst v36  }
0x1d7: {  	v42 =	vld [tilespmem:s16+$0x9610];
	[tilespmem:s16+$0x10A20] =	vst v3;
	v3 =	vadd.f32 v44, v43  }
0x1d8: {  	v35 =	vld [tilespmem:s16+$0x1A10];
	[tilespmem:s16+$0x10A30] =	vst v38;
	v40 =	vadd.f32 v46, v45  }
0x1d9: {  	v39 =	vld [tilespmem:s16+$0x9600];
	[tilespmem:s16+$0x10A40] =	vst v3;
	v3 =	vadd.f32 v48, v47  }
0x1da: {  	v45 =	vld [tilespmem:s16+$0x9620];
	v46 =	vadd.f32 v54, v53;
	[tilespmem:s16+$0x10A50] =	vst v40  }
0x1db: {  	v53 =	vld [tilespmem:s16+$0x1650];
	[tilespmem:s16+$0x10A60] =	vst v3;
	v3 =	vadd.f32 v52, v51  }
0x1dc: {  	v54 =	vld [tilespmem:s16+$0x9650];
	v43 =	vadd.f32 v50, v49;
	[tilespmem:s16+$0x10E10] =	vst v46  }
0x1dd: {  	v36 =	vld [tilespmem:s16+$0x9A10];
	[tilespmem:s16+$0x10E00] =	vst v3;
	v3 =	vadd.f32 v56, v55  }
0x1de: {  	v38 =	vld [tilespmem:s16+$0x1A20];
	v49 =	vadd.f32 v58, v57;
	[tilespmem:s16+$0x10A70] =	vst v43  }
0x1df: {  	v44 =	vld [tilespmem:s16+$0x1620];
	[tilespmem:s16+$0x10E20] =	vst v3;
	v3 =	vadd.f32 v60, v59  }
0x1e0: {  	v50 =	vld [tilespmem:s16+$0x1640];
	v58 =	vadd.f32 v11, v10;
	[tilespmem:s16+$0x10E30] =	vst v49  }
0x1e1: {  	v57 =	vld [tilespmem:s16+$0x9660];
	[tilespmem:s16+$0x10E40] =	vst v3;
	v3 =	vadd.f32 v4, v63  }
0x1e2: {  	v46 =	vld [tilespmem:s16+$0x1A50];
	v37 =	vadd.f32 v37, v22;
	[tilespmem:s16+$0x11210] =	vst v58  }
0x1e3: {  	v40 =	vadd.f32 v42, v41;
	v41 =	vld [tilespmem:s16+$0x1A30];
	[tilespmem:s16+$0x10E60] =	vst v3;
	v3 =	vadd.f32 v9, v8  }
0x1e4: {  	v42 =	vld [tilespmem:s16+$0x9A30];
	[tilespmem:s16+$0x11270] =	vst v37  }
0x1e5: {  	v47 =	vld [tilespmem:s16+$0x1630];
	[tilespmem:s16+$0x11200] =	vst v3;
	v3 =	vadd.f32 v13, v12  }
0x1e6: {  	v48 =	vld [tilespmem:s16+$0x9630];
	[tilespmem:s16+$0x11610] =	vst v40;
	v52 =	vadd.f32 v62, v61  }
0x1e7: {  	v49 =	vld [tilespmem:s16+$0x1A60];
	[tilespmem:s16+$0x11220] =	vst v3;
	v3 =	vadd.f32 v17, v16  }
0x1e8: {  	v51 =	vld [tilespmem:s16+$0x9640];
	v61 =	vadd.f32 v15, v14;
	[tilespmem:s16+$0x10E50] =	vst v52  }
0x1e9: {  	v62 =	vld [tilespmem:s16+$0x1A00];
	[tilespmem:s16+$0x11240] =	vst v3;
	v3 =	vadd.f32 v21, v20  }
0x1ea: {  	v55 =	vadd.f32 v7, v6;
	v56 =	vld [tilespmem:s16+$0x1660];
	[tilespmem:s16+$0x11230] =	vst v61  }
0x1eb: {  	v52 =	vld [tilespmem:s16+$0x1A70];
	[tilespmem:s16+$0x11260] =	vst v3;
	v3 =	vadd.f32 v39, v24  }
0x1ec: {  	v43 =	vadd.f32 v48, v47;
	v47 =	vld [tilespmem:s16+$0x9A50];
	[tilespmem:s16+$0x10E70] =	vst v55  }
0x1ed: {  	v59 =	vld [tilespmem:s16+$0x1670];
	[tilespmem:s16+$0x11600] =	vst v3;
	v3 =	vadd.f32 v45, v44  }
0x1ee: {  	[tilespmem:s16+$0x11630] =	vst v43;
	v63 =	vld [tilespmem:s16+$0x9A00];
	v4 =	vadd.f32 v54, v53  }
0x1ef: {  	v60 =	vld [tilespmem:s16+$0x9670];
	[tilespmem:s16+$0x11620] =	vst v3;
	v3 =	vadd.f32 v51, v50  }
0x1f0: {  	v54 =	vadd.f32 v42, v41;
	[tilespmem:s16+$0x11650] =	vst v4;
	v39 =	vld [tilespmem:s16+$0x9A20]  }
0x1f1: {  	v44 =	vld [tilespmem:s16+$0x1A40];
	[tilespmem:s16+$0x11640] =	vst v3;
	v3 =	vadd.f32 v57, v56  }
0x1f2: {  	[tilespmem:s16+$0x11A30] =	vst v54;
	v55 =	vadd.f32 v47, v46;
	v45 =	vld [tilespmem:s16+$0x9A40]  }
0x1f3: {  	v53 =	vld [tilespmem:s16+$0x9A70];
	[tilespmem:s16+$0x11660] =	vst v3;
	v3 =	vadd.f32 v63, v62  }
0x1f4: {  	v48 =	vadd.f32 v60, v59;
	[tilespmem:s16+$0x11A50] =	vst v55;
	v50 =	vld [tilespmem:s16+$0x9A60]  }
0x1f5: {  	[tilespmem:s16+$0x11A00] =	vst v3;
	v3 =	vadd.f32 v39, v38  }
0x1f6: {  	[tilespmem:s16+$0x11670] =	vst v48;
	v51 =	vadd.f32 v36, v35  }
0x1f7: {  	[tilespmem:s16+$0x11A20] =	vst v3;
	v3 =	vadd.f32 v45, v44  }
0x1f8: {  	s17 =	sand.u32 $0x7, s31;
	[tilespmem:s16+$0x11A10] =	vst v51;
	v56 =	vadd.f32 v53, v52  }
0x1f9: {  	s17 =	sshll.u32 s17, $0x7;
	[tilespmem:s16+$0x11A40] =	vst v3;
	v3 =	vadd.f32 v50, v49  }
0x1fa: {  	s17 =	sadd.s32 s17, s1;
	[tilespmem:s16+$0x11A70] =	vst v56  }
0x1fb: {  	[tilespmem:s16+$0x11A60] =	vst v3;
	s16 =	sor.u32 $0x1C00, s17  }
0x1fc: {  	v3 =	vld [tilespmem:s16+$0x200]  }
0x1fd: {  	v4 =	vld [tilespmem:s16+$0x8200];
	_ =	sdelay $0x4  }
0x1fe: {  	v3 =	vadd.f32 v4, v3;
	_ =	sdelay $0x1  }
0x1ff: {  	[tilespmem:s16+$0x10200] =	vst v3;
	s16 =	sor.u32 $0x1C10, s17  }
0x200: {  	v3 =	vld [tilespmem:s16+$0x200]  }
0x201: {  	v57 =	vld [tilespmem:s16+$0x8200];
	_ =	sdelay $0x4  }
0x202: {  	v3 =	vadd.f32 v57, v3;
	_ =	sdelay $0x1  }
0x203: {  	[tilespmem:s16+$0x10200] =	vst v3;
	s16 =	sor.u32 $0x1C20, s17  }
0x204: {  	v3 =	vld [tilespmem:s16+$0x200]  }
0x205: {  	v58 =	vld [tilespmem:s16+$0x8200];
	_ =	sdelay $0x4  }
0x206: {  	v3 =	vadd.f32 v58, v3;
	_ =	sdelay $0x1  }
0x207: {  	[tilespmem:s16+$0x10200] =	vst v3;
	s16 =	sor.u32 $0x1C30, s17  }
0x208: {  	v3 =	vld [tilespmem:s16+$0x200]  }
0x209: {  	v59 =	vld [tilespmem:s16+$0x8200];
	_ =	sdelay $0x4  }
0x20a: {  	v3 =	vadd.f32 v59, v3;
	_ =	sdelay $0x1  }
0x20b: {  	[tilespmem:s16+$0x10200] =	vst v3;
	s16 =	sor.u32 $0x1C40, s17  }
0x20c: {  	v3 =	vld [tilespmem:s16+$0x200]  }
0x20d: {  	v60 =	vld [tilespmem:s16+$0x8200];
	_ =	sdelay $0x4  }
0x20e: {  	v3 =	vadd.f32 v60, v3;
	_ =	sdelay $0x1  }
0x20f: {  	[tilespmem:s16+$0x10200] =	vst v3;
	s16 =	sor.u32 $0x1C50, s17  }
0x210: {  	v3 =	vld [tilespmem:s16+$0x200]  }
0x211: {  	v61 =	vld [tilespmem:s16+$0x8200];
	_ =	sdelay $0x4  }
0x212: {  	v3 =	vadd.f32 v61, v3;
	_ =	sdelay $0x1  }
0x213: {  	[tilespmem:s16+$0x10200] =	vst v3;
	s16 =	sor.u32 $0x1C60, s17  }
0x214: {  	v3 =	vld [tilespmem:s16+$0x200]  }
0x215: {  	v62 =	vld [tilespmem:s16+$0x8200];
	_ =	sdelay $0x4  }
0x216: {  	v3 =	vadd.f32 v62, v3;
	_ =	sdelay $0x1  }
0x217: {  	s17 =	sor.u32 $0x1C70, s17;
	[tilespmem:s16+$0x10200] =	vst v3  }
0x218: {  	v3 =	vld [tilespmem:s17+$0x200]  }
0x219: {  	v63 =	vld [tilespmem:s17+$0x8200];
	_ =	sdelay $0x1  }
0x21a: {  	p0 =	sne.s32 s15, $0xF80  }
.Ltmp1:
0x21b: {  	_ = 	snop;
	(pc) =	sbr.rel @p0 .LBB2_4-.Ltmp1, $4  }
0x21c: {  	_ = 	snop  }
0x21d: {  	v3 =	vadd.f32 v63, v3  }
0x21e: {  	s0 =	sadd.s32 $0x400, s0  }
0x21f: {  	s15 =	sadd.s32 $0x80, s15;
	s31 =	sadd.s32 $0x1, s31;
	s1 =	sadd.s32 $0x400, s1;
	[tilespmem:s17+$0x10200] =	vst v3  }
0x220: {  	s0 =	rddreg [dreg:$0x7]  }
0x221: {  	[hbm4b:s0+s2] =	stream.linear.scatter [tilespmem:s29], [sflag:$0x3], $0x8000, $0x38;
	[tilespmem:$0x18200] =	vst v63  }
0x222: {  	_ =	swait.ge [sflag:s14], $0x8000  }
0x223: {  	s30 =	sadd.s32 $0x1, s30;
	s31 =	rddreg [dreg:$0x8]  }
0x224: {  	p0 =	sne.s32 s30, s31  }
.Ltmp2:
0x225: {  	_ = 	snop;
	(pc) =	sbr.rel @p0 .LBB2_1-.Ltmp2, $3  }
0x226: {  	_ =	sdelay $0x1  }
0x227: {  	[sflag:s14] =	ssyncset.done $0x0  }
0x228: {  	[sflag:s14] =	ssyncadd.s32 $0xFFFF8000  }
0x229: {  	_ =	sfence.sel $0x180000  }
0x22a: {  	[bflag:$0x0] =	sbarrier.arrive $0xFFFF  }
0x22b: {  	_ =	strace $0x9000004D  }
0x22c: {  	s0 =	stileid.u32;
	[bflag:$0x2] =	sbarrier.arrive $0xFFFF  }
0x22d: {  	p0 =	sne.s32 s0, $0x0;
	s0 =	rddreg [dreg:$0x2]  }
0x22e: {  	s0 =	sadd.s32 @!p0 $0x100000, s0  }
0x22f: {  	[sflag:s0] =	ssyncadd.tile.s32 @!p0 $0x1;
	_ =	shalt  }
.Lfunc_end2:
_tile_overlayer_lowered:
.L_overlay_start_2:
0x230: {  	(tag) =	ssettag $0x2  }
0x231: {  	s0 =	rddreg [dreg:$0x0];
	s2 =	stileid.u32  }
0x232: {  	s1 =	rddreg [dreg:$0x1];
	p0 =	sne.s32 s2, $0x0  }
0x233: {  	s3 =	rddreg [dreg:$0x2];
	[bflag:$0x3] =	sbarrier.arrive $0xFFFF;
	s2 =	simm.s32 @!p0 $0x1C03  }
0x234: {  	[timem:s3], [sflag:s2] =	dma.local @!p0 [hbm:s0], s1  }
0x235: {  	s0 =	simm.s32 @!p0 $0x3  }
0x236: {  	_ =	swait.ge @!p0 [sflag:s0], s1  }
0x237: {  	s1 =	ssub.s32 @!p0 $0x0, s1;
	[sflag:s0] =	ssyncset.done @!p0 $0x0  }
0x238: {  	[sflag:s0] =	ssyncadd.s32 @!p0 s1  }
0x239: {  	[bflag:$0x3] =	sbarrier.arrive $0xFFFF  }
0x23a: {  	_ =	shalt  }

// kernel: _moe_sparse.7.cloned.1.call-start
scs
__scs_entry_jumppad:
0x0: {  	(pc) =	sbr.rel $0x88, $3  }
0x1: {  	(tag) =	ssettag $0x0;
	lr =	simm.s32 $0x1  }
0x2: {  	[smem:$0x3F9D] =	sst lr;
	_ =	strace $0xD0000000  }
0x3: {  	_ = 	snop  }
0x4: {  	_ = 	snop  }
0x5: {  	_ = 	snop  }
0x6: {  	_ = 	snop  }
0x7: {  	_ = 	snop  }
__scs_overlays_trampoline_lowered:
0x8: {  	[smem:$0x3FAC] =	sst s0  }
0x9: {  	[smem:$0x3FAD] =	sst s1  }
0xa: {  	[smem:$0x3FAE] =	sst s2  }
0xb: {  	[smem:$0x3FAF] =	sst s3  }
0xc: {  	[smem:$0x3FB0] =	sst s4  }
0xd: {  	[smem:$0x3FB1] =	sst s5  }
0xe: {  	[smem:$0x3FB2] =	sst s6  }
0xf: {  	[smem:$0x3FB3] =	sst s7  }
0x10: {  	[smem:$0x3FB4] =	sst s8  }
0x11: {  	[smem:$0x3FB5] =	sst s9;
	s0 =	simm.s32 @!p0 $0x0  }
0x12: {  	s1 =	sld [smem:$0x3F9B];
	s0 =	simm.s32 @p0 $0x1  }
0x13: {  	[smem:$0x3FB6] =	sst s0;
	s0 =	simm.s32 @!p1 $0x0  }
0x14: {  	s2 =	sld [smem:$0x3F9A];
	s0 =	simm.s32 @p1 $0x1  }
0x15: {  	[smem:$0x3FB7] =	sst s0;
	s0 =	simm.s32 @!p2 $0x0  }
0x16: {  	s3 =	sld [smem:$0x3FDB];
	s0 =	simm.s32 @p2 $0x1  }
0x17: {  	s4 =	simm.s32 $0x1BF5;
	[smem:$0x3FB9] =	sst s0  }
0x18: {  	s0 =	sld [smem:$0x3F9C];
	_ =	swait.ge [sflag:s4], $0x0  }
0x19: {  	s7 =	sld [smem:$0x3F9D]  }
0x1a: {  	s8 =	sadd.s32 $0xFFFFE003, lr  }
0x1b: {  	s9 =	sadd.s32 $0xFFFFFEF7, lr;
	s5 =	simm.s32 $0xFFFFFFFF;
	p2 =	slt.u32 s8, $0xFFFFF086  }
0x1c: {  	p1 =	slt.u32 s9, $0xF7A;
	s5 =	simm.s32 @!p2 $0x0  }
0x1d: {  	s5 =	simm.s32 @p1 $0x1;
	p0 =	seq.s32 s7, s2  }
0x1e: {  	s7 =	smul.u32 @!p0 $0xF7A, s2;
	p2 =	seq.s32 @!p0 s5, $0x0  }
0x1f: {  	s9 =	smul.u32 $0xF7A, s1;
	s8 =	simm.s32 @!p0 $0x1BF5;
	p2 =	por !p2, p0  }
0x20: {  	[sflag:s8] =	ssyncset.s32 @!p0 $0xFFFFF086;
	s6 =	sadd.s32 @!p0 s3, s7;
	s7 =	simm.s32 @!p0 $0x108  }
0x21: {  	s3 =	sadd.s32 s3, s9;
	s6 =	sadd.s32 @!p0 $0x88, s6;
	s7 =	simm.s32 @p2 $0x1082  }
0x22: {  	[simem:s7], [sflag:s8] =	dma.local @!p0 [hbm:s6], $0xF7A  }
0x23: {  	s9 =	sor.u32 $0xD0000000, s2;
	s6 =	simm.s32 $0x108;
	_ =	swait.ge @!p0 [sflag:s8], $0x0  }
0x24: {  	s3 =	sadd.s32 $0x88, s3;
	s6 =	simm.s32 @!p1 $0x1082;
	[sflag:s4] =	ssyncset.s32 $0xFFFFF086  }
0x25: {  	[simem:s6], [sflag:s4] =	dma.local [hbm:s3], $0xF7A  }
0x26: {  	[smem:$0x3F9D] =	sst s1;
	(tag) =	ssettag s2;
	_ =	strace s9  }
0x27: {  	s1 =	sld [smem:$0x3FAD]  }
0x28: {  	s2 =	sld [smem:$0x3FAE]  }
0x29: {  	s4 =	sld [smem:$0x3FB0]  }
0x2a: {  	p0 =	seq.s32 s5, $0x0;
	s5 =	sld [smem:$0x3FB1]  }
0x2b: {  	s6 =	sld [smem:$0x3FB2]  }
0x2c: {  	s7 =	sld [smem:$0x3FB3]  }
0x2d: {  	s3 =	simm.s32 $0x108;
	s8 =	sld [smem:$0x3FB4]  }
0x2e: {  	s3 =	simm.s32 @!p0 $0x1082;
	s9 =	sld [smem:$0x3FB5]  }
0x2f: {  	lr =	sadd.s32 s0, s3;
	s0 =	sld [smem:$0x3FAC]  }
0x30: {  	s3 =	sld [smem:$0x3FAF]  }
0x31: {  	[smem:$0x3FB8] =	sst s10  }
0x32: {  	s10 =	sld [smem:$0x3FB6];
	_ =	sdelay $0x3  }
0x33: {  	p0 =	seq.s32 s10, $0x1;
	s10 =	sld [smem:$0x3FB8];
	_ =	sdelay $0x3  }
0x34: {  	[smem:$0x3FB8] =	sst s10  }
0x35: {  	s10 =	sld [smem:$0x3FB7];
	_ =	sdelay $0x3  }
0x36: {  	p1 =	seq.s32 s10, $0x1;
	s10 =	sld [smem:$0x3FB8];
	_ =	sdelay $0x3  }
0x37: {  	[smem:$0x3FB8] =	sst s10  }
0x38: {  	s10 =	sld [smem:$0x3FB9]  }
0x39: {  	_ = 	snop;
	(pc) =	sbr.ind lr, $3  }
0x3a: {  	_ = 	snop  }
0x3b: {  	_ = 	snop  }
0x3c: {  	p2 =	seq.s32 s10, $0x1;
	s10 =	sld [smem:$0x3FB8]  }
0x3d: {  	_ =	shalt  }
0x3e: {  	_ =	shalt  }
0x3f: {  	_ =	shalt  }
0x40: {  	_ =	shalt  }
0x41: {  	_ =	shalt  }
0x42: {  	_ =	shalt  }
0x43: {  	_ =	shalt  }
0x44: {  	_ =	shalt  }
0x45: {  	_ =	shalt  }
0x46: {  	_ =	shalt  }
0x47: {  	_ =	shalt  }
0x48: {  	_ =	shalt  }
0x49: {  	_ =	shalt  }
0x4a: {  	_ =	shalt  }
0x4b: {  	_ =	shalt  }
0x4c: {  	_ =	shalt  }
0x4d: {  	_ =	shalt  }
0x4e: {  	_ =	shalt  }
0x4f: {  	_ =	shalt  }
0x50: {  	_ =	shalt  }
0x51: {  	_ =	shalt  }
0x52: {  	_ =	shalt  }
0x53: {  	_ =	shalt  }
0x54: {  	_ =	shalt  }
0x55: {  	_ =	shalt  }
0x56: {  	_ =	shalt  }
0x57: {  	_ =	shalt  }
0x58: {  	_ =	shalt  }
0x59: {  	_ =	shalt  }
0x5a: {  	_ =	shalt  }
0x5b: {  	_ =	shalt  }
0x5c: {  	_ =	shalt  }
0x5d: {  	_ =	shalt  }
0x5e: {  	_ =	shalt  }
0x5f: {  	_ =	shalt  }
0x60: {  	_ =	shalt  }
0x61: {  	_ =	shalt  }
0x62: {  	_ =	shalt  }
0x63: {  	_ =	shalt  }
0x64: {  	_ =	shalt  }
0x65: {  	_ =	shalt  }
0x66: {  	_ =	shalt  }
0x67: {  	_ =	shalt  }
0x68: {  	_ =	shalt  }
0x69: {  	_ =	shalt  }
0x6a: {  	_ =	shalt  }
0x6b: {  	_ =	shalt  }
0x6c: {  	_ =	shalt  }
0x6d: {  	_ =	shalt  }
0x6e: {  	_ =	shalt  }
0x6f: {  	_ =	shalt  }
0x70: {  	_ =	shalt  }
0x71: {  	_ =	shalt  }
0x72: {  	_ =	shalt  }
0x73: {  	_ =	shalt  }
0x74: {  	_ =	shalt  }
0x75: {  	_ =	shalt  }
0x76: {  	_ =	shalt  }
0x77: {  	_ =	shalt  }
0x78: {  	_ =	shalt  }
0x79: {  	_ =	shalt  }
0x7a: {  	_ =	shalt  }
0x7b: {  	_ =	shalt  }
0x7c: {  	_ =	shalt  }
0x7d: {  	_ =	shalt  }
0x7e: {  	_ =	shalt  }
0x7f: {  	_ =	shalt  }
0x80: {  	_ =	shalt  }
0x81: {  	_ =	shalt  }
0x82: {  	_ =	shalt  }
0x83: {  	_ =	shalt  }
0x84: {  	_ =	shalt  }
0x85: {  	_ =	shalt  }
0x86: {  	_ =	shalt  }
0x87: {  	_ =	shalt  }
.Lfunc_end0:
.L_simem_size_0:
called_computation_lowered:
.L_overlay_start_0:
0x88: {  	s2 =	sld [smem:$0x3FD9]  }
0x89: {  	s3 =	sld [smem:$0x3FFE];
	_ =	sdelay $0x1  }
0x8a: {  	s1 =	srdreg.scid  }
0x8b: {  	s0 =	sand.u32 $0x1, s1  }
0x8c: {  	s14 =	sshll.u32 s0, $0xA;
	s2 =	sadd.s32 s3, s2  }
0x8d: {  	s2 =	sadd.s32 s2, s14  }
0x8e: {  	[smem:$0x3FC4] =	sst s2  }
0x8f: {  	_ = 	snop  }
0x90: {  	s2 =	sld [smem:$0x3FD0];
	_ =	sdelay $0x2  }
0x91: {  	s15 =	simm.s32 $0xA;
	s4 =	simm.s32 $0x10  }
0x92: {  	[smem:s4], [sflag:s15] =	dma.local [hbm:s2], $0x1  }
0x93: {  	_ =	swait.eq [sflag:s15], $0x1  }
0x94: {  	[sflag:s15] =	ssyncset.done $0x0  }
0x95: {  	[sflag:s15] =	ssyncadd.s32 $0xFFFFFFFF  }
0x96: {  	s16 =	sld [smem:$0x10];
	(tm) =	ssettm $0x1  }
0x97: {  	s17 =	sld [smem:$0x3FFB];
	_ =	sdelay $0x3  }
0x98: {  	_ =	strace s17  }
0x99: {  	s3 =	sld [smem:$0x3FFC];
	_ =	sdelay $0x3  }
0x9a: {  	_ =	strace s3  }
0x9b: {  	s3 =	sld [smem:$0x3FFD];
	_ =	sdelay $0x3  }
0x9c: {  	_ =	strace s3  }
0x9d: {  	_ =	strace $0x8FFFFFFF  }
0x9e: {  	s18 =	sld [smem:$0x3FDB];
	_ =	sdelay $0x1  }
0x9f: {  	s19 =	simm.s32 $_scs_section_size  }
0xa0: {  	s5 =	simm.s32 $_size__tile_overlayer_lowered;
	s6 =	simm.s32 $_tile_overlayer_lowered  }
0xa1: {  	s22 =	simm.s32 $0x1BFF;
	s21 =	sshll.u32 s6, $0x1;
	s3 =	sadd.s32 s19, s18  }
0xa2: {  	s7 =	simm.s32 $0x0;
	s20 =	sshll.u32 s5, $0x1;
	s5 =	sadd.s32 s21, s3  }
0xa3: {  	[timem:s7], [sflag:s22] =	dma.local [hbm:s5], s20  }
0xa4: {  	_ =	swait.ge [sflag:s22], s20  }
0xa5: {  	s4 =	ssub.s32 $0x0, s20;
	[sflag:s22] =	ssyncset.done $0x0  }
0xa6: {  	[sflag:s22] =	ssyncadd.s32 s4;
	_ =	sdelay $0x1  }
0xa7: {  	s23 =	simm.s32 $0x1B8B  }
0xa8: {  	_ =	swait.ge [sflag:s23], $0x1  }
0xa9: {  	[sflag:s23] =	ssyncset.done $0x0  }
0xaa: {  	s25 =	simm.s32 $0x1B8E;
	s24 =	sld [smem:$0x3FFE];
	[sflag:s23] =	ssyncadd.s32 $0xFFFFFFFF  }
0xab: {  	s26 =	simm.s32 $execute0_lowered;
	[smem:$0x3FD2] =	sst s25  }
0xac: {  	s5 =	sshll.u32 s26, $0x1;
	_ =	strace $0x80000046;
	[dreg:$0x1] =	wrdreg $0xFFFFFFFF  }
0xad: {  	s28 =	simm.s32 $_size_execute0_lowered;
	s3 =	sadd.s32 s3, s5;
	[dreg:$0x0] =	wrdreg $0x0  }
0xae: {  	s5 =	sshll.u32 s28, $0x1;
	[dreg:$0x2] =	wrdreg s3  }
0xaf: {  	[dreg:$0x3] =	wrdreg s5  }
0xb0: {  	[dreg:$0x4] =	wrdreg $0xC0  }
0xb1: {  	_ =	task [dreg:s7], $0x5FFFF  }
0xb2: {  	[dreg:$0x1] =	wrdreg $0xFFFFFFFF  }
0xb3: {  	[dreg:$0x0] =	wrdreg $0x60  }
0xb4: {  	[dreg:$0x2] =	wrdreg s24  }
0xb5: {  	[dreg:$0x3] =	wrdreg s16  }
0xb6: {  	[dreg:$0x4] =	wrdreg $0x4800  }
0xb7: {  	[dreg:$0x5] =	wrdreg $0x5C00  }
0xb8: {  	[dreg:$0x6] =	wrdreg $0x9  }
0xb9: {  	_ =	task.clear_ibuf [dreg:s7], $0x7FFFF;
	_ =	strace $0x90000046  }
0xba: {  	s29 =	simm.s32 $0x9;
	_ =	strace $0x80000048  }
0xbb: {  	_ =	swait.ge [sflag:s29], $0x1  }
0xbc: {  	[sflag:s29] =	ssyncadd.s32 $0xFFFFFFFF  }
0xbd: {  	_ =	strace $0x90000048  }
0xbe: {  	_ =	sfence  }
0xbf: {  	s30 =	sld [smem:$0x0];
	_ =	sdelay $0x2  }
0xc0: {  	s31 =	sshll.u32 s1, $0xD;
	s1 =	sshrl.u32 s1, $0x2  }
0xc1: {  	s3 =	sand.u32 $0x4000, s31;
	s1 =	sadd.s32 s1, s30  }
0xc2: {  	s0 =	sor.u32 s3, s0;
	s1 =	sshll.u32 s1, $0x11  }
0xc3: {  	s0 =	sor.u32 s1, s0  }
0xc4: {  	s0 =	sadd.s32 $0x8F2B, s0  }
0xc5: {  	[sflag:s0] =	ssyncadd.remote.s32 $0x1  }
0xc6: {  	_ =	sfence.sel $0xFFFF  }
0xc7: {  	[dreg:$0x0] =	wrdreg $0xFFFFFFFF;
	(pc) =	sbr.abs _section_cstart, $3  }
0xc8: {  	[dreg:$0x1] =	wrdreg $0xFFFFFFFF  }
0xc9: {  	_ =	task.clear_ibuf [dreg:s7], $0x2FFFF;
	_ =	strace $0x9FFFFFFF  }
0xca: {  	(tm) =	ssettm $0x7FFFFFFF  }
0xcb: {  	_ =	shalt  }
tec
execute0_lowered:
.L_overlay_start_1:
0x0: {  	(tag) =	ssettag $0x1  }
0x1: {  	s11 =	rddreg [dreg:$0x0]  }
0x2: {  	s12 =	rddreg [dreg:$0x1];
	s1 =	srdreg.scid  }
0x3: {  	s5 =	rddreg [dreg:$0x2];
	s0 =	stileid.u32;
	s13 =	sand.u32 $0x1, s1  }
0x4: {  	s4 =	rddreg [dreg:$0x3];
	s6 =	sshll.u32 s0, $0x4;
	s3 =	sshll.u32 s13, $0x8  }
0x5: {  	s2 =	simm.s32 $0x0;
	s1 =	rddreg [dreg:$0x4];
	s3 =	sor.u32 s6, s3  }
0x6: {  	[smem:$0x7FF] =	sst s2;
	s7 =	sadd.s32 s3, s11  }
0x7: {  	_ =	strace $0x80000047;
	s3 =	simm.s32 $0x1;
	s8 =	sadd.s32 $0x2C00, s7  }
0x8: {  	[tilespmem:s2], [sflag:$0x1] =	stream.linear.gather [hbm4b:s8+s2], $0x80, $0x38;
	[tilespmem:$0x700] =	vst v63  }
0x9: {  	_ =	swait.ge [sflag:s3], $0x80  }
0xa: {  	[sflag:s3] =	ssyncset.done $0x0  }
0xb: {  	s6 =	simm.s32 $0x80;
	s9 =	sadd.s32 $0x2E00, s7;
	[sflag:s3] =	ssyncadd.s32 $0xFFFFFF80  }
0xc: {  	[tilespmem:s6], [sflag:$0x1] =	stream.linear.gather [hbm4b:s9+s2], $0x80, $0x38;
	[tilespmem:$0x700] =	vst v63  }
0xd: {  	_ =	swait.ge [sflag:s3], $0x80  }
0xe: {  	[sflag:s3] =	ssyncset.done $0x0  }
0xf: {  	s10 =	sadd.s32 $0x2A00, s7;
	s7 =	simm.s32 $0x100;
	[sflag:s3] =	ssyncadd.s32 $0xFFFFFF80  }
0x10: {  	[tilespmem:s7], [sflag:$0x1] =	stream.linear.gather [hbm4b:s10+s2], $0x80, $0x38;
	[tilespmem:$0x700] =	vst v63  }
0x11: {  	_ =	swait.ge [sflag:s3], $0x80  }
0x12: {  	[sflag:s3] =	ssyncset.done $0x0  }
0x13: {  	v0 =	vimm.f32 $0.0e+00;
	[sflag:s3] =	ssyncadd.s32 $0xFFFFFF80  }
0x14: {  	v1 =	vimm.s32 $0x0;
	[tilespmem:$0x430] =	vst v0  }
0x15: {  	[tilespmem:$0x2B0] =	vst v1  }
0x16: {  	[tilespmem:$0x420] =	vst v0  }
0x17: {  	[tilespmem:$0x2A0] =	vst v1  }
0x18: {  	[tilespmem:$0x410] =	vst v0  }
0x19: {  	[tilespmem:$0x290] =	vst v1  }
0x1a: {  	[tilespmem:$0x400] =	vst v0  }
0x1b: {  	[tilespmem:$0x280] =	vst v1  }
0x1c: {  	[tilespmem:$0x3F0] =	vst v0  }
0x1d: {  	[tilespmem:$0x270] =	vst v1  }
0x1e: {  	[tilespmem:$0x3E0] =	vst v0  }
0x1f: {  	[tilespmem:$0x260] =	vst v1  }
0x20: {  	[tilespmem:$0x3D0] =	vst v0  }
0x21: {  	[tilespmem:$0x250] =	vst v1  }
0x22: {  	[tilespmem:$0x3C0] =	vst v0  }
0x23: {  	[tilespmem:$0x240] =	vst v1  }
0x24: {  	[tilespmem:$0x3B0] =	vst v0  }
0x25: {  	[tilespmem:$0x230] =	vst v1  }
0x26: {  	[tilespmem:$0x3A0] =	vst v0  }
0x27: {  	[tilespmem:$0x220] =	vst v1  }
0x28: {  	[tilespmem:$0x390] =	vst v0  }
0x29: {  	[tilespmem:$0x210] =	vst v1  }
0x2a: {  	[tilespmem:$0x380] =	vst v0  }
0x2b: {  	[tilespmem:$0x200] =	vst v1  }
0x2c: {  	s14 =	smul.u32 $0x1400, s13;
	s13 =	ssub.s32 $0x2, s13;
	[tilespmem:$0x370] =	vst v0  }
0x2d: {  	s31 =	sshrl.u32 s13, $0x1;
	[tilespmem:$0x1F0] =	vst v1  }
0x2e: {  	s13 =	ssub.s32 s13, s31;
	[tilespmem:$0x360] =	vst v0  }
0x2f: {  	s18 =	smax.u32 s13, $0x1;
	[tilespmem:$0x1E0] =	vst v1  }
0x30: {  	s15 =	smul.u32 $0x140, s0;
	p0 =	sne.s32 s18, $0x1;
	[tilespmem:$0x350] =	vst v0  }
.Ltmp0:
0x31: {  	[tilespmem:$0x1D0] =	vst v1;
	(pc) =	sbr.rel @!p0 .LBB2_2-.Ltmp0, $4  }
0x32: {  	s14 =	sadd.s32 s15, s14;
	[tilespmem:$0x340] =	vst v0  }
0x33: {  	s16 =	sshrl.u32 s14, $0x3;
	s14 =	sadd.s32 s15, s5;
	s13 =	simm.s32 $0x300;
	[tilespmem:$0x1C0] =	vst v1  }
0x34: {  	s17 =	sadd.s32 s16, s11;
	s11 =	sadd.s32 s15, s4;
	s15 =	sadd.s32 s12, s16;
	[tilespmem:$0x330] =	vst v0  }
0x35: {  	s16 =	simm.s32 $0x180;
	s12 =	sadd.s32 $0x3000, s17;
	s17 =	sadd.s32 $0xFFFFFFFF, s18;
	[tilespmem:$0x1B0] =	vst v1  }
.LBB2_1:
0x36: {  	p0 =	sne.s32 s17, $0x1;
	s17 =	sadd.s32 $0xFFFFFFFF, s17;
	[tilespmem:$0x320] =	vst v0  }
0x37: {  	[tilespmem:$0x1A0] =	vst v1  }
0x38: {  	[tilespmem:$0x310] =	vst v0  }
0x39: {  	[tilespmem:$0x190] =	vst v1  }
0x3a: {  	[tilespmem:$0x180] =	vst v1  }
0x3b: {  	[tilespmem:$0x300] =	vst v0  }
0x3c: {  	[spmem:s14] =	stream.linear.scatter [tilespmem:s16], [sflag:$0x1], $0x140, $0x38;
	[tilespmem:$0x700] =	vst v63  }
0x3d: {  	_ =	swait.ge [sflag:s3], $0x140  }
0x3e: {  	[sflag:s3] =	ssyncset.done $0x0  }
0x3f: {  	[sflag:s3] =	ssyncadd.s32 $0xFFFFFEC0  }
0x40: {  	[spmem:s11] =	stream.linear.scatter [tilespmem:s13], [sflag:$0x1], $0x140, $0x38;
	[tilespmem:$0x700] =	vst v63  }
0x41: {  	_ =	swait.ge [sflag:s3], $0x140  }
0x42: {  	[sflag:s3] =	ssyncset.done $0x0  }
0x43: {  	[sflag:s3] =	ssyncadd.s32 $0xFFFFFEC0  }
0x44: {  	[bflag:$0x0] =	sbarrier.arrive $0xFFFF  }
0x45: {  	[spmem:s5] =	stream.indirect.scatter.add.s32 [tilespmem:s7], [sflag:$0x1], $0x1, s2, s6, $0xb8;
	[tilespmem:$0x700] =	vst v63  }
0x46: {  	_ =	swait.ge [sflag:s3], $0x80  }
0x47: {  	[sflag:s3] =	ssyncset.done $0x0  }
0x48: {  	[sflag:s3] =	ssyncadd.s32 $0xFFFFFF80  }
0x49: {  	[spmem:s4] =	stream.indirect.scatter.add.f32 [tilespmem:s6], [sflag:$0x1], $0x1, s2, s6, $0xb8;
	[tilespmem:$0x700] =	vst v63  }
0x4a: {  	_ =	swait.ge [sflag:s3], $0x80  }
0x4b: {  	[sflag:s3] =	ssyncset.done $0x0  }
0x4c: {  	[sflag:s3] =	ssyncadd.s32 $0xFFFFFF80  }
0x4d: {  	[bflag:$0x0] =	sbarrier.arrive $0xFFFF  }
0x4e: {  	[tilespmem:s16], [sflag:$0x1] =	stream.linear.gather [spmem:s14], $0x140, $0x38;
	[tilespmem:$0x700] =	vst v63  }
0x4f: {  	_ =	swait.ge [sflag:s3], $0x140  }
0x50: {  	[sflag:s3] =	ssyncset.done $0x0  }
0x51: {  	[sflag:s3] =	ssyncadd.s32 $0xFFFFFEC0  }
0x52: {  	[hbm4b:s15+s2] =	stream.linear.scatter [tilespmem:s16], [sflag:$0x1], $0x140, $0x38;
	[tilespmem:$0x700] =	vst v63  }
0x53: {  	_ =	swait.ge [sflag:s3], $0x140  }
0x54: {  	[sflag:s3] =	ssyncset.done $0x0  }
0x55: {  	[sflag:s3] =	ssyncadd.s32 $0xFFFFFEC0  }
0x56: {  	[tilespmem:s13], [sflag:$0x1] =	stream.linear.gather [spmem:s11], $0x140, $0x38;
	[tilespmem:$0x700] =	vst v63  }
0x57: {  	_ =	swait.ge [sflag:s3], $0x140  }
0x58: {  	[sflag:s3] =	ssyncset.done $0x0  }
0x59: {  	[sflag:s3] =	ssyncadd.s32 $0xFFFFFEC0  }
0x5a: {  	[hbm4b:s12+s2] =	stream.linear.scatter [tilespmem:s13], [sflag:$0x1], $0x140, $0x38;
	[tilespmem:$0x700] =	vst v63  }
0x5b: {  	_ =	swait.ge [sflag:s3], $0x140  }
0x5c: {  	[sflag:s3] =	ssyncset.done $0x0  }
0x5d: {  	[sflag:s3] =	ssyncadd.s32 $0xFFFFFEC0  }
0x5e: {  	[tilespmem:s2], [sflag:$0x1] =	stream.linear.gather [hbm4b:s8+s2], $0x80, $0x38;
	[tilespmem:$0x700] =	vst v63  }
0x5f: {  	_ =	swait.ge [sflag:s3], $0x80  }
0x60: {  	[sflag:s3] =	ssyncset.done $0x0  }
0x61: {  	[sflag:s3] =	ssyncadd.s32 $0xFFFFFF80  }
0x62: {  	[tilespmem:s6], [sflag:$0x1] =	stream.linear.gather [hbm4b:s9+s2], $0x80, $0x38;
	[tilespmem:$0x700] =	vst v63  }
0x63: {  	_ =	swait.ge [sflag:s3], $0x80  }
0x64: {  	[sflag:s3] =	ssyncset.done $0x0  }
0x65: {  	[sflag:s3] =	ssyncadd.s32 $0xFFFFFF80  }
0x66: {  	[tilespmem:s7], [sflag:$0x1] =	stream.linear.gather [hbm4b:s10+s2], $0x80, $0x38;
	[tilespmem:$0x700] =	vst v63  }
0x67: {  	_ =	swait.ge [sflag:s3], $0x80  }
0x68: {  	[sflag:s3] =	ssyncset.done $0x0  }
0x69: {  	[sflag:s3] =	ssyncadd.s32 $0xFFFFFF80  }
0x6a: {  	[tilespmem:$0x430] =	vst v0  }
0x6b: {  	[tilespmem:$0x2B0] =	vst v1  }
0x6c: {  	[tilespmem:$0x420] =	vst v0  }
0x6d: {  	[tilespmem:$0x2A0] =	vst v1  }
0x6e: {  	[tilespmem:$0x410] =	vst v0  }
0x6f: {  	[tilespmem:$0x290] =	vst v1  }
0x70: {  	[tilespmem:$0x400] =	vst v0  }
0x71: {  	[tilespmem:$0x280] =	vst v1  }
0x72: {  	[tilespmem:$0x3F0] =	vst v0  }
0x73: {  	[tilespmem:$0x270] =	vst v1  }
0x74: {  	[tilespmem:$0x3E0] =	vst v0  }
0x75: {  	[tilespmem:$0x260] =	vst v1  }
0x76: {  	[tilespmem:$0x3D0] =	vst v0  }
0x77: {  	[tilespmem:$0x250] =	vst v1  }
0x78: {  	[tilespmem:$0x3C0] =	vst v0  }
0x79: {  	[tilespmem:$0x240] =	vst v1  }
0x7a: {  	[tilespmem:$0x3B0] =	vst v0  }
0x7b: {  	[tilespmem:$0x230] =	vst v1  }
0x7c: {  	[tilespmem:$0x3A0] =	vst v0  }
0x7d: {  	[tilespmem:$0x220] =	vst v1  }
0x7e: {  	[tilespmem:$0x390] =	vst v0  }
0x7f: {  	[tilespmem:$0x210] =	vst v1  }
0x80: {  	[tilespmem:$0x380] =	vst v0  }
0x81: {  	[tilespmem:$0x200] =	vst v1  }
0x82: {  	[tilespmem:$0x370] =	vst v0  }
0x83: {  	[tilespmem:$0x1F0] =	vst v1  }
0x84: {  	[tilespmem:$0x360] =	vst v0  }
0x85: {  	[tilespmem:$0x1E0] =	vst v1  }
0x86: {  	[tilespmem:$0x350] =	vst v0  }
.Ltmp1:
0x87: {  	[tilespmem:$0x1D0] =	vst v1;
	(pc) =	sbr.rel @p0 .LBB2_1-.Ltmp1, $4  }
0x88: {  	[tilespmem:$0x340] =	vst v0  }
0x89: {  	[tilespmem:$0x1C0] =	vst v1  }
0x8a: {  	[tilespmem:$0x330] =	vst v0  }
0x8b: {  	[tilespmem:$0x1B0] =	vst v1  }
.LBB2_2:
0x8c: {  	[tilespmem:$0x320] =	vst v0  }
0x8d: {  	[tilespmem:$0x1A0] =	vst v1  }
0x8e: {  	[tilespmem:$0x310] =	vst v0  }
0x8f: {  	[tilespmem:$0x190] =	vst v1  }
0x90: {  	[tilespmem:$0x180] =	vst v1  }
0x91: {  	[tilespmem:$0x300] =	vst v0  }
0x92: {  	[spmem:s14] =	stream.linear.scatter [tilespmem:s16], [sflag:$0x1], $0x140, $0x38;
	[tilespmem:$0x700] =	vst v63  }
0x93: {  	_ =	swait.ge [sflag:s3], $0x140  }
0x94: {  	[sflag:s3] =	ssyncset.done $0x0  }
0x95: {  	[sflag:s3] =	ssyncadd.s32 $0xFFFFFEC0  }
0x96: {  	[spmem:s11] =	stream.linear.scatter [tilespmem:s13], [sflag:$0x1], $0x140, $0x38;
	[tilespmem:$0x700] =	vst v63  }
0x97: {  	_ =	swait.ge [sflag:s3], $0x140  }
0x98: {  	[sflag:s3] =	ssyncset.done $0x0  }
0x99: {  	[sflag:s3] =	ssyncadd.s32 $0xFFFFFEC0  }
0x9a: {  	[bflag:$0x0] =	sbarrier.arrive $0xFFFF  }
0x9b: {  	[spmem:s5] =	stream.indirect.scatter.add.s32 [tilespmem:s7], [sflag:$0x1], $0x1, s2, s6, $0xb8;
	[tilespmem:$0x700] =	vst v63  }
0x9c: {  	_ =	swait.ge [sflag:s3], $0x80  }
0x9d: {  	[sflag:s3] =	ssyncset.done $0x0  }
0x9e: {  	[sflag:s3] =	ssyncadd.s32 $0xFFFFFF80  }
0x9f: {  	[spmem:s4] =	stream.indirect.scatter.add.f32 [tilespmem:s6], [sflag:$0x1], $0x1, s2, s6, $0xb8;
	[tilespmem:$0x700] =	vst v63  }
0xa0: {  	_ =	swait.ge [sflag:s3], $0x80  }
0xa1: {  	[sflag:s3] =	ssyncset.done $0x0  }
0xa2: {  	[sflag:s3] =	ssyncadd.s32 $0xFFFFFF80  }
0xa3: {  	[bflag:$0x0] =	sbarrier.arrive $0xFFFF  }
0xa4: {  	[tilespmem:s16], [sflag:$0x1] =	stream.linear.gather [spmem:s14], $0x140, $0x38;
	[tilespmem:$0x700] =	vst v63  }
0xa5: {  	_ =	swait.ge [sflag:s3], $0x140  }
0xa6: {  	[sflag:s3] =	ssyncset.done $0x0  }
0xa7: {  	[sflag:s3] =	ssyncadd.s32 $0xFFFFFEC0  }
0xa8: {  	[hbm4b:s15+s2] =	stream.linear.scatter [tilespmem:s16], [sflag:$0x1], $0x140, $0x38;
	[tilespmem:$0x700] =	vst v63  }
0xa9: {  	_ =	swait.ge [sflag:s3], $0x140  }
0xaa: {  	[sflag:s3] =	ssyncset.done $0x0  }
0xab: {  	[sflag:s3] =	ssyncadd.s32 $0xFFFFFEC0  }
0xac: {  	[tilespmem:s13], [sflag:$0x1] =	stream.linear.gather [spmem:s11], $0x140, $0x38;
	[tilespmem:$0x700] =	vst v63  }
0xad: {  	_ =	swait.ge [sflag:s3], $0x140  }
0xae: {  	[sflag:s3] =	ssyncset.done $0x0  }
0xaf: {  	[sflag:s3] =	ssyncadd.s32 $0xFFFFFEC0  }
0xb0: {  	[hbm4b:s12+s2] =	stream.linear.scatter [tilespmem:s13], [sflag:$0x1], $0x140, $0x38;
	[tilespmem:$0x700] =	vst v63  }
0xb1: {  	_ =	swait.ge [sflag:s3], $0x140  }
0xb2: {  	[sflag:s3] =	ssyncset.done $0x0  }
0xb3: {  	[sflag:s3] =	ssyncadd.s32 $0xFFFFFEC0  }
0xb4: {  	_ =	sfence.sel $0x180000  }
0xb5: {  	[bflag:$0x0] =	sbarrier.arrive $0xFFFF  }
0xb6: {  	p0 =	sne.s32 s0, $0x0;
	_ =	strace $0x90000047  }
0xb7: {  	s0 =	sadd.s32 @!p0 $0x100000, s1;
	[bflag:$0x2] =	sbarrier.arrive $0xFFFF  }
0xb8: {  	[sflag:s0] =	ssyncadd.tile.s32 @!p0 $0x1;
	_ =	shalt  }
.Lfunc_end2:
_tile_overlayer_lowered:
.L_overlay_start_2:
0xb9: {  	(tag) =	ssettag $0x2  }
0xba: {  	s0 =	rddreg [dreg:$0x0];
	s2 =	stileid.u32  }
0xbb: {  	s1 =	rddreg [dreg:$0x1];
	p0 =	sne.s32 s2, $0x0  }
0xbc: {  	s3 =	rddreg [dreg:$0x2];
	[bflag:$0x3] =	sbarrier.arrive $0xFFFF;
	s2 =	simm.s32 @!p0 $0x1C01  }
0xbd: {  	[timem:s3], [sflag:s2] =	dma.local @!p0 [hbm:s0], s1  }
0xbe: {  	s0 =	simm.s32 @!p0 $0x1  }
0xbf: {  	_ =	swait.ge @!p0 [sflag:s0], s1  }
0xc0: {  	s1 =	ssub.s32 @!p0 $0x0, s1;
	[sflag:s0] =	ssyncset.done @!p0 $0x0  }
0xc1: {  	[sflag:s0] =	ssyncadd.s32 @!p0 s1  }
0xc2: {  	[bflag:$0x3] =	sbarrier.arrive $0xFFFF  }
0xc3: {  	_ =	shalt  }

</sc_bundles>
